<compile_context>
chip_gen: v7x
topology: tpu7x:2x2x1
jax: 0.10.2.dev20260603
libtpu: 0.0.44.dev20260713+nightly
codegen_flags: <defaults>
</compile_context>

<pallas_src>
import functools

import jax
import jax.numpy as jnp
from jax import lax
from jax.experimental import pallas as pl
from jax.experimental.pallas import tpu as pltpu
from jax.experimental.pallas import tpu_sc as plsc

_N = 10000
_E = 320000
_NC = 2
_NS = 16
_C = 80
_DH = 128


def _edge_proj_body(ea_ref, wt_ref, b_ref, out_ref):
    r = jnp.dot(ea_ref[...], wt_ref[...], preferred_element_type=jnp.float32)
    out_ref[...] = (r + b_ref[...])[None]


def _edge_proj(edge_attr, WeT, be, n_halves, be_blk=4000):
    e, de = edge_attr.shape
    out = pl.pallas_call(
        _edge_proj_body,
        grid=(n_halves, e // be_blk),
        in_specs=[
            pl.BlockSpec((be_blk, de), lambda h, i: (i, 0)),
            pl.BlockSpec((de, _DH), lambda h, i: (0, h)),
            pl.BlockSpec((1, _DH), lambda h, i: (0, h)),
        ],
        out_specs=pl.BlockSpec((1, be_blk, _DH), lambda h, i: (h, i, 0)),
        out_shape=jax.ShapeDtypeStruct((n_halves, e, _DH), jnp.float32),
    )(edge_attr, WeT, be)
    return out.reshape(n_halves * e, _DH)


def _make_sc_aggr(col_split):
    ept = _E // _NS if col_split else _E // (_NC * _NS)
    n_chunks = ept // _C
    rpt = 1000
    n_striped = _N // rpt

    def body(table_hbm, e_hbm, src_hbm, dst_hbm, zero_hbm, out_hbm,
             acc, sv0, sv1, dv0, dv1, gx0, gx1, eb0, eb1,
             is0, is1, gs0, gs1, es0, es1):
        sv = (sv0, sv1)
        dv = (dv0, dv1)
        gx = (gx0, gx1)
        eb = (eb0, eb1)
        isem = (is0, is1)
        gsem = (gs0, gs1)
        esem = (es0, es1)
        c = lax.axis_index("c")
        s = lax.axis_index("s")
        r0 = s * rpt

        @pl.when(s < n_striped)
        def _zero():
            pltpu.sync_copy(zero_hbm.at[pl.ds(r0, rpt)],
                            acc.at[pl.ds(r0, rpt)])

        plsc.subcore_barrier()
        tile_base = (s * ept) if col_split else ((c * _NS + s) * ept)
        ibase0 = (c * _E + tile_base) if col_split else tile_base

        def issue_idx(k, b):
            pltpu.async_copy(src_hbm.at[pl.ds(ibase0 + k * _C, _C)],
                             sv[b], isem[b])
            pltpu.async_copy(dst_hbm.at[pl.ds(tile_base + k * _C, _C)],
                             dv[b], isem[b])

        def wait_idx(k, b):
            pltpu.make_async_copy(src_hbm.at[pl.ds(ibase0, _C)],
                                  sv[b], isem[b]).wait()
            pltpu.make_async_copy(dst_hbm.at[pl.ds(tile_base, _C)],
                                  dv[b], isem[b]).wait()

        def issue_data(k, b):
            pltpu.async_copy(table_hbm.at[sv[b]], gx[b], gsem[b])
            pltpu.async_copy(e_hbm.at[pl.ds(ibase0 + k * _C, _C)],
                             eb[b], esem[b])

        def step(k, b, first, last):
            if not last:
                def _launch_next():
                    wait_idx(k + 1, 1 - b)
                    issue_data(k + 1, 1 - b)
                if first:
                    _launch_next()
                else:
                    pl.when(k + 1 < n_chunks)(_launch_next)
            pltpu.make_async_copy(table_hbm.at[sv[b]], gx[b],
                                  gsem[b]).wait()
            pltpu.make_async_copy(e_hbm.at[pl.ds(ibase0, _C)],
                                  eb[b], esem[b]).wait()

            def _rows(i2, cr):
                for r in range(2):
                    for j in range(_DH // 16):
                        sl = pl.ds(j * 16, 16)
                        i = i2 * 2 + r
                        gx[b][i, sl] = jnp.maximum(
                            gx[b][i, sl] + eb[b][i, sl], 0.0)
                return cr

            lax.fori_loop(0, _C // 2, _rows, 0)
            pltpu.sync_copy(gx[b], acc.at[dv[b]], add=True)
            if not last:
                @pl.when(k + 2 < n_chunks)
                def _refill_idx():
                    issue_idx(k + 2, b)

        issue_idx(0, 0)
        issue_idx(1, 1)
        wait_idx(0, 0)
        issue_data(0, 0)

        step(0, 0, True, False)
        step(1, 1, False, False)

        def pair(g, carry):
            step(2 * g, 0, False, False)
            step(2 * g + 1, 1, False, False)
            return carry

        lax.fori_loop(1, n_chunks // 2, pair, 0)
        if n_chunks % 2 == 1:
            step(n_chunks - 1, 0, False, True)
        plsc.subcore_barrier()

        @pl.when(s < n_striped)
        def _flush():
            pltpu.sync_copy(acc.at[pl.ds(r0, rpt)],
                            out_hbm.at[pl.ds(c * _N + r0, rpt)])

    return pl.kernel(
        body,
        out_type=jax.ShapeDtypeStruct((_NC * _N, _DH), jnp.float32),
        mesh=plsc.VectorSubcoreMesh(core_axis_name="c", subcore_axis_name="s",
                                    num_cores=_NC, num_subcores=_NS),
        scratch_types=[
            pltpu.VMEM_SHARED((_N, _DH), jnp.float32),
            pltpu.VMEM((_C,), jnp.int32),
            pltpu.VMEM((_C,), jnp.int32),
            pltpu.VMEM((_C,), jnp.int32),
            pltpu.VMEM((_C,), jnp.int32),
            pltpu.VMEM((_C, _DH), jnp.float32),
            pltpu.VMEM((_C, _DH), jnp.float32),
            pltpu.VMEM((_C, _DH), jnp.float32),
            pltpu.VMEM((_C, _DH), jnp.float32),
            pltpu.SemaphoreType.DMA,
            pltpu.SemaphoreType.DMA,
            pltpu.SemaphoreType.DMA,
            pltpu.SemaphoreType.DMA,
            pltpu.SemaphoreType.DMA,
            pltpu.SemaphoreType.DMA,
        ],
    )


_make_sc_aggr = functools.lru_cache(maxsize=None)(_make_sc_aggr)


def _sc_aggr_call(col_split, table, e, src, dst, zero):
    return _make_sc_aggr(col_split)(table, e, src, dst, zero)


def _bn(h, g, b):
    mu = jnp.mean(h, axis=0, keepdims=True)
    var = jnp.mean((h - mu) ** 2, axis=0, keepdims=True)
    return g * (h - mu) / jnp.sqrt(var + 1e-5) + b


def _node1_body(x_ref, p_ref, eps_ref, wa_ref, ba_ref, g_ref, bt_ref,
                wb_ref, bb_ref, gn_ref, bnb_ref, out_ref):
    z = x_ref[...] * (1.0 + eps_ref[...]) + p_ref[0] + p_ref[1]
    h = jnp.dot(z, wa_ref[...], preferred_element_type=jnp.float32) + ba_ref[...]
    h = jnp.maximum(_bn(h, g_ref[...], bt_ref[...]), 0.0)
    h = jnp.dot(h, wb_ref[...], preferred_element_type=jnp.float32) + bb_ref[...]
    y = jnp.maximum(_bn(h, gn_ref[...], bnb_ref[...]), 0.0)
    out_ref[0] = y[:, :_DH]
    out_ref[1] = y[:, _DH:]


def _node2_body(hs_ref, as_ref, eps_ref, wa_ref, ba_ref, g_ref, bt_ref,
                wb_ref, bb_ref, gn_ref, bnb_ref, wo_ref, bo_ref, out_ref):
    h1 = jnp.concatenate([hs_ref[0], hs_ref[1]], axis=1)
    a2 = jnp.concatenate([as_ref[0], as_ref[1]], axis=1)
    z = h1 * (1.0 + eps_ref[...]) + a2
    h = jnp.dot(z, wa_ref[...], preferred_element_type=jnp.float32) + ba_ref[...]
    h = jnp.maximum(_bn(h, g_ref[...], bt_ref[...]), 0.0)
    h = jnp.dot(h, wb_ref[...], preferred_element_type=jnp.float32) + bb_ref[...]
    h = jnp.maximum(_bn(h, gn_ref[...], bnb_ref[...]), 0.0)
    r = jnp.dot(h, wo_ref[...], preferred_element_type=jnp.float32)
    out_ref[...] = r[:, :1] + bo_ref[...]


def _row(v):
    return v.reshape(1, -1)


def kernel(x, edge_index, edge_attr, We1, be1, eps1, W1a, b1a, g1a, bt1a,
           W1b, b1b, gn1, bn1, We2, be2, eps2, W2a, b2a, g2a, bt2a,
           W2b, b2b, gn2, bn2, Wout, bout):
    f32 = jnp.float32
    src = edge_index[0]
    dst = edge_index[1]
    zero = jnp.zeros((_N, _DH), f32)
    eps1r = eps1.reshape(1, 1)
    eps2r = eps2.reshape(1, 1)

    e1 = _edge_proj(edge_attr, We1.T, _row(be1), 1)
    e2 = _edge_proj(edge_attr, We2.T, _row(be2), 2)
    p1 = _sc_aggr_call(False, x, e1, src, dst, zero)
    h1s = pl.pallas_call(
        _node1_body,
        out_shape=jax.ShapeDtypeStruct((2, _N, _DH), f32),
    )(x, p1.reshape(2, _N, _DH), eps1r, W1a.T, _row(b1a), _row(g1a),
      _row(bt1a), W1b.T, _row(b1b), _row(gn1), _row(bn1))

    src2 = jnp.concatenate([src, src + _N])
    a2 = _sc_aggr_call(True, h1s.reshape(2 * _N, _DH), e2, src2, dst, zero)
    wo = jnp.zeros((_DH, _DH), f32).at[:, 0].set(Wout[0])
    out = pl.pallas_call(
        _node2_body,
        out_shape=jax.ShapeDtypeStruct((_N, 1), f32),
    )(h1s, a2.reshape(2, _N, _DH), eps2r, W2a.T, _row(b2a), _row(g2a),
      _row(bt2a), W2b.T, _row(b2b), _row(gn2), _row(bn2), wo,
      bout.reshape(1, 1))
    return out

# --- scband reference (transcript-rebuilt; emitter-appended) ---
"""Pipeline reference for scband-ginemodel-84207128805738 (READ-ONLY COPY).

The authoritative reference and input builder live on the scoring server;
editing this copy changes nothing except your own understanding.
"""

import jax, jax.numpy as jnp
import numpy as np

N = 10000
E = 320000
D_FEAT = 128
D_EDGE = 16
H1 = 256
H2 = 128


def _batchnorm(h, gamma, beta):
    mu = jnp.mean(h, axis=0)
    var = jnp.var(h, axis=0)
    return gamma * (h - mu) / jnp.sqrt(var + 1e-5) + beta


def _mlp(h, Wa, ba, g, b, Wb, bb):
    h = h @ Wa.T + ba
    h = _batchnorm(h, g, b)
    h = jax.nn.relu(h)
    return h @ Wb.T + bb


def _gine_conv(x, edge_index, edge_attr, We, be, eps, Wa, ba, g, b, Wb, bb):
    # edge_dim != in_channels -> linear projection of edge features
    e = edge_attr @ We.T + be
    src = edge_index[0]
    dst = edge_index[1]
    msg = jax.nn.relu(x[src] + e)            # gather x_j + projected edge feats
    aggr = jax.ops.segment_sum(msg, dst, num_segments=N)  # scatter-add to dst
    return _mlp((1.0 + eps) * x + aggr, Wa, ba, g, b, Wb, bb)


def setup_inputs(seed: int = 0):
    key = jax.random.key(seed)
    ks = jax.random.split(key, 16)

    def rn(k, shape, scale=0.05):
        return jax.random.normal(k, shape, dtype=jnp.float32) * scale

    inp = {}
    inp["x"] = jax.random.normal(ks[0], (N, D_FEAT), dtype=jnp.float32)
    inp["edge_index"] = jax.random.randint(ks[1], (2, E), 0, N, dtype=jnp.int32)
    inp["edge_attr"] = jax.random.normal(ks[2], (E, D_EDGE), dtype=jnp.float32)
    # conv1 (GINEConv: edge lin, eps, nn = Linear->BN->ReLU->Linear)
    inp["We1"] = rn(ks[3], (D_FEAT, D_EDGE))
    inp["be1"] = jnp.zeros((D_FEAT,), jnp.float32)
    inp["eps1"] = jnp.zeros((), jnp.float32)
    inp["W1a"] = rn(ks[4], (H1, D_FEAT))
    inp["b1a"] = jnp.zeros((H1,), jnp.float32)
    inp["g1a"] = jnp.ones((H1,), jnp.float32)
    inp["bt1a"] = jnp.zeros((H1,), jnp.float32)
    inp["W1b"] = rn(ks[5], (H1, H1))
    inp["b1b"] = jnp.zeros((H1,), jnp.float32)
    inp["gn1"] = jnp.ones((H1,), jnp.float32)
    inp["bn1"] = jnp.zeros((H1,), jnp.float32)
    # conv2
    inp["We2"] = rn(ks[6], (H1, D_EDGE))
    inp["be2"] = jnp.zeros((H1,), jnp.float32)
    inp["eps2"] = jnp.zeros((), jnp.float32)
    inp["W2a"] = rn(ks[7], (H2, H1))
    inp["b2a"] = jnp.zeros((H2,), jnp.float32)
    inp["g2a"] = jnp.ones((H2,), jnp.float32)
    inp["bt2a"] = jnp.zeros((H2,), jnp.float32)
    inp["W2b"] = rn(ks[8], (H2, H2))
    inp["b2b"] = jnp.zeros((H2,), jnp.float32)
    inp["gn2"] = jnp.ones((H2,), jnp.float32)
    inp["bn2"] = jnp.zeros((H2,), jnp.float32)
    # fc_out
    inp["Wout"] = rn(ks[9], (1, H2))
    inp["bout"] = jnp.zeros((1,), jnp.float32)
    return inp


def reference(x, edge_index, edge_attr, We1, be1, eps1, W1a, b1a, g1a, bt1a, W1b, b1b, gn1, bn1, We2, be2, eps2, W2a, b2a, g2a, bt2a, W2b, b2b, gn2, bn2, Wout, bout):
    h = _gine_conv(x, edge_index, edge_attr, We1, be1, eps1, W1a, b1a, g1a, bt1a, W1b, b1b)
    h = _batchnorm(h, gn1, bn1)
    h = jax.nn.relu(h)
    # dropout: identity (deterministic reference)
    h = _gine_conv(h, edge_index, edge_attr, We2, be2, eps2, W2a, b2a, g2a, bt2a, W2b, b2b)
    h = _batchnorm(h, gn2, bn2)
    h = jax.nn.relu(h)
    return h @ Wout.T + bout

if __name__ == "__main__":
    import jax
    _d = setup_inputs()
    print(jax.jit(kernel)(*tuple(_d.values())))

</pallas_src>

<mosaic_0001>
#map = affine_map<(d0, d1) -> (0, 0)>
#map1 = affine_map<(d0, d1) -> (0)>
module attributes {stable_mosaic.version = 14 : i64} {
  func.func @body(%arg0: i32, %arg1: i32, %arg2: memref<10000x128xf32, #tpu.memory_space<hbm>>, %arg3: memref<320000x128xf32, #tpu.memory_space<hbm>>, %arg4: memref<320000xi32, #tpu.memory_space<hbm>>, %arg5: memref<320000xi32, #tpu.memory_space<hbm>>, %arg6: memref<10000x128xf32, #tpu.memory_space<hbm>>, %arg7: memref<20000x128xf32, #tpu.memory_space<hbm>>, %arg8: memref<10000x128xf32, #tpu.memory_space<vmem_shared>>, %arg9: memref<80xi32, #tpu.memory_space<vmem>>, %arg10: memref<80xi32, #tpu.memory_space<vmem>>, %arg11: memref<80xi32, #tpu.memory_space<vmem>>, %arg12: memref<80xi32, #tpu.memory_space<vmem>>, %arg13: memref<80x128xf32, #tpu.memory_space<vmem>>, %arg14: memref<80x128xf32, #tpu.memory_space<vmem>>, %arg15: memref<80x128xf32, #tpu.memory_space<vmem>>, %arg16: memref<80x128xf32, #tpu.memory_space<vmem>>, %arg17: memref<!tpu.dma_semaphore, #tpu.memory_space<semaphore_mem>>, %arg18: memref<!tpu.dma_semaphore, #tpu.memory_space<semaphore_mem>>, %arg19: memref<!tpu.dma_semaphore, #tpu.memory_space<semaphore_mem>>, %arg20: memref<!tpu.dma_semaphore, #tpu.memory_space<semaphore_mem>>, %arg21: memref<!tpu.dma_semaphore, #tpu.memory_space<semaphore_mem>>, %arg22: memref<!tpu.dma_semaphore, #tpu.memory_space<semaphore_mem>>) attributes {dimension_semantics = [#tpu.dimension_semantics<core_parallel>, #tpu.dimension_semantics<subcore_parallel>], iteration_bounds = array<i64: 2, 16>, scalar_prefetch = 0 : i64, scratch_operands = 15 : i64, tpu.core_type = #tpu.core_type<sc_vector_subcore>, window_params = [{transform_indices = #map}, {transform_indices = #map}, {transform_indices = #map1}, {transform_indices = #map1}, {transform_indices = #map}, {transform_indices = #map}]} {
    %mul3A = arith.constant 1000 : i32
    %mul3A_0 = arith.muli %arg1, %mul3A : i32
    %lt3A = arith.constant 10 : i32
    %lt3A_1 = arith.cmpi slt, %arg1, %lt3A : i32
    %convert_element_type3A = arith.extui %lt3A_1 : i1 to i32
    %cond3A = arith.constant 0 : i32
    %cond3A_2 = arith.cmpi ne, %convert_element_type3A, %cond3A : i32
    scf.if %cond3A_2 {
      "tpu.region"() ({
        %run_scoped3A = tpu.sem_alloc : memref<!tpu.dma_semaphore, #tpu.memory_space<semaphore_mem>>
        %dma_start3A_126 = arith.constant 0 : i32
        %dma_start3A_127 = tpu.memref_slice %arg8[%mul3A_0, %dma_start3A_126] : memref<10000x128xf32, #tpu.memory_space<vmem_shared>> -> memref<1000x128xf32, #tpu.memory_space<vmem_shared>>
        %dma_start3A_128 = arith.constant 0 : i32
        %dma_start3A_129 = tpu.memref_slice %arg6[%mul3A_0, %dma_start3A_128] : memref<10000x128xf32, #tpu.memory_space<hbm>> -> memref<1000x128xf32, #tpu.memory_space<hbm>>
        tpu.enqueue_dma source(%dma_start3A_129 : memref<1000x128xf32, #tpu.memory_space<hbm>>) target(%dma_start3A_127 : memref<1000x128xf32, #tpu.memory_space<vmem_shared>>) target_semaphore(%run_scoped3A : memref<!tpu.dma_semaphore, #tpu.memory_space<semaphore_mem>>)
        %dma_wait3A_130 = arith.constant 0 : i32
        %dma_wait3A_131 = tpu.memref_slice %arg8[%mul3A_0, %dma_wait3A_130] : memref<10000x128xf32, #tpu.memory_space<vmem_shared>> -> memref<1000x128xf32, #tpu.memory_space<vmem_shared>>
        %dma_wait3A_132 = arith.constant 0 : i32
        %dma_wait3A_133 = tpu.memref_slice %arg6[%mul3A_0, %dma_wait3A_132] : memref<10000x128xf32, #tpu.memory_space<hbm>> -> memref<1000x128xf32, #tpu.memory_space<hbm>>
        tpu.wait_dma2 semaphore(%run_scoped3A : memref<!tpu.dma_semaphore, #tpu.memory_space<semaphore_mem>>) src(%dma_wait3A_133 : memref<1000x128xf32, #tpu.memory_space<hbm>>) dst(%dma_wait3A_131 : memref<1000x128xf32, #tpu.memory_space<vmem_shared>>)
        tpu.yield
      }) : () -> ()
    } else {
    }
    %barrier3A = arith.constant 0 : index
    tpu.barrier barrier_id(%barrier3A)
    %mul3A_3 = arith.constant 16 : i32
    %mul3A_4 = arith.muli %arg0, %mul3A_3 : i32
    %add3A = arith.addi %mul3A_4, %arg1 : i32
    %mul3A_5 = arith.constant 10000 : i32
    %mul3A_6 = arith.muli %add3A, %mul3A_5 : i32
    %add3A_7 = arith.constant 0 : i32
    %add3A_8 = arith.addi %mul3A_6, %add3A_7 : i32
    %dma_start3A = tpu.memref_slice %arg4[%add3A_8] : memref<320000xi32, #tpu.memory_space<hbm>> -> memref<80xi32, #tpu.memory_space<hbm>>
    %dma_start3A_9 = tpu.memref_slice %arg4[%add3A_8] : memref<320000xi32, #tpu.memory_space<hbm>> -> memref<80xi32, #tpu.memory_space<hbm>>
    tpu.enqueue_dma source(%dma_start3A_9 : memref<80xi32, #tpu.memory_space<hbm>>) target(%arg9 : memref<80xi32, #tpu.memory_space<vmem>>) target_semaphore(%arg17 : memref<!tpu.dma_semaphore, #tpu.memory_space<semaphore_mem>>)
    %add3A_10 = arith.constant 0 : i32
    %add3A_11 = arith.addi %mul3A_6, %add3A_10 : i32
    %dma_start3A_12 = tpu.memref_slice %arg5[%add3A_11] : memref<320000xi32, #tpu.memory_space<hbm>> -> memref<80xi32, #tpu.memory_space<hbm>>
    %dma_start3A_13 = tpu.memref_slice %arg5[%add3A_11] : memref<320000xi32, #tpu.memory_space<hbm>> -> memref<80xi32, #tpu.memory_space<hbm>>
    tpu.enqueue_dma source(%dma_start3A_13 : memref<80xi32, #tpu.memory_space<hbm>>) target(%arg11 : memref<80xi32, #tpu.memory_space<vmem>>) target_semaphore(%arg17 : memref<!tpu.dma_semaphore, #tpu.memory_space<semaphore_mem>>)
    %add3A_14 = arith.constant 80 : i32
    %add3A_15 = arith.addi %mul3A_6, %add3A_14 : i32
    %dma_start3A_16 = tpu.memref_slice %arg4[%add3A_15] : memref<320000xi32, #tpu.memory_space<hbm>> -> memref<80xi32, #tpu.memory_space<hbm>>
    %dma_start3A_17 = tpu.memref_slice %arg4[%add3A_15] : memref<320000xi32, #tpu.memory_space<hbm>> -> memref<80xi32, #tpu.memory_space<hbm>>
    tpu.enqueue_dma source(%dma_start3A_17 : memref<80xi32, #tpu.memory_space<hbm>>) target(%arg10 : memref<80xi32, #tpu.memory_space<vmem>>) target_semaphore(%arg18 : memref<!tpu.dma_semaphore, #tpu.memory_space<semaphore_mem>>)
    %add3A_18 = arith.constant 80 : i32
    %add3A_19 = arith.addi %mul3A_6, %add3A_18 : i32
    %dma_start3A_20 = tpu.memref_slice %arg5[%add3A_19] : memref<320000xi32, #tpu.memory_space<hbm>> -> memref<80xi32, #tpu.memory_space<hbm>>
    %dma_start3A_21 = tpu.memref_slice %arg5[%add3A_19] : memref<320000xi32, #tpu.memory_space<hbm>> -> memref<80xi32, #tpu.memory_space<hbm>>
    tpu.enqueue_dma source(%dma_start3A_21 : memref<80xi32, #tpu.memory_space<hbm>>) target(%arg12 : memref<80xi32, #tpu.memory_space<vmem>>) target_semaphore(%arg18 : memref<!tpu.dma_semaphore, #tpu.memory_space<semaphore_mem>>)
    %dma_wait3A = tpu.memref_slice %arg4[%mul3A_6] : memref<320000xi32, #tpu.memory_space<hbm>> -> memref<80xi32, #tpu.memory_space<hbm>>
    %dma_wait3A_22 = tpu.memref_slice %arg4[%mul3A_6] : memref<320000xi32, #tpu.memory_space<hbm>> -> memref<80xi32, #tpu.memory_space<hbm>>
    tpu.wait_dma2 semaphore(%arg17 : memref<!tpu.dma_semaphore, #tpu.memory_space<semaphore_mem>>) src(%dma_wait3A_22 : memref<80xi32, #tpu.memory_space<hbm>>) dst(%arg9 : memref<80xi32, #tpu.memory_space<vmem>>)
    %dma_wait3A_23 = tpu.memref_slice %arg5[%mul3A_6] : memref<320000xi32, #tpu.memory_space<hbm>> -> memref<80xi32, #tpu.memory_space<hbm>>
    %dma_wait3A_24 = tpu.memref_slice %arg5[%mul3A_6] : memref<320000xi32, #tpu.memory_space<hbm>> -> memref<80xi32, #tpu.memory_space<hbm>>
    tpu.wait_dma2 semaphore(%arg17 : memref<!tpu.dma_semaphore, #tpu.memory_space<semaphore_mem>>) src(%dma_wait3A_24 : memref<80xi32, #tpu.memory_space<hbm>>) dst(%arg11 : memref<80xi32, #tpu.memory_space<vmem>>)
    %dma_start3A_25 = arith.constant 0 : i32
    %dma_start3A_26 = arith.constant 0 : i32
    %dma_start3A_27 = tpu.memref_slice %arg2[%dma_start3A_25, %dma_start3A_26] : memref<10000x128xf32, #tpu.memory_space<hbm>> -> memref<10000x128xf32, #tpu.memory_space<hbm>>
    tpu.enqueue_indirect_dma source(%dma_start3A_27 : memref<10000x128xf32, #tpu.memory_space<hbm>>) target(%arg13 : memref<80x128xf32, #tpu.memory_space<vmem>>) offsets(%arg9 : memref<80xi32, #tpu.memory_space<vmem>>) semaphore(%arg19 : memref<!tpu.dma_semaphore, #tpu.memory_space<semaphore_mem>>)
    %add3A_28 = arith.constant 0 : i32
    %add3A_29 = arith.addi %mul3A_6, %add3A_28 : i32
    %dma_start3A_30 = arith.constant 0 : i32
    %dma_start3A_31 = tpu.memref_slice %arg3[%add3A_29, %dma_start3A_30] : memref<320000x128xf32, #tpu.memory_space<hbm>> -> memref<80x128xf32, #tpu.memory_space<hbm>>
    %dma_start3A_32 = arith.constant 0 : i32
    %dma_start3A_33 = tpu.memref_slice %arg3[%add3A_29, %dma_start3A_32] : memref<320000x128xf32, #tpu.memory_space<hbm>> -> memref<80x128xf32, #tpu.memory_space<hbm>>
    tpu.enqueue_dma source(%dma_start3A_33 : memref<80x128xf32, #tpu.memory_space<hbm>>) target(%arg15 : memref<80x128xf32, #tpu.memory_space<vmem>>) target_semaphore(%arg21 : memref<!tpu.dma_semaphore, #tpu.memory_space<semaphore_mem>>)
    %dma_wait3A_34 = tpu.memref_slice %arg4[%mul3A_6] : memref<320000xi32, #tpu.memory_space<hbm>> -> memref<80xi32, #tpu.memory_space<hbm>>
    %dma_wait3A_35 = tpu.memref_slice %arg4[%mul3A_6] : memref<320000xi32, #tpu.memory_space<hbm>> -> memref<80xi32, #tpu.memory_space<hbm>>
    tpu.wait_dma2 semaphore(%arg18 : memref<!tpu.dma_semaphore, #tpu.memory_space<semaphore_mem>>) src(%dma_wait3A_35 : memref<80xi32, #tpu.memory_space<hbm>>) dst(%arg10 : memref<80xi32, #tpu.memory_space<vmem>>)
    %dma_wait3A_36 = tpu.memref_slice %arg5[%mul3A_6] : memref<320000xi32, #tpu.memory_space<hbm>> -> memref<80xi32, #tpu.memory_space<hbm>>
    %dma_wait3A_37 = tpu.memref_slice %arg5[%mul3A_6] : memref<320000xi32, #tpu.memory_space<hbm>> -> memref<80xi32, #tpu.memory_space<hbm>>
    tpu.wait_dma2 semaphore(%arg18 : memref<!tpu.dma_semaphore, #tpu.memory_space<semaphore_mem>>) src(%dma_wait3A_37 : memref<80xi32, #tpu.memory_space<hbm>>) dst(%arg12 : memref<80xi32, #tpu.memory_space<vmem>>)
    %dma_start3A_38 = arith.constant 0 : i32
    %dma_start3A_39 = arith.constant 0 : i32
    %dma_start3A_40 = tpu.memref_slice %arg2[%dma_start3A_38, %dma_start3A_39] : memref<10000x128xf32, #tpu.memory_space<hbm>> -> memref<10000x128xf32, #tpu.memory_space<hbm>>
    tpu.enqueue_indirect_dma source(%dma_start3A_40 : memref<10000x128xf32, #tpu.memory_space<hbm>>) target(%arg14 : memref<80x128xf32, #tpu.memory_space<vmem>>) offsets(%arg10 : memref<80xi32, #tpu.memory_space<vmem>>) semaphore(%arg20 : memref<!tpu.dma_semaphore, #tpu.memory_space<semaphore_mem>>)
    %add3A_41 = arith.constant 80 : i32
    %add3A_42 = arith.addi %mul3A_6, %add3A_41 : i32
    %dma_start3A_43 = arith.constant 0 : i32
    %dma_start3A_44 = tpu.memref_slice %arg3[%add3A_42, %dma_start3A_43] : memref<320000x128xf32, #tpu.memory_space<hbm>> -> memref<80x128xf32, #tpu.memory_space<hbm>>
    %dma_start3A_45 = arith.constant 0 : i32
    %dma_start3A_46 = tpu.memref_slice %arg3[%add3A_42, %dma_start3A_45] : memref<320000x128xf32, #tpu.memory_space<hbm>> -> memref<80x128xf32, #tpu.memory_space<hbm>>
    tpu.enqueue_dma source(%dma_start3A_46 : memref<80x128xf32, #tpu.memory_space<hbm>>) target(%arg16 : memref<80x128xf32, #tpu.memory_space<vmem>>) target_semaphore(%arg22 : memref<!tpu.dma_semaphore, #tpu.memory_space<semaphore_mem>>)
    %dma_wait3A_47 = arith.constant 0 : i32
    %dma_wait3A_48 = arith.constant 0 : i32
    %dma_wait3A_49 = tpu.memref_slice %arg2[%dma_wait3A_47, %dma_wait3A_48] : memref<10000x128xf32, #tpu.memory_space<hbm>> -> memref<10000x128xf32, #tpu.memory_space<hbm>>
    tpu.wait_indirect_dma semaphore(%arg19 : memref<!tpu.dma_semaphore, #tpu.memory_space<semaphore_mem>>) src(%dma_wait3A_49 : memref<10000x128xf32, #tpu.memory_space<hbm>>) dst(%arg13 : memref<80x128xf32, #tpu.memory_space<vmem>>)
    %dma_wait3A_50 = arith.constant 0 : i32
    %dma_wait3A_51 = tpu.memref_slice %arg3[%mul3A_6, %dma_wait3A_50] : memref<320000x128xf32, #tpu.memory_space<hbm>> -> memref<80x128xf32, #tpu.memory_space<hbm>>
    %dma_wait3A_52 = arith.constant 0 : i32
    %dma_wait3A_53 = tpu.memref_slice %arg3[%mul3A_6, %dma_wait3A_52] : memref<320000x128xf32, #tpu.memory_space<hbm>> -> memref<80x128xf32, #tpu.memory_space<hbm>>
    tpu.wait_dma2 semaphore(%arg21 : memref<!tpu.dma_semaphore, #tpu.memory_space<semaphore_mem>>) src(%dma_wait3A_53 : memref<80x128xf32, #tpu.memory_space<hbm>>) dst(%arg15 : memref<80x128xf32, #tpu.memory_space<vmem>>)
    %scan3A = arith.constant 0 : i32
    %scan3A_54 = arith.constant 0 : i32
    %scan3A_55 = arith.constant 40 : i32
    %scan3A_56 = arith.addi %scan3A_54, %scan3A_55 : i32
    %scan3A_57 = arith.constant 1 : i32
    scf.for %scan3A_126 = %scan3A_54 to %scan3A_56 step %scan3A_57  : i32 {
      %mul3A_127 = arith.constant 2 : i32
      %mul3A_128 = arith.muli %scan3A_126, %mul3A_127 : i32
      %add3A_129 = arith.constant 0 : i32
      %add3A_130 = arith.addi %mul3A_128, %add3A_129 : i32
      %get3A = arith.index_cast %add3A_130 : i32 to index
      %get3A_131 = arith.constant 0 : index
      %get3A_132 = tpu.vector_load %arg13[%get3A, %get3A_131] {strides = array<i32>} : memref<80x128xf32, #tpu.memory_space<vmem>>, vector<1x16xf32>,
      %get3A_133 = vector.shape_cast %get3A_132 : vector<1x16xf32> to vector<16xf32>
      %get3A_134 = arith.index_cast %add3A_130 : i32 to index
      %get3A_135 = arith.constant 0 : index
      %get3A_136 = tpu.vector_load %arg15[%get3A_134, %get3A_135] {strides = array<i32>} : memref<80x128xf32, #tpu.memory_space<vmem>>, vector<1x16xf32>,
      %get3A_137 = vector.shape_cast %get3A_136 : vector<1x16xf32> to vector<16xf32>
      %add3A_138 = arith.addf %get3A_133, %get3A_137 : vector<16xf32>
      %max3A = arith.constant 0.000000e+00 : f32
      %max3A_139 = vector.broadcast %max3A : f32 to vector<16xf32>
      %max3A_140 = arith.maximumf %add3A_138, %max3A_139 : vector<16xf32>
      %swap3A = arith.index_cast %add3A_130 : i32 to index
      %swap3A_141 = arith.constant 0 : index
      %swap3A_142 = tpu.vector_load %arg13[%swap3A, %swap3A_141] {strides = array<i32>} : memref<80x128xf32, #tpu.memory_space<vmem>>, vector<1x16xf32>,
      %swap3A_143 = vector.shape_cast %swap3A_142 : vector<1x16xf32> to vector<16xf32>
      %swap3A_144 = vector.shape_cast %max3A_140 : vector<16xf32> to vector<1x16xf32>
      tpu.vector_store %arg13[%swap3A, %swap3A_141], %swap3A_144 {strides = array<i32>} : memref<80x128xf32, #tpu.memory_space<vmem>>, vector<1x16xf32>,
      %mul3A_145 = arith.constant 2 : i32
      %mul3A_146 = arith.muli %scan3A_126, %mul3A_145 : i32
      %add3A_147 = arith.constant 0 : i32
      %add3A_148 = arith.addi %mul3A_146, %add3A_147 : i32
      %get3A_149 = arith.index_cast %add3A_148 : i32 to index
      %get3A_150 = arith.constant 16 : index
      %get3A_151 = tpu.vector_load %arg13[%get3A_149, %get3A_150] {strides = array<i32>} : memref<80x128xf32, #tpu.memory_space<vmem>>, vector<1x16xf32>,
      %get3A_152 = vector.shape_cast %get3A_151 : vector<1x16xf32> to vector<16xf32>
      %get3A_153 = arith.index_cast %add3A_148 : i32 to index
      %get3A_154 = arith.constant 16 : index
      %get3A_155 = tpu.vector_load %arg15[%get3A_153, %get3A_154] {strides = array<i32>} : memref<80x128xf32, #tpu.memory_space<vmem>>, vector<1x16xf32>,
      %get3A_156 = vector.shape_cast %get3A_155 : vector<1x16xf32> to vector<16xf32>
      %add3A_157 = arith.addf %get3A_152, %get3A_156 : vector<16xf32>
      %max3A_158 = arith.constant 0.000000e+00 : f32
      %max3A_159 = vector.broadcast %max3A_158 : f32 to vector<16xf32>
      %max3A_160 = arith.maximumf %add3A_157, %max3A_159 : vector<16xf32>
      %swap3A_161 = arith.index_cast %add3A_148 : i32 to index
      %swap3A_162 = arith.constant 16 : index
      %swap3A_163 = tpu.vector_load %arg13[%swap3A_161, %swap3A_162] {strides = array<i32>} : memref<80x128xf32, #tpu.memory_space<vmem>>, vector<1x16xf32>,
      %swap3A_164 = vector.shape_cast %swap3A_163 : vector<1x16xf32> to vector<16xf32>
      %swap3A_165 = vector.shape_cast %max3A_160 : vector<16xf32> to vector<1x16xf32>
      tpu.vector_store %arg13[%swap3A_161, %swap3A_162], %swap3A_165 {strides = array<i32>} : memref<80x128xf32, #tpu.memory_space<vmem>>, vector<1x16xf32>,
      %mul3A_166 = arith.constant 2 : i32
      %mul3A_167 = arith.muli %scan3A_126, %mul3A_166 : i32
      %add3A_168 = arith.constant 0 : i32
      %add3A_169 = arith.addi %mul3A_167, %add3A_168 : i32
      %get3A_170 = arith.index_cast %add3A_169 : i32 to index
      %get3A_171 = arith.constant 32 : index
      %get3A_172 = tpu.vector_load %arg13[%get3A_170, %get3A_171] {strides = array<i32>} : memref<80x128xf32, #tpu.memory_space<vmem>>, vector<1x16xf32>,
      %get3A_173 = vector.shape_cast %get3A_172 : vector<1x16xf32> to vector<16xf32>
      %get3A_174 = arith.index_cast %add3A_169 : i32 to index
      %get3A_175 = arith.constant 32 : index
      %get3A_176 = tpu.vector_load %arg15[%get3A_174, %get3A_175] {strides = array<i32>} : memref<80x128xf32, #tpu.memory_space<vmem>>, vector<1x16xf32>,
      %get3A_177 = vector.shape_cast %get3A_176 : vector<1x16xf32> to vector<16xf32>
      %add3A_178 = arith.addf %get3A_173, %get3A_177 : vector<16xf32>
      %max3A_179 = arith.constant 0.000000e+00 : f32
      %max3A_180 = vector.broadcast %max3A_179 : f32 to vector<16xf32>
      %max3A_181 = arith.maximumf %add3A_178, %max3A_180 : vector<16xf32>
      %swap3A_182 = arith.index_cast %add3A_169 : i32 to index
      %swap3A_183 = arith.constant 32 : index
      %swap3A_184 = tpu.vector_load %arg13[%swap3A_182, %swap3A_183] {strides = array<i32>} : memref<80x128xf32, #tpu.memory_space<vmem>>, vector<1x16xf32>,
      %swap3A_185 = vector.shape_cast %swap3A_184 : vector<1x16xf32> to vector<16xf32>
      %swap3A_186 = vector.shape_cast %max3A_181 : vector<16xf32> to vector<1x16xf32>
      tpu.vector_store %arg13[%swap3A_182, %swap3A_183], %swap3A_186 {strides = array<i32>} : memref<80x128xf32, #tpu.memory_space<vmem>>, vector<1x16xf32>,
      %mul3A_187 = arith.constant 2 : i32
      %mul3A_188 = arith.muli %scan3A_126, %mul3A_187 : i32
      %add3A_189 = arith.constant 0 : i32
      %add3A_190 = arith.addi %mul3A_188, %add3A_189 : i32
      %get3A_191 = arith.index_cast %add3A_190 : i32 to index
      %get3A_192 = arith.constant 48 : index
      %get3A_193 = tpu.vector_load %arg13[%get3A_191, %get3A_192] {strides = array<i32>} : memref<80x128xf32, #tpu.memory_space<vmem>>, vector<1x16xf32>,
      %get3A_194 = vector.shape_cast %get3A_193 : vector<1x16xf32> to vector<16xf32>
      %get3A_195 = arith.index_cast %add3A_190 : i32 to index
      %get3A_196 = arith.constant 48 : index
      %get3A_197 = tpu.vector_load %arg15[%get3A_195, %get3A_196] {strides = array<i32>} : memref<80x128xf32, #tpu.memory_space<vmem>>, vector<1x16xf32>,
      %get3A_198 = vector.shape_cast %get3A_197 : vector<1x16xf32> to vector<16xf32>
      %add3A_199 = arith.addf %get3A_194, %get3A_198 : vector<16xf32>
      %max3A_200 = arith.constant 0.000000e+00 : f32
      %max3A_201 = vector.broadcast %max3A_200 : f32 to vector<16xf32>
      %max3A_202 = arith.maximumf %add3A_199, %max3A_201 : vector<16xf32>
      %swap3A_203 = arith.index_cast %add3A_190 : i32 to index
      %swap3A_204 = arith.constant 48 : index
      %swap3A_205 = tpu.vector_load %arg13[%swap3A_203, %swap3A_204] {strides = array<i32>} : memref<80x128xf32, #tpu.memory_space<vmem>>, vector<1x16xf32>,
      %swap3A_206 = vector.shape_cast %swap3A_205 : vector<1x16xf32> to vector<16xf32>
      %swap3A_207 = vector.shape_cast %max3A_202 : vector<16xf32> to vector<1x16xf32>
      tpu.vector_store %arg13[%swap3A_203, %swap3A_204], %swap3A_207 {strides = array<i32>} : memref<80x128xf32, #tpu.memory_space<vmem>>, vector<1x16xf32>,
      %mul3A_208 = arith.constant 2 : i32
      %mul3A_209 = arith.muli %scan3A_126, %mul3A_208 : i32
      %add3A_210 = arith.constant 0 : i32
      %add3A_211 = arith.addi %mul3A_209, %add3A_210 : i32
      %get3A_212 = arith.index_cast %add3A_211 : i32 to index
      %get3A_213 = arith.constant 64 : index
      %get3A_214 = tpu.vector_load %arg13[%get3A_212, %get3A_213] {strides = array<i32>} : memref<80x128xf32, #tpu.memory_space<vmem>>, vector<1x16xf32>,
      %get3A_215 = vector.shape_cast %get3A_214 : vector<1x16xf32> to vector<16xf32>
      %get3A_216 = arith.index_cast %add3A_211 : i32 to index
      %get3A_217 = arith.constant 64 : index
      %get3A_218 = tpu.vector_load %arg15[%get3A_216, %get3A_217] {strides = array<i32>} : memref<80x128xf32, #tpu.memory_space<vmem>>, vector<1x16xf32>,
      %get3A_219 = vector.shape_cast %get3A_218 : vector<1x16xf32> to vector<16xf32>
      %add3A_220 = arith.addf %get3A_215, %get3A_219 : vector<16xf32>
      %max3A_221 = arith.constant 0.000000e+00 : f32
      %max3A_222 = vector.broadcast %max3A_221 : f32 to vector<16xf32>
      %max3A_223 = arith.maximumf %add3A_220, %max3A_222 : vector<16xf32>
      %swap3A_224 = arith.index_cast %add3A_211 : i32 to index
      %swap3A_225 = arith.constant 64 : index
      %swap3A_226 = tpu.vector_load %arg13[%swap3A_224, %swap3A_225] {strides = array<i32>} : memref<80x128xf32, #tpu.memory_space<vmem>>, vector<1x16xf32>,
      %swap3A_227 = vector.shape_cast %swap3A_226 : vector<1x16xf32> to vector<16xf32>
      %swap3A_228 = vector.shape_cast %max3A_223 : vector<16xf32> to vector<1x16xf32>
      tpu.vector_store %arg13[%swap3A_224, %swap3A_225], %swap3A_228 {strides = array<i32>} : memref<80x128xf32, #tpu.memory_space<vmem>>, vector<1x16xf32>,
      %mul3A_229 = arith.constant 2 : i32
      %mul3A_230 = arith.muli %scan3A_126, %mul3A_229 : i32
      %add3A_231 = arith.constant 0 : i32
      %add3A_232 = arith.addi %mul3A_230, %add3A_231 : i32
      %get3A_233 = arith.index_cast %add3A_232 : i32 to index
      %get3A_234 = arith.constant 80 : index
      %get3A_235 = tpu.vector_load %arg13[%get3A_233, %get3A_234] {strides = array<i32>} : memref<80x128xf32, #tpu.memory_space<vmem>>, vector<1x16xf32>,
      %get3A_236 = vector.shape_cast %get3A_235 : vector<1x16xf32> to vector<16xf32>
      %get3A_237 = arith.index_cast %add3A_232 : i32 to index
      %get3A_238 = arith.constant 80 : index
      %get3A_239 = tpu.vector_load %arg15[%get3A_237, %get3A_238] {strides = array<i32>} : memref<80x128xf32, #tpu.memory_space<vmem>>, vector<1x16xf32>,
      %get3A_240 = vector.shape_cast %get3A_239 : vector<1x16xf32> to vector<16xf32>
      %add3A_241 = arith.addf %get3A_236, %get3A_240 : vector<16xf32>
      %max3A_242 = arith.constant 0.000000e+00 : f32
      %max3A_243 = vector.broadcast %max3A_242 : f32 to vector<16xf32>
      %max3A_244 = arith.maximumf %add3A_241, %max3A_243 : vector<16xf32>
      %swap3A_245 = arith.index_cast %add3A_232 : i32 to index
      %swap3A_246 = arith.constant 80 : index
      %swap3A_247 = tpu.vector_load %arg13[%swap3A_245, %swap3A_246] {strides = array<i32>} : memref<80x128xf32, #tpu.memory_space<vmem>>, vector<1x16xf32>,
      %swap3A_248 = vector.shape_cast %swap3A_247 : vector<1x16xf32> to vector<16xf32>
      %swap3A_249 = vector.shape_cast %max3A_244 : vector<16xf32> to vector<1x16xf32>
      tpu.vector_store %arg13[%swap3A_245, %swap3A_246], %swap3A_249 {strides = array<i32>} : memref<80x128xf32, #tpu.memory_space<vmem>>, vector<1x16xf32>,
      %mul3A_250 = arith.constant 2 : i32
      %mul3A_251 = arith.muli %scan3A_126, %mul3A_250 : i32
      %add3A_252 = arith.constant 0 : i32
      %add3A_253 = arith.addi %mul3A_251, %add3A_252 : i32
      %get3A_254 = arith.index_cast %add3A_253 : i32 to index
      %get3A_255 = arith.constant 96 : index
      %get3A_256 = tpu.vector_load %arg13[%get3A_254, %get3A_255] {strides = array<i32>} : memref<80x128xf32, #tpu.memory_space<vmem>>, vector<1x16xf32>,
      %get3A_257 = vector.shape_cast %get3A_256 : vector<1x16xf32> to vector<16xf32>
      %get3A_258 = arith.index_cast %add3A_253 : i32 to index
      %get3A_259 = arith.constant 96 : index
      %get3A_260 = tpu.vector_load %arg15[%get3A_258, %get3A_259] {strides = array<i32>} : memref<80x128xf32, #tpu.memory_space<vmem>>, vector<1x16xf32>,
      %get3A_261 = vector.shape_cast %get3A_260 : vector<1x16xf32> to vector<16xf32>
      %add3A_262 = arith.addf %get3A_257, %get3A_261 : vector<16xf32>
      %max3A_263 = arith.constant 0.000000e+00 : f32
      %max3A_264 = vector.broadcast %max3A_263 : f32 to vector<16xf32>
      %max3A_265 = arith.maximumf %add3A_262, %max3A_264 : vector<16xf32>
      %swap3A_266 = arith.index_cast %add3A_253 : i32 to index
      %swap3A_267 = arith.constant 96 : index
      %swap3A_268 = tpu.vector_load %arg13[%swap3A_266, %swap3A_267] {strides = array<i32>} : memref<80x128xf32, #tpu.memory_space<vmem>>, vector<1x16xf32>,
      %swap3A_269 = vector.shape_cast %swap3A_268 : vector<1x16xf32> to vector<16xf32>
      %swap3A_270 = vector.shape_cast %max3A_265 : vector<16xf32> to vector<1x16xf32>
      tpu.vector_store %arg13[%swap3A_266, %swap3A_267], %swap3A_270 {strides = array<i32>} : memref<80x128xf32, #tpu.memory_space<vmem>>, vector<1x16xf32>,
      %mul3A_271 = arith.constant 2 : i32
      %mul3A_272 = arith.muli %scan3A_126, %mul3A_271 : i32
      %add3A_273 = arith.constant 0 : i32
      %add3A_274 = arith.addi %mul3A_272, %add3A_273 : i32
      %get3A_275 = arith.index_cast %add3A_274 : i32 to index
      %get3A_276 = arith.constant 112 : index
      %get3A_277 = tpu.vector_load %arg13[%get3A_275, %get3A_276] {strides = array<i32>} : memref<80x128xf32, #tpu.memory_space<vmem>>, vector<1x16xf32>,
      %get3A_278 = vector.shape_cast %get3A_277 : vector<1x16xf32> to vector<16xf32>
      %get3A_279 = arith.index_cast %add3A_274 : i32 to index
      %get3A_280 = arith.constant 112 : index
      %get3A_281 = tpu.vector_load %arg15[%get3A_279, %get3A_280] {strides = array<i32>} : memref<80x128xf32, #tpu.memory_space<vmem>>, vector<1x16xf32>,
      %get3A_282 = vector.shape_cast %get3A_281 : vector<1x16xf32> to vector<16xf32>
      %add3A_283 = arith.addf %get3A_278, %get3A_282 : vector<16xf32>
      %max3A_284 = arith.constant 0.000000e+00 : f32
      %max3A_285 = vector.broadcast %max3A_284 : f32 to vector<16xf32>
      %max3A_286 = arith.maximumf %add3A_283, %max3A_285 : vector<16xf32>
      %swap3A_287 = arith.index_cast %add3A_274 : i32 to index
      %swap3A_288 = arith.constant 112 : index
      %swap3A_289 = tpu.vector_load %arg13[%swap3A_287, %swap3A_288] {strides = array<i32>} : memref<80x128xf32, #tpu.memory_space<vmem>>, vector<1x16xf32>,
      %swap3A_290 = vector.shape_cast %swap3A_289 : vector<1x16xf32> to vector<16xf32>
      %swap3A_291 = vector.shape_cast %max3A_286 : vector<16xf32> to vector<1x16xf32>
      tpu.vector_store %arg13[%swap3A_287, %swap3A_288], %swap3A_291 {strides = array<i32>} : memref<80x128xf32, #tpu.memory_space<vmem>>, vector<1x16xf32>,
      %mul3A_292 = arith.constant 2 : i32
      %mul3A_293 = arith.muli %scan3A_126, %mul3A_292 : i32
      %add3A_294 = arith.constant 1 : i32
      %add3A_295 = arith.addi %mul3A_293, %add3A_294 : i32
      %get3A_296 = arith.index_cast %add3A_295 : i32 to index
      %get3A_297 = arith.constant 0 : index
      %get3A_298 = tpu.vector_load %arg13[%get3A_296, %get3A_297] {strides = array<i32>} : memref<80x128xf32, #tpu.memory_space<vmem>>, vector<1x16xf32>,
      %get3A_299 = vector.shape_cast %get3A_298 : vector<1x16xf32> to vector<16xf32>
      %get3A_300 = arith.index_cast %add3A_295 : i32 to index
      %get3A_301 = arith.constant 0 : index
      %get3A_302 = tpu.vector_load %arg15[%get3A_300, %get3A_301] {strides = array<i32>} : memref<80x128xf32, #tpu.memory_space<vmem>>, vector<1x16xf32>,
      %get3A_303 = vector.shape_cast %get3A_302 : vector<1x16xf32> to vector<16xf32>
      %add3A_304 = arith.addf %get3A_299, %get3A_303 : vector<16xf32>
      %max3A_305 = arith.constant 0.000000e+00 : f32
      %max3A_306 = vector.broadcast %max3A_305 : f32 to vector<16xf32>
      %max3A_307 = arith.maximumf %add3A_304, %max3A_306 : vector<16xf32>
      %swap3A_308 = arith.index_cast %add3A_295 : i32 to index
      %swap3A_309 = arith.constant 0 : index
      %swap3A_310 = tpu.vector_load %arg13[%swap3A_308, %swap3A_309] {strides = array<i32>} : memref<80x128xf32, #tpu.memory_space<vmem>>, vector<1x16xf32>,
      %swap3A_311 = vector.shape_cast %swap3A_310 : vector<1x16xf32> to vector<16xf32>
      %swap3A_312 = vector.shape_cast %max3A_307 : vector<16xf32> to vector<1x16xf32>
      tpu.vector_store %arg13[%swap3A_308, %swap3A_309], %swap3A_312 {strides = array<i32>} : memref<80x128xf32, #tpu.memory_space<vmem>>, vector<1x16xf32>,
      %mul3A_313 = arith.constant 2 : i32
      %mul3A_314 = arith.muli %scan3A_126, %mul3A_313 : i32
      %add3A_315 = arith.constant 1 : i32
      %add3A_316 = arith.addi %mul3A_314, %add3A_315 : i32
      %get3A_317 = arith.index_cast %add3A_316 : i32 to index
      %get3A_318 = arith.constant 16 : index
      %get3A_319 = tpu.vector_load %arg13[%get3A_317, %get3A_318] {strides = array<i32>} : memref<80x128xf32, #tpu.memory_space<vmem>>, vector<1x16xf32>,
      %get3A_320 = vector.shape_cast %get3A_319 : vector<1x16xf32> to vector<16xf32>
      %get3A_321 = arith.index_cast %add3A_316 : i32 to index
      %get3A_322 = arith.constant 16 : index
      %get3A_323 = tpu.vector_load %arg15[%get3A_321, %get3A_322] {strides = array<i32>} : memref<80x128xf32, #tpu.memory_space<vmem>>, vector<1x16xf32>,
      %get3A_324 = vector.shape_cast %get3A_323 : vector<1x16xf32> to vector<16xf32>
      %add3A_325 = arith.addf %get3A_320, %get3A_324 : vector<16xf32>
      %max3A_326 = arith.constant 0.000000e+00 : f32
      %max3A_327 = vector.broadcast %max3A_326 : f32 to vector<16xf32>
      %max3A_328 = arith.maximumf %add3A_325, %max3A_327 : vector<16xf32>
      %swap3A_329 = arith.index_cast %add3A_316 : i32 to index
      %swap3A_330 = arith.constant 16 : index
      %swap3A_331 = tpu.vector_load %arg13[%swap3A_329, %swap3A_330] {strides = array<i32>} : memref<80x128xf32, #tpu.memory_space<vmem>>, vector<1x16xf32>,
      %swap3A_332 = vector.shape_cast %swap3A_331 : vector<1x16xf32> to vector<16xf32>
      %swap3A_333 = vector.shape_cast %max3A_328 : vector<16xf32> to vector<1x16xf32>
      tpu.vector_store %arg13[%swap3A_329, %swap3A_330], %swap3A_333 {strides = array<i32>} : memref<80x128xf32, #tpu.memory_space<vmem>>, vector<1x16xf32>,
      %mul3A_334 = arith.constant 2 : i32
      %mul3A_335 = arith.muli %scan3A_126, %mul3A_334 : i32
      %add3A_336 = arith.constant 1 : i32
      %add3A_337 = arith.addi %mul3A_335, %add3A_336 : i32
      %get3A_338 = arith.index_cast %add3A_337 : i32 to index
      %get3A_339 = arith.constant 32 : index
      %get3A_340 = tpu.vector_load %arg13[%get3A_338, %get3A_339] {strides = array<i32>} : memref<80x128xf32, #tpu.memory_space<vmem>>, vector<1x16xf32>,
      %get3A_341 = vector.shape_cast %get3A_340 : vector<1x16xf32> to vector<16xf32>
      %get3A_342 = arith.index_cast %add3A_337 : i32 to index
      %get3A_343 = arith.constant 32 : index
      %get3A_344 = tpu.vector_load %arg15[%get3A_342, %get3A_343] {strides = array<i32>} : memref<80x128xf32, #tpu.memory_space<vmem>>, vector<1x16xf32>,
      %get3A_345 = vector.shape_cast %get3A_344 : vector<1x16xf32> to vector<16xf32>
      %add3A_346 = arith.addf %get3A_341, %get3A_345 : vector<16xf32>
      %max3A_347 = arith.constant 0.000000e+00 : f32
      %max3A_348 = vector.broadcast %max3A_347 : f32 to vector<16xf32>
      %max3A_349 = arith.maximumf %add3A_346, %max3A_348 : vector<16xf32>
      %swap3A_350 = arith.index_cast %add3A_337 : i32 to index
      %swap3A_351 = arith.constant 32 : index
      %swap3A_352 = tpu.vector_load %arg13[%swap3A_350, %swap3A_351] {strides = array<i32>} : memref<80x128xf32, #tpu.memory_space<vmem>>, vector<1x16xf32>,
      %swap3A_353 = vector.shape_cast %swap3A_352 : vector<1x16xf32> to vector<16xf32>
      %swap3A_354 = vector.shape_cast %max3A_349 : vector<16xf32> to vector<1x16xf32>
      tpu.vector_store %arg13[%swap3A_350, %swap3A_351], %swap3A_354 {strides = array<i32>} : memref<80x128xf32, #tpu.memory_space<vmem>>, vector<1x16xf32>,
      %mul3A_355 = arith.constant 2 : i32
      %mul3A_356 = arith.muli %scan3A_126, %mul3A_355 : i32
      %add3A_357 = arith.constant 1 : i32
      %add3A_358 = arith.addi %mul3A_356, %add3A_357 : i32
      %get3A_359 = arith.index_cast %add3A_358 : i32 to index
      %get3A_360 = arith.constant 48 : index
      %get3A_361 = tpu.vector_load %arg13[%get3A_359, %get3A_360] {strides = array<i32>} : memref<80x128xf32, #tpu.memory_space<vmem>>, vector<1x16xf32>,
      %get3A_362 = vector.shape_cast %get3A_361 : vector<1x16xf32> to vector<16xf32>
      %get3A_363 = arith.index_cast %add3A_358 : i32 to index
      %get3A_364 = arith.constant 48 : index
      %get3A_365 = tpu.vector_load %arg15[%get3A_363, %get3A_364] {strides = array<i32>} : memref<80x128xf32, #tpu.memory_space<vmem>>, vector<1x16xf32>,
      %get3A_366 = vector.shape_cast %get3A_365 : vector<1x16xf32> to vector<16xf32>
      %add3A_367 = arith.addf %get3A_362, %get3A_366 : vector<16xf32>
      %max3A_368 = arith.constant 0.000000e+00 : f32
      %max3A_369 = vector.broadcast %max3A_368 : f32 to vector<16xf32>
      %max3A_370 = arith.maximumf %add3A_367, %max3A_369 : vector<16xf32>
      %swap3A_371 = arith.index_cast %add3A_358 : i32 to index
      %swap3A_372 = arith.constant 48 : index
      %swap3A_373 = tpu.vector_load %arg13[%swap3A_371, %swap3A_372] {strides = array<i32>} : memref<80x128xf32, #tpu.memory_space<vmem>>, vector<1x16xf32>,
      %swap3A_374 = vector.shape_cast %swap3A_373 : vector<1x16xf32> to vector<16xf32>
      %swap3A_375 = vector.shape_cast %max3A_370 : vector<16xf32> to vector<1x16xf32>
      tpu.vector_store %arg13[%swap3A_371, %swap3A_372], %swap3A_375 {strides = array<i32>} : memref<80x128xf32, #tpu.memory_space<vmem>>, vector<1x16xf32>,
      %mul3A_376 = arith.constant 2 : i32
      %mul3A_377 = arith.muli %scan3A_126, %mul3A_376 : i32
      %add3A_378 = arith.constant 1 : i32
      %add3A_379 = arith.addi %mul3A_377, %add3A_378 : i32
      %get3A_380 = arith.index_cast %add3A_379 : i32 to index
      %get3A_381 = arith.constant 64 : index
      %get3A_382 = tpu.vector_load %arg13[%get3A_380, %get3A_381] {strides = array<i32>} : memref<80x128xf32, #tpu.memory_space<vmem>>, vector<1x16xf32>,
      %get3A_383 = vector.shape_cast %get3A_382 : vector<1x16xf32> to vector<16xf32>
      %get3A_384 = arith.index_cast %add3A_379 : i32 to index
      %get3A_385 = arith.constant 64 : index
      %get3A_386 = tpu.vector_load %arg15[%get3A_384, %get3A_385] {strides = array<i32>} : memref<80x128xf32, #tpu.memory_space<vmem>>, vector<1x16xf32>,
      %get3A_387 = vector.shape_cast %get3A_386 : vector<1x16xf32> to vector<16xf32>
      %add3A_388 = arith.addf %get3A_383, %get3A_387 : vector<16xf32>
      %max3A_389 = arith.constant 0.000000e+00 : f32
      %max3A_390 = vector.broadcast %max3A_389 : f32 to vector<16xf32>
      %max3A_391 = arith.maximumf %add3A_388, %max3A_390 : vector<16xf32>
      %swap3A_392 = arith.index_cast %add3A_379 : i32 to index
      %swap3A_393 = arith.constant 64 : index
      %swap3A_394 = tpu.vector_load %arg13[%swap3A_392, %swap3A_393] {strides = array<i32>} : memref<80x128xf32, #tpu.memory_space<vmem>>, vector<1x16xf32>,
      %swap3A_395 = vector.shape_cast %swap3A_394 : vector<1x16xf32> to vector<16xf32>
      %swap3A_396 = vector.shape_cast %max3A_391 : vector<16xf32> to vector<1x16xf32>
      tpu.vector_store %arg13[%swap3A_392, %swap3A_393], %swap3A_396 {strides = array<i32>} : memref<80x128xf32, #tpu.memory_space<vmem>>, vector<1x16xf32>,
      %mul3A_397 = arith.constant 2 : i32
      %mul3A_398 = arith.muli %scan3A_126, %mul3A_397 : i32
      %add3A_399 = arith.constant 1 : i32
      %add3A_400 = arith.addi %mul3A_398, %add3A_399 : i32
      %get3A_401 = arith.index_cast %add3A_400 : i32 to index
      %get3A_402 = arith.constant 80 : index
      %get3A_403 = tpu.vector_load %arg13[%get3A_401, %get3A_402] {strides = array<i32>} : memref<80x128xf32, #tpu.memory_space<vmem>>, vector<1x16xf32>,
      %get3A_404 = vector.shape_cast %get3A_403 : vector<1x16xf32> to vector<16xf32>
      %get3A_405 = arith.index_cast %add3A_400 : i32 to index
      %get3A_406 = arith.constant 80 : index
      %get3A_407 = tpu.vector_load %arg15[%get3A_405, %get3A_406] {strides = array<i32>} : memref<80x128xf32, #tpu.memory_space<vmem>>, vector<1x16xf32>,
      %get3A_408 = vector.shape_cast %get3A_407 : vector<1x16xf32> to vector<16xf32>
      %add3A_409 = arith.addf %get3A_404, %get3A_408 : vector<16xf32>
      %max3A_410 = arith.constant 0.000000e+00 : f32
      %max3A_411 = vector.broadcast %max3A_410 : f32 to vector<16xf32>
      %max3A_412 = arith.maximumf %add3A_409, %max3A_411 : vector<16xf32>
      %swap3A_413 = arith.index_cast %add3A_400 : i32 to index
      %swap3A_414 = arith.constant 80 : index
      %swap3A_415 = tpu.vector_load %arg13[%swap3A_413, %swap3A_414] {strides = array<i32>} : memref<80x128xf32, #tpu.memory_space<vmem>>, vector<1x16xf32>,
      %swap3A_416 = vector.shape_cast %swap3A_415 : vector<1x16xf32> to vector<16xf32>
      %swap3A_417 = vector.shape_cast %max3A_412 : vector<16xf32> to vector<1x16xf32>
      tpu.vector_store %arg13[%swap3A_413, %swap3A_414], %swap3A_417 {strides = array<i32>} : memref<80x128xf32, #tpu.memory_space<vmem>>, vector<1x16xf32>,
      %mul3A_418 = arith.constant 2 : i32
      %mul3A_419 = arith.muli %scan3A_126, %mul3A_418 : i32
      %add3A_420 = arith.constant 1 : i32
      %add3A_421 = arith.addi %mul3A_419, %add3A_420 : i32
      %get3A_422 = arith.index_cast %add3A_421 : i32 to index
      %get3A_423 = arith.constant 96 : index
      %get3A_424 = tpu.vector_load %arg13[%get3A_422, %get3A_423] {strides = array<i32>} : memref<80x128xf32, #tpu.memory_space<vmem>>, vector<1x16xf32>,
      %get3A_425 = vector.shape_cast %get3A_424 : vector<1x16xf32> to vector<16xf32>
      %get3A_426 = arith.index_cast %add3A_421 : i32 to index
      %get3A_427 = arith.constant 96 : index
      %get3A_428 = tpu.vector_load %arg15[%get3A_426, %get3A_427] {strides = array<i32>} : memref<80x128xf32, #tpu.memory_space<vmem>>, vector<1x16xf32>,
      %get3A_429 = vector.shape_cast %get3A_428 : vector<1x16xf32> to vector<16xf32>
      %add3A_430 = arith.addf %get3A_425, %get3A_429 : vector<16xf32>
      %max3A_431 = arith.constant 0.000000e+00 : f32
      %max3A_432 = vector.broadcast %max3A_431 : f32 to vector<16xf32>
      %max3A_433 = arith.maximumf %add3A_430, %max3A_432 : vector<16xf32>
      %swap3A_434 = arith.index_cast %add3A_421 : i32 to index
      %swap3A_435 = arith.constant 96 : index
      %swap3A_436 = tpu.vector_load %arg13[%swap3A_434, %swap3A_435] {strides = array<i32>} : memref<80x128xf32, #tpu.memory_space<vmem>>, vector<1x16xf32>,
      %swap3A_437 = vector.shape_cast %swap3A_436 : vector<1x16xf32> to vector<16xf32>
      %swap3A_438 = vector.shape_cast %max3A_433 : vector<16xf32> to vector<1x16xf32>
      tpu.vector_store %arg13[%swap3A_434, %swap3A_435], %swap3A_438 {strides = array<i32>} : memref<80x128xf32, #tpu.memory_space<vmem>>, vector<1x16xf32>,
      %mul3A_439 = arith.constant 2 : i32
      %mul3A_440 = arith.muli %scan3A_126, %mul3A_439 : i32
      %add3A_441 = arith.constant 1 : i32
      %add3A_442 = arith.addi %mul3A_440, %add3A_441 : i32
      %get3A_443 = arith.index_cast %add3A_442 : i32 to index
      %get3A_444 = arith.constant 112 : index
      %get3A_445 = tpu.vector_load %arg13[%get3A_443, %get3A_444] {strides = array<i32>} : memref<80x128xf32, #tpu.memory_space<vmem>>, vector<1x16xf32>,
      %get3A_446 = vector.shape_cast %get3A_445 : vector<1x16xf32> to vector<16xf32>
      %get3A_447 = arith.index_cast %add3A_442 : i32 to index
      %get3A_448 = arith.constant 112 : index
      %get3A_449 = tpu.vector_load %arg15[%get3A_447, %get3A_448] {strides = array<i32>} : memref<80x128xf32, #tpu.memory_space<vmem>>, vector<1x16xf32>,
      %get3A_450 = vector.shape_cast %get3A_449 : vector<1x16xf32> to vector<16xf32>
      %add3A_451 = arith.addf %get3A_446, %get3A_450 : vector<16xf32>
      %max3A_452 = arith.constant 0.000000e+00 : f32
      %max3A_453 = vector.broadcast %max3A_452 : f32 to vector<16xf32>
      %max3A_454 = arith.maximumf %add3A_451, %max3A_453 : vector<16xf32>
      %swap3A_455 = arith.index_cast %add3A_442 : i32 to index
      %swap3A_456 = arith.constant 112 : index
      %swap3A_457 = tpu.vector_load %arg13[%swap3A_455, %swap3A_456] {strides = array<i32>} : memref<80x128xf32, #tpu.memory_space<vmem>>, vector<1x16xf32>,
      %swap3A_458 = vector.shape_cast %swap3A_457 : vector<1x16xf32> to vector<16xf32>
      %swap3A_459 = vector.shape_cast %max3A_454 : vector<16xf32> to vector<1x16xf32>
      tpu.vector_store %arg13[%swap3A_455, %swap3A_456], %swap3A_459 {strides = array<i32>} : memref<80x128xf32, #tpu.memory_space<vmem>>, vector<1x16xf32>,
    }
    %scan3A_58 = arith.constant 40 : i32
    "tpu.region"() ({
      %run_scoped3A = tpu.sem_alloc : memref<!tpu.dma_semaphore, #tpu.memory_space<semaphore_mem>>
      %dma_start3A_126 = arith.constant 0 : i32
      %dma_start3A_127 = arith.constant 0 : i32
      %dma_start3A_128 = tpu.memref_slice %arg8[%dma_start3A_126, %dma_start3A_127] : memref<10000x128xf32, #tpu.memory_space<vmem_shared>> -> memref<10000x128xf32, #tpu.memory_space<vmem_shared>>
      tpu.enqueue_indirect_dma source(%arg13 : memref<80x128xf32, #tpu.memory_space<vmem>>) target(%dma_start3A_128 : memref<10000x128xf32, #tpu.memory_space<vmem_shared>>) offsets(%arg11 : memref<80xi32, #tpu.memory_space<vmem>>) semaphore(%run_scoped3A : memref<!tpu.dma_semaphore, #tpu.memory_space<semaphore_mem>>) {add = true}
      %dma_wait3A_129 = arith.constant 0 : i32
      %dma_wait3A_130 = arith.constant 0 : i32
      %dma_wait3A_131 = tpu.memref_slice %arg8[%dma_wait3A_129, %dma_wait3A_130] : memref<10000x128xf32, #tpu.memory_space<vmem_shared>> -> memref<10000x128xf32, #tpu.memory_space<vmem_shared>>
      tpu.wait_indirect_dma semaphore(%run_scoped3A : memref<!tpu.dma_semaphore, #tpu.memory_space<semaphore_mem>>) src(%arg13 : memref<80x128xf32, #tpu.memory_space<vmem>>) dst(%dma_wait3A_131 : memref<10000x128xf32, #tpu.memory_space<vmem_shared>>)
      tpu.yield
    }) : () -> ()
    %add3A_59 = arith.constant 160 : i32
    %add3A_60 = arith.addi %mul3A_6, %add3A_59 : i32
    %dma_start3A_61 = tpu.memref_slice %arg4[%add3A_60] : memref<320000xi32, #tpu.memory_space<hbm>> -> memref<80xi32, #tpu.memory_space<hbm>>
    %dma_start3A_62 = tpu.memref_slice %arg4[%add3A_60] : memref<320000xi32, #tpu.memory_space<hbm>> -> memref<80xi32, #tpu.memory_space<hbm>>
    tpu.enqueue_dma source(%dma_start3A_62 : memref<80xi32, #tpu.memory_space<hbm>>) target(%arg9 : memref<80xi32, #tpu.memory_space<vmem>>) target_semaphore(%arg17 : memref<!tpu.dma_semaphore, #tpu.memory_space<semaphore_mem>>)
    %add3A_63 = arith.constant 160 : i32
    %add3A_64 = arith.addi %mul3A_6, %add3A_63 : i32
    %dma_start3A_65 = tpu.memref_slice %arg5[%add3A_64] : memref<320000xi32, #tpu.memory_space<hbm>> -> memref<80xi32, #tpu.memory_space<hbm>>
    %dma_start3A_66 = tpu.memref_slice %arg5[%add3A_64] : memref<320000xi32, #tpu.memory_space<hbm>> -> memref<80xi32, #tpu.memory_space<hbm>>
    tpu.enqueue_dma source(%dma_start3A_66 : memref<80xi32, #tpu.memory_space<hbm>>) target(%arg11 : memref<80xi32, #tpu.memory_space<vmem>>) target_semaphore(%arg17 : memref<!tpu.dma_semaphore, #tpu.memory_space<semaphore_mem>>)
    %dma_wait3A_67 = tpu.memref_slice %arg4[%mul3A_6] : memref<320000xi32, #tpu.memory_space<hbm>> -> memref<80xi32, #tpu.memory_space<hbm>>
    %dma_wait3A_68 = tpu.memref_slice %arg4[%mul3A_6] : memref<320000xi32, #tpu.memory_space<hbm>> -> memref<80xi32, #tpu.memory_space<hbm>>
    tpu.wait_dma2 semaphore(%arg17 : memref<!tpu.dma_semaphore, #tpu.memory_space<semaphore_mem>>) src(%dma_wait3A_68 : memref<80xi32, #tpu.memory_space<hbm>>) dst(%arg9 : memref<80xi32, #tpu.memory_space<vmem>>)
    %dma_wait3A_69 = tpu.memref_slice %arg5[%mul3A_6] : memref<320000xi32, #tpu.memory_space<hbm>> -> memref<80xi32, #tpu.memory_space<hbm>>
    %dma_wait3A_70 = tpu.memref_slice %arg5[%mul3A_6] : memref<320000xi32, #tpu.memory_space<hbm>> -> memref<80xi32, #tpu.memory_space<hbm>>
    tpu.wait_dma2 semaphore(%arg17 : memref<!tpu.dma_semaphore, #tpu.memory_space<semaphore_mem>>) src(%dma_wait3A_70 : memref<80xi32, #tpu.memory_space<hbm>>) dst(%arg11 : memref<80xi32, #tpu.memory_space<vmem>>)
    %dma_start3A_71 = arith.constant 0 : i32
    %dma_start3A_72 = arith.constant 0 : i32
    %dma_start3A_73 = tpu.memref_slice %arg2[%dma_start3A_71, %dma_start3A_72] : memref<10000x128xf32, #tpu.memory_space<hbm>> -> memref<10000x128xf32, #tpu.memory_space<hbm>>
    tpu.enqueue_indirect_dma source(%dma_start3A_73 : memref<10000x128xf32, #tpu.memory_space<hbm>>) target(%arg13 : memref<80x128xf32, #tpu.memory_space<vmem>>) offsets(%arg9 : memref<80xi32, #tpu.memory_space<vmem>>) semaphore(%arg19 : memref<!tpu.dma_semaphore, #tpu.memory_space<semaphore_mem>>)
    %add3A_74 = arith.constant 160 : i32
    %add3A_75 = arith.addi %mul3A_6, %add3A_74 : i32
    %dma_start3A_76 = arith.constant 0 : i32
    %dma_start3A_77 = tpu.memref_slice %arg3[%add3A_75, %dma_start3A_76] : memref<320000x128xf32, #tpu.memory_space<hbm>> -> memref<80x128xf32, #tpu.memory_space<hbm>>
    %dma_start3A_78 = arith.constant 0 : i32
    %dma_start3A_79 = tpu.memref_slice %arg3[%add3A_75, %dma_start3A_78] : memref<320000x128xf32, #tpu.memory_space<hbm>> -> memref<80x128xf32, #tpu.memory_space<hbm>>
    tpu.enqueue_dma source(%dma_start3A_79 : memref<80x128xf32, #tpu.memory_space<hbm>>) target(%arg15 : memref<80x128xf32, #tpu.memory_space<vmem>>) target_semaphore(%arg21 : memref<!tpu.dma_semaphore, #tpu.memory_space<semaphore_mem>>)
    %dma_wait3A_80 = arith.constant 0 : i32
    %dma_wait3A_81 = arith.constant 0 : i32
    %dma_wait3A_82 = tpu.memref_slice %arg2[%dma_wait3A_80, %dma_wait3A_81] : memref<10000x128xf32, #tpu.memory_space<hbm>> -> memref<10000x128xf32, #tpu.memory_space<hbm>>
    tpu.wait_indirect_dma semaphore(%arg20 : memref<!tpu.dma_semaphore, #tpu.memory_space<semaphore_mem>>) src(%dma_wait3A_82 : memref<10000x128xf32, #tpu.memory_space<hbm>>) dst(%arg14 : memref<80x128xf32, #tpu.memory_space<vmem>>)
    %dma_wait3A_83 = arith.constant 0 : i32
    %dma_wait3A_84 = tpu.memref_slice %arg3[%mul3A_6, %dma_wait3A_83] : memref<320000x128xf32, #tpu.memory_space<hbm>> -> memref<80x128xf32, #tpu.memory_space<hbm>>
    %dma_wait3A_85 = arith.constant 0 : i32
    %dma_wait3A_86 = tpu.memref_slice %arg3[%mul3A_6, %dma_wait3A_85] : memref<320000x128xf32, #tpu.memory_space<hbm>> -> memref<80x128xf32, #tpu.memory_space<hbm>>
    tpu.wait_dma2 semaphore(%arg22 : memref<!tpu.dma_semaphore, #tpu.memory_space<semaphore_mem>>) src(%dma_wait3A_86 : memref<80x128xf32, #tpu.memory_space<hbm>>) dst(%arg16 : memref<80x128xf32, #tpu.memory_space<vmem>>)
    %scan3A_87 = arith.constant 0 : i32
    %scan3A_88 = arith.constant 0 : i32
    %scan3A_89 = arith.constant 40 : i32
    %scan3A_90 = arith.addi %scan3A_88, %scan3A_89 : i32
    %scan3A_91 = arith.constant 1 : i32
    scf.for %scan3A_126 = %scan3A_88 to %scan3A_90 step %scan3A_91  : i32 {
      %mul3A_127 = arith.constant 2 : i32
      %mul3A_128 = arith.muli %scan3A_126, %mul3A_127 : i32
      %add3A_129 = arith.constant 0 : i32
      %add3A_130 = arith.addi %mul3A_128, %add3A_129 : i32
      %get3A = arith.index_cast %add3A_130 : i32 to index
      %get3A_131 = arith.constant 0 : index
      %get3A_132 = tpu.vector_load %arg14[%get3A, %get3A_131] {strides = array<i32>} : memref<80x128xf32, #tpu.memory_space<vmem>>, vector<1x16xf32>,
      %get3A_133 = vector.shape_cast %get3A_132 : vector<1x16xf32> to vector<16xf32>
      %get3A_134 = arith.index_cast %add3A_130 : i32 to index
      %get3A_135 = arith.constant 0 : index
      %get3A_136 = tpu.vector_load %arg16[%get3A_134, %get3A_135] {strides = array<i32>} : memref<80x128xf32, #tpu.memory_space<vmem>>, vector<1x16xf32>,
      %get3A_137 = vector.shape_cast %get3A_136 : vector<1x16xf32> to vector<16xf32>
      %add3A_138 = arith.addf %get3A_133, %get3A_137 : vector<16xf32>
      %max3A = arith.constant 0.000000e+00 : f32
      %max3A_139 = vector.broadcast %max3A : f32 to vector<16xf32>
      %max3A_140 = arith.maximumf %add3A_138, %max3A_139 : vector<16xf32>
      %swap3A = arith.index_cast %add3A_130 : i32 to index
      %swap3A_141 = arith.constant 0 : index
      %swap3A_142 = tpu.vector_load %arg14[%swap3A, %swap3A_141] {strides = array<i32>} : memref<80x128xf32, #tpu.memory_space<vmem>>, vector<1x16xf32>,
      %swap3A_143 = vector.shape_cast %swap3A_142 : vector<1x16xf32> to vector<16xf32>
      %swap3A_144 = vector.shape_cast %max3A_140 : vector<16xf32> to vector<1x16xf32>
      tpu.vector_store %arg14[%swap3A, %swap3A_141], %swap3A_144 {strides = array<i32>} : memref<80x128xf32, #tpu.memory_space<vmem>>, vector<1x16xf32>,
      %mul3A_145 = arith.constant 2 : i32
      %mul3A_146 = arith.muli %scan3A_126, %mul3A_145 : i32
      %add3A_147 = arith.constant 0 : i32
      %add3A_148 = arith.addi %mul3A_146, %add3A_147 : i32
      %get3A_149 = arith.index_cast %add3A_148 : i32 to index
      %get3A_150 = arith.constant 16 : index
      %get3A_151 = tpu.vector_load %arg14[%get3A_149, %get3A_150] {strides = array<i32>} : memref<80x128xf32, #tpu.memory_space<vmem>>, vector<1x16xf32>,
      %get3A_152 = vector.shape_cast %get3A_151 : vector<1x16xf32> to vector<16xf32>
      %get3A_153 = arith.index_cast %add3A_148 : i32 to index
      %get3A_154 = arith.constant 16 : index
      %get3A_155 = tpu.vector_load %arg16[%get3A_153, %get3A_154] {strides = array<i32>} : memref<80x128xf32, #tpu.memory_space<vmem>>, vector<1x16xf32>,
      %get3A_156 = vector.shape_cast %get3A_155 : vector<1x16xf32> to vector<16xf32>
      %add3A_157 = arith.addf %get3A_152, %get3A_156 : vector<16xf32>
      %max3A_158 = arith.constant 0.000000e+00 : f32
      %max3A_159 = vector.broadcast %max3A_158 : f32 to vector<16xf32>
      %max3A_160 = arith.maximumf %add3A_157, %max3A_159 : vector<16xf32>
      %swap3A_161 = arith.index_cast %add3A_148 : i32 to index
      %swap3A_162 = arith.constant 16 : index
      %swap3A_163 = tpu.vector_load %arg14[%swap3A_161, %swap3A_162] {strides = array<i32>} : memref<80x128xf32, #tpu.memory_space<vmem>>, vector<1x16xf32>,
      %swap3A_164 = vector.shape_cast %swap3A_163 : vector<1x16xf32> to vector<16xf32>
      %swap3A_165 = vector.shape_cast %max3A_160 : vector<16xf32> to vector<1x16xf32>
      tpu.vector_store %arg14[%swap3A_161, %swap3A_162], %swap3A_165 {strides = array<i32>} : memref<80x128xf32, #tpu.memory_space<vmem>>, vector<1x16xf32>,
      %mul3A_166 = arith.constant 2 : i32
      %mul3A_167 = arith.muli %scan3A_126, %mul3A_166 : i32
      %add3A_168 = arith.constant 0 : i32
      %add3A_169 = arith.addi %mul3A_167, %add3A_168 : i32
      %get3A_170 = arith.index_cast %add3A_169 : i32 to index
      %get3A_171 = arith.constant 32 : index
      %get3A_172 = tpu.vector_load %arg14[%get3A_170, %get3A_171] {strides = array<i32>} : memref<80x128xf32, #tpu.memory_space<vmem>>, vector<1x16xf32>,
      %get3A_173 = vector.shape_cast %get3A_172 : vector<1x16xf32> to vector<16xf32>
      %get3A_174 = arith.index_cast %add3A_169 : i32 to index
      %get3A_175 = arith.constant 32 : index
      %get3A_176 = tpu.vector_load %arg16[%get3A_174, %get3A_175] {strides = array<i32>} : memref<80x128xf32, #tpu.memory_space<vmem>>, vector<1x16xf32>,
      %get3A_177 = vector.shape_cast %get3A_176 : vector<1x16xf32> to vector<16xf32>
      %add3A_178 = arith.addf %get3A_173, %get3A_177 : vector<16xf32>
      %max3A_179 = arith.constant 0.000000e+00 : f32
      %max3A_180 = vector.broadcast %max3A_179 : f32 to vector<16xf32>
      %max3A_181 = arith.maximumf %add3A_178, %max3A_180 : vector<16xf32>
      %swap3A_182 = arith.index_cast %add3A_169 : i32 to index
      %swap3A_183 = arith.constant 32 : index
      %swap3A_184 = tpu.vector_load %arg14[%swap3A_182, %swap3A_183] {strides = array<i32>} : memref<80x128xf32, #tpu.memory_space<vmem>>, vector<1x16xf32>,
      %swap3A_185 = vector.shape_cast %swap3A_184 : vector<1x16xf32> to vector<16xf32>
      %swap3A_186 = vector.shape_cast %max3A_181 : vector<16xf32> to vector<1x16xf32>
      tpu.vector_store %arg14[%swap3A_182, %swap3A_183], %swap3A_186 {strides = array<i32>} : memref<80x128xf32, #tpu.memory_space<vmem>>, vector<1x16xf32>,
      %mul3A_187 = arith.constant 2 : i32
      %mul3A_188 = arith.muli %scan3A_126, %mul3A_187 : i32
      %add3A_189 = arith.constant 0 : i32
      %add3A_190 = arith.addi %mul3A_188, %add3A_189 : i32
      %get3A_191 = arith.index_cast %add3A_190 : i32 to index
      %get3A_192 = arith.constant 48 : index
      %get3A_193 = tpu.vector_load %arg14[%get3A_191, %get3A_192] {strides = array<i32>} : memref<80x128xf32, #tpu.memory_space<vmem>>, vector<1x16xf32>,
      %get3A_194 = vector.shape_cast %get3A_193 : vector<1x16xf32> to vector<16xf32>
      %get3A_195 = arith.index_cast %add3A_190 : i32 to index
      %get3A_196 = arith.constant 48 : index
      %get3A_197 = tpu.vector_load %arg16[%get3A_195, %get3A_196] {strides = array<i32>} : memref<80x128xf32, #tpu.memory_space<vmem>>, vector<1x16xf32>,
      %get3A_198 = vector.shape_cast %get3A_197 : vector<1x16xf32> to vector<16xf32>
      %add3A_199 = arith.addf %get3A_194, %get3A_198 : vector<16xf32>
      %max3A_200 = arith.constant 0.000000e+00 : f32
      %max3A_201 = vector.broadcast %max3A_200 : f32 to vector<16xf32>
      %max3A_202 = arith.maximumf %add3A_199, %max3A_201 : vector<16xf32>
      %swap3A_203 = arith.index_cast %add3A_190 : i32 to index
      %swap3A_204 = arith.constant 48 : index
      %swap3A_205 = tpu.vector_load %arg14[%swap3A_203, %swap3A_204] {strides = array<i32>} : memref<80x128xf32, #tpu.memory_space<vmem>>, vector<1x16xf32>,
      %swap3A_206 = vector.shape_cast %swap3A_205 : vector<1x16xf32> to vector<16xf32>
      %swap3A_207 = vector.shape_cast %max3A_202 : vector<16xf32> to vector<1x16xf32>
      tpu.vector_store %arg14[%swap3A_203, %swap3A_204], %swap3A_207 {strides = array<i32>} : memref<80x128xf32, #tpu.memory_space<vmem>>, vector<1x16xf32>,
      %mul3A_208 = arith.constant 2 : i32
      %mul3A_209 = arith.muli %scan3A_126, %mul3A_208 : i32
      %add3A_210 = arith.constant 0 : i32
      %add3A_211 = arith.addi %mul3A_209, %add3A_210 : i32
      %get3A_212 = arith.index_cast %add3A_211 : i32 to index
      %get3A_213 = arith.constant 64 : index
      %get3A_214 = tpu.vector_load %arg14[%get3A_212, %get3A_213] {strides = array<i32>} : memref<80x128xf32, #tpu.memory_space<vmem>>, vector<1x16xf32>,
      %get3A_215 = vector.shape_cast %get3A_214 : vector<1x16xf32> to vector<16xf32>
      %get3A_216 = arith.index_cast %add3A_211 : i32 to index
      %get3A_217 = arith.constant 64 : index
      %get3A_218 = tpu.vector_load %arg16[%get3A_216, %get3A_217] {strides = array<i32>} : memref<80x128xf32, #tpu.memory_space<vmem>>, vector<1x16xf32>,
      %get3A_219 = vector.shape_cast %get3A_218 : vector<1x16xf32> to vector<16xf32>
      %add3A_220 = arith.addf %get3A_215, %get3A_219 : vector<16xf32>
      %max3A_221 = arith.constant 0.000000e+00 : f32
      %max3A_222 = vector.broadcast %max3A_221 : f32 to vector<16xf32>
      %max3A_223 = arith.maximumf %add3A_220, %max3A_222 : vector<16xf32>
      %swap3A_224 = arith.index_cast %add3A_211 : i32 to index
      %swap3A_225 = arith.constant 64 : index
      %swap3A_226 = tpu.vector_load %arg14[%swap3A_224, %swap3A_225] {strides = array<i32>} : memref<80x128xf32, #tpu.memory_space<vmem>>, vector<1x16xf32>,
      %swap3A_227 = vector.shape_cast %swap3A_226 : vector<1x16xf32> to vector<16xf32>
      %swap3A_228 = vector.shape_cast %max3A_223 : vector<16xf32> to vector<1x16xf32>
      tpu.vector_store %arg14[%swap3A_224, %swap3A_225], %swap3A_228 {strides = array<i32>} : memref<80x128xf32, #tpu.memory_space<vmem>>, vector<1x16xf32>,
      %mul3A_229 = arith.constant 2 : i32
      %mul3A_230 = arith.muli %scan3A_126, %mul3A_229 : i32
      %add3A_231 = arith.constant 0 : i32
      %add3A_232 = arith.addi %mul3A_230, %add3A_231 : i32
      %get3A_233 = arith.index_cast %add3A_232 : i32 to index
      %get3A_234 = arith.constant 80 : index
      %get3A_235 = tpu.vector_load %arg14[%get3A_233, %get3A_234] {strides = array<i32>} : memref<80x128xf32, #tpu.memory_space<vmem>>, vector<1x16xf32>,
      %get3A_236 = vector.shape_cast %get3A_235 : vector<1x16xf32> to vector<16xf32>
      %get3A_237 = arith.index_cast %add3A_232 : i32 to index
      %get3A_238 = arith.constant 80 : index
      %get3A_239 = tpu.vector_load %arg16[%get3A_237, %get3A_238] {strides = array<i32>} : memref<80x128xf32, #tpu.memory_space<vmem>>, vector<1x16xf32>,
      %get3A_240 = vector.shape_cast %get3A_239 : vector<1x16xf32> to vector<16xf32>
      %add3A_241 = arith.addf %get3A_236, %get3A_240 : vector<16xf32>
      %max3A_242 = arith.constant 0.000000e+00 : f32
      %max3A_243 = vector.broadcast %max3A_242 : f32 to vector<16xf32>
      %max3A_244 = arith.maximumf %add3A_241, %max3A_243 : vector<16xf32>
      %swap3A_245 = arith.index_cast %add3A_232 : i32 to index
      %swap3A_246 = arith.constant 80 : index
      %swap3A_247 = tpu.vector_load %arg14[%swap3A_245, %swap3A_246] {strides = array<i32>} : memref<80x128xf32, #tpu.memory_space<vmem>>, vector<1x16xf32>,
      %swap3A_248 = vector.shape_cast %swap3A_247 : vector<1x16xf32> to vector<16xf32>
      %swap3A_249 = vector.shape_cast %max3A_244 : vector<16xf32> to vector<1x16xf32>
      tpu.vector_store %arg14[%swap3A_245, %swap3A_246], %swap3A_249 {strides = array<i32>} : memref<80x128xf32, #tpu.memory_space<vmem>>, vector<1x16xf32>,
      %mul3A_250 = arith.constant 2 : i32
      %mul3A_251 = arith.muli %scan3A_126, %mul3A_250 : i32
      %add3A_252 = arith.constant 0 : i32
      %add3A_253 = arith.addi %mul3A_251, %add3A_252 : i32
      %get3A_254 = arith.index_cast %add3A_253 : i32 to index
      %get3A_255 = arith.constant 96 : index
      %get3A_256 = tpu.vector_load %arg14[%get3A_254, %get3A_255] {strides = array<i32>} : memref<80x128xf32, #tpu.memory_space<vmem>>, vector<1x16xf32>,
      %get3A_257 = vector.shape_cast %get3A_256 : vector<1x16xf32> to vector<16xf32>
      %get3A_258 = arith.index_cast %add3A_253 : i32 to index
      %get3A_259 = arith.constant 96 : index
      %get3A_260 = tpu.vector_load %arg16[%get3A_258, %get3A_259] {strides = array<i32>} : memref<80x128xf32, #tpu.memory_space<vmem>>, vector<1x16xf32>,
      %get3A_261 = vector.shape_cast %get3A_260 : vector<1x16xf32> to vector<16xf32>
      %add3A_262 = arith.addf %get3A_257, %get3A_261 : vector<16xf32>
      %max3A_263 = arith.constant 0.000000e+00 : f32
      %max3A_264 = vector.broadcast %max3A_263 : f32 to vector<16xf32>
      %max3A_265 = arith.maximumf %add3A_262, %max3A_264 : vector<16xf32>
      %swap3A_266 = arith.index_cast %add3A_253 : i32 to index
      %swap3A_267 = arith.constant 96 : index
      %swap3A_268 = tpu.vector_load %arg14[%swap3A_266, %swap3A_267] {strides = array<i32>} : memref<80x128xf32, #tpu.memory_space<vmem>>, vector<1x16xf32>,
      %swap3A_269 = vector.shape_cast %swap3A_268 : vector<1x16xf32> to vector<16xf32>
      %swap3A_270 = vector.shape_cast %max3A_265 : vector<16xf32> to vector<1x16xf32>
      tpu.vector_store %arg14[%swap3A_266, %swap3A_267], %swap3A_270 {strides = array<i32>} : memref<80x128xf32, #tpu.memory_space<vmem>>, vector<1x16xf32>,
      %mul3A_271 = arith.constant 2 : i32
      %mul3A_272 = arith.muli %scan3A_126, %mul3A_271 : i32
      %add3A_273 = arith.constant 0 : i32
      %add3A_274 = arith.addi %mul3A_272, %add3A_273 : i32
      %get3A_275 = arith.index_cast %add3A_274 : i32 to index
      %get3A_276 = arith.constant 112 : index
      %get3A_277 = tpu.vector_load %arg14[%get3A_275, %get3A_276] {strides = array<i32>} : memref<80x128xf32, #tpu.memory_space<vmem>>, vector<1x16xf32>,
      %get3A_278 = vector.shape_cast %get3A_277 : vector<1x16xf32> to vector<16xf32>
      %get3A_279 = arith.index_cast %add3A_274 : i32 to index
      %get3A_280 = arith.constant 112 : index
      %get3A_281 = tpu.vector_load %arg16[%get3A_279, %get3A_280] {strides = array<i32>} : memref<80x128xf32, #tpu.memory_space<vmem>>, vector<1x16xf32>,
      %get3A_282 = vector.shape_cast %get3A_281 : vector<1x16xf32> to vector<16xf32>
      %add3A_283 = arith.addf %get3A_278, %get3A_282 : vector<16xf32>
      %max3A_284 = arith.constant 0.000000e+00 : f32
      %max3A_285 = vector.broadcast %max3A_284 : f32 to vector<16xf32>
      %max3A_286 = arith.maximumf %add3A_283, %max3A_285 : vector<16xf32>
      %swap3A_287 = arith.index_cast %add3A_274 : i32 to index
      %swap3A_288 = arith.constant 112 : index
      %swap3A_289 = tpu.vector_load %arg14[%swap3A_287, %swap3A_288] {strides = array<i32>} : memref<80x128xf32, #tpu.memory_space<vmem>>, vector<1x16xf32>,
      %swap3A_290 = vector.shape_cast %swap3A_289 : vector<1x16xf32> to vector<16xf32>
      %swap3A_291 = vector.shape_cast %max3A_286 : vector<16xf32> to vector<1x16xf32>
      tpu.vector_store %arg14[%swap3A_287, %swap3A_288], %swap3A_291 {strides = array<i32>} : memref<80x128xf32, #tpu.memory_space<vmem>>, vector<1x16xf32>,
      %mul3A_292 = arith.constant 2 : i32
      %mul3A_293 = arith.muli %scan3A_126, %mul3A_292 : i32
      %add3A_294 = arith.constant 1 : i32
      %add3A_295 = arith.addi %mul3A_293, %add3A_294 : i32
      %get3A_296 = arith.index_cast %add3A_295 : i32 to index
      %get3A_297 = arith.constant 0 : index
      %get3A_298 = tpu.vector_load %arg14[%get3A_296, %get3A_297] {strides = array<i32>} : memref<80x128xf32, #tpu.memory_space<vmem>>, vector<1x16xf32>,
      %get3A_299 = vector.shape_cast %get3A_298 : vector<1x16xf32> to vector<16xf32>
      %get3A_300 = arith.index_cast %add3A_295 : i32 to index
      %get3A_301 = arith.constant 0 : index
      %get3A_302 = tpu.vector_load %arg16[%get3A_300, %get3A_301] {strides = array<i32>} : memref<80x128xf32, #tpu.memory_space<vmem>>, vector<1x16xf32>,
      %get3A_303 = vector.shape_cast %get3A_302 : vector<1x16xf32> to vector<16xf32>
      %add3A_304 = arith.addf %get3A_299, %get3A_303 : vector<16xf32>
      %max3A_305 = arith.constant 0.000000e+00 : f32
      %max3A_306 = vector.broadcast %max3A_305 : f32 to vector<16xf32>
      %max3A_307 = arith.maximumf %add3A_304, %max3A_306 : vector<16xf32>
      %swap3A_308 = arith.index_cast %add3A_295 : i32 to index
      %swap3A_309 = arith.constant 0 : index
      %swap3A_310 = tpu.vector_load %arg14[%swap3A_308, %swap3A_309] {strides = array<i32>} : memref<80x128xf32, #tpu.memory_space<vmem>>, vector<1x16xf32>,
      %swap3A_311 = vector.shape_cast %swap3A_310 : vector<1x16xf32> to vector<16xf32>
      %swap3A_312 = vector.shape_cast %max3A_307 : vector<16xf32> to vector<1x16xf32>
      tpu.vector_store %arg14[%swap3A_308, %swap3A_309], %swap3A_312 {strides = array<i32>} : memref<80x128xf32, #tpu.memory_space<vmem>>, vector<1x16xf32>,
      %mul3A_313 = arith.constant 2 : i32
      %mul3A_314 = arith.muli %scan3A_126, %mul3A_313 : i32
      %add3A_315 = arith.constant 1 : i32
      %add3A_316 = arith.addi %mul3A_314, %add3A_315 : i32
      %get3A_317 = arith.index_cast %add3A_316 : i32 to index
      %get3A_318 = arith.constant 16 : index
      %get3A_319 = tpu.vector_load %arg14[%get3A_317, %get3A_318] {strides = array<i32>} : memref<80x128xf32, #tpu.memory_space<vmem>>, vector<1x16xf32>,
      %get3A_320 = vector.shape_cast %get3A_319 : vector<1x16xf32> to vector<16xf32>
      %get3A_321 = arith.index_cast %add3A_316 : i32 to index
      %get3A_322 = arith.constant 16 : index
      %get3A_323 = tpu.vector_load %arg16[%get3A_321, %get3A_322] {strides = array<i32>} : memref<80x128xf32, #tpu.memory_space<vmem>>, vector<1x16xf32>,
      %get3A_324 = vector.shape_cast %get3A_323 : vector<1x16xf32> to vector<16xf32>
      %add3A_325 = arith.addf %get3A_320, %get3A_324 : vector<16xf32>
      %max3A_326 = arith.constant 0.000000e+00 : f32
      %max3A_327 = vector.broadcast %max3A_326 : f32 to vector<16xf32>
      %max3A_328 = arith.maximumf %add3A_325, %max3A_327 : vector<16xf32>
      %swap3A_329 = arith.index_cast %add3A_316 : i32 to index
      %swap3A_330 = arith.constant 16 : index
      %swap3A_331 = tpu.vector_load %arg14[%swap3A_329, %swap3A_330] {strides = array<i32>} : memref<80x128xf32, #tpu.memory_space<vmem>>, vector<1x16xf32>,
      %swap3A_332 = vector.shape_cast %swap3A_331 : vector<1x16xf32> to vector<16xf32>
      %swap3A_333 = vector.shape_cast %max3A_328 : vector<16xf32> to vector<1x16xf32>
      tpu.vector_store %arg14[%swap3A_329, %swap3A_330], %swap3A_333 {strides = array<i32>} : memref<80x128xf32, #tpu.memory_space<vmem>>, vector<1x16xf32>,
      %mul3A_334 = arith.constant 2 : i32
      %mul3A_335 = arith.muli %scan3A_126, %mul3A_334 : i32
      %add3A_336 = arith.constant 1 : i32
      %add3A_337 = arith.addi %mul3A_335, %add3A_336 : i32
      %get3A_338 = arith.index_cast %add3A_337 : i32 to index
      %get3A_339 = arith.constant 32 : index
      %get3A_340 = tpu.vector_load %arg14[%get3A_338, %get3A_339] {strides = array<i32>} : memref<80x128xf32, #tpu.memory_space<vmem>>, vector<1x16xf32>,
      %get3A_341 = vector.shape_cast %get3A_340 : vector<1x16xf32> to vector<16xf32>
      %get3A_342 = arith.index_cast %add3A_337 : i32 to index
      %get3A_343 = arith.constant 32 : index
      %get3A_344 = tpu.vector_load %arg16[%get3A_342, %get3A_343] {strides = array<i32>} : memref<80x128xf32, #tpu.memory_space<vmem>>, vector<1x16xf32>,
      %get3A_345 = vector.shape_cast %get3A_344 : vector<1x16xf32> to vector<16xf32>
      %add3A_346 = arith.addf %get3A_341, %get3A_345 : vector<16xf32>
      %max3A_347 = arith.constant 0.000000e+00 : f32
      %max3A_348 = vector.broadcast %max3A_347 : f32 to vector<16xf32>
      %max3A_349 = arith.maximumf %add3A_346, %max3A_348 : vector<16xf32>
      %swap3A_350 = arith.index_cast %add3A_337 : i32 to index
      %swap3A_351 = arith.constant 32 : index
      %swap3A_352 = tpu.vector_load %arg14[%swap3A_350, %swap3A_351] {strides = array<i32>} : memref<80x128xf32, #tpu.memory_space<vmem>>, vector<1x16xf32>,
      %swap3A_353 = vector.shape_cast %swap3A_352 : vector<1x16xf32> to vector<16xf32>
      %swap3A_354 = vector.shape_cast %max3A_349 : vector<16xf32> to vector<1x16xf32>
      tpu.vector_store %arg14[%swap3A_350, %swap3A_351], %swap3A_354 {strides = array<i32>} : memref<80x128xf32, #tpu.memory_space<vmem>>, vector<1x16xf32>,
      %mul3A_355 = arith.constant 2 : i32
      %mul3A_356 = arith.muli %scan3A_126, %mul3A_355 : i32
      %add3A_357 = arith.constant 1 : i32
      %add3A_358 = arith.addi %mul3A_356, %add3A_357 : i32
      %get3A_359 = arith.index_cast %add3A_358 : i32 to index
      %get3A_360 = arith.constant 48 : index
      %get3A_361 = tpu.vector_load %arg14[%get3A_359, %get3A_360] {strides = array<i32>} : memref<80x128xf32, #tpu.memory_space<vmem>>, vector<1x16xf32>,
      %get3A_362 = vector.shape_cast %get3A_361 : vector<1x16xf32> to vector<16xf32>
      %get3A_363 = arith.index_cast %add3A_358 : i32 to index
      %get3A_364 = arith.constant 48 : index
      %get3A_365 = tpu.vector_load %arg16[%get3A_363, %get3A_364] {strides = array<i32>} : memref<80x128xf32, #tpu.memory_space<vmem>>, vector<1x16xf32>,
      %get3A_366 = vector.shape_cast %get3A_365 : vector<1x16xf32> to vector<16xf32>
      %add3A_367 = arith.addf %get3A_362, %get3A_366 : vector<16xf32>
      %max3A_368 = arith.constant 0.000000e+00 : f32
      %max3A_369 = vector.broadcast %max3A_368 : f32 to vector<16xf32>
      %max3A_370 = arith.maximumf %add3A_367, %max3A_369 : vector<16xf32>
      %swap3A_371 = arith.index_cast %add3A_358 : i32 to index
      %swap3A_372 = arith.constant 48 : index
      %swap3A_373 = tpu.vector_load %arg14[%swap3A_371, %swap3A_372] {strides = array<i32>} : memref<80x128xf32, #tpu.memory_space<vmem>>, vector<1x16xf32>,
      %swap3A_374 = vector.shape_cast %swap3A_373 : vector<1x16xf32> to vector<16xf32>
      %swap3A_375 = vector.shape_cast %max3A_370 : vector<16xf32> to vector<1x16xf32>
      tpu.vector_store %arg14[%swap3A_371, %swap3A_372], %swap3A_375 {strides = array<i32>} : memref<80x128xf32, #tpu.memory_space<vmem>>, vector<1x16xf32>,
      %mul3A_376 = arith.constant 2 : i32
      %mul3A_377 = arith.muli %scan3A_126, %mul3A_376 : i32
      %add3A_378 = arith.constant 1 : i32
      %add3A_379 = arith.addi %mul3A_377, %add3A_378 : i32
      %get3A_380 = arith.index_cast %add3A_379 : i32 to index
      %get3A_381 = arith.constant 64 : index
      %get3A_382 = tpu.vector_load %arg14[%get3A_380, %get3A_381] {strides = array<i32>} : memref<80x128xf32, #tpu.memory_space<vmem>>, vector<1x16xf32>,
      %get3A_383 = vector.shape_cast %get3A_382 : vector<1x16xf32> to vector<16xf32>
      %get3A_384 = arith.index_cast %add3A_379 : i32 to index
      %get3A_385 = arith.constant 64 : index
      %get3A_386 = tpu.vector_load %arg16[%get3A_384, %get3A_385] {strides = array<i32>} : memref<80x128xf32, #tpu.memory_space<vmem>>, vector<1x16xf32>,
      %get3A_387 = vector.shape_cast %get3A_386 : vector<1x16xf32> to vector<16xf32>
      %add3A_388 = arith.addf %get3A_383, %get3A_387 : vector<16xf32>
      %max3A_389 = arith.constant 0.000000e+00 : f32
      %max3A_390 = vector.broadcast %max3A_389 : f32 to vector<16xf32>
      %max3A_391 = arith.maximumf %add3A_388, %max3A_390 : vector<16xf32>
      %swap3A_392 = arith.index_cast %add3A_379 : i32 to index
      %swap3A_393 = arith.constant 64 : index
      %swap3A_394 = tpu.vector_load %arg14[%swap3A_392, %swap3A_393] {strides = array<i32>} : memref<80x128xf32, #tpu.memory_space<vmem>>, vector<1x16xf32>,
      %swap3A_395 = vector.shape_cast %swap3A_394 : vector<1x16xf32> to vector<16xf32>
      %swap3A_396 = vector.shape_cast %max3A_391 : vector<16xf32> to vector<1x16xf32>
      tpu.vector_store %arg14[%swap3A_392, %swap3A_393], %swap3A_396 {strides = array<i32>} : memref<80x128xf32, #tpu.memory_space<vmem>>, vector<1x16xf32>,
      %mul3A_397 = arith.constant 2 : i32
      %mul3A_398 = arith.muli %scan3A_126, %mul3A_397 : i32
      %add3A_399 = arith.constant 1 : i32
      %add3A_400 = arith.addi %mul3A_398, %add3A_399 : i32
      %get3A_401 = arith.index_cast %add3A_400 : i32 to index
      %get3A_402 = arith.constant 80 : index
      %get3A_403 = tpu.vector_load %arg14[%get3A_401, %get3A_402] {strides = array<i32>} : memref<80x128xf32, #tpu.memory_space<vmem>>, vector<1x16xf32>,
      %get3A_404 = vector.shape_cast %get3A_403 : vector<1x16xf32> to vector<16xf32>
      %get3A_405 = arith.index_cast %add3A_400 : i32 to index
      %get3A_406 = arith.constant 80 : index
      %get3A_407 = tpu.vector_load %arg16[%get3A_405, %get3A_406] {strides = array<i32>} : memref<80x128xf32, #tpu.memory_space<vmem>>, vector<1x16xf32>,
      %get3A_408 = vector.shape_cast %get3A_407 : vector<1x16xf32> to vector<16xf32>
      %add3A_409 = arith.addf %get3A_404, %get3A_408 : vector<16xf32>
      %max3A_410 = arith.constant 0.000000e+00 : f32
      %max3A_411 = vector.broadcast %max3A_410 : f32 to vector<16xf32>
      %max3A_412 = arith.maximumf %add3A_409, %max3A_411 : vector<16xf32>
      %swap3A_413 = arith.index_cast %add3A_400 : i32 to index
      %swap3A_414 = arith.constant 80 : index
      %swap3A_415 = tpu.vector_load %arg14[%swap3A_413, %swap3A_414] {strides = array<i32>} : memref<80x128xf32, #tpu.memory_space<vmem>>, vector<1x16xf32>,
      %swap3A_416 = vector.shape_cast %swap3A_415 : vector<1x16xf32> to vector<16xf32>
      %swap3A_417 = vector.shape_cast %max3A_412 : vector<16xf32> to vector<1x16xf32>
      tpu.vector_store %arg14[%swap3A_413, %swap3A_414], %swap3A_417 {strides = array<i32>} : memref<80x128xf32, #tpu.memory_space<vmem>>, vector<1x16xf32>,
      %mul3A_418 = arith.constant 2 : i32
      %mul3A_419 = arith.muli %scan3A_126, %mul3A_418 : i32
      %add3A_420 = arith.constant 1 : i32
      %add3A_421 = arith.addi %mul3A_419, %add3A_420 : i32
      %get3A_422 = arith.index_cast %add3A_421 : i32 to index
      %get3A_423 = arith.constant 96 : index
      %get3A_424 = tpu.vector_load %arg14[%get3A_422, %get3A_423] {strides = array<i32>} : memref<80x128xf32, #tpu.memory_space<vmem>>, vector<1x16xf32>,
      %get3A_425 = vector.shape_cast %get3A_424 : vector<1x16xf32> to vector<16xf32>
      %get3A_426 = arith.index_cast %add3A_421 : i32 to index
      %get3A_427 = arith.constant 96 : index
      %get3A_428 = tpu.vector_load %arg16[%get3A_426, %get3A_427] {strides = array<i32>} : memref<80x128xf32, #tpu.memory_space<vmem>>, vector<1x16xf32>,
      %get3A_429 = vector.shape_cast %get3A_428 : vector<1x16xf32> to vector<16xf32>
      %add3A_430 = arith.addf %get3A_425, %get3A_429 : vector<16xf32>
      %max3A_431 = arith.constant 0.000000e+00 : f32
      %max3A_432 = vector.broadcast %max3A_431 : f32 to vector<16xf32>
      %max3A_433 = arith.maximumf %add3A_430, %max3A_432 : vector<16xf32>
      %swap3A_434 = arith.index_cast %add3A_421 : i32 to index
      %swap3A_435 = arith.constant 96 : index
      %swap3A_436 = tpu.vector_load %arg14[%swap3A_434, %swap3A_435] {strides = array<i32>} : memref<80x128xf32, #tpu.memory_space<vmem>>, vector<1x16xf32>,
      %swap3A_437 = vector.shape_cast %swap3A_436 : vector<1x16xf32> to vector<16xf32>
      %swap3A_438 = vector.shape_cast %max3A_433 : vector<16xf32> to vector<1x16xf32>
      tpu.vector_store %arg14[%swap3A_434, %swap3A_435], %swap3A_438 {strides = array<i32>} : memref<80x128xf32, #tpu.memory_space<vmem>>, vector<1x16xf32>,
      %mul3A_439 = arith.constant 2 : i32
      %mul3A_440 = arith.muli %scan3A_126, %mul3A_439 : i32
      %add3A_441 = arith.constant 1 : i32
      %add3A_442 = arith.addi %mul3A_440, %add3A_441 : i32
      %get3A_443 = arith.index_cast %add3A_442 : i32 to index
      %get3A_444 = arith.constant 112 : index
      %get3A_445 = tpu.vector_load %arg14[%get3A_443, %get3A_444] {strides = array<i32>} : memref<80x128xf32, #tpu.memory_space<vmem>>, vector<1x16xf32>,
      %get3A_446 = vector.shape_cast %get3A_445 : vector<1x16xf32> to vector<16xf32>
      %get3A_447 = arith.index_cast %add3A_442 : i32 to index
      %get3A_448 = arith.constant 112 : index
      %get3A_449 = tpu.vector_load %arg16[%get3A_447, %get3A_448] {strides = array<i32>} : memref<80x128xf32, #tpu.memory_space<vmem>>, vector<1x16xf32>,
      %get3A_450 = vector.shape_cast %get3A_449 : vector<1x16xf32> to vector<16xf32>
      %add3A_451 = arith.addf %get3A_446, %get3A_450 : vector<16xf32>
      %max3A_452 = arith.constant 0.000000e+00 : f32
      %max3A_453 = vector.broadcast %max3A_452 : f32 to vector<16xf32>
      %max3A_454 = arith.maximumf %add3A_451, %max3A_453 : vector<16xf32>
      %swap3A_455 = arith.index_cast %add3A_442 : i32 to index
      %swap3A_456 = arith.constant 112 : index
      %swap3A_457 = tpu.vector_load %arg14[%swap3A_455, %swap3A_456] {strides = array<i32>} : memref<80x128xf32, #tpu.memory_space<vmem>>, vector<1x16xf32>,
      %swap3A_458 = vector.shape_cast %swap3A_457 : vector<1x16xf32> to vector<16xf32>
      %swap3A_459 = vector.shape_cast %max3A_454 : vector<16xf32> to vector<1x16xf32>
      tpu.vector_store %arg14[%swap3A_455, %swap3A_456], %swap3A_459 {strides = array<i32>} : memref<80x128xf32, #tpu.memory_space<vmem>>, vector<1x16xf32>,
    }
    %scan3A_92 = arith.constant 40 : i32
    "tpu.region"() ({
      %run_scoped3A = tpu.sem_alloc : memref<!tpu.dma_semaphore, #tpu.memory_space<semaphore_mem>>
      %dma_start3A_126 = arith.constant 0 : i32
      %dma_start3A_127 = arith.constant 0 : i32
      %dma_start3A_128 = tpu.memref_slice %arg8[%dma_start3A_126, %dma_start3A_127] : memref<10000x128xf32, #tpu.memory_space<vmem_shared>> -> memref<10000x128xf32, #tpu.memory_space<vmem_shared>>
      tpu.enqueue_indirect_dma source(%arg14 : memref<80x128xf32, #tpu.memory_space<vmem>>) target(%dma_start3A_128 : memref<10000x128xf32, #tpu.memory_space<vmem_shared>>) offsets(%arg12 : memref<80xi32, #tpu.memory_space<vmem>>) semaphore(%run_scoped3A : memref<!tpu.dma_semaphore, #tpu.memory_space<semaphore_mem>>) {add = true}
      %dma_wait3A_129 = arith.constant 0 : i32
      %dma_wait3A_130 = arith.constant 0 : i32
      %dma_wait3A_131 = tpu.memref_slice %arg8[%dma_wait3A_129, %dma_wait3A_130] : memref<10000x128xf32, #tpu.memory_space<vmem_shared>> -> memref<10000x128xf32, #tpu.memory_space<vmem_shared>>
      tpu.wait_indirect_dma semaphore(%run_scoped3A : memref<!tpu.dma_semaphore, #tpu.memory_space<semaphore_mem>>) src(%arg14 : memref<80x128xf32, #tpu.memory_space<vmem>>) dst(%dma_wait3A_131 : memref<10000x128xf32, #tpu.memory_space<vmem_shared>>)
      tpu.yield
    }) : () -> ()
    %add3A_93 = arith.constant 240 : i32
    %add3A_94 = arith.addi %mul3A_6, %add3A_93 : i32
    %dma_start3A_95 = tpu.memref_slice %arg4[%add3A_94] : memref<320000xi32, #tpu.memory_space<hbm>> -> memref<80xi32, #tpu.memory_space<hbm>>
    %dma_start3A_96 = tpu.memref_slice %arg4[%add3A_94] : memref<320000xi32, #tpu.memory_space<hbm>> -> memref<80xi32, #tpu.memory_space<hbm>>
    tpu.enqueue_dma source(%dma_start3A_96 : memref<80xi32, #tpu.memory_space<hbm>>) target(%arg10 : memref<80xi32, #tpu.memory_space<vmem>>) target_semaphore(%arg18 : memref<!tpu.dma_semaphore, #tpu.memory_space<semaphore_mem>>)
    %add3A_97 = arith.constant 240 : i32
    %add3A_98 = arith.addi %mul3A_6, %add3A_97 : i32
    %dma_start3A_99 = tpu.memref_slice %arg5[%add3A_98] : memref<320000xi32, #tpu.memory_space<hbm>> -> memref<80xi32, #tpu.memory_space<hbm>>
    %dma_start3A_100 = tpu.memref_slice %arg5[%add3A_98] : memref<320000xi32, #tpu.memory_space<hbm>> -> memref<80xi32, #tpu.memory_space<hbm>>
    tpu.enqueue_dma source(%dma_start3A_100 : memref<80xi32, #tpu.memory_space<hbm>>) target(%arg12 : memref<80xi32, #tpu.memory_space<vmem>>) target_semaphore(%arg18 : memref<!tpu.dma_semaphore, #tpu.memory_space<semaphore_mem>>)
    %scan3A_101 = arith.constant 0 : i32
    %scan3A_102 = arith.constant 1 : i32
    %scan3A_103 = arith.constant 61 : i32
    %scan3A_104 = arith.addi %scan3A_102, %scan3A_103 : i32
    %scan3A_105 = arith.constant 1 : i32
    scf.for %scan3A_126 = %scan3A_102 to %scan3A_104 step %scan3A_105  : i32 {
      %mul3A_127 = arith.constant 2 : i32
      %mul3A_128 = arith.muli %mul3A_127, %scan3A_126 : i32
      %add3A_129 = arith.constant 1 : i32
      %add3A_130 = arith.addi %mul3A_128, %add3A_129 : i32
      %lt3A_131 = arith.constant 125 : i32
      %lt3A_132 = arith.cmpi slt, %add3A_130, %lt3A_131 : i32
      %convert_element_type3A_133 = arith.extui %lt3A_132 : i1 to i32
      %cond3A_134 = arith.constant 0 : i32
      %cond3A_135 = arith.cmpi ne, %convert_element_type3A_133, %cond3A_134 : i32
      scf.if %cond3A_135 {
        %add3A_187 = arith.constant 1 : i32
        %add3A_188 = arith.addi %mul3A_128, %add3A_187 : i32
        %dma_wait3A_189 = tpu.memref_slice %arg4[%mul3A_6] : memref<320000xi32, #tpu.memory_space<hbm>> -> memref<80xi32, #tpu.memory_space<hbm>>
        %dma_wait3A_190 = tpu.memref_slice %arg4[%mul3A_6] : memref<320000xi32, #tpu.memory_space<hbm>> -> memref<80xi32, #tpu.memory_space<hbm>>
        tpu.wait_dma2 semaphore(%arg18 : memref<!tpu.dma_semaphore, #tpu.memory_space<semaphore_mem>>) src(%dma_wait3A_190 : memref<80xi32, #tpu.memory_space<hbm>>) dst(%arg10 : memref<80xi32, #tpu.memory_space<vmem>>)
        %dma_wait3A_191 = tpu.memref_slice %arg5[%mul3A_6] : memref<320000xi32, #tpu.memory_space<hbm>> -> memref<80xi32, #tpu.memory_space<hbm>>
        %dma_wait3A_192 = tpu.memref_slice %arg5[%mul3A_6] : memref<320000xi32, #tpu.memory_space<hbm>> -> memref<80xi32, #tpu.memory_space<hbm>>
        tpu.wait_dma2 semaphore(%arg18 : memref<!tpu.dma_semaphore, #tpu.memory_space<semaphore_mem>>) src(%dma_wait3A_192 : memref<80xi32, #tpu.memory_space<hbm>>) dst(%arg12 : memref<80xi32, #tpu.memory_space<vmem>>)
        %add3A_193 = arith.constant 1 : i32
        %add3A_194 = arith.addi %mul3A_128, %add3A_193 : i32
        %dma_start3A_195 = arith.constant 0 : i32
        %dma_start3A_196 = arith.constant 0 : i32
        %dma_start3A_197 = tpu.memref_slice %arg2[%dma_start3A_195, %dma_start3A_196] : memref<10000x128xf32, #tpu.memory_space<hbm>> -> memref<10000x128xf32, #tpu.memory_space<hbm>>
        tpu.enqueue_indirect_dma source(%dma_start3A_197 : memref<10000x128xf32, #tpu.memory_space<hbm>>) target(%arg14 : memref<80x128xf32, #tpu.memory_space<vmem>>) offsets(%arg10 : memref<80xi32, #tpu.memory_space<vmem>>) semaphore(%arg20 : memref<!tpu.dma_semaphore, #tpu.memory_space<semaphore_mem>>)
        %mul3A_198 = arith.constant 80 : i32
        %mul3A_199 = arith.muli %add3A_194, %mul3A_198 : i32
        %add3A_200 = arith.addi %mul3A_6, %mul3A_199 : i32
        %dma_start3A_201 = arith.constant 0 : i32
        %dma_start3A_202 = tpu.memref_slice %arg3[%add3A_200, %dma_start3A_201] : memref<320000x128xf32, #tpu.memory_space<hbm>> -> memref<80x128xf32, #tpu.memory_space<hbm>>
        %dma_start3A_203 = arith.constant 0 : i32
        %dma_start3A_204 = tpu.memref_slice %arg3[%add3A_200, %dma_start3A_203] : memref<320000x128xf32, #tpu.memory_space<hbm>> -> memref<80x128xf32, #tpu.memory_space<hbm>>
        tpu.enqueue_dma source(%dma_start3A_204 : memref<80x128xf32, #tpu.memory_space<hbm>>) target(%arg16 : memref<80x128xf32, #tpu.memory_space<vmem>>) target_semaphore(%arg22 : memref<!tpu.dma_semaphore, #tpu.memory_space<semaphore_mem>>)
      } else {
      }
      %dma_wait3A_136 = arith.constant 0 : i32
      %dma_wait3A_137 = arith.constant 0 : i32
      %dma_wait3A_138 = tpu.memref_slice %arg2[%dma_wait3A_136, %dma_wait3A_137] : memref<10000x128xf32, #tpu.memory_space<hbm>> -> memref<10000x128xf32, #tpu.memory_space<hbm>>
      tpu.wait_indirect_dma semaphore(%arg19 : memref<!tpu.dma_semaphore, #tpu.memory_space<semaphore_mem>>) src(%dma_wait3A_138 : memref<10000x128xf32, #tpu.memory_space<hbm>>) dst(%arg13 : memref<80x128xf32, #tpu.memory_space<vmem>>)
      %dma_wait3A_139 = arith.constant 0 : i32
      %dma_wait3A_140 = tpu.memref_slice %arg3[%mul3A_6, %dma_wait3A_139] : memref<320000x128xf32, #tpu.memory_space<hbm>> -> memref<80x128xf32, #tpu.memory_space<hbm>>
      %dma_wait3A_141 = arith.constant 0 : i32
      %dma_wait3A_142 = tpu.memref_slice %arg3[%mul3A_6, %dma_wait3A_141] : memref<320000x128xf32, #tpu.memory_space<hbm>> -> memref<80x128xf32, #tpu.memory_space<hbm>>
      tpu.wait_dma2 semaphore(%arg21 : memref<!tpu.dma_semaphore, #tpu.memory_space<semaphore_mem>>) src(%dma_wait3A_142 : memref<80x128xf32, #tpu.memory_space<hbm>>) dst(%arg15 : memref<80x128xf32, #tpu.memory_space<vmem>>)
      %scan3A_143 = arith.constant 0 : i32
      %scan3A_144 = arith.constant 0 : i32
      %scan3A_145 = arith.constant 40 : i32
      %scan3A_146 = arith.addi %scan3A_144, %scan3A_145 : i32
      %scan3A_147 = arith.constant 1 : i32
      scf.for %scan3A_187 = %scan3A_144 to %scan3A_146 step %scan3A_147  : i32 {
        %mul3A_188 = arith.constant 2 : i32
        %mul3A_189 = arith.muli %scan3A_187, %mul3A_188 : i32
        %add3A_190 = arith.constant 0 : i32
        %add3A_191 = arith.addi %mul3A_189, %add3A_190 : i32
        %get3A = arith.index_cast %add3A_191 : i32 to index
        %get3A_192 = arith.constant 0 : index
        %get3A_193 = tpu.vector_load %arg13[%get3A, %get3A_192] {strides = array<i32>} : memref<80x128xf32, #tpu.memory_space<vmem>>, vector<1x16xf32>,
        %get3A_194 = vector.shape_cast %get3A_193 : vector<1x16xf32> to vector<16xf32>
        %get3A_195 = arith.index_cast %add3A_191 : i32 to index
        %get3A_196 = arith.constant 0 : index
        %get3A_197 = tpu.vector_load %arg15[%get3A_195, %get3A_196] {strides = array<i32>} : memref<80x128xf32, #tpu.memory_space<vmem>>, vector<1x16xf32>,
        %get3A_198 = vector.shape_cast %get3A_197 : vector<1x16xf32> to vector<16xf32>
        %add3A_199 = arith.addf %get3A_194, %get3A_198 : vector<16xf32>
        %max3A = arith.constant 0.000000e+00 : f32
        %max3A_200 = vector.broadcast %max3A : f32 to vector<16xf32>
        %max3A_201 = arith.maximumf %add3A_199, %max3A_200 : vector<16xf32>
        %swap3A = arith.index_cast %add3A_191 : i32 to index
        %swap3A_202 = arith.constant 0 : index
        %swap3A_203 = tpu.vector_load %arg13[%swap3A, %swap3A_202] {strides = array<i32>} : memref<80x128xf32, #tpu.memory_space<vmem>>, vector<1x16xf32>,
        %swap3A_204 = vector.shape_cast %swap3A_203 : vector<1x16xf32> to vector<16xf32>
        %swap3A_205 = vector.shape_cast %max3A_201 : vector<16xf32> to vector<1x16xf32>
        tpu.vector_store %arg13[%swap3A, %swap3A_202], %swap3A_205 {strides = array<i32>} : memref<80x128xf32, #tpu.memory_space<vmem>>, vector<1x16xf32>,
        %mul3A_206 = arith.constant 2 : i32
        %mul3A_207 = arith.muli %scan3A_187, %mul3A_206 : i32
        %add3A_208 = arith.constant 0 : i32
        %add3A_209 = arith.addi %mul3A_207, %add3A_208 : i32
        %get3A_210 = arith.index_cast %add3A_209 : i32 to index
        %get3A_211 = arith.constant 16 : index
        %get3A_212 = tpu.vector_load %arg13[%get3A_210, %get3A_211] {strides = array<i32>} : memref<80x128xf32, #tpu.memory_space<vmem>>, vector<1x16xf32>,
        %get3A_213 = vector.shape_cast %get3A_212 : vector<1x16xf32> to vector<16xf32>
        %get3A_214 = arith.index_cast %add3A_209 : i32 to index
        %get3A_215 = arith.constant 16 : index
        %get3A_216 = tpu.vector_load %arg15[%get3A_214, %get3A_215] {strides = array<i32>} : memref<80x128xf32, #tpu.memory_space<vmem>>, vector<1x16xf32>,
        %get3A_217 = vector.shape_cast %get3A_216 : vector<1x16xf32> to vector<16xf32>
        %add3A_218 = arith.addf %get3A_213, %get3A_217 : vector<16xf32>
        %max3A_219 = arith.constant 0.000000e+00 : f32
        %max3A_220 = vector.broadcast %max3A_219 : f32 to vector<16xf32>
        %max3A_221 = arith.maximumf %add3A_218, %max3A_220 : vector<16xf32>
        %swap3A_222 = arith.index_cast %add3A_209 : i32 to index
        %swap3A_223 = arith.constant 16 : index
        %swap3A_224 = tpu.vector_load %arg13[%swap3A_222, %swap3A_223] {strides = array<i32>} : memref<80x128xf32, #tpu.memory_space<vmem>>, vector<1x16xf32>,
        %swap3A_225 = vector.shape_cast %swap3A_224 : vector<1x16xf32> to vector<16xf32>
        %swap3A_226 = vector.shape_cast %max3A_221 : vector<16xf32> to vector<1x16xf32>
        tpu.vector_store %arg13[%swap3A_222, %swap3A_223], %swap3A_226 {strides = array<i32>} : memref<80x128xf32, #tpu.memory_space<vmem>>, vector<1x16xf32>,
        %mul3A_227 = arith.constant 2 : i32
        %mul3A_228 = arith.muli %scan3A_187, %mul3A_227 : i32
        %add3A_229 = arith.constant 0 : i32
        %add3A_230 = arith.addi %mul3A_228, %add3A_229 : i32
        %get3A_231 = arith.index_cast %add3A_230 : i32 to index
        %get3A_232 = arith.constant 32 : index
        %get3A_233 = tpu.vector_load %arg13[%get3A_231, %get3A_232] {strides = array<i32>} : memref<80x128xf32, #tpu.memory_space<vmem>>, vector<1x16xf32>,
        %get3A_234 = vector.shape_cast %get3A_233 : vector<1x16xf32> to vector<16xf32>
        %get3A_235 = arith.index_cast %add3A_230 : i32 to index
        %get3A_236 = arith.constant 32 : index
        %get3A_237 = tpu.vector_load %arg15[%get3A_235, %get3A_236] {strides = array<i32>} : memref<80x128xf32, #tpu.memory_space<vmem>>, vector<1x16xf32>,
        %get3A_238 = vector.shape_cast %get3A_237 : vector<1x16xf32> to vector<16xf32>
        %add3A_239 = arith.addf %get3A_234, %get3A_238 : vector<16xf32>
        %max3A_240 = arith.constant 0.000000e+00 : f32
        %max3A_241 = vector.broadcast %max3A_240 : f32 to vector<16xf32>
        %max3A_242 = arith.maximumf %add3A_239, %max3A_241 : vector<16xf32>
        %swap3A_243 = arith.index_cast %add3A_230 : i32 to index
        %swap3A_244 = arith.constant 32 : index
        %swap3A_245 = tpu.vector_load %arg13[%swap3A_243, %swap3A_244] {strides = array<i32>} : memref<80x128xf32, #tpu.memory_space<vmem>>, vector<1x16xf32>,
        %swap3A_246 = vector.shape_cast %swap3A_245 : vector<1x16xf32> to vector<16xf32>
        %swap3A_247 = vector.shape_cast %max3A_242 : vector<16xf32> to vector<1x16xf32>
        tpu.vector_store %arg13[%swap3A_243, %swap3A_244], %swap3A_247 {strides = array<i32>} : memref<80x128xf32, #tpu.memory_space<vmem>>, vector<1x16xf32>,
        %mul3A_248 = arith.constant 2 : i32
        %mul3A_249 = arith.muli %scan3A_187, %mul3A_248 : i32
        %add3A_250 = arith.constant 0 : i32
        %add3A_251 = arith.addi %mul3A_249, %add3A_250 : i32
        %get3A_252 = arith.index_cast %add3A_251 : i32 to index
        %get3A_253 = arith.constant 48 : index
        %get3A_254 = tpu.vector_load %arg13[%get3A_252, %get3A_253] {strides = array<i32>} : memref<80x128xf32, #tpu.memory_space<vmem>>, vector<1x16xf32>,
        %get3A_255 = vector.shape_cast %get3A_254 : vector<1x16xf32> to vector<16xf32>
        %get3A_256 = arith.index_cast %add3A_251 : i32 to index
        %get3A_257 = arith.constant 48 : index
        %get3A_258 = tpu.vector_load %arg15[%get3A_256, %get3A_257] {strides = array<i32>} : memref<80x128xf32, #tpu.memory_space<vmem>>, vector<1x16xf32>,
        %get3A_259 = vector.shape_cast %get3A_258 : vector<1x16xf32> to vector<16xf32>
        %add3A_260 = arith.addf %get3A_255, %get3A_259 : vector<16xf32>
        %max3A_261 = arith.constant 0.000000e+00 : f32
        %max3A_262 = vector.broadcast %max3A_261 : f32 to vector<16xf32>
        %max3A_263 = arith.maximumf %add3A_260, %max3A_262 : vector<16xf32>
        %swap3A_264 = arith.index_cast %add3A_251 : i32 to index
        %swap3A_265 = arith.constant 48 : index
        %swap3A_266 = tpu.vector_load %arg13[%swap3A_264, %swap3A_265] {strides = array<i32>} : memref<80x128xf32, #tpu.memory_space<vmem>>, vector<1x16xf32>,
        %swap3A_267 = vector.shape_cast %swap3A_266 : vector<1x16xf32> to vector<16xf32>
        %swap3A_268 = vector.shape_cast %max3A_263 : vector<16xf32> to vector<1x16xf32>
        tpu.vector_store %arg13[%swap3A_264, %swap3A_265], %swap3A_268 {strides = array<i32>} : memref<80x128xf32, #tpu.memory_space<vmem>>, vector<1x16xf32>,
        %mul3A_269 = arith.constant 2 : i32
        %mul3A_270 = arith.muli %scan3A_187, %mul3A_269 : i32
        %add3A_271 = arith.constant 0 : i32
        %add3A_272 = arith.addi %mul3A_270, %add3A_271 : i32
        %get3A_273 = arith.index_cast %add3A_272 : i32 to index
        %get3A_274 = arith.constant 64 : index
        %get3A_275 = tpu.vector_load %arg13[%get3A_273, %get3A_274] {strides = array<i32>} : memref<80x128xf32, #tpu.memory_space<vmem>>, vector<1x16xf32>,
        %get3A_276 = vector.shape_cast %get3A_275 : vector<1x16xf32> to vector<16xf32>
        %get3A_277 = arith.index_cast %add3A_272 : i32 to index
        %get3A_278 = arith.constant 64 : index
        %get3A_279 = tpu.vector_load %arg15[%get3A_277, %get3A_278] {strides = array<i32>} : memref<80x128xf32, #tpu.memory_space<vmem>>, vector<1x16xf32>,
        %get3A_280 = vector.shape_cast %get3A_279 : vector<1x16xf32> to vector<16xf32>
        %add3A_281 = arith.addf %get3A_276, %get3A_280 : vector<16xf32>
        %max3A_282 = arith.constant 0.000000e+00 : f32
        %max3A_283 = vector.broadcast %max3A_282 : f32 to vector<16xf32>
        %max3A_284 = arith.maximumf %add3A_281, %max3A_283 : vector<16xf32>
        %swap3A_285 = arith.index_cast %add3A_272 : i32 to index
        %swap3A_286 = arith.constant 64 : index
        %swap3A_287 = tpu.vector_load %arg13[%swap3A_285, %swap3A_286] {strides = array<i32>} : memref<80x128xf32, #tpu.memory_space<vmem>>, vector<1x16xf32>,
        %swap3A_288 = vector.shape_cast %swap3A_287 : vector<1x16xf32> to vector<16xf32>
        %swap3A_289 = vector.shape_cast %max3A_284 : vector<16xf32> to vector<1x16xf32>
        tpu.vector_store %arg13[%swap3A_285, %swap3A_286], %swap3A_289 {strides = array<i32>} : memref<80x128xf32, #tpu.memory_space<vmem>>, vector<1x16xf32>,
        %mul3A_290 = arith.constant 2 : i32
        %mul3A_291 = arith.muli %scan3A_187, %mul3A_290 : i32
        %add3A_292 = arith.constant 0 : i32
        %add3A_293 = arith.addi %mul3A_291, %add3A_292 : i32
        %get3A_294 = arith.index_cast %add3A_293 : i32 to index
        %get3A_295 = arith.constant 80 : index
        %get3A_296 = tpu.vector_load %arg13[%get3A_294, %get3A_295] {strides = array<i32>} : memref<80x128xf32, #tpu.memory_space<vmem>>, vector<1x16xf32>,
        %get3A_297 = vector.shape_cast %get3A_296 : vector<1x16xf32> to vector<16xf32>
        %get3A_298 = arith.index_cast %add3A_293 : i32 to index
        %get3A_299 = arith.constant 80 : index
        %get3A_300 = tpu.vector_load %arg15[%get3A_298, %get3A_299] {strides = array<i32>} : memref<80x128xf32, #tpu.memory_space<vmem>>, vector<1x16xf32>,
        %get3A_301 = vector.shape_cast %get3A_300 : vector<1x16xf32> to vector<16xf32>
        %add3A_302 = arith.addf %get3A_297, %get3A_301 : vector<16xf32>
        %max3A_303 = arith.constant 0.000000e+00 : f32
        %max3A_304 = vector.broadcast %max3A_303 : f32 to vector<16xf32>
        %max3A_305 = arith.maximumf %add3A_302, %max3A_304 : vector<16xf32>
        %swap3A_306 = arith.index_cast %add3A_293 : i32 to index
        %swap3A_307 = arith.constant 80 : index
        %swap3A_308 = tpu.vector_load %arg13[%swap3A_306, %swap3A_307] {strides = array<i32>} : memref<80x128xf32, #tpu.memory_space<vmem>>, vector<1x16xf32>,
        %swap3A_309 = vector.shape_cast %swap3A_308 : vector<1x16xf32> to vector<16xf32>
        %swap3A_310 = vector.shape_cast %max3A_305 : vector<16xf32> to vector<1x16xf32>
        tpu.vector_store %arg13[%swap3A_306, %swap3A_307], %swap3A_310 {strides = array<i32>} : memref<80x128xf32, #tpu.memory_space<vmem>>, vector<1x16xf32>,
        %mul3A_311 = arith.constant 2 : i32
        %mul3A_312 = arith.muli %scan3A_187, %mul3A_311 : i32
        %add3A_313 = arith.constant 0 : i32
        %add3A_314 = arith.addi %mul3A_312, %add3A_313 : i32
        %get3A_315 = arith.index_cast %add3A_314 : i32 to index
        %get3A_316 = arith.constant 96 : index
        %get3A_317 = tpu.vector_load %arg13[%get3A_315, %get3A_316] {strides = array<i32>} : memref<80x128xf32, #tpu.memory_space<vmem>>, vector<1x16xf32>,
        %get3A_318 = vector.shape_cast %get3A_317 : vector<1x16xf32> to vector<16xf32>
        %get3A_319 = arith.index_cast %add3A_314 : i32 to index
        %get3A_320 = arith.constant 96 : index
        %get3A_321 = tpu.vector_load %arg15[%get3A_319, %get3A_320] {strides = array<i32>} : memref<80x128xf32, #tpu.memory_space<vmem>>, vector<1x16xf32>,
        %get3A_322 = vector.shape_cast %get3A_321 : vector<1x16xf32> to vector<16xf32>
        %add3A_323 = arith.addf %get3A_318, %get3A_322 : vector<16xf32>
        %max3A_324 = arith.constant 0.000000e+00 : f32
        %max3A_325 = vector.broadcast %max3A_324 : f32 to vector<16xf32>
        %max3A_326 = arith.maximumf %add3A_323, %max3A_325 : vector<16xf32>
        %swap3A_327 = arith.index_cast %add3A_314 : i32 to index
        %swap3A_328 = arith.constant 96 : index
        %swap3A_329 = tpu.vector_load %arg13[%swap3A_327, %swap3A_328] {strides = array<i32>} : memref<80x128xf32, #tpu.memory_space<vmem>>, vector<1x16xf32>,
        %swap3A_330 = vector.shape_cast %swap3A_329 : vector<1x16xf32> to vector<16xf32>
        %swap3A_331 = vector.shape_cast %max3A_326 : vector<16xf32> to vector<1x16xf32>
        tpu.vector_store %arg13[%swap3A_327, %swap3A_328], %swap3A_331 {strides = array<i32>} : memref<80x128xf32, #tpu.memory_space<vmem>>, vector<1x16xf32>,
        %mul3A_332 = arith.constant 2 : i32
        %mul3A_333 = arith.muli %scan3A_187, %mul3A_332 : i32
        %add3A_334 = arith.constant 0 : i32
        %add3A_335 = arith.addi %mul3A_333, %add3A_334 : i32
        %get3A_336 = arith.index_cast %add3A_335 : i32 to index
        %get3A_337 = arith.constant 112 : index
        %get3A_338 = tpu.vector_load %arg13[%get3A_336, %get3A_337] {strides = array<i32>} : memref<80x128xf32, #tpu.memory_space<vmem>>, vector<1x16xf32>,
        %get3A_339 = vector.shape_cast %get3A_338 : vector<1x16xf32> to vector<16xf32>
        %get3A_340 = arith.index_cast %add3A_335 : i32 to index
        %get3A_341 = arith.constant 112 : index
        %get3A_342 = tpu.vector_load %arg15[%get3A_340, %get3A_341] {strides = array<i32>} : memref<80x128xf32, #tpu.memory_space<vmem>>, vector<1x16xf32>,
        %get3A_343 = vector.shape_cast %get3A_342 : vector<1x16xf32> to vector<16xf32>
        %add3A_344 = arith.addf %get3A_339, %get3A_343 : vector<16xf32>
        %max3A_345 = arith.constant 0.000000e+00 : f32
        %max3A_346 = vector.broadcast %max3A_345 : f32 to vector<16xf32>
        %max3A_347 = arith.maximumf %add3A_344, %max3A_346 : vector<16xf32>
        %swap3A_348 = arith.index_cast %add3A_335 : i32 to index
        %swap3A_349 = arith.constant 112 : index
        %swap3A_350 = tpu.vector_load %arg13[%swap3A_348, %swap3A_349] {strides = array<i32>} : memref<80x128xf32, #tpu.memory_space<vmem>>, vector<1x16xf32>,
        %swap3A_351 = vector.shape_cast %swap3A_350 : vector<1x16xf32> to vector<16xf32>
        %swap3A_352 = vector.shape_cast %max3A_347 : vector<16xf32> to vector<1x16xf32>
        tpu.vector_store %arg13[%swap3A_348, %swap3A_349], %swap3A_352 {strides = array<i32>} : memref<80x128xf32, #tpu.memory_space<vmem>>, vector<1x16xf32>,
        %mul3A_353 = arith.constant 2 : i32
        %mul3A_354 = arith.muli %scan3A_187, %mul3A_353 : i32
        %add3A_355 = arith.constant 1 : i32
        %add3A_356 = arith.addi %mul3A_354, %add3A_355 : i32
        %get3A_357 = arith.index_cast %add3A_356 : i32 to index
        %get3A_358 = arith.constant 0 : index
        %get3A_359 = tpu.vector_load %arg13[%get3A_357, %get3A_358] {strides = array<i32>} : memref<80x128xf32, #tpu.memory_space<vmem>>, vector<1x16xf32>,
        %get3A_360 = vector.shape_cast %get3A_359 : vector<1x16xf32> to vector<16xf32>
        %get3A_361 = arith.index_cast %add3A_356 : i32 to index
        %get3A_362 = arith.constant 0 : index
        %get3A_363 = tpu.vector_load %arg15[%get3A_361, %get3A_362] {strides = array<i32>} : memref<80x128xf32, #tpu.memory_space<vmem>>, vector<1x16xf32>,
        %get3A_364 = vector.shape_cast %get3A_363 : vector<1x16xf32> to vector<16xf32>
        %add3A_365 = arith.addf %get3A_360, %get3A_364 : vector<16xf32>
        %max3A_366 = arith.constant 0.000000e+00 : f32
        %max3A_367 = vector.broadcast %max3A_366 : f32 to vector<16xf32>
        %max3A_368 = arith.maximumf %add3A_365, %max3A_367 : vector<16xf32>
        %swap3A_369 = arith.index_cast %add3A_356 : i32 to index
        %swap3A_370 = arith.constant 0 : index
        %swap3A_371 = tpu.vector_load %arg13[%swap3A_369, %swap3A_370] {strides = array<i32>} : memref<80x128xf32, #tpu.memory_space<vmem>>, vector<1x16xf32>,
        %swap3A_372 = vector.shape_cast %swap3A_371 : vector<1x16xf32> to vector<16xf32>
        %swap3A_373 = vector.shape_cast %max3A_368 : vector<16xf32> to vector<1x16xf32>
        tpu.vector_store %arg13[%swap3A_369, %swap3A_370], %swap3A_373 {strides = array<i32>} : memref<80x128xf32, #tpu.memory_space<vmem>>, vector<1x16xf32>,
        %mul3A_374 = arith.constant 2 : i32
        %mul3A_375 = arith.muli %scan3A_187, %mul3A_374 : i32
        %add3A_376 = arith.constant 1 : i32
        %add3A_377 = arith.addi %mul3A_375, %add3A_376 : i32
        %get3A_378 = arith.index_cast %add3A_377 : i32 to index
        %get3A_379 = arith.constant 16 : index
        %get3A_380 = tpu.vector_load %arg13[%get3A_378, %get3A_379] {strides = array<i32>} : memref<80x128xf32, #tpu.memory_space<vmem>>, vector<1x16xf32>,
        %get3A_381 = vector.shape_cast %get3A_380 : vector<1x16xf32> to vector<16xf32>
        %get3A_382 = arith.index_cast %add3A_377 : i32 to index
        %get3A_383 = arith.constant 16 : index
        %get3A_384 = tpu.vector_load %arg15[%get3A_382, %get3A_383] {strides = array<i32>} : memref<80x128xf32, #tpu.memory_space<vmem>>, vector<1x16xf32>,
        %get3A_385 = vector.shape_cast %get3A_384 : vector<1x16xf32> to vector<16xf32>
        %add3A_386 = arith.addf %get3A_381, %get3A_385 : vector<16xf32>
        %max3A_387 = arith.constant 0.000000e+00 : f32
        %max3A_388 = vector.broadcast %max3A_387 : f32 to vector<16xf32>
        %max3A_389 = arith.maximumf %add3A_386, %max3A_388 : vector<16xf32>
        %swap3A_390 = arith.index_cast %add3A_377 : i32 to index
        %swap3A_391 = arith.constant 16 : index
        %swap3A_392 = tpu.vector_load %arg13[%swap3A_390, %swap3A_391] {strides = array<i32>} : memref<80x128xf32, #tpu.memory_space<vmem>>, vector<1x16xf32>,
        %swap3A_393 = vector.shape_cast %swap3A_392 : vector<1x16xf32> to vector<16xf32>
        %swap3A_394 = vector.shape_cast %max3A_389 : vector<16xf32> to vector<1x16xf32>
        tpu.vector_store %arg13[%swap3A_390, %swap3A_391], %swap3A_394 {strides = array<i32>} : memref<80x128xf32, #tpu.memory_space<vmem>>, vector<1x16xf32>,
        %mul3A_395 = arith.constant 2 : i32
        %mul3A_396 = arith.muli %scan3A_187, %mul3A_395 : i32
        %add3A_397 = arith.constant 1 : i32
        %add3A_398 = arith.addi %mul3A_396, %add3A_397 : i32
        %get3A_399 = arith.index_cast %add3A_398 : i32 to index
        %get3A_400 = arith.constant 32 : index
        %get3A_401 = tpu.vector_load %arg13[%get3A_399, %get3A_400] {strides = array<i32>} : memref<80x128xf32, #tpu.memory_space<vmem>>, vector<1x16xf32>,
        %get3A_402 = vector.shape_cast %get3A_401 : vector<1x16xf32> to vector<16xf32>
        %get3A_403 = arith.index_cast %add3A_398 : i32 to index
        %get3A_404 = arith.constant 32 : index
        %get3A_405 = tpu.vector_load %arg15[%get3A_403, %get3A_404] {strides = array<i32>} : memref<80x128xf32, #tpu.memory_space<vmem>>, vector<1x16xf32>,
        %get3A_406 = vector.shape_cast %get3A_405 : vector<1x16xf32> to vector<16xf32>
        %add3A_407 = arith.addf %get3A_402, %get3A_406 : vector<16xf32>
        %max3A_408 = arith.constant 0.000000e+00 : f32
        %max3A_409 = vector.broadcast %max3A_408 : f32 to vector<16xf32>
        %max3A_410 = arith.maximumf %add3A_407, %max3A_409 : vector<16xf32>
        %swap3A_411 = arith.index_cast %add3A_398 : i32 to index
        %swap3A_412 = arith.constant 32 : index
        %swap3A_413 = tpu.vector_load %arg13[%swap3A_411, %swap3A_412] {strides = array<i32>} : memref<80x128xf32, #tpu.memory_space<vmem>>, vector<1x16xf32>,
        %swap3A_414 = vector.shape_cast %swap3A_413 : vector<1x16xf32> to vector<16xf32>
        %swap3A_415 = vector.shape_cast %max3A_410 : vector<16xf32> to vector<1x16xf32>
        tpu.vector_store %arg13[%swap3A_411, %swap3A_412], %swap3A_415 {strides = array<i32>} : memref<80x128xf32, #tpu.memory_space<vmem>>, vector<1x16xf32>,
        %mul3A_416 = arith.constant 2 : i32
        %mul3A_417 = arith.muli %scan3A_187, %mul3A_416 : i32
        %add3A_418 = arith.constant 1 : i32
        %add3A_419 = arith.addi %mul3A_417, %add3A_418 : i32
        %get3A_420 = arith.index_cast %add3A_419 : i32 to index
        %get3A_421 = arith.constant 48 : index
        %get3A_422 = tpu.vector_load %arg13[%get3A_420, %get3A_421] {strides = array<i32>} : memref<80x128xf32, #tpu.memory_space<vmem>>, vector<1x16xf32>,
        %get3A_423 = vector.shape_cast %get3A_422 : vector<1x16xf32> to vector<16xf32>
        %get3A_424 = arith.index_cast %add3A_419 : i32 to index
        %get3A_425 = arith.constant 48 : index
        %get3A_426 = tpu.vector_load %arg15[%get3A_424, %get3A_425] {strides = array<i32>} : memref<80x128xf32, #tpu.memory_space<vmem>>, vector<1x16xf32>,
        %get3A_427 = vector.shape_cast %get3A_426 : vector<1x16xf32> to vector<16xf32>
        %add3A_428 = arith.addf %get3A_423, %get3A_427 : vector<16xf32>
        %max3A_429 = arith.constant 0.000000e+00 : f32
        %max3A_430 = vector.broadcast %max3A_429 : f32 to vector<16xf32>
        %max3A_431 = arith.maximumf %add3A_428, %max3A_430 : vector<16xf32>
        %swap3A_432 = arith.index_cast %add3A_419 : i32 to index
        %swap3A_433 = arith.constant 48 : index
        %swap3A_434 = tpu.vector_load %arg13[%swap3A_432, %swap3A_433] {strides = array<i32>} : memref<80x128xf32, #tpu.memory_space<vmem>>, vector<1x16xf32>,
        %swap3A_435 = vector.shape_cast %swap3A_434 : vector<1x16xf32> to vector<16xf32>
        %swap3A_436 = vector.shape_cast %max3A_431 : vector<16xf32> to vector<1x16xf32>
        tpu.vector_store %arg13[%swap3A_432, %swap3A_433], %swap3A_436 {strides = array<i32>} : memref<80x128xf32, #tpu.memory_space<vmem>>, vector<1x16xf32>,
        %mul3A_437 = arith.constant 2 : i32
        %mul3A_438 = arith.muli %scan3A_187, %mul3A_437 : i32
        %add3A_439 = arith.constant 1 : i32
        %add3A_440 = arith.addi %mul3A_438, %add3A_439 : i32
        %get3A_441 = arith.index_cast %add3A_440 : i32 to index
        %get3A_442 = arith.constant 64 : index
        %get3A_443 = tpu.vector_load %arg13[%get3A_441, %get3A_442] {strides = array<i32>} : memref<80x128xf32, #tpu.memory_space<vmem>>, vector<1x16xf32>,
        %get3A_444 = vector.shape_cast %get3A_443 : vector<1x16xf32> to vector<16xf32>
        %get3A_445 = arith.index_cast %add3A_440 : i32 to index
        %get3A_446 = arith.constant 64 : index
        %get3A_447 = tpu.vector_load %arg15[%get3A_445, %get3A_446] {strides = array<i32>} : memref<80x128xf32, #tpu.memory_space<vmem>>, vector<1x16xf32>,
        %get3A_448 = vector.shape_cast %get3A_447 : vector<1x16xf32> to vector<16xf32>
        %add3A_449 = arith.addf %get3A_444, %get3A_448 : vector<16xf32>
        %max3A_450 = arith.constant 0.000000e+00 : f32
        %max3A_451 = vector.broadcast %max3A_450 : f32 to vector<16xf32>
        %max3A_452 = arith.maximumf %add3A_449, %max3A_451 : vector<16xf32>
        %swap3A_453 = arith.index_cast %add3A_440 : i32 to index
        %swap3A_454 = arith.constant 64 : index
        %swap3A_455 = tpu.vector_load %arg13[%swap3A_453, %swap3A_454] {strides = array<i32>} : memref<80x128xf32, #tpu.memory_space<vmem>>, vector<1x16xf32>,
        %swap3A_456 = vector.shape_cast %swap3A_455 : vector<1x16xf32> to vector<16xf32>
        %swap3A_457 = vector.shape_cast %max3A_452 : vector<16xf32> to vector<1x16xf32>
        tpu.vector_store %arg13[%swap3A_453, %swap3A_454], %swap3A_457 {strides = array<i32>} : memref<80x128xf32, #tpu.memory_space<vmem>>, vector<1x16xf32>,
        %mul3A_458 = arith.constant 2 : i32
        %mul3A_459 = arith.muli %scan3A_187, %mul3A_458 : i32
        %add3A_460 = arith.constant 1 : i32
        %add3A_461 = arith.addi %mul3A_459, %add3A_460 : i32
        %get3A_462 = arith.index_cast %add3A_461 : i32 to index
        %get3A_463 = arith.constant 80 : index
        %get3A_464 = tpu.vector_load %arg13[%get3A_462, %get3A_463] {strides = array<i32>} : memref<80x128xf32, #tpu.memory_space<vmem>>, vector<1x16xf32>,
        %get3A_465 = vector.shape_cast %get3A_464 : vector<1x16xf32> to vector<16xf32>
        %get3A_466 = arith.index_cast %add3A_461 : i32 to index
        %get3A_467 = arith.constant 80 : index
        %get3A_468 = tpu.vector_load %arg15[%get3A_466, %get3A_467] {strides = array<i32>} : memref<80x128xf32, #tpu.memory_space<vmem>>, vector<1x16xf32>,
        %get3A_469 = vector.shape_cast %get3A_468 : vector<1x16xf32> to vector<16xf32>
        %add3A_470 = arith.addf %get3A_465, %get3A_469 : vector<16xf32>
        %max3A_471 = arith.constant 0.000000e+00 : f32
        %max3A_472 = vector.broadcast %max3A_471 : f32 to vector<16xf32>
        %max3A_473 = arith.maximumf %add3A_470, %max3A_472 : vector<16xf32>
        %swap3A_474 = arith.index_cast %add3A_461 : i32 to index
        %swap3A_475 = arith.constant 80 : index
        %swap3A_476 = tpu.vector_load %arg13[%swap3A_474, %swap3A_475] {strides = array<i32>} : memref<80x128xf32, #tpu.memory_space<vmem>>, vector<1x16xf32>,
        %swap3A_477 = vector.shape_cast %swap3A_476 : vector<1x16xf32> to vector<16xf32>
        %swap3A_478 = vector.shape_cast %max3A_473 : vector<16xf32> to vector<1x16xf32>
        tpu.vector_store %arg13[%swap3A_474, %swap3A_475], %swap3A_478 {strides = array<i32>} : memref<80x128xf32, #tpu.memory_space<vmem>>, vector<1x16xf32>,
        %mul3A_479 = arith.constant 2 : i32
        %mul3A_480 = arith.muli %scan3A_187, %mul3A_479 : i32
        %add3A_481 = arith.constant 1 : i32
        %add3A_482 = arith.addi %mul3A_480, %add3A_481 : i32
        %get3A_483 = arith.index_cast %add3A_482 : i32 to index
        %get3A_484 = arith.constant 96 : index
        %get3A_485 = tpu.vector_load %arg13[%get3A_483, %get3A_484] {strides = array<i32>} : memref<80x128xf32, #tpu.memory_space<vmem>>, vector<1x16xf32>,
        %get3A_486 = vector.shape_cast %get3A_485 : vector<1x16xf32> to vector<16xf32>
        %get3A_487 = arith.index_cast %add3A_482 : i32 to index
        %get3A_488 = arith.constant 96 : index
        %get3A_489 = tpu.vector_load %arg15[%get3A_487, %get3A_488] {strides = array<i32>} : memref<80x128xf32, #tpu.memory_space<vmem>>, vector<1x16xf32>,
        %get3A_490 = vector.shape_cast %get3A_489 : vector<1x16xf32> to vector<16xf32>
        %add3A_491 = arith.addf %get3A_486, %get3A_490 : vector<16xf32>
        %max3A_492 = arith.constant 0.000000e+00 : f32
        %max3A_493 = vector.broadcast %max3A_492 : f32 to vector<16xf32>
        %max3A_494 = arith.maximumf %add3A_491, %max3A_493 : vector<16xf32>
        %swap3A_495 = arith.index_cast %add3A_482 : i32 to index
        %swap3A_496 = arith.constant 96 : index
        %swap3A_497 = tpu.vector_load %arg13[%swap3A_495, %swap3A_496] {strides = array<i32>} : memref<80x128xf32, #tpu.memory_space<vmem>>, vector<1x16xf32>,
        %swap3A_498 = vector.shape_cast %swap3A_497 : vector<1x16xf32> to vector<16xf32>
        %swap3A_499 = vector.shape_cast %max3A_494 : vector<16xf32> to vector<1x16xf32>
        tpu.vector_store %arg13[%swap3A_495, %swap3A_496], %swap3A_499 {strides = array<i32>} : memref<80x128xf32, #tpu.memory_space<vmem>>, vector<1x16xf32>,
        %mul3A_500 = arith.constant 2 : i32
        %mul3A_501 = arith.muli %scan3A_187, %mul3A_500 : i32
        %add3A_502 = arith.constant 1 : i32
        %add3A_503 = arith.addi %mul3A_501, %add3A_502 : i32
        %get3A_504 = arith.index_cast %add3A_503 : i32 to index
        %get3A_505 = arith.constant 112 : index
        %get3A_506 = tpu.vector_load %arg13[%get3A_504, %get3A_505] {strides = array<i32>} : memref<80x128xf32, #tpu.memory_space<vmem>>, vector<1x16xf32>,
        %get3A_507 = vector.shape_cast %get3A_506 : vector<1x16xf32> to vector<16xf32>
        %get3A_508 = arith.index_cast %add3A_503 : i32 to index
        %get3A_509 = arith.constant 112 : index
        %get3A_510 = tpu.vector_load %arg15[%get3A_508, %get3A_509] {strides = array<i32>} : memref<80x128xf32, #tpu.memory_space<vmem>>, vector<1x16xf32>,
        %get3A_511 = vector.shape_cast %get3A_510 : vector<1x16xf32> to vector<16xf32>
        %add3A_512 = arith.addf %get3A_507, %get3A_511 : vector<16xf32>
        %max3A_513 = arith.constant 0.000000e+00 : f32
        %max3A_514 = vector.broadcast %max3A_513 : f32 to vector<16xf32>
        %max3A_515 = arith.maximumf %add3A_512, %max3A_514 : vector<16xf32>
        %swap3A_516 = arith.index_cast %add3A_503 : i32 to index
        %swap3A_517 = arith.constant 112 : index
        %swap3A_518 = tpu.vector_load %arg13[%swap3A_516, %swap3A_517] {strides = array<i32>} : memref<80x128xf32, #tpu.memory_space<vmem>>, vector<1x16xf32>,
        %swap3A_519 = vector.shape_cast %swap3A_518 : vector<1x16xf32> to vector<16xf32>
        %swap3A_520 = vector.shape_cast %max3A_515 : vector<16xf32> to vector<1x16xf32>
        tpu.vector_store %arg13[%swap3A_516, %swap3A_517], %swap3A_520 {strides = array<i32>} : memref<80x128xf32, #tpu.memory_space<vmem>>, vector<1x16xf32>,
      }
      %scan3A_148 = arith.constant 40 : i32
      "tpu.region"() ({
        %run_scoped3A = tpu.sem_alloc : memref<!tpu.dma_semaphore, #tpu.memory_space<semaphore_mem>>
        %dma_start3A_187 = arith.constant 0 : i32
        %dma_start3A_188 = arith.constant 0 : i32
        %dma_start3A_189 = tpu.memref_slice %arg8[%dma_start3A_187, %dma_start3A_188] : memref<10000x128xf32, #tpu.memory_space<vmem_shared>> -> memref<10000x128xf32, #tpu.memory_space<vmem_shared>>
        tpu.enqueue_indirect_dma source(%arg13 : memref<80x128xf32, #tpu.memory_space<vmem>>) target(%dma_start3A_189 : memref<10000x128xf32, #tpu.memory_space<vmem_shared>>) offsets(%arg11 : memref<80xi32, #tpu.memory_space<vmem>>) semaphore(%run_scoped3A : memref<!tpu.dma_semaphore, #tpu.memory_space<semaphore_mem>>) {add = true}
        %dma_wait3A_190 = arith.constant 0 : i32
        %dma_wait3A_191 = arith.constant 0 : i32
        %dma_wait3A_192 = tpu.memref_slice %arg8[%dma_wait3A_190, %dma_wait3A_191] : memref<10000x128xf32, #tpu.memory_space<vmem_shared>> -> memref<10000x128xf32, #tpu.memory_space<vmem_shared>>
        tpu.wait_indirect_dma semaphore(%run_scoped3A : memref<!tpu.dma_semaphore, #tpu.memory_space<semaphore_mem>>) src(%arg13 : memref<80x128xf32, #tpu.memory_space<vmem>>) dst(%dma_wait3A_192 : memref<10000x128xf32, #tpu.memory_space<vmem_shared>>)
        tpu.yield
      }) : () -> ()
      %add3A_149 = arith.constant 2 : i32
      %add3A_150 = arith.addi %mul3A_128, %add3A_149 : i32
      %lt3A_151 = arith.constant 125 : i32
      %lt3A_152 = arith.cmpi slt, %add3A_150, %lt3A_151 : i32
      %convert_element_type3A_153 = arith.extui %lt3A_152 : i1 to i32
      %cond3A_154 = arith.constant 0 : i32
      %cond3A_155 = arith.cmpi ne, %convert_element_type3A_153, %cond3A_154 : i32
      scf.if %cond3A_155 {
        %add3A_187 = arith.constant 2 : i32
        %add3A_188 = arith.addi %mul3A_128, %add3A_187 : i32
        %mul3A_189 = arith.constant 80 : i32
        %mul3A_190 = arith.muli %add3A_188, %mul3A_189 : i32
        %add3A_191 = arith.addi %mul3A_6, %mul3A_190 : i32
        %dma_start3A_192 = tpu.memref_slice %arg4[%add3A_191] : memref<320000xi32, #tpu.memory_space<hbm>> -> memref<80xi32, #tpu.memory_space<hbm>>
        %dma_start3A_193 = tpu.memref_slice %arg4[%add3A_191] : memref<320000xi32, #tpu.memory_space<hbm>> -> memref<80xi32, #tpu.memory_space<hbm>>
        tpu.enqueue_dma source(%dma_start3A_193 : memref<80xi32, #tpu.memory_space<hbm>>) target(%arg9 : memref<80xi32, #tpu.memory_space<vmem>>) target_semaphore(%arg17 : memref<!tpu.dma_semaphore, #tpu.memory_space<semaphore_mem>>)
        %mul3A_194 = arith.constant 80 : i32
        %mul3A_195 = arith.muli %add3A_188, %mul3A_194 : i32
        %add3A_196 = arith.addi %mul3A_6, %mul3A_195 : i32
        %dma_start3A_197 = tpu.memref_slice %arg5[%add3A_196] : memref<320000xi32, #tpu.memory_space<hbm>> -> memref<80xi32, #tpu.memory_space<hbm>>
        %dma_start3A_198 = tpu.memref_slice %arg5[%add3A_196] : memref<320000xi32, #tpu.memory_space<hbm>> -> memref<80xi32, #tpu.memory_space<hbm>>
        tpu.enqueue_dma source(%dma_start3A_198 : memref<80xi32, #tpu.memory_space<hbm>>) target(%arg11 : memref<80xi32, #tpu.memory_space<vmem>>) target_semaphore(%arg17 : memref<!tpu.dma_semaphore, #tpu.memory_space<semaphore_mem>>)
      } else {
      }
      %mul3A_156 = arith.constant 2 : i32
      %mul3A_157 = arith.muli %mul3A_156, %scan3A_126 : i32
      %add3A_158 = arith.constant 1 : i32
      %add3A_159 = arith.addi %mul3A_157, %add3A_158 : i32
      %add3A_160 = arith.constant 1 : i32
      %add3A_161 = arith.addi %add3A_159, %add3A_160 : i32
      %lt3A_162 = arith.constant 125 : i32
      %lt3A_163 = arith.cmpi slt, %add3A_161, %lt3A_162 : i32
      %convert_element_type3A_164 = arith.extui %lt3A_163 : i1 to i32
      %cond3A_165 = arith.constant 0 : i32
      %cond3A_166 = arith.cmpi ne, %convert_element_type3A_164, %cond3A_165 : i32
      scf.if %cond3A_166 {
        %add3A_187 = arith.constant 1 : i32
        %add3A_188 = arith.addi %add3A_159, %add3A_187 : i32
        %dma_wait3A_189 = tpu.memref_slice %arg4[%mul3A_6] : memref<320000xi32, #tpu.memory_space<hbm>> -> memref<80xi32, #tpu.memory_space<hbm>>
        %dma_wait3A_190 = tpu.memref_slice %arg4[%mul3A_6] : memref<320000xi32, #tpu.memory_space<hbm>> -> memref<80xi32, #tpu.memory_space<hbm>>
        tpu.wait_dma2 semaphore(%arg17 : memref<!tpu.dma_semaphore, #tpu.memory_space<semaphore_mem>>) src(%dma_wait3A_190 : memref<80xi32, #tpu.memory_space<hbm>>) dst(%arg9 : memref<80xi32, #tpu.memory_space<vmem>>)
        %dma_wait3A_191 = tpu.memref_slice %arg5[%mul3A_6] : memref<320000xi32, #tpu.memory_space<hbm>> -> memref<80xi32, #tpu.memory_space<hbm>>
        %dma_wait3A_192 = tpu.memref_slice %arg5[%mul3A_6] : memref<320000xi32, #tpu.memory_space<hbm>> -> memref<80xi32, #tpu.memory_space<hbm>>
        tpu.wait_dma2 semaphore(%arg17 : memref<!tpu.dma_semaphore, #tpu.memory_space<semaphore_mem>>) src(%dma_wait3A_192 : memref<80xi32, #tpu.memory_space<hbm>>) dst(%arg11 : memref<80xi32, #tpu.memory_space<vmem>>)
        %add3A_193 = arith.constant 1 : i32
        %add3A_194 = arith.addi %add3A_159, %add3A_193 : i32
        %dma_start3A_195 = arith.constant 0 : i32
        %dma_start3A_196 = arith.constant 0 : i32
        %dma_start3A_197 = tpu.memref_slice %arg2[%dma_start3A_195, %dma_start3A_196] : memref<10000x128xf32, #tpu.memory_space<hbm>> -> memref<10000x128xf32, #tpu.memory_space<hbm>>
        tpu.enqueue_indirect_dma source(%dma_start3A_197 : memref<10000x128xf32, #tpu.memory_space<hbm>>) target(%arg13 : memref<80x128xf32, #tpu.memory_space<vmem>>) offsets(%arg9 : memref<80xi32, #tpu.memory_space<vmem>>) semaphore(%arg19 : memref<!tpu.dma_semaphore, #tpu.memory_space<semaphore_mem>>)
        %mul3A_198 = arith.constant 80 : i32
        %mul3A_199 = arith.muli %add3A_194, %mul3A_198 : i32
        %add3A_200 = arith.addi %mul3A_6, %mul3A_199 : i32
        %dma_start3A_201 = arith.constant 0 : i32
        %dma_start3A_202 = tpu.memref_slice %arg3[%add3A_200, %dma_start3A_201] : memref<320000x128xf32, #tpu.memory_space<hbm>> -> memref<80x128xf32, #tpu.memory_space<hbm>>
        %dma_start3A_203 = arith.constant 0 : i32
        %dma_start3A_204 = tpu.memref_slice %arg3[%add3A_200, %dma_start3A_203] : memref<320000x128xf32, #tpu.memory_space<hbm>> -> memref<80x128xf32, #tpu.memory_space<hbm>>
        tpu.enqueue_dma source(%dma_start3A_204 : memref<80x128xf32, #tpu.memory_space<hbm>>) target(%arg15 : memref<80x128xf32, #tpu.memory_space<vmem>>) target_semaphore(%arg21 : memref<!tpu.dma_semaphore, #tpu.memory_space<semaphore_mem>>)
      } else {
      }
      %dma_wait3A_167 = arith.constant 0 : i32
      %dma_wait3A_168 = arith.constant 0 : i32
      %dma_wait3A_169 = tpu.memref_slice %arg2[%dma_wait3A_167, %dma_wait3A_168] : memref<10000x128xf32, #tpu.memory_space<hbm>> -> memref<10000x128xf32, #tpu.memory_space<hbm>>
      tpu.wait_indirect_dma semaphore(%arg20 : memref<!tpu.dma_semaphore, #tpu.memory_space<semaphore_mem>>) src(%dma_wait3A_169 : memref<10000x128xf32, #tpu.memory_space<hbm>>) dst(%arg14 : memref<80x128xf32, #tpu.memory_space<vmem>>)
      %dma_wait3A_170 = arith.constant 0 : i32
      %dma_wait3A_171 = tpu.memref_slice %arg3[%mul3A_6, %dma_wait3A_170] : memref<320000x128xf32, #tpu.memory_space<hbm>> -> memref<80x128xf32, #tpu.memory_space<hbm>>
      %dma_wait3A_172 = arith.constant 0 : i32
      %dma_wait3A_173 = tpu.memref_slice %arg3[%mul3A_6, %dma_wait3A_172] : memref<320000x128xf32, #tpu.memory_space<hbm>> -> memref<80x128xf32, #tpu.memory_space<hbm>>
      tpu.wait_dma2 semaphore(%arg22 : memref<!tpu.dma_semaphore, #tpu.memory_space<semaphore_mem>>) src(%dma_wait3A_173 : memref<80x128xf32, #tpu.memory_space<hbm>>) dst(%arg16 : memref<80x128xf32, #tpu.memory_space<vmem>>)
      %scan3A_174 = arith.constant 0 : i32
      %scan3A_175 = arith.constant 0 : i32
      %scan3A_176 = arith.constant 40 : i32
      %scan3A_177 = arith.addi %scan3A_175, %scan3A_176 : i32
      %scan3A_178 = arith.constant 1 : i32
      scf.for %scan3A_187 = %scan3A_175 to %scan3A_177 step %scan3A_178  : i32 {
        %mul3A_188 = arith.constant 2 : i32
        %mul3A_189 = arith.muli %scan3A_187, %mul3A_188 : i32
        %add3A_190 = arith.constant 0 : i32
        %add3A_191 = arith.addi %mul3A_189, %add3A_190 : i32
        %get3A = arith.index_cast %add3A_191 : i32 to index
        %get3A_192 = arith.constant 0 : index
        %get3A_193 = tpu.vector_load %arg14[%get3A, %get3A_192] {strides = array<i32>} : memref<80x128xf32, #tpu.memory_space<vmem>>, vector<1x16xf32>,
        %get3A_194 = vector.shape_cast %get3A_193 : vector<1x16xf32> to vector<16xf32>
        %get3A_195 = arith.index_cast %add3A_191 : i32 to index
        %get3A_196 = arith.constant 0 : index
        %get3A_197 = tpu.vector_load %arg16[%get3A_195, %get3A_196] {strides = array<i32>} : memref<80x128xf32, #tpu.memory_space<vmem>>, vector<1x16xf32>,
        %get3A_198 = vector.shape_cast %get3A_197 : vector<1x16xf32> to vector<16xf32>
        %add3A_199 = arith.addf %get3A_194, %get3A_198 : vector<16xf32>
        %max3A = arith.constant 0.000000e+00 : f32
        %max3A_200 = vector.broadcast %max3A : f32 to vector<16xf32>
        %max3A_201 = arith.maximumf %add3A_199, %max3A_200 : vector<16xf32>
        %swap3A = arith.index_cast %add3A_191 : i32 to index
        %swap3A_202 = arith.constant 0 : index
        %swap3A_203 = tpu.vector_load %arg14[%swap3A, %swap3A_202] {strides = array<i32>} : memref<80x128xf32, #tpu.memory_space<vmem>>, vector<1x16xf32>,
        %swap3A_204 = vector.shape_cast %swap3A_203 : vector<1x16xf32> to vector<16xf32>
        %swap3A_205 = vector.shape_cast %max3A_201 : vector<16xf32> to vector<1x16xf32>
        tpu.vector_store %arg14[%swap3A, %swap3A_202], %swap3A_205 {strides = array<i32>} : memref<80x128xf32, #tpu.memory_space<vmem>>, vector<1x16xf32>,
        %mul3A_206 = arith.constant 2 : i32
        %mul3A_207 = arith.muli %scan3A_187, %mul3A_206 : i32
        %add3A_208 = arith.constant 0 : i32
        %add3A_209 = arith.addi %mul3A_207, %add3A_208 : i32
        %get3A_210 = arith.index_cast %add3A_209 : i32 to index
        %get3A_211 = arith.constant 16 : index
        %get3A_212 = tpu.vector_load %arg14[%get3A_210, %get3A_211] {strides = array<i32>} : memref<80x128xf32, #tpu.memory_space<vmem>>, vector<1x16xf32>,
        %get3A_213 = vector.shape_cast %get3A_212 : vector<1x16xf32> to vector<16xf32>
        %get3A_214 = arith.index_cast %add3A_209 : i32 to index
        %get3A_215 = arith.constant 16 : index
        %get3A_216 = tpu.vector_load %arg16[%get3A_214, %get3A_215] {strides = array<i32>} : memref<80x128xf32, #tpu.memory_space<vmem>>, vector<1x16xf32>,
        %get3A_217 = vector.shape_cast %get3A_216 : vector<1x16xf32> to vector<16xf32>
        %add3A_218 = arith.addf %get3A_213, %get3A_217 : vector<16xf32>
        %max3A_219 = arith.constant 0.000000e+00 : f32
        %max3A_220 = vector.broadcast %max3A_219 : f32 to vector<16xf32>
        %max3A_221 = arith.maximumf %add3A_218, %max3A_220 : vector<16xf32>
        %swap3A_222 = arith.index_cast %add3A_209 : i32 to index
        %swap3A_223 = arith.constant 16 : index
        %swap3A_224 = tpu.vector_load %arg14[%swap3A_222, %swap3A_223] {strides = array<i32>} : memref<80x128xf32, #tpu.memory_space<vmem>>, vector<1x16xf32>,
        %swap3A_225 = vector.shape_cast %swap3A_224 : vector<1x16xf32> to vector<16xf32>
        %swap3A_226 = vector.shape_cast %max3A_221 : vector<16xf32> to vector<1x16xf32>
        tpu.vector_store %arg14[%swap3A_222, %swap3A_223], %swap3A_226 {strides = array<i32>} : memref<80x128xf32, #tpu.memory_space<vmem>>, vector<1x16xf32>,
        %mul3A_227 = arith.constant 2 : i32
        %mul3A_228 = arith.muli %scan3A_187, %mul3A_227 : i32
        %add3A_229 = arith.constant 0 : i32
        %add3A_230 = arith.addi %mul3A_228, %add3A_229 : i32
        %get3A_231 = arith.index_cast %add3A_230 : i32 to index
        %get3A_232 = arith.constant 32 : index
        %get3A_233 = tpu.vector_load %arg14[%get3A_231, %get3A_232] {strides = array<i32>} : memref<80x128xf32, #tpu.memory_space<vmem>>, vector<1x16xf32>,
        %get3A_234 = vector.shape_cast %get3A_233 : vector<1x16xf32> to vector<16xf32>
        %get3A_235 = arith.index_cast %add3A_230 : i32 to index
        %get3A_236 = arith.constant 32 : index
        %get3A_237 = tpu.vector_load %arg16[%get3A_235, %get3A_236] {strides = array<i32>} : memref<80x128xf32, #tpu.memory_space<vmem>>, vector<1x16xf32>,
        %get3A_238 = vector.shape_cast %get3A_237 : vector<1x16xf32> to vector<16xf32>
        %add3A_239 = arith.addf %get3A_234, %get3A_238 : vector<16xf32>
        %max3A_240 = arith.constant 0.000000e+00 : f32
        %max3A_241 = vector.broadcast %max3A_240 : f32 to vector<16xf32>
        %max3A_242 = arith.maximumf %add3A_239, %max3A_241 : vector<16xf32>
        %swap3A_243 = arith.index_cast %add3A_230 : i32 to index
        %swap3A_244 = arith.constant 32 : index
        %swap3A_245 = tpu.vector_load %arg14[%swap3A_243, %swap3A_244] {strides = array<i32>} : memref<80x128xf32, #tpu.memory_space<vmem>>, vector<1x16xf32>,
        %swap3A_246 = vector.shape_cast %swap3A_245 : vector<1x16xf32> to vector<16xf32>
        %swap3A_247 = vector.shape_cast %max3A_242 : vector<16xf32> to vector<1x16xf32>
        tpu.vector_store %arg14[%swap3A_243, %swap3A_244], %swap3A_247 {strides = array<i32>} : memref<80x128xf32, #tpu.memory_space<vmem>>, vector<1x16xf32>,
        %mul3A_248 = arith.constant 2 : i32
        %mul3A_249 = arith.muli %scan3A_187, %mul3A_248 : i32
        %add3A_250 = arith.constant 0 : i32
        %add3A_251 = arith.addi %mul3A_249, %add3A_250 : i32
        %get3A_252 = arith.index_cast %add3A_251 : i32 to index
        %get3A_253 = arith.constant 48 : index
        %get3A_254 = tpu.vector_load %arg14[%get3A_252, %get3A_253] {strides = array<i32>} : memref<80x128xf32, #tpu.memory_space<vmem>>, vector<1x16xf32>,
        %get3A_255 = vector.shape_cast %get3A_254 : vector<1x16xf32> to vector<16xf32>
        %get3A_256 = arith.index_cast %add3A_251 : i32 to index
        %get3A_257 = arith.constant 48 : index
        %get3A_258 = tpu.vector_load %arg16[%get3A_256, %get3A_257] {strides = array<i32>} : memref<80x128xf32, #tpu.memory_space<vmem>>, vector<1x16xf32>,
        %get3A_259 = vector.shape_cast %get3A_258 : vector<1x16xf32> to vector<16xf32>
        %add3A_260 = arith.addf %get3A_255, %get3A_259 : vector<16xf32>
        %max3A_261 = arith.constant 0.000000e+00 : f32
        %max3A_262 = vector.broadcast %max3A_261 : f32 to vector<16xf32>
        %max3A_263 = arith.maximumf %add3A_260, %max3A_262 : vector<16xf32>
        %swap3A_264 = arith.index_cast %add3A_251 : i32 to index
        %swap3A_265 = arith.constant 48 : index
        %swap3A_266 = tpu.vector_load %arg14[%swap3A_264, %swap3A_265] {strides = array<i32>} : memref<80x128xf32, #tpu.memory_space<vmem>>, vector<1x16xf32>,
        %swap3A_267 = vector.shape_cast %swap3A_266 : vector<1x16xf32> to vector<16xf32>
        %swap3A_268 = vector.shape_cast %max3A_263 : vector<16xf32> to vector<1x16xf32>
        tpu.vector_store %arg14[%swap3A_264, %swap3A_265], %swap3A_268 {strides = array<i32>} : memref<80x128xf32, #tpu.memory_space<vmem>>, vector<1x16xf32>,
        %mul3A_269 = arith.constant 2 : i32
        %mul3A_270 = arith.muli %scan3A_187, %mul3A_269 : i32
        %add3A_271 = arith.constant 0 : i32
        %add3A_272 = arith.addi %mul3A_270, %add3A_271 : i32
        %get3A_273 = arith.index_cast %add3A_272 : i32 to index
        %get3A_274 = arith.constant 64 : index
        %get3A_275 = tpu.vector_load %arg14[%get3A_273, %get3A_274] {strides = array<i32>} : memref<80x128xf32, #tpu.memory_space<vmem>>, vector<1x16xf32>,
        %get3A_276 = vector.shape_cast %get3A_275 : vector<1x16xf32> to vector<16xf32>
        %get3A_277 = arith.index_cast %add3A_272 : i32 to index
        %get3A_278 = arith.constant 64 : index
        %get3A_279 = tpu.vector_load %arg16[%get3A_277, %get3A_278] {strides = array<i32>} : memref<80x128xf32, #tpu.memory_space<vmem>>, vector<1x16xf32>,
        %get3A_280 = vector.shape_cast %get3A_279 : vector<1x16xf32> to vector<16xf32>
        %add3A_281 = arith.addf %get3A_276, %get3A_280 : vector<16xf32>
        %max3A_282 = arith.constant 0.000000e+00 : f32
        %max3A_283 = vector.broadcast %max3A_282 : f32 to vector<16xf32>
        %max3A_284 = arith.maximumf %add3A_281, %max3A_283 : vector<16xf32>
        %swap3A_285 = arith.index_cast %add3A_272 : i32 to index
        %swap3A_286 = arith.constant 64 : index
        %swap3A_287 = tpu.vector_load %arg14[%swap3A_285, %swap3A_286] {strides = array<i32>} : memref<80x128xf32, #tpu.memory_space<vmem>>, vector<1x16xf32>,
        %swap3A_288 = vector.shape_cast %swap3A_287 : vector<1x16xf32> to vector<16xf32>
        %swap3A_289 = vector.shape_cast %max3A_284 : vector<16xf32> to vector<1x16xf32>
        tpu.vector_store %arg14[%swap3A_285, %swap3A_286], %swap3A_289 {strides = array<i32>} : memref<80x128xf32, #tpu.memory_space<vmem>>, vector<1x16xf32>,
        %mul3A_290 = arith.constant 2 : i32
        %mul3A_291 = arith.muli %scan3A_187, %mul3A_290 : i32
        %add3A_292 = arith.constant 0 : i32
        %add3A_293 = arith.addi %mul3A_291, %add3A_292 : i32
        %get3A_294 = arith.index_cast %add3A_293 : i32 to index
        %get3A_295 = arith.constant 80 : index
        %get3A_296 = tpu.vector_load %arg14[%get3A_294, %get3A_295] {strides = array<i32>} : memref<80x128xf32, #tpu.memory_space<vmem>>, vector<1x16xf32>,
        %get3A_297 = vector.shape_cast %get3A_296 : vector<1x16xf32> to vector<16xf32>
        %get3A_298 = arith.index_cast %add3A_293 : i32 to index
        %get3A_299 = arith.constant 80 : index
        %get3A_300 = tpu.vector_load %arg16[%get3A_298, %get3A_299] {strides = array<i32>} : memref<80x128xf32, #tpu.memory_space<vmem>>, vector<1x16xf32>,
        %get3A_301 = vector.shape_cast %get3A_300 : vector<1x16xf32> to vector<16xf32>
        %add3A_302 = arith.addf %get3A_297, %get3A_301 : vector<16xf32>
        %max3A_303 = arith.constant 0.000000e+00 : f32
        %max3A_304 = vector.broadcast %max3A_303 : f32 to vector<16xf32>
        %max3A_305 = arith.maximumf %add3A_302, %max3A_304 : vector<16xf32>
        %swap3A_306 = arith.index_cast %add3A_293 : i32 to index
        %swap3A_307 = arith.constant 80 : index
        %swap3A_308 = tpu.vector_load %arg14[%swap3A_306, %swap3A_307] {strides = array<i32>} : memref<80x128xf32, #tpu.memory_space<vmem>>, vector<1x16xf32>,
        %swap3A_309 = vector.shape_cast %swap3A_308 : vector<1x16xf32> to vector<16xf32>
        %swap3A_310 = vector.shape_cast %max3A_305 : vector<16xf32> to vector<1x16xf32>
        tpu.vector_store %arg14[%swap3A_306, %swap3A_307], %swap3A_310 {strides = array<i32>} : memref<80x128xf32, #tpu.memory_space<vmem>>, vector<1x16xf32>,
        %mul3A_311 = arith.constant 2 : i32
        %mul3A_312 = arith.muli %scan3A_187, %mul3A_311 : i32
        %add3A_313 = arith.constant 0 : i32
        %add3A_314 = arith.addi %mul3A_312, %add3A_313 : i32
        %get3A_315 = arith.index_cast %add3A_314 : i32 to index
        %get3A_316 = arith.constant 96 : index
        %get3A_317 = tpu.vector_load %arg14[%get3A_315, %get3A_316] {strides = array<i32>} : memref<80x128xf32, #tpu.memory_space<vmem>>, vector<1x16xf32>,
        %get3A_318 = vector.shape_cast %get3A_317 : vector<1x16xf32> to vector<16xf32>
        %get3A_319 = arith.index_cast %add3A_314 : i32 to index
        %get3A_320 = arith.constant 96 : index
        %get3A_321 = tpu.vector_load %arg16[%get3A_319, %get3A_320] {strides = array<i32>} : memref<80x128xf32, #tpu.memory_space<vmem>>, vector<1x16xf32>,
        %get3A_322 = vector.shape_cast %get3A_321 : vector<1x16xf32> to vector<16xf32>
        %add3A_323 = arith.addf %get3A_318, %get3A_322 : vector<16xf32>
        %max3A_324 = arith.constant 0.000000e+00 : f32
        %max3A_325 = vector.broadcast %max3A_324 : f32 to vector<16xf32>
        %max3A_326 = arith.maximumf %add3A_323, %max3A_325 : vector<16xf32>
        %swap3A_327 = arith.index_cast %add3A_314 : i32 to index
        %swap3A_328 = arith.constant 96 : index
        %swap3A_329 = tpu.vector_load %arg14[%swap3A_327, %swap3A_328] {strides = array<i32>} : memref<80x128xf32, #tpu.memory_space<vmem>>, vector<1x16xf32>,
        %swap3A_330 = vector.shape_cast %swap3A_329 : vector<1x16xf32> to vector<16xf32>
        %swap3A_331 = vector.shape_cast %max3A_326 : vector<16xf32> to vector<1x16xf32>
        tpu.vector_store %arg14[%swap3A_327, %swap3A_328], %swap3A_331 {strides = array<i32>} : memref<80x128xf32, #tpu.memory_space<vmem>>, vector<1x16xf32>,
        %mul3A_332 = arith.constant 2 : i32
        %mul3A_333 = arith.muli %scan3A_187, %mul3A_332 : i32
        %add3A_334 = arith.constant 0 : i32
        %add3A_335 = arith.addi %mul3A_333, %add3A_334 : i32
        %get3A_336 = arith.index_cast %add3A_335 : i32 to index
        %get3A_337 = arith.constant 112 : index
        %get3A_338 = tpu.vector_load %arg14[%get3A_336, %get3A_337] {strides = array<i32>} : memref<80x128xf32, #tpu.memory_space<vmem>>, vector<1x16xf32>,
        %get3A_339 = vector.shape_cast %get3A_338 : vector<1x16xf32> to vector<16xf32>
        %get3A_340 = arith.index_cast %add3A_335 : i32 to index
        %get3A_341 = arith.constant 112 : index
        %get3A_342 = tpu.vector_load %arg16[%get3A_340, %get3A_341] {strides = array<i32>} : memref<80x128xf32, #tpu.memory_space<vmem>>, vector<1x16xf32>,
        %get3A_343 = vector.shape_cast %get3A_342 : vector<1x16xf32> to vector<16xf32>
        %add3A_344 = arith.addf %get3A_339, %get3A_343 : vector<16xf32>
        %max3A_345 = arith.constant 0.000000e+00 : f32
        %max3A_346 = vector.broadcast %max3A_345 : f32 to vector<16xf32>
        %max3A_347 = arith.maximumf %add3A_344, %max3A_346 : vector<16xf32>
        %swap3A_348 = arith.index_cast %add3A_335 : i32 to index
        %swap3A_349 = arith.constant 112 : index
        %swap3A_350 = tpu.vector_load %arg14[%swap3A_348, %swap3A_349] {strides = array<i32>} : memref<80x128xf32, #tpu.memory_space<vmem>>, vector<1x16xf32>,
        %swap3A_351 = vector.shape_cast %swap3A_350 : vector<1x16xf32> to vector<16xf32>
        %swap3A_352 = vector.shape_cast %max3A_347 : vector<16xf32> to vector<1x16xf32>
        tpu.vector_store %arg14[%swap3A_348, %swap3A_349], %swap3A_352 {strides = array<i32>} : memref<80x128xf32, #tpu.memory_space<vmem>>, vector<1x16xf32>,
        %mul3A_353 = arith.constant 2 : i32
        %mul3A_354 = arith.muli %scan3A_187, %mul3A_353 : i32
        %add3A_355 = arith.constant 1 : i32
        %add3A_356 = arith.addi %mul3A_354, %add3A_355 : i32
        %get3A_357 = arith.index_cast %add3A_356 : i32 to index
        %get3A_358 = arith.constant 0 : index
        %get3A_359 = tpu.vector_load %arg14[%get3A_357, %get3A_358] {strides = array<i32>} : memref<80x128xf32, #tpu.memory_space<vmem>>, vector<1x16xf32>,
        %get3A_360 = vector.shape_cast %get3A_359 : vector<1x16xf32> to vector<16xf32>
        %get3A_361 = arith.index_cast %add3A_356 : i32 to index
        %get3A_362 = arith.constant 0 : index
        %get3A_363 = tpu.vector_load %arg16[%get3A_361, %get3A_362] {strides = array<i32>} : memref<80x128xf32, #tpu.memory_space<vmem>>, vector<1x16xf32>,
        %get3A_364 = vector.shape_cast %get3A_363 : vector<1x16xf32> to vector<16xf32>
        %add3A_365 = arith.addf %get3A_360, %get3A_364 : vector<16xf32>
        %max3A_366 = arith.constant 0.000000e+00 : f32
        %max3A_367 = vector.broadcast %max3A_366 : f32 to vector<16xf32>
        %max3A_368 = arith.maximumf %add3A_365, %max3A_367 : vector<16xf32>
        %swap3A_369 = arith.index_cast %add3A_356 : i32 to index
        %swap3A_370 = arith.constant 0 : index
        %swap3A_371 = tpu.vector_load %arg14[%swap3A_369, %swap3A_370] {strides = array<i32>} : memref<80x128xf32, #tpu.memory_space<vmem>>, vector<1x16xf32>,
        %swap3A_372 = vector.shape_cast %swap3A_371 : vector<1x16xf32> to vector<16xf32>
        %swap3A_373 = vector.shape_cast %max3A_368 : vector<16xf32> to vector<1x16xf32>
        tpu.vector_store %arg14[%swap3A_369, %swap3A_370], %swap3A_373 {strides = array<i32>} : memref<80x128xf32, #tpu.memory_space<vmem>>, vector<1x16xf32>,
        %mul3A_374 = arith.constant 2 : i32
        %mul3A_375 = arith.muli %scan3A_187, %mul3A_374 : i32
        %add3A_376 = arith.constant 1 : i32
        %add3A_377 = arith.addi %mul3A_375, %add3A_376 : i32
        %get3A_378 = arith.index_cast %add3A_377 : i32 to index
        %get3A_379 = arith.constant 16 : index
        %get3A_380 = tpu.vector_load %arg14[%get3A_378, %get3A_379] {strides = array<i32>} : memref<80x128xf32, #tpu.memory_space<vmem>>, vector<1x16xf32>,
        %get3A_381 = vector.shape_cast %get3A_380 : vector<1x16xf32> to vector<16xf32>
        %get3A_382 = arith.index_cast %add3A_377 : i32 to index
        %get3A_383 = arith.constant 16 : index
        %get3A_384 = tpu.vector_load %arg16[%get3A_382, %get3A_383] {strides = array<i32>} : memref<80x128xf32, #tpu.memory_space<vmem>>, vector<1x16xf32>,
        %get3A_385 = vector.shape_cast %get3A_384 : vector<1x16xf32> to vector<16xf32>
        %add3A_386 = arith.addf %get3A_381, %get3A_385 : vector<16xf32>
        %max3A_387 = arith.constant 0.000000e+00 : f32
        %max3A_388 = vector.broadcast %max3A_387 : f32 to vector<16xf32>
        %max3A_389 = arith.maximumf %add3A_386, %max3A_388 : vector<16xf32>
        %swap3A_390 = arith.index_cast %add3A_377 : i32 to index
        %swap3A_391 = arith.constant 16 : index
        %swap3A_392 = tpu.vector_load %arg14[%swap3A_390, %swap3A_391] {strides = array<i32>} : memref<80x128xf32, #tpu.memory_space<vmem>>, vector<1x16xf32>,
        %swap3A_393 = vector.shape_cast %swap3A_392 : vector<1x16xf32> to vector<16xf32>
        %swap3A_394 = vector.shape_cast %max3A_389 : vector<16xf32> to vector<1x16xf32>
        tpu.vector_store %arg14[%swap3A_390, %swap3A_391], %swap3A_394 {strides = array<i32>} : memref<80x128xf32, #tpu.memory_space<vmem>>, vector<1x16xf32>,
        %mul3A_395 = arith.constant 2 : i32
        %mul3A_396 = arith.muli %scan3A_187, %mul3A_395 : i32
        %add3A_397 = arith.constant 1 : i32
        %add3A_398 = arith.addi %mul3A_396, %add3A_397 : i32
        %get3A_399 = arith.index_cast %add3A_398 : i32 to index
        %get3A_400 = arith.constant 32 : index
        %get3A_401 = tpu.vector_load %arg14[%get3A_399, %get3A_400] {strides = array<i32>} : memref<80x128xf32, #tpu.memory_space<vmem>>, vector<1x16xf32>,
        %get3A_402 = vector.shape_cast %get3A_401 : vector<1x16xf32> to vector<16xf32>
        %get3A_403 = arith.index_cast %add3A_398 : i32 to index
        %get3A_404 = arith.constant 32 : index
        %get3A_405 = tpu.vector_load %arg16[%get3A_403, %get3A_404] {strides = array<i32>} : memref<80x128xf32, #tpu.memory_space<vmem>>, vector<1x16xf32>,
        %get3A_406 = vector.shape_cast %get3A_405 : vector<1x16xf32> to vector<16xf32>
        %add3A_407 = arith.addf %get3A_402, %get3A_406 : vector<16xf32>
        %max3A_408 = arith.constant 0.000000e+00 : f32
        %max3A_409 = vector.broadcast %max3A_408 : f32 to vector<16xf32>
        %max3A_410 = arith.maximumf %add3A_407, %max3A_409 : vector<16xf32>
        %swap3A_411 = arith.index_cast %add3A_398 : i32 to index
        %swap3A_412 = arith.constant 32 : index
        %swap3A_413 = tpu.vector_load %arg14[%swap3A_411, %swap3A_412] {strides = array<i32>} : memref<80x128xf32, #tpu.memory_space<vmem>>, vector<1x16xf32>,
        %swap3A_414 = vector.shape_cast %swap3A_413 : vector<1x16xf32> to vector<16xf32>
        %swap3A_415 = vector.shape_cast %max3A_410 : vector<16xf32> to vector<1x16xf32>
        tpu.vector_store %arg14[%swap3A_411, %swap3A_412], %swap3A_415 {strides = array<i32>} : memref<80x128xf32, #tpu.memory_space<vmem>>, vector<1x16xf32>,
        %mul3A_416 = arith.constant 2 : i32
        %mul3A_417 = arith.muli %scan3A_187, %mul3A_416 : i32
        %add3A_418 = arith.constant 1 : i32
        %add3A_419 = arith.addi %mul3A_417, %add3A_418 : i32
        %get3A_420 = arith.index_cast %add3A_419 : i32 to index
        %get3A_421 = arith.constant 48 : index
        %get3A_422 = tpu.vector_load %arg14[%get3A_420, %get3A_421] {strides = array<i32>} : memref<80x128xf32, #tpu.memory_space<vmem>>, vector<1x16xf32>,
        %get3A_423 = vector.shape_cast %get3A_422 : vector<1x16xf32> to vector<16xf32>
        %get3A_424 = arith.index_cast %add3A_419 : i32 to index
        %get3A_425 = arith.constant 48 : index
        %get3A_426 = tpu.vector_load %arg16[%get3A_424, %get3A_425] {strides = array<i32>} : memref<80x128xf32, #tpu.memory_space<vmem>>, vector<1x16xf32>,
        %get3A_427 = vector.shape_cast %get3A_426 : vector<1x16xf32> to vector<16xf32>
        %add3A_428 = arith.addf %get3A_423, %get3A_427 : vector<16xf32>
        %max3A_429 = arith.constant 0.000000e+00 : f32
        %max3A_430 = vector.broadcast %max3A_429 : f32 to vector<16xf32>
        %max3A_431 = arith.maximumf %add3A_428, %max3A_430 : vector<16xf32>
        %swap3A_432 = arith.index_cast %add3A_419 : i32 to index
        %swap3A_433 = arith.constant 48 : index
        %swap3A_434 = tpu.vector_load %arg14[%swap3A_432, %swap3A_433] {strides = array<i32>} : memref<80x128xf32, #tpu.memory_space<vmem>>, vector<1x16xf32>,
        %swap3A_435 = vector.shape_cast %swap3A_434 : vector<1x16xf32> to vector<16xf32>
        %swap3A_436 = vector.shape_cast %max3A_431 : vector<16xf32> to vector<1x16xf32>
        tpu.vector_store %arg14[%swap3A_432, %swap3A_433], %swap3A_436 {strides = array<i32>} : memref<80x128xf32, #tpu.memory_space<vmem>>, vector<1x16xf32>,
        %mul3A_437 = arith.constant 2 : i32
        %mul3A_438 = arith.muli %scan3A_187, %mul3A_437 : i32
        %add3A_439 = arith.constant 1 : i32
        %add3A_440 = arith.addi %mul3A_438, %add3A_439 : i32
        %get3A_441 = arith.index_cast %add3A_440 : i32 to index
        %get3A_442 = arith.constant 64 : index
        %get3A_443 = tpu.vector_load %arg14[%get3A_441, %get3A_442] {strides = array<i32>} : memref<80x128xf32, #tpu.memory_space<vmem>>, vector<1x16xf32>,
        %get3A_444 = vector.shape_cast %get3A_443 : vector<1x16xf32> to vector<16xf32>
        %get3A_445 = arith.index_cast %add3A_440 : i32 to index
        %get3A_446 = arith.constant 64 : index
        %get3A_447 = tpu.vector_load %arg16[%get3A_445, %get3A_446] {strides = array<i32>} : memref<80x128xf32, #tpu.memory_space<vmem>>, vector<1x16xf32>,
        %get3A_448 = vector.shape_cast %get3A_447 : vector<1x16xf32> to vector<16xf32>
        %add3A_449 = arith.addf %get3A_444, %get3A_448 : vector<16xf32>
        %max3A_450 = arith.constant 0.000000e+00 : f32
        %max3A_451 = vector.broadcast %max3A_450 : f32 to vector<16xf32>
        %max3A_452 = arith.maximumf %add3A_449, %max3A_451 : vector<16xf32>
        %swap3A_453 = arith.index_cast %add3A_440 : i32 to index
        %swap3A_454 = arith.constant 64 : index
        %swap3A_455 = tpu.vector_load %arg14[%swap3A_453, %swap3A_454] {strides = array<i32>} : memref<80x128xf32, #tpu.memory_space<vmem>>, vector<1x16xf32>,
        %swap3A_456 = vector.shape_cast %swap3A_455 : vector<1x16xf32> to vector<16xf32>
        %swap3A_457 = vector.shape_cast %max3A_452 : vector<16xf32> to vector<1x16xf32>
        tpu.vector_store %arg14[%swap3A_453, %swap3A_454], %swap3A_457 {strides = array<i32>} : memref<80x128xf32, #tpu.memory_space<vmem>>, vector<1x16xf32>,
        %mul3A_458 = arith.constant 2 : i32
        %mul3A_459 = arith.muli %scan3A_187, %mul3A_458 : i32
        %add3A_460 = arith.constant 1 : i32
        %add3A_461 = arith.addi %mul3A_459, %add3A_460 : i32
        %get3A_462 = arith.index_cast %add3A_461 : i32 to index
        %get3A_463 = arith.constant 80 : index
        %get3A_464 = tpu.vector_load %arg14[%get3A_462, %get3A_463] {strides = array<i32>} : memref<80x128xf32, #tpu.memory_space<vmem>>, vector<1x16xf32>,
        %get3A_465 = vector.shape_cast %get3A_464 : vector<1x16xf32> to vector<16xf32>
        %get3A_466 = arith.index_cast %add3A_461 : i32 to index
        %get3A_467 = arith.constant 80 : index
        %get3A_468 = tpu.vector_load %arg16[%get3A_466, %get3A_467] {strides = array<i32>} : memref<80x128xf32, #tpu.memory_space<vmem>>, vector<1x16xf32>,
        %get3A_469 = vector.shape_cast %get3A_468 : vector<1x16xf32> to vector<16xf32>
        %add3A_470 = arith.addf %get3A_465, %get3A_469 : vector<16xf32>
        %max3A_471 = arith.constant 0.000000e+00 : f32
        %max3A_472 = vector.broadcast %max3A_471 : f32 to vector<16xf32>
        %max3A_473 = arith.maximumf %add3A_470, %max3A_472 : vector<16xf32>
        %swap3A_474 = arith.index_cast %add3A_461 : i32 to index
        %swap3A_475 = arith.constant 80 : index
        %swap3A_476 = tpu.vector_load %arg14[%swap3A_474, %swap3A_475] {strides = array<i32>} : memref<80x128xf32, #tpu.memory_space<vmem>>, vector<1x16xf32>,
        %swap3A_477 = vector.shape_cast %swap3A_476 : vector<1x16xf32> to vector<16xf32>
        %swap3A_478 = vector.shape_cast %max3A_473 : vector<16xf32> to vector<1x16xf32>
        tpu.vector_store %arg14[%swap3A_474, %swap3A_475], %swap3A_478 {strides = array<i32>} : memref<80x128xf32, #tpu.memory_space<vmem>>, vector<1x16xf32>,
        %mul3A_479 = arith.constant 2 : i32
        %mul3A_480 = arith.muli %scan3A_187, %mul3A_479 : i32
        %add3A_481 = arith.constant 1 : i32
        %add3A_482 = arith.addi %mul3A_480, %add3A_481 : i32
        %get3A_483 = arith.index_cast %add3A_482 : i32 to index
        %get3A_484 = arith.constant 96 : index
        %get3A_485 = tpu.vector_load %arg14[%get3A_483, %get3A_484] {strides = array<i32>} : memref<80x128xf32, #tpu.memory_space<vmem>>, vector<1x16xf32>,
        %get3A_486 = vector.shape_cast %get3A_485 : vector<1x16xf32> to vector<16xf32>
        %get3A_487 = arith.index_cast %add3A_482 : i32 to index
        %get3A_488 = arith.constant 96 : index
        %get3A_489 = tpu.vector_load %arg16[%get3A_487, %get3A_488] {strides = array<i32>} : memref<80x128xf32, #tpu.memory_space<vmem>>, vector<1x16xf32>,
        %get3A_490 = vector.shape_cast %get3A_489 : vector<1x16xf32> to vector<16xf32>
        %add3A_491 = arith.addf %get3A_486, %get3A_490 : vector<16xf32>
        %max3A_492 = arith.constant 0.000000e+00 : f32
        %max3A_493 = vector.broadcast %max3A_492 : f32 to vector<16xf32>
        %max3A_494 = arith.maximumf %add3A_491, %max3A_493 : vector<16xf32>
        %swap3A_495 = arith.index_cast %add3A_482 : i32 to index
        %swap3A_496 = arith.constant 96 : index
        %swap3A_497 = tpu.vector_load %arg14[%swap3A_495, %swap3A_496] {strides = array<i32>} : memref<80x128xf32, #tpu.memory_space<vmem>>, vector<1x16xf32>,
        %swap3A_498 = vector.shape_cast %swap3A_497 : vector<1x16xf32> to vector<16xf32>
        %swap3A_499 = vector.shape_cast %max3A_494 : vector<16xf32> to vector<1x16xf32>
        tpu.vector_store %arg14[%swap3A_495, %swap3A_496], %swap3A_499 {strides = array<i32>} : memref<80x128xf32, #tpu.memory_space<vmem>>, vector<1x16xf32>,
        %mul3A_500 = arith.constant 2 : i32
        %mul3A_501 = arith.muli %scan3A_187, %mul3A_500 : i32
        %add3A_502 = arith.constant 1 : i32
        %add3A_503 = arith.addi %mul3A_501, %add3A_502 : i32
        %get3A_504 = arith.index_cast %add3A_503 : i32 to index
        %get3A_505 = arith.constant 112 : index
        %get3A_506 = tpu.vector_load %arg14[%get3A_504, %get3A_505] {strides = array<i32>} : memref<80x128xf32, #tpu.memory_space<vmem>>, vector<1x16xf32>,
        %get3A_507 = vector.shape_cast %get3A_506 : vector<1x16xf32> to vector<16xf32>
        %get3A_508 = arith.index_cast %add3A_503 : i32 to index
        %get3A_509 = arith.constant 112 : index
        %get3A_510 = tpu.vector_load %arg16[%get3A_508, %get3A_509] {strides = array<i32>} : memref<80x128xf32, #tpu.memory_space<vmem>>, vector<1x16xf32>,
        %get3A_511 = vector.shape_cast %get3A_510 : vector<1x16xf32> to vector<16xf32>
        %add3A_512 = arith.addf %get3A_507, %get3A_511 : vector<16xf32>
        %max3A_513 = arith.constant 0.000000e+00 : f32
        %max3A_514 = vector.broadcast %max3A_513 : f32 to vector<16xf32>
        %max3A_515 = arith.maximumf %add3A_512, %max3A_514 : vector<16xf32>
        %swap3A_516 = arith.index_cast %add3A_503 : i32 to index
        %swap3A_517 = arith.constant 112 : index
        %swap3A_518 = tpu.vector_load %arg14[%swap3A_516, %swap3A_517] {strides = array<i32>} : memref<80x128xf32, #tpu.memory_space<vmem>>, vector<1x16xf32>,
        %swap3A_519 = vector.shape_cast %swap3A_518 : vector<1x16xf32> to vector<16xf32>
        %swap3A_520 = vector.shape_cast %max3A_515 : vector<16xf32> to vector<1x16xf32>
        tpu.vector_store %arg14[%swap3A_516, %swap3A_517], %swap3A_520 {strides = array<i32>} : memref<80x128xf32, #tpu.memory_space<vmem>>, vector<1x16xf32>,
      }
      %scan3A_179 = arith.constant 40 : i32
      "tpu.region"() ({
        %run_scoped3A = tpu.sem_alloc : memref<!tpu.dma_semaphore, #tpu.memory_space<semaphore_mem>>
        %dma_start3A_187 = arith.constant 0 : i32
        %dma_start3A_188 = arith.constant 0 : i32
        %dma_start3A_189 = tpu.memref_slice %arg8[%dma_start3A_187, %dma_start3A_188] : memref<10000x128xf32, #tpu.memory_space<vmem_shared>> -> memref<10000x128xf32, #tpu.memory_space<vmem_shared>>
        tpu.enqueue_indirect_dma source(%arg14 : memref<80x128xf32, #tpu.memory_space<vmem>>) target(%dma_start3A_189 : memref<10000x128xf32, #tpu.memory_space<vmem_shared>>) offsets(%arg12 : memref<80xi32, #tpu.memory_space<vmem>>) semaphore(%run_scoped3A : memref<!tpu.dma_semaphore, #tpu.memory_space<semaphore_mem>>) {add = true}
        %dma_wait3A_190 = arith.constant 0 : i32
        %dma_wait3A_191 = arith.constant 0 : i32
        %dma_wait3A_192 = tpu.memref_slice %arg8[%dma_wait3A_190, %dma_wait3A_191] : memref<10000x128xf32, #tpu.memory_space<vmem_shared>> -> memref<10000x128xf32, #tpu.memory_space<vmem_shared>>
        tpu.wait_indirect_dma semaphore(%run_scoped3A : memref<!tpu.dma_semaphore, #tpu.memory_space<semaphore_mem>>) src(%arg14 : memref<80x128xf32, #tpu.memory_space<vmem>>) dst(%dma_wait3A_192 : memref<10000x128xf32, #tpu.memory_space<vmem_shared>>)
        tpu.yield
      }) : () -> ()
      %add3A_180 = arith.constant 2 : i32
      %add3A_181 = arith.addi %add3A_159, %add3A_180 : i32
      %lt3A_182 = arith.constant 125 : i32
      %lt3A_183 = arith.cmpi slt, %add3A_181, %lt3A_182 : i32
      %convert_element_type3A_184 = arith.extui %lt3A_183 : i1 to i32
      %cond3A_185 = arith.constant 0 : i32
      %cond3A_186 = arith.cmpi ne, %convert_element_type3A_184, %cond3A_185 : i32
      scf.if %cond3A_186 {
        %add3A_187 = arith.constant 2 : i32
        %add3A_188 = arith.addi %add3A_159, %add3A_187 : i32
        %mul3A_189 = arith.constant 80 : i32
        %mul3A_190 = arith.muli %add3A_188, %mul3A_189 : i32
        %add3A_191 = arith.addi %mul3A_6, %mul3A_190 : i32
        %dma_start3A_192 = tpu.memref_slice %arg4[%add3A_191] : memref<320000xi32, #tpu.memory_space<hbm>> -> memref<80xi32, #tpu.memory_space<hbm>>
        %dma_start3A_193 = tpu.memref_slice %arg4[%add3A_191] : memref<320000xi32, #tpu.memory_space<hbm>> -> memref<80xi32, #tpu.memory_space<hbm>>
        tpu.enqueue_dma source(%dma_start3A_193 : memref<80xi32, #tpu.memory_space<hbm>>) target(%arg10 : memref<80xi32, #tpu.memory_space<vmem>>) target_semaphore(%arg18 : memref<!tpu.dma_semaphore, #tpu.memory_space<semaphore_mem>>)
        %mul3A_194 = arith.constant 80 : i32
        %mul3A_195 = arith.muli %add3A_188, %mul3A_194 : i32
        %add3A_196 = arith.addi %mul3A_6, %mul3A_195 : i32
        %dma_start3A_197 = tpu.memref_slice %arg5[%add3A_196] : memref<320000xi32, #tpu.memory_space<hbm>> -> memref<80xi32, #tpu.memory_space<hbm>>
        %dma_start3A_198 = tpu.memref_slice %arg5[%add3A_196] : memref<320000xi32, #tpu.memory_space<hbm>> -> memref<80xi32, #tpu.memory_space<hbm>>
        tpu.enqueue_dma source(%dma_start3A_198 : memref<80xi32, #tpu.memory_space<hbm>>) target(%arg12 : memref<80xi32, #tpu.memory_space<vmem>>) target_semaphore(%arg18 : memref<!tpu.dma_semaphore, #tpu.memory_space<semaphore_mem>>)
      } else {
      }
    }
    %scan3A_106 = arith.constant 61 : i32
    %dma_wait3A_107 = arith.constant 0 : i32
    %dma_wait3A_108 = arith.constant 0 : i32
    %dma_wait3A_109 = tpu.memref_slice %arg2[%dma_wait3A_107, %dma_wait3A_108] : memref<10000x128xf32, #tpu.memory_space<hbm>> -> memref<10000x128xf32, #tpu.memory_space<hbm>>
    tpu.wait_indirect_dma semaphore(%arg19 : memref<!tpu.dma_semaphore, #tpu.memory_space<semaphore_mem>>) src(%dma_wait3A_109 : memref<10000x128xf32, #tpu.memory_space<hbm>>) dst(%arg13 : memref<80x128xf32, #tpu.memory_space<vmem>>)
    %dma_wait3A_110 = arith.constant 0 : i32
    %dma_wait3A_111 = tpu.memref_slice %arg3[%mul3A_6, %dma_wait3A_110] : memref<320000x128xf32, #tpu.memory_space<hbm>> -> memref<80x128xf32, #tpu.memory_space<hbm>>
    %dma_wait3A_112 = arith.constant 0 : i32
    %dma_wait3A_113 = tpu.memref_slice %arg3[%mul3A_6, %dma_wait3A_112] : memref<320000x128xf32, #tpu.memory_space<hbm>> -> memref<80x128xf32, #tpu.memory_space<hbm>>
    tpu.wait_dma2 semaphore(%arg21 : memref<!tpu.dma_semaphore, #tpu.memory_space<semaphore_mem>>) src(%dma_wait3A_113 : memref<80x128xf32, #tpu.memory_space<hbm>>) dst(%arg15 : memref<80x128xf32, #tpu.memory_space<vmem>>)
    %scan3A_114 = arith.constant 0 : i32
    %scan3A_115 = arith.constant 0 : i32
    %scan3A_116 = arith.constant 40 : i32
    %scan3A_117 = arith.addi %scan3A_115, %scan3A_116 : i32
    %scan3A_118 = arith.constant 1 : i32
    scf.for %scan3A_126 = %scan3A_115 to %scan3A_117 step %scan3A_118  : i32 {
      %mul3A_127 = arith.constant 2 : i32
      %mul3A_128 = arith.muli %scan3A_126, %mul3A_127 : i32
      %add3A_129 = arith.constant 0 : i32
      %add3A_130 = arith.addi %mul3A_128, %add3A_129 : i32
      %get3A = arith.index_cast %add3A_130 : i32 to index
      %get3A_131 = arith.constant 0 : index
      %get3A_132 = tpu.vector_load %arg13[%get3A, %get3A_131] {strides = array<i32>} : memref<80x128xf32, #tpu.memory_space<vmem>>, vector<1x16xf32>,
      %get3A_133 = vector.shape_cast %get3A_132 : vector<1x16xf32> to vector<16xf32>
      %get3A_134 = arith.index_cast %add3A_130 : i32 to index
      %get3A_135 = arith.constant 0 : index
      %get3A_136 = tpu.vector_load %arg15[%get3A_134, %get3A_135] {strides = array<i32>} : memref<80x128xf32, #tpu.memory_space<vmem>>, vector<1x16xf32>,
      %get3A_137 = vector.shape_cast %get3A_136 : vector<1x16xf32> to vector<16xf32>
      %add3A_138 = arith.addf %get3A_133, %get3A_137 : vector<16xf32>
      %max3A = arith.constant 0.000000e+00 : f32
      %max3A_139 = vector.broadcast %max3A : f32 to vector<16xf32>
      %max3A_140 = arith.maximumf %add3A_138, %max3A_139 : vector<16xf32>
      %swap3A = arith.index_cast %add3A_130 : i32 to index
      %swap3A_141 = arith.constant 0 : index
      %swap3A_142 = tpu.vector_load %arg13[%swap3A, %swap3A_141] {strides = array<i32>} : memref<80x128xf32, #tpu.memory_space<vmem>>, vector<1x16xf32>,
      %swap3A_143 = vector.shape_cast %swap3A_142 : vector<1x16xf32> to vector<16xf32>
      %swap3A_144 = vector.shape_cast %max3A_140 : vector<16xf32> to vector<1x16xf32>
      tpu.vector_store %arg13[%swap3A, %swap3A_141], %swap3A_144 {strides = array<i32>} : memref<80x128xf32, #tpu.memory_space<vmem>>, vector<1x16xf32>,
      %mul3A_145 = arith.constant 2 : i32
      %mul3A_146 = arith.muli %scan3A_126, %mul3A_145 : i32
      %add3A_147 = arith.constant 0 : i32
      %add3A_148 = arith.addi %mul3A_146, %add3A_147 : i32
      %get3A_149 = arith.index_cast %add3A_148 : i32 to index
      %get3A_150 = arith.constant 16 : index
      %get3A_151 = tpu.vector_load %arg13[%get3A_149, %get3A_150] {strides = array<i32>} : memref<80x128xf32, #tpu.memory_space<vmem>>, vector<1x16xf32>,
      %get3A_152 = vector.shape_cast %get3A_151 : vector<1x16xf32> to vector<16xf32>
      %get3A_153 = arith.index_cast %add3A_148 : i32 to index
      %get3A_154 = arith.constant 16 : index
      %get3A_155 = tpu.vector_load %arg15[%get3A_153, %get3A_154] {strides = array<i32>} : memref<80x128xf32, #tpu.memory_space<vmem>>, vector<1x16xf32>,
      %get3A_156 = vector.shape_cast %get3A_155 : vector<1x16xf32> to vector<16xf32>
      %add3A_157 = arith.addf %get3A_152, %get3A_156 : vector<16xf32>
      %max3A_158 = arith.constant 0.000000e+00 : f32
      %max3A_159 = vector.broadcast %max3A_158 : f32 to vector<16xf32>
      %max3A_160 = arith.maximumf %add3A_157, %max3A_159 : vector<16xf32>
      %swap3A_161 = arith.index_cast %add3A_148 : i32 to index
      %swap3A_162 = arith.constant 16 : index
      %swap3A_163 = tpu.vector_load %arg13[%swap3A_161, %swap3A_162] {strides = array<i32>} : memref<80x128xf32, #tpu.memory_space<vmem>>, vector<1x16xf32>,
      %swap3A_164 = vector.shape_cast %swap3A_163 : vector<1x16xf32> to vector<16xf32>
      %swap3A_165 = vector.shape_cast %max3A_160 : vector<16xf32> to vector<1x16xf32>
      tpu.vector_store %arg13[%swap3A_161, %swap3A_162], %swap3A_165 {strides = array<i32>} : memref<80x128xf32, #tpu.memory_space<vmem>>, vector<1x16xf32>,
      %mul3A_166 = arith.constant 2 : i32
      %mul3A_167 = arith.muli %scan3A_126, %mul3A_166 : i32
      %add3A_168 = arith.constant 0 : i32
      %add3A_169 = arith.addi %mul3A_167, %add3A_168 : i32
      %get3A_170 = arith.index_cast %add3A_169 : i32 to index
      %get3A_171 = arith.constant 32 : index
      %get3A_172 = tpu.vector_load %arg13[%get3A_170, %get3A_171] {strides = array<i32>} : memref<80x128xf32, #tpu.memory_space<vmem>>, vector<1x16xf32>,
      %get3A_173 = vector.shape_cast %get3A_172 : vector<1x16xf32> to vector<16xf32>
      %get3A_174 = arith.index_cast %add3A_169 : i32 to index
      %get3A_175 = arith.constant 32 : index
      %get3A_176 = tpu.vector_load %arg15[%get3A_174, %get3A_175] {strides = array<i32>} : memref<80x128xf32, #tpu.memory_space<vmem>>, vector<1x16xf32>,
      %get3A_177 = vector.shape_cast %get3A_176 : vector<1x16xf32> to vector<16xf32>
      %add3A_178 = arith.addf %get3A_173, %get3A_177 : vector<16xf32>
      %max3A_179 = arith.constant 0.000000e+00 : f32
      %max3A_180 = vector.broadcast %max3A_179 : f32 to vector<16xf32>
      %max3A_181 = arith.maximumf %add3A_178, %max3A_180 : vector<16xf32>
      %swap3A_182 = arith.index_cast %add3A_169 : i32 to index
      %swap3A_183 = arith.constant 32 : index
      %swap3A_184 = tpu.vector_load %arg13[%swap3A_182, %swap3A_183] {strides = array<i32>} : memref<80x128xf32, #tpu.memory_space<vmem>>, vector<1x16xf32>,
      %swap3A_185 = vector.shape_cast %swap3A_184 : vector<1x16xf32> to vector<16xf32>
      %swap3A_186 = vector.shape_cast %max3A_181 : vector<16xf32> to vector<1x16xf32>
      tpu.vector_store %arg13[%swap3A_182, %swap3A_183], %swap3A_186 {strides = array<i32>} : memref<80x128xf32, #tpu.memory_space<vmem>>, vector<1x16xf32>,
      %mul3A_187 = arith.constant 2 : i32
      %mul3A_188 = arith.muli %scan3A_126, %mul3A_187 : i32
      %add3A_189 = arith.constant 0 : i32
      %add3A_190 = arith.addi %mul3A_188, %add3A_189 : i32
      %get3A_191 = arith.index_cast %add3A_190 : i32 to index
      %get3A_192 = arith.constant 48 : index
      %get3A_193 = tpu.vector_load %arg13[%get3A_191, %get3A_192] {strides = array<i32>} : memref<80x128xf32, #tpu.memory_space<vmem>>, vector<1x16xf32>,
      %get3A_194 = vector.shape_cast %get3A_193 : vector<1x16xf32> to vector<16xf32>
      %get3A_195 = arith.index_cast %add3A_190 : i32 to index
      %get3A_196 = arith.constant 48 : index
      %get3A_197 = tpu.vector_load %arg15[%get3A_195, %get3A_196] {strides = array<i32>} : memref<80x128xf32, #tpu.memory_space<vmem>>, vector<1x16xf32>,
      %get3A_198 = vector.shape_cast %get3A_197 : vector<1x16xf32> to vector<16xf32>
      %add3A_199 = arith.addf %get3A_194, %get3A_198 : vector<16xf32>
      %max3A_200 = arith.constant 0.000000e+00 : f32
      %max3A_201 = vector.broadcast %max3A_200 : f32 to vector<16xf32>
      %max3A_202 = arith.maximumf %add3A_199, %max3A_201 : vector<16xf32>
      %swap3A_203 = arith.index_cast %add3A_190 : i32 to index
      %swap3A_204 = arith.constant 48 : index
      %swap3A_205 = tpu.vector_load %arg13[%swap3A_203, %swap3A_204] {strides = array<i32>} : memref<80x128xf32, #tpu.memory_space<vmem>>, vector<1x16xf32>,
      %swap3A_206 = vector.shape_cast %swap3A_205 : vector<1x16xf32> to vector<16xf32>
      %swap3A_207 = vector.shape_cast %max3A_202 : vector<16xf32> to vector<1x16xf32>
      tpu.vector_store %arg13[%swap3A_203, %swap3A_204], %swap3A_207 {strides = array<i32>} : memref<80x128xf32, #tpu.memory_space<vmem>>, vector<1x16xf32>,
      %mul3A_208 = arith.constant 2 : i32
      %mul3A_209 = arith.muli %scan3A_126, %mul3A_208 : i32
      %add3A_210 = arith.constant 0 : i32
      %add3A_211 = arith.addi %mul3A_209, %add3A_210 : i32
      %get3A_212 = arith.index_cast %add3A_211 : i32 to index
      %get3A_213 = arith.constant 64 : index
      %get3A_214 = tpu.vector_load %arg13[%get3A_212, %get3A_213] {strides = array<i32>} : memref<80x128xf32, #tpu.memory_space<vmem>>, vector<1x16xf32>,
      %get3A_215 = vector.shape_cast %get3A_214 : vector<1x16xf32> to vector<16xf32>
      %get3A_216 = arith.index_cast %add3A_211 : i32 to index
      %get3A_217 = arith.constant 64 : index
      %get3A_218 = tpu.vector_load %arg15[%get3A_216, %get3A_217] {strides = array<i32>} : memref<80x128xf32, #tpu.memory_space<vmem>>, vector<1x16xf32>,
      %get3A_219 = vector.shape_cast %get3A_218 : vector<1x16xf32> to vector<16xf32>
      %add3A_220 = arith.addf %get3A_215, %get3A_219 : vector<16xf32>
      %max3A_221 = arith.constant 0.000000e+00 : f32
      %max3A_222 = vector.broadcast %max3A_221 : f32 to vector<16xf32>
      %max3A_223 = arith.maximumf %add3A_220, %max3A_222 : vector<16xf32>
      %swap3A_224 = arith.index_cast %add3A_211 : i32 to index
      %swap3A_225 = arith.constant 64 : index
      %swap3A_226 = tpu.vector_load %arg13[%swap3A_224, %swap3A_225] {strides = array<i32>} : memref<80x128xf32, #tpu.memory_space<vmem>>, vector<1x16xf32>,
      %swap3A_227 = vector.shape_cast %swap3A_226 : vector<1x16xf32> to vector<16xf32>
      %swap3A_228 = vector.shape_cast %max3A_223 : vector<16xf32> to vector<1x16xf32>
      tpu.vector_store %arg13[%swap3A_224, %swap3A_225], %swap3A_228 {strides = array<i32>} : memref<80x128xf32, #tpu.memory_space<vmem>>, vector<1x16xf32>,
      %mul3A_229 = arith.constant 2 : i32
      %mul3A_230 = arith.muli %scan3A_126, %mul3A_229 : i32
      %add3A_231 = arith.constant 0 : i32
      %add3A_232 = arith.addi %mul3A_230, %add3A_231 : i32
      %get3A_233 = arith.index_cast %add3A_232 : i32 to index
      %get3A_234 = arith.constant 80 : index
      %get3A_235 = tpu.vector_load %arg13[%get3A_233, %get3A_234] {strides = array<i32>} : memref<80x128xf32, #tpu.memory_space<vmem>>, vector<1x16xf32>,
      %get3A_236 = vector.shape_cast %get3A_235 : vector<1x16xf32> to vector<16xf32>
      %get3A_237 = arith.index_cast %add3A_232 : i32 to index
      %get3A_238 = arith.constant 80 : index
      %get3A_239 = tpu.vector_load %arg15[%get3A_237, %get3A_238] {strides = array<i32>} : memref<80x128xf32, #tpu.memory_space<vmem>>, vector<1x16xf32>,
      %get3A_240 = vector.shape_cast %get3A_239 : vector<1x16xf32> to vector<16xf32>
      %add3A_241 = arith.addf %get3A_236, %get3A_240 : vector<16xf32>
      %max3A_242 = arith.constant 0.000000e+00 : f32
      %max3A_243 = vector.broadcast %max3A_242 : f32 to vector<16xf32>
      %max3A_244 = arith.maximumf %add3A_241, %max3A_243 : vector<16xf32>
      %swap3A_245 = arith.index_cast %add3A_232 : i32 to index
      %swap3A_246 = arith.constant 80 : index
      %swap3A_247 = tpu.vector_load %arg13[%swap3A_245, %swap3A_246] {strides = array<i32>} : memref<80x128xf32, #tpu.memory_space<vmem>>, vector<1x16xf32>,
      %swap3A_248 = vector.shape_cast %swap3A_247 : vector<1x16xf32> to vector<16xf32>
      %swap3A_249 = vector.shape_cast %max3A_244 : vector<16xf32> to vector<1x16xf32>
      tpu.vector_store %arg13[%swap3A_245, %swap3A_246], %swap3A_249 {strides = array<i32>} : memref<80x128xf32, #tpu.memory_space<vmem>>, vector<1x16xf32>,
      %mul3A_250 = arith.constant 2 : i32
      %mul3A_251 = arith.muli %scan3A_126, %mul3A_250 : i32
      %add3A_252 = arith.constant 0 : i32
      %add3A_253 = arith.addi %mul3A_251, %add3A_252 : i32
      %get3A_254 = arith.index_cast %add3A_253 : i32 to index
      %get3A_255 = arith.constant 96 : index
      %get3A_256 = tpu.vector_load %arg13[%get3A_254, %get3A_255] {strides = array<i32>} : memref<80x128xf32, #tpu.memory_space<vmem>>, vector<1x16xf32>,
      %get3A_257 = vector.shape_cast %get3A_256 : vector<1x16xf32> to vector<16xf32>
      %get3A_258 = arith.index_cast %add3A_253 : i32 to index
      %get3A_259 = arith.constant 96 : index
      %get3A_260 = tpu.vector_load %arg15[%get3A_258, %get3A_259] {strides = array<i32>} : memref<80x128xf32, #tpu.memory_space<vmem>>, vector<1x16xf32>,
      %get3A_261 = vector.shape_cast %get3A_260 : vector<1x16xf32> to vector<16xf32>
      %add3A_262 = arith.addf %get3A_257, %get3A_261 : vector<16xf32>
      %max3A_263 = arith.constant 0.000000e+00 : f32
      %max3A_264 = vector.broadcast %max3A_263 : f32 to vector<16xf32>
      %max3A_265 = arith.maximumf %add3A_262, %max3A_264 : vector<16xf32>
      %swap3A_266 = arith.index_cast %add3A_253 : i32 to index
      %swap3A_267 = arith.constant 96 : index
      %swap3A_268 = tpu.vector_load %arg13[%swap3A_266, %swap3A_267] {strides = array<i32>} : memref<80x128xf32, #tpu.memory_space<vmem>>, vector<1x16xf32>,
      %swap3A_269 = vector.shape_cast %swap3A_268 : vector<1x16xf32> to vector<16xf32>
      %swap3A_270 = vector.shape_cast %max3A_265 : vector<16xf32> to vector<1x16xf32>
      tpu.vector_store %arg13[%swap3A_266, %swap3A_267], %swap3A_270 {strides = array<i32>} : memref<80x128xf32, #tpu.memory_space<vmem>>, vector<1x16xf32>,
      %mul3A_271 = arith.constant 2 : i32
      %mul3A_272 = arith.muli %scan3A_126, %mul3A_271 : i32
      %add3A_273 = arith.constant 0 : i32
      %add3A_274 = arith.addi %mul3A_272, %add3A_273 : i32
      %get3A_275 = arith.index_cast %add3A_274 : i32 to index
      %get3A_276 = arith.constant 112 : index
      %get3A_277 = tpu.vector_load %arg13[%get3A_275, %get3A_276] {strides = array<i32>} : memref<80x128xf32, #tpu.memory_space<vmem>>, vector<1x16xf32>,
      %get3A_278 = vector.shape_cast %get3A_277 : vector<1x16xf32> to vector<16xf32>
      %get3A_279 = arith.index_cast %add3A_274 : i32 to index
      %get3A_280 = arith.constant 112 : index
      %get3A_281 = tpu.vector_load %arg15[%get3A_279, %get3A_280] {strides = array<i32>} : memref<80x128xf32, #tpu.memory_space<vmem>>, vector<1x16xf32>,
      %get3A_282 = vector.shape_cast %get3A_281 : vector<1x16xf32> to vector<16xf32>
      %add3A_283 = arith.addf %get3A_278, %get3A_282 : vector<16xf32>
      %max3A_284 = arith.constant 0.000000e+00 : f32
      %max3A_285 = vector.broadcast %max3A_284 : f32 to vector<16xf32>
      %max3A_286 = arith.maximumf %add3A_283, %max3A_285 : vector<16xf32>
      %swap3A_287 = arith.index_cast %add3A_274 : i32 to index
      %swap3A_288 = arith.constant 112 : index
      %swap3A_289 = tpu.vector_load %arg13[%swap3A_287, %swap3A_288] {strides = array<i32>} : memref<80x128xf32, #tpu.memory_space<vmem>>, vector<1x16xf32>,
      %swap3A_290 = vector.shape_cast %swap3A_289 : vector<1x16xf32> to vector<16xf32>
      %swap3A_291 = vector.shape_cast %max3A_286 : vector<16xf32> to vector<1x16xf32>
      tpu.vector_store %arg13[%swap3A_287, %swap3A_288], %swap3A_291 {strides = array<i32>} : memref<80x128xf32, #tpu.memory_space<vmem>>, vector<1x16xf32>,
      %mul3A_292 = arith.constant 2 : i32
      %mul3A_293 = arith.muli %scan3A_126, %mul3A_292 : i32
      %add3A_294 = arith.constant 1 : i32
      %add3A_295 = arith.addi %mul3A_293, %add3A_294 : i32
      %get3A_296 = arith.index_cast %add3A_295 : i32 to index
      %get3A_297 = arith.constant 0 : index
      %get3A_298 = tpu.vector_load %arg13[%get3A_296, %get3A_297] {strides = array<i32>} : memref<80x128xf32, #tpu.memory_space<vmem>>, vector<1x16xf32>,
      %get3A_299 = vector.shape_cast %get3A_298 : vector<1x16xf32> to vector<16xf32>
      %get3A_300 = arith.index_cast %add3A_295 : i32 to index
      %get3A_301 = arith.constant 0 : index
      %get3A_302 = tpu.vector_load %arg15[%get3A_300, %get3A_301] {strides = array<i32>} : memref<80x128xf32, #tpu.memory_space<vmem>>, vector<1x16xf32>,
      %get3A_303 = vector.shape_cast %get3A_302 : vector<1x16xf32> to vector<16xf32>
      %add3A_304 = arith.addf %get3A_299, %get3A_303 : vector<16xf32>
      %max3A_305 = arith.constant 0.000000e+00 : f32
      %max3A_306 = vector.broadcast %max3A_305 : f32 to vector<16xf32>
      %max3A_307 = arith.maximumf %add3A_304, %max3A_306 : vector<16xf32>
      %swap3A_308 = arith.index_cast %add3A_295 : i32 to index
      %swap3A_309 = arith.constant 0 : index
      %swap3A_310 = tpu.vector_load %arg13[%swap3A_308, %swap3A_309] {strides = array<i32>} : memref<80x128xf32, #tpu.memory_space<vmem>>, vector<1x16xf32>,
      %swap3A_311 = vector.shape_cast %swap3A_310 : vector<1x16xf32> to vector<16xf32>
      %swap3A_312 = vector.shape_cast %max3A_307 : vector<16xf32> to vector<1x16xf32>
      tpu.vector_store %arg13[%swap3A_308, %swap3A_309], %swap3A_312 {strides = array<i32>} : memref<80x128xf32, #tpu.memory_space<vmem>>, vector<1x16xf32>,
      %mul3A_313 = arith.constant 2 : i32
      %mul3A_314 = arith.muli %scan3A_126, %mul3A_313 : i32
      %add3A_315 = arith.constant 1 : i32
      %add3A_316 = arith.addi %mul3A_314, %add3A_315 : i32
      %get3A_317 = arith.index_cast %add3A_316 : i32 to index
      %get3A_318 = arith.constant 16 : index
      %get3A_319 = tpu.vector_load %arg13[%get3A_317, %get3A_318] {strides = array<i32>} : memref<80x128xf32, #tpu.memory_space<vmem>>, vector<1x16xf32>,
      %get3A_320 = vector.shape_cast %get3A_319 : vector<1x16xf32> to vector<16xf32>
      %get3A_321 = arith.index_cast %add3A_316 : i32 to index
      %get3A_322 = arith.constant 16 : index
      %get3A_323 = tpu.vector_load %arg15[%get3A_321, %get3A_322] {strides = array<i32>} : memref<80x128xf32, #tpu.memory_space<vmem>>, vector<1x16xf32>,
      %get3A_324 = vector.shape_cast %get3A_323 : vector<1x16xf32> to vector<16xf32>
      %add3A_325 = arith.addf %get3A_320, %get3A_324 : vector<16xf32>
      %max3A_326 = arith.constant 0.000000e+00 : f32
      %max3A_327 = vector.broadcast %max3A_326 : f32 to vector<16xf32>
      %max3A_328 = arith.maximumf %add3A_325, %max3A_327 : vector<16xf32>
      %swap3A_329 = arith.index_cast %add3A_316 : i32 to index
      %swap3A_330 = arith.constant 16 : index
      %swap3A_331 = tpu.vector_load %arg13[%swap3A_329, %swap3A_330] {strides = array<i32>} : memref<80x128xf32, #tpu.memory_space<vmem>>, vector<1x16xf32>,
      %swap3A_332 = vector.shape_cast %swap3A_331 : vector<1x16xf32> to vector<16xf32>
      %swap3A_333 = vector.shape_cast %max3A_328 : vector<16xf32> to vector<1x16xf32>
      tpu.vector_store %arg13[%swap3A_329, %swap3A_330], %swap3A_333 {strides = array<i32>} : memref<80x128xf32, #tpu.memory_space<vmem>>, vector<1x16xf32>,
      %mul3A_334 = arith.constant 2 : i32
      %mul3A_335 = arith.muli %scan3A_126, %mul3A_334 : i32
      %add3A_336 = arith.constant 1 : i32
      %add3A_337 = arith.addi %mul3A_335, %add3A_336 : i32
      %get3A_338 = arith.index_cast %add3A_337 : i32 to index
      %get3A_339 = arith.constant 32 : index
      %get3A_340 = tpu.vector_load %arg13[%get3A_338, %get3A_339] {strides = array<i32>} : memref<80x128xf32, #tpu.memory_space<vmem>>, vector<1x16xf32>,
      %get3A_341 = vector.shape_cast %get3A_340 : vector<1x16xf32> to vector<16xf32>
      %get3A_342 = arith.index_cast %add3A_337 : i32 to index
      %get3A_343 = arith.constant 32 : index
      %get3A_344 = tpu.vector_load %arg15[%get3A_342, %get3A_343] {strides = array<i32>} : memref<80x128xf32, #tpu.memory_space<vmem>>, vector<1x16xf32>,
      %get3A_345 = vector.shape_cast %get3A_344 : vector<1x16xf32> to vector<16xf32>
      %add3A_346 = arith.addf %get3A_341, %get3A_345 : vector<16xf32>
      %max3A_347 = arith.constant 0.000000e+00 : f32
      %max3A_348 = vector.broadcast %max3A_347 : f32 to vector<16xf32>
      %max3A_349 = arith.maximumf %add3A_346, %max3A_348 : vector<16xf32>
      %swap3A_350 = arith.index_cast %add3A_337 : i32 to index
      %swap3A_351 = arith.constant 32 : index
      %swap3A_352 = tpu.vector_load %arg13[%swap3A_350, %swap3A_351] {strides = array<i32>} : memref<80x128xf32, #tpu.memory_space<vmem>>, vector<1x16xf32>,
      %swap3A_353 = vector.shape_cast %swap3A_352 : vector<1x16xf32> to vector<16xf32>
      %swap3A_354 = vector.shape_cast %max3A_349 : vector<16xf32> to vector<1x16xf32>
      tpu.vector_store %arg13[%swap3A_350, %swap3A_351], %swap3A_354 {strides = array<i32>} : memref<80x128xf32, #tpu.memory_space<vmem>>, vector<1x16xf32>,
      %mul3A_355 = arith.constant 2 : i32
      %mul3A_356 = arith.muli %scan3A_126, %mul3A_355 : i32
      %add3A_357 = arith.constant 1 : i32
      %add3A_358 = arith.addi %mul3A_356, %add3A_357 : i32
      %get3A_359 = arith.index_cast %add3A_358 : i32 to index
      %get3A_360 = arith.constant 48 : index
      %get3A_361 = tpu.vector_load %arg13[%get3A_359, %get3A_360] {strides = array<i32>} : memref<80x128xf32, #tpu.memory_space<vmem>>, vector<1x16xf32>,
      %get3A_362 = vector.shape_cast %get3A_361 : vector<1x16xf32> to vector<16xf32>
      %get3A_363 = arith.index_cast %add3A_358 : i32 to index
      %get3A_364 = arith.constant 48 : index
      %get3A_365 = tpu.vector_load %arg15[%get3A_363, %get3A_364] {strides = array<i32>} : memref<80x128xf32, #tpu.memory_space<vmem>>, vector<1x16xf32>,
      %get3A_366 = vector.shape_cast %get3A_365 : vector<1x16xf32> to vector<16xf32>
      %add3A_367 = arith.addf %get3A_362, %get3A_366 : vector<16xf32>
      %max3A_368 = arith.constant 0.000000e+00 : f32
      %max3A_369 = vector.broadcast %max3A_368 : f32 to vector<16xf32>
      %max3A_370 = arith.maximumf %add3A_367, %max3A_369 : vector<16xf32>
      %swap3A_371 = arith.index_cast %add3A_358 : i32 to index
      %swap3A_372 = arith.constant 48 : index
      %swap3A_373 = tpu.vector_load %arg13[%swap3A_371, %swap3A_372] {strides = array<i32>} : memref<80x128xf32, #tpu.memory_space<vmem>>, vector<1x16xf32>,
      %swap3A_374 = vector.shape_cast %swap3A_373 : vector<1x16xf32> to vector<16xf32>
      %swap3A_375 = vector.shape_cast %max3A_370 : vector<16xf32> to vector<1x16xf32>
      tpu.vector_store %arg13[%swap3A_371, %swap3A_372], %swap3A_375 {strides = array<i32>} : memref<80x128xf32, #tpu.memory_space<vmem>>, vector<1x16xf32>,
      %mul3A_376 = arith.constant 2 : i32
      %mul3A_377 = arith.muli %scan3A_126, %mul3A_376 : i32
      %add3A_378 = arith.constant 1 : i32
      %add3A_379 = arith.addi %mul3A_377, %add3A_378 : i32
      %get3A_380 = arith.index_cast %add3A_379 : i32 to index
      %get3A_381 = arith.constant 64 : index
      %get3A_382 = tpu.vector_load %arg13[%get3A_380, %get3A_381] {strides = array<i32>} : memref<80x128xf32, #tpu.memory_space<vmem>>, vector<1x16xf32>,
      %get3A_383 = vector.shape_cast %get3A_382 : vector<1x16xf32> to vector<16xf32>
      %get3A_384 = arith.index_cast %add3A_379 : i32 to index
      %get3A_385 = arith.constant 64 : index
      %get3A_386 = tpu.vector_load %arg15[%get3A_384, %get3A_385] {strides = array<i32>} : memref<80x128xf32, #tpu.memory_space<vmem>>, vector<1x16xf32>,
      %get3A_387 = vector.shape_cast %get3A_386 : vector<1x16xf32> to vector<16xf32>
      %add3A_388 = arith.addf %get3A_383, %get3A_387 : vector<16xf32>
      %max3A_389 = arith.constant 0.000000e+00 : f32
      %max3A_390 = vector.broadcast %max3A_389 : f32 to vector<16xf32>
      %max3A_391 = arith.maximumf %add3A_388, %max3A_390 : vector<16xf32>
      %swap3A_392 = arith.index_cast %add3A_379 : i32 to index
      %swap3A_393 = arith.constant 64 : index
      %swap3A_394 = tpu.vector_load %arg13[%swap3A_392, %swap3A_393] {strides = array<i32>} : memref<80x128xf32, #tpu.memory_space<vmem>>, vector<1x16xf32>,
      %swap3A_395 = vector.shape_cast %swap3A_394 : vector<1x16xf32> to vector<16xf32>
      %swap3A_396 = vector.shape_cast %max3A_391 : vector<16xf32> to vector<1x16xf32>
      tpu.vector_store %arg13[%swap3A_392, %swap3A_393], %swap3A_396 {strides = array<i32>} : memref<80x128xf32, #tpu.memory_space<vmem>>, vector<1x16xf32>,
      %mul3A_397 = arith.constant 2 : i32
      %mul3A_398 = arith.muli %scan3A_126, %mul3A_397 : i32
      %add3A_399 = arith.constant 1 : i32
      %add3A_400 = arith.addi %mul3A_398, %add3A_399 : i32
      %get3A_401 = arith.index_cast %add3A_400 : i32 to index
      %get3A_402 = arith.constant 80 : index
      %get3A_403 = tpu.vector_load %arg13[%get3A_401, %get3A_402] {strides = array<i32>} : memref<80x128xf32, #tpu.memory_space<vmem>>, vector<1x16xf32>,
      %get3A_404 = vector.shape_cast %get3A_403 : vector<1x16xf32> to vector<16xf32>
      %get3A_405 = arith.index_cast %add3A_400 : i32 to index
      %get3A_406 = arith.constant 80 : index
      %get3A_407 = tpu.vector_load %arg15[%get3A_405, %get3A_406] {strides = array<i32>} : memref<80x128xf32, #tpu.memory_space<vmem>>, vector<1x16xf32>,
      %get3A_408 = vector.shape_cast %get3A_407 : vector<1x16xf32> to vector<16xf32>
      %add3A_409 = arith.addf %get3A_404, %get3A_408 : vector<16xf32>
      %max3A_410 = arith.constant 0.000000e+00 : f32
      %max3A_411 = vector.broadcast %max3A_410 : f32 to vector<16xf32>
      %max3A_412 = arith.maximumf %add3A_409, %max3A_411 : vector<16xf32>
      %swap3A_413 = arith.index_cast %add3A_400 : i32 to index
      %swap3A_414 = arith.constant 80 : index
      %swap3A_415 = tpu.vector_load %arg13[%swap3A_413, %swap3A_414] {strides = array<i32>} : memref<80x128xf32, #tpu.memory_space<vmem>>, vector<1x16xf32>,
      %swap3A_416 = vector.shape_cast %swap3A_415 : vector<1x16xf32> to vector<16xf32>
      %swap3A_417 = vector.shape_cast %max3A_412 : vector<16xf32> to vector<1x16xf32>
      tpu.vector_store %arg13[%swap3A_413, %swap3A_414], %swap3A_417 {strides = array<i32>} : memref<80x128xf32, #tpu.memory_space<vmem>>, vector<1x16xf32>,
      %mul3A_418 = arith.constant 2 : i32
      %mul3A_419 = arith.muli %scan3A_126, %mul3A_418 : i32
      %add3A_420 = arith.constant 1 : i32
      %add3A_421 = arith.addi %mul3A_419, %add3A_420 : i32
      %get3A_422 = arith.index_cast %add3A_421 : i32 to index
      %get3A_423 = arith.constant 96 : index
      %get3A_424 = tpu.vector_load %arg13[%get3A_422, %get3A_423] {strides = array<i32>} : memref<80x128xf32, #tpu.memory_space<vmem>>, vector<1x16xf32>,
      %get3A_425 = vector.shape_cast %get3A_424 : vector<1x16xf32> to vector<16xf32>
      %get3A_426 = arith.index_cast %add3A_421 : i32 to index
      %get3A_427 = arith.constant 96 : index
      %get3A_428 = tpu.vector_load %arg15[%get3A_426, %get3A_427] {strides = array<i32>} : memref<80x128xf32, #tpu.memory_space<vmem>>, vector<1x16xf32>,
      %get3A_429 = vector.shape_cast %get3A_428 : vector<1x16xf32> to vector<16xf32>
      %add3A_430 = arith.addf %get3A_425, %get3A_429 : vector<16xf32>
      %max3A_431 = arith.constant 0.000000e+00 : f32
      %max3A_432 = vector.broadcast %max3A_431 : f32 to vector<16xf32>
      %max3A_433 = arith.maximumf %add3A_430, %max3A_432 : vector<16xf32>
      %swap3A_434 = arith.index_cast %add3A_421 : i32 to index
      %swap3A_435 = arith.constant 96 : index
      %swap3A_436 = tpu.vector_load %arg13[%swap3A_434, %swap3A_435] {strides = array<i32>} : memref<80x128xf32, #tpu.memory_space<vmem>>, vector<1x16xf32>,
      %swap3A_437 = vector.shape_cast %swap3A_436 : vector<1x16xf32> to vector<16xf32>
      %swap3A_438 = vector.shape_cast %max3A_433 : vector<16xf32> to vector<1x16xf32>
      tpu.vector_store %arg13[%swap3A_434, %swap3A_435], %swap3A_438 {strides = array<i32>} : memref<80x128xf32, #tpu.memory_space<vmem>>, vector<1x16xf32>,
      %mul3A_439 = arith.constant 2 : i32
      %mul3A_440 = arith.muli %scan3A_126, %mul3A_439 : i32
      %add3A_441 = arith.constant 1 : i32
      %add3A_442 = arith.addi %mul3A_440, %add3A_441 : i32
      %get3A_443 = arith.index_cast %add3A_442 : i32 to index
      %get3A_444 = arith.constant 112 : index
      %get3A_445 = tpu.vector_load %arg13[%get3A_443, %get3A_444] {strides = array<i32>} : memref<80x128xf32, #tpu.memory_space<vmem>>, vector<1x16xf32>,
      %get3A_446 = vector.shape_cast %get3A_445 : vector<1x16xf32> to vector<16xf32>
      %get3A_447 = arith.index_cast %add3A_442 : i32 to index
      %get3A_448 = arith.constant 112 : index
      %get3A_449 = tpu.vector_load %arg15[%get3A_447, %get3A_448] {strides = array<i32>} : memref<80x128xf32, #tpu.memory_space<vmem>>, vector<1x16xf32>,
      %get3A_450 = vector.shape_cast %get3A_449 : vector<1x16xf32> to vector<16xf32>
      %add3A_451 = arith.addf %get3A_446, %get3A_450 : vector<16xf32>
      %max3A_452 = arith.constant 0.000000e+00 : f32
      %max3A_453 = vector.broadcast %max3A_452 : f32 to vector<16xf32>
      %max3A_454 = arith.maximumf %add3A_451, %max3A_453 : vector<16xf32>
      %swap3A_455 = arith.index_cast %add3A_442 : i32 to index
      %swap3A_456 = arith.constant 112 : index
      %swap3A_457 = tpu.vector_load %arg13[%swap3A_455, %swap3A_456] {strides = array<i32>} : memref<80x128xf32, #tpu.memory_space<vmem>>, vector<1x16xf32>,
      %swap3A_458 = vector.shape_cast %swap3A_457 : vector<1x16xf32> to vector<16xf32>
      %swap3A_459 = vector.shape_cast %max3A_454 : vector<16xf32> to vector<1x16xf32>
      tpu.vector_store %arg13[%swap3A_455, %swap3A_456], %swap3A_459 {strides = array<i32>} : memref<80x128xf32, #tpu.memory_space<vmem>>, vector<1x16xf32>,
    }
    %scan3A_119 = arith.constant 40 : i32
    "tpu.region"() ({
      %run_scoped3A = tpu.sem_alloc : memref<!tpu.dma_semaphore, #tpu.memory_space<semaphore_mem>>
      %dma_start3A_126 = arith.constant 0 : i32
      %dma_start3A_127 = arith.constant 0 : i32
      %dma_start3A_128 = tpu.memref_slice %arg8[%dma_start3A_126, %dma_start3A_127] : memref<10000x128xf32, #tpu.memory_space<vmem_shared>> -> memref<10000x128xf32, #tpu.memory_space<vmem_shared>>
      tpu.enqueue_indirect_dma source(%arg13 : memref<80x128xf32, #tpu.memory_space<vmem>>) target(%dma_start3A_128 : memref<10000x128xf32, #tpu.memory_space<vmem_shared>>) offsets(%arg11 : memref<80xi32, #tpu.memory_space<vmem>>) semaphore(%run_scoped3A : memref<!tpu.dma_semaphore, #tpu.memory_space<semaphore_mem>>) {add = true}
      %dma_wait3A_129 = arith.constant 0 : i32
      %dma_wait3A_130 = arith.constant 0 : i32
      %dma_wait3A_131 = tpu.memref_slice %arg8[%dma_wait3A_129, %dma_wait3A_130] : memref<10000x128xf32, #tpu.memory_space<vmem_shared>> -> memref<10000x128xf32, #tpu.memory_space<vmem_shared>>
      tpu.wait_indirect_dma semaphore(%run_scoped3A : memref<!tpu.dma_semaphore, #tpu.memory_space<semaphore_mem>>) src(%arg13 : memref<80x128xf32, #tpu.memory_space<vmem>>) dst(%dma_wait3A_131 : memref<10000x128xf32, #tpu.memory_space<vmem_shared>>)
      tpu.yield
    }) : () -> ()
    %barrier3A_120 = arith.constant 0 : index
    tpu.barrier barrier_id(%barrier3A_120)
    %lt3A_121 = arith.constant 10 : i32
    %lt3A_122 = arith.cmpi slt, %arg1, %lt3A_121 : i32
    %convert_element_type3A_123 = arith.extui %lt3A_122 : i1 to i32
    %cond3A_124 = arith.constant 0 : i32
    %cond3A_125 = arith.cmpi ne, %convert_element_type3A_123, %cond3A_124 : i32
    scf.if %cond3A_125 {
      %mul3A_126 = arith.constant 10000 : i32
      %mul3A_127 = arith.muli %arg0, %mul3A_126 : i32
      %add3A_128 = arith.addi %mul3A_127, %mul3A_0 : i32
      "tpu.region"() ({
        %run_scoped3A = tpu.sem_alloc : memref<!tpu.dma_semaphore, #tpu.memory_space<semaphore_mem>>
        %dma_start3A_129 = arith.constant 0 : i32
        %dma_start3A_130 = tpu.memref_slice %arg7[%add3A_128, %dma_start3A_129] : memref<20000x128xf32, #tpu.memory_space<hbm>> -> memref<1000x128xf32, #tpu.memory_space<hbm>>
        %dma_start3A_131 = arith.constant 0 : i32
        %dma_start3A_132 = tpu.memref_slice %arg8[%mul3A_0, %dma_start3A_131] : memref<10000x128xf32, #tpu.memory_space<vmem_shared>> -> memref<1000x128xf32, #tpu.memory_space<vmem_shared>>
        tpu.enqueue_dma source(%dma_start3A_132 : memref<1000x128xf32, #tpu.memory_space<vmem_shared>>) target(%dma_start3A_130 : memref<1000x128xf32, #tpu.memory_space<hbm>>) target_semaphore(%run_scoped3A : memref<!tpu.dma_semaphore, #tpu.memory_space<semaphore_mem>>)
        %dma_wait3A_133 = arith.constant 0 : i32
        %dma_wait3A_134 = tpu.memref_slice %arg7[%add3A_128, %dma_wait3A_133] : memref<20000x128xf32, #tpu.memory_space<hbm>> -> memref<1000x128xf32, #tpu.memory_space<hbm>>
        %dma_wait3A_135 = arith.constant 0 : i32
        %dma_wait3A_136 = tpu.memref_slice %arg8[%mul3A_0, %dma_wait3A_135] : memref<10000x128xf32, #tpu.memory_space<vmem_shared>> -> memref<1000x128xf32, #tpu.memory_space<vmem_shared>>
        tpu.wait_dma2 semaphore(%run_scoped3A : memref<!tpu.dma_semaphore, #tpu.memory_space<semaphore_mem>>) src(%dma_wait3A_136 : memref<1000x128xf32, #tpu.memory_space<vmem_shared>>) dst(%dma_wait3A_134 : memref<1000x128xf32, #tpu.memory_space<hbm>>)
        tpu.yield
      }) : () -> ()
    } else {
    }
    return
  }
}

#map = affine_map<(d0, d1) -> (0, 0)>
#map1 = affine_map<(d0, d1) -> (0)>
module attributes {stable_mosaic.version = 14 : i64} {
  func.func @body(%arg0: i32, %arg1: i32, %arg2: memref<20000x128xf32, #tpu.memory_space<hbm>>, %arg3: memref<640000x128xf32, #tpu.memory_space<hbm>>, %arg4: memref<640000xi32, #tpu.memory_space<hbm>>, %arg5: memref<320000xi32, #tpu.memory_space<hbm>>, %arg6: memref<10000x128xf32, #tpu.memory_space<hbm>>, %arg7: memref<20000x128xf32, #tpu.memory_space<hbm>>, %arg8: memref<10000x128xf32, #tpu.memory_space<vmem_shared>>, %arg9: memref<80xi32, #tpu.memory_space<vmem>>, %arg10: memref<80xi32, #tpu.memory_space<vmem>>, %arg11: memref<80xi32, #tpu.memory_space<vmem>>, %arg12: memref<80xi32, #tpu.memory_space<vmem>>, %arg13: memref<80x128xf32, #tpu.memory_space<vmem>>, %arg14: memref<80x128xf32, #tpu.memory_space<vmem>>, %arg15: memref<80x128xf32, #tpu.memory_space<vmem>>, %arg16: memref<80x128xf32, #tpu.memory_space<vmem>>, %arg17: memref<!tpu.dma_semaphore, #tpu.memory_space<semaphore_mem>>, %arg18: memref<!tpu.dma_semaphore, #tpu.memory_space<semaphore_mem>>, %arg19: memref<!tpu.dma_semaphore, #tpu.memory_space<semaphore_mem>>, %arg20: memref<!tpu.dma_semaphore, #tpu.memory_space<semaphore_mem>>, %arg21: memref<!tpu.dma_semaphore, #tpu.memory_space<semaphore_mem>>, %arg22: memref<!tpu.dma_semaphore, #tpu.memory_space<semaphore_mem>>) attributes {dimension_semantics = [#tpu.dimension_semantics<core_parallel>, #tpu.dimension_semantics<subcore_parallel>], iteration_bounds = array<i64: 2, 16>, scalar_prefetch = 0 : i64, scratch_operands = 15 : i64, tpu.core_type = #tpu.core_type<sc_vector_subcore>, window_params = [{transform_indices = #map}, {transform_indices = #map}, {transform_indices = #map1}, {transform_indices = #map1}, {transform_indices = #map}, {transform_indices = #map}]} {
    %mul3A = arith.constant 1000 : i32
    %mul3A_0 = arith.muli %arg1, %mul3A : i32
    %lt3A = arith.constant 10 : i32
    %lt3A_1 = arith.cmpi slt, %arg1, %lt3A : i32
    %convert_element_type3A = arith.extui %lt3A_1 : i1 to i32
    %cond3A = arith.constant 0 : i32
    %cond3A_2 = arith.cmpi ne, %convert_element_type3A, %cond3A : i32
    scf.if %cond3A_2 {
      "tpu.region"() ({
        %run_scoped3A = tpu.sem_alloc : memref<!tpu.dma_semaphore, #tpu.memory_space<semaphore_mem>>
        %dma_start3A_113 = arith.constant 0 : i32
        %dma_start3A_114 = tpu.memref_slice %arg8[%mul3A_0, %dma_start3A_113] : memref<10000x128xf32, #tpu.memory_space<vmem_shared>> -> memref<1000x128xf32, #tpu.memory_space<vmem_shared>>
        %dma_start3A_115 = arith.constant 0 : i32
        %dma_start3A_116 = tpu.memref_slice %arg6[%mul3A_0, %dma_start3A_115] : memref<10000x128xf32, #tpu.memory_space<hbm>> -> memref<1000x128xf32, #tpu.memory_space<hbm>>
        tpu.enqueue_dma source(%dma_start3A_116 : memref<1000x128xf32, #tpu.memory_space<hbm>>) target(%dma_start3A_114 : memref<1000x128xf32, #tpu.memory_space<vmem_shared>>) target_semaphore(%run_scoped3A : memref<!tpu.dma_semaphore, #tpu.memory_space<semaphore_mem>>)
        %dma_wait3A_117 = arith.constant 0 : i32
        %dma_wait3A_118 = tpu.memref_slice %arg8[%mul3A_0, %dma_wait3A_117] : memref<10000x128xf32, #tpu.memory_space<vmem_shared>> -> memref<1000x128xf32, #tpu.memory_space<vmem_shared>>
        %dma_wait3A_119 = arith.constant 0 : i32
        %dma_wait3A_120 = tpu.memref_slice %arg6[%mul3A_0, %dma_wait3A_119] : memref<10000x128xf32, #tpu.memory_space<hbm>> -> memref<1000x128xf32, #tpu.memory_space<hbm>>
        tpu.wait_dma2 semaphore(%run_scoped3A : memref<!tpu.dma_semaphore, #tpu.memory_space<semaphore_mem>>) src(%dma_wait3A_120 : memref<1000x128xf32, #tpu.memory_space<hbm>>) dst(%dma_wait3A_118 : memref<1000x128xf32, #tpu.memory_space<vmem_shared>>)
        tpu.yield
      }) : () -> ()
    } else {
    }
    %barrier3A = arith.constant 0 : index
    tpu.barrier barrier_id(%barrier3A)
    %mul3A_3 = arith.constant 20000 : i32
    %mul3A_4 = arith.muli %arg1, %mul3A_3 : i32
    %mul3A_5 = arith.constant 320000 : i32
    %mul3A_6 = arith.muli %arg0, %mul3A_5 : i32
    %add3A = arith.addi %mul3A_6, %mul3A_4 : i32
    %add3A_7 = arith.constant 0 : i32
    %add3A_8 = arith.addi %add3A, %add3A_7 : i32
    %dma_start3A = tpu.memref_slice %arg4[%add3A_8] : memref<640000xi32, #tpu.memory_space<hbm>> -> memref<80xi32, #tpu.memory_space<hbm>>
    %dma_start3A_9 = tpu.memref_slice %arg4[%add3A_8] : memref<640000xi32, #tpu.memory_space<hbm>> -> memref<80xi32, #tpu.memory_space<hbm>>
    tpu.enqueue_dma source(%dma_start3A_9 : memref<80xi32, #tpu.memory_space<hbm>>) target(%arg9 : memref<80xi32, #tpu.memory_space<vmem>>) target_semaphore(%arg17 : memref<!tpu.dma_semaphore, #tpu.memory_space<semaphore_mem>>)
    %add3A_10 = arith.constant 0 : i32
    %add3A_11 = arith.addi %mul3A_4, %add3A_10 : i32
    %dma_start3A_12 = tpu.memref_slice %arg5[%add3A_11] : memref<320000xi32, #tpu.memory_space<hbm>> -> memref<80xi32, #tpu.memory_space<hbm>>
    %dma_start3A_13 = tpu.memref_slice %arg5[%add3A_11] : memref<320000xi32, #tpu.memory_space<hbm>> -> memref<80xi32, #tpu.memory_space<hbm>>
    tpu.enqueue_dma source(%dma_start3A_13 : memref<80xi32, #tpu.memory_space<hbm>>) target(%arg11 : memref<80xi32, #tpu.memory_space<vmem>>) target_semaphore(%arg17 : memref<!tpu.dma_semaphore, #tpu.memory_space<semaphore_mem>>)
    %add3A_14 = arith.constant 80 : i32
    %add3A_15 = arith.addi %add3A, %add3A_14 : i32
    %dma_start3A_16 = tpu.memref_slice %arg4[%add3A_15] : memref<640000xi32, #tpu.memory_space<hbm>> -> memref<80xi32, #tpu.memory_space<hbm>>
    %dma_start3A_17 = tpu.memref_slice %arg4[%add3A_15] : memref<640000xi32, #tpu.memory_space<hbm>> -> memref<80xi32, #tpu.memory_space<hbm>>
    tpu.enqueue_dma source(%dma_start3A_17 : memref<80xi32, #tpu.memory_space<hbm>>) target(%arg10 : memref<80xi32, #tpu.memory_space<vmem>>) target_semaphore(%arg18 : memref<!tpu.dma_semaphore, #tpu.memory_space<semaphore_mem>>)
    %add3A_18 = arith.constant 80 : i32
    %add3A_19 = arith.addi %mul3A_4, %add3A_18 : i32
    %dma_start3A_20 = tpu.memref_slice %arg5[%add3A_19] : memref<320000xi32, #tpu.memory_space<hbm>> -> memref<80xi32, #tpu.memory_space<hbm>>
    %dma_start3A_21 = tpu.memref_slice %arg5[%add3A_19] : memref<320000xi32, #tpu.memory_space<hbm>> -> memref<80xi32, #tpu.memory_space<hbm>>
    tpu.enqueue_dma source(%dma_start3A_21 : memref<80xi32, #tpu.memory_space<hbm>>) target(%arg12 : memref<80xi32, #tpu.memory_space<vmem>>) target_semaphore(%arg18 : memref<!tpu.dma_semaphore, #tpu.memory_space<semaphore_mem>>)
    %dma_wait3A = tpu.memref_slice %arg4[%add3A] : memref<640000xi32, #tpu.memory_space<hbm>> -> memref<80xi32, #tpu.memory_space<hbm>>
    %dma_wait3A_22 = tpu.memref_slice %arg4[%add3A] : memref<640000xi32, #tpu.memory_space<hbm>> -> memref<80xi32, #tpu.memory_space<hbm>>
    tpu.wait_dma2 semaphore(%arg17 : memref<!tpu.dma_semaphore, #tpu.memory_space<semaphore_mem>>) src(%dma_wait3A_22 : memref<80xi32, #tpu.memory_space<hbm>>) dst(%arg9 : memref<80xi32, #tpu.memory_space<vmem>>)
    %dma_wait3A_23 = tpu.memref_slice %arg5[%mul3A_4] : memref<320000xi32, #tpu.memory_space<hbm>> -> memref<80xi32, #tpu.memory_space<hbm>>
    %dma_wait3A_24 = tpu.memref_slice %arg5[%mul3A_4] : memref<320000xi32, #tpu.memory_space<hbm>> -> memref<80xi32, #tpu.memory_space<hbm>>
    tpu.wait_dma2 semaphore(%arg17 : memref<!tpu.dma_semaphore, #tpu.memory_space<semaphore_mem>>) src(%dma_wait3A_24 : memref<80xi32, #tpu.memory_space<hbm>>) dst(%arg11 : memref<80xi32, #tpu.memory_space<vmem>>)
    %dma_start3A_25 = arith.constant 0 : i32
    %dma_start3A_26 = arith.constant 0 : i32
    %dma_start3A_27 = tpu.memref_slice %arg2[%dma_start3A_25, %dma_start3A_26] : memref<20000x128xf32, #tpu.memory_space<hbm>> -> memref<20000x128xf32, #tpu.memory_space<hbm>>
    tpu.enqueue_indirect_dma source(%dma_start3A_27 : memref<20000x128xf32, #tpu.memory_space<hbm>>) target(%arg13 : memref<80x128xf32, #tpu.memory_space<vmem>>) offsets(%arg9 : memref<80xi32, #tpu.memory_space<vmem>>) semaphore(%arg19 : memref<!tpu.dma_semaphore, #tpu.memory_space<semaphore_mem>>)
    %add3A_28 = arith.constant 0 : i32
    %add3A_29 = arith.addi %add3A, %add3A_28 : i32
    %dma_start3A_30 = arith.constant 0 : i32
    %dma_start3A_31 = tpu.memref_slice %arg3[%add3A_29, %dma_start3A_30] : memref<640000x128xf32, #tpu.memory_space<hbm>> -> memref<80x128xf32, #tpu.memory_space<hbm>>
    %dma_start3A_32 = arith.constant 0 : i32
    %dma_start3A_33 = tpu.memref_slice %arg3[%add3A_29, %dma_start3A_32] : memref<640000x128xf32, #tpu.memory_space<hbm>> -> memref<80x128xf32, #tpu.memory_space<hbm>>
    tpu.enqueue_dma source(%dma_start3A_33 : memref<80x128xf32, #tpu.memory_space<hbm>>) target(%arg15 : memref<80x128xf32, #tpu.memory_space<vmem>>) target_semaphore(%arg21 : memref<!tpu.dma_semaphore, #tpu.memory_space<semaphore_mem>>)
    %dma_wait3A_34 = tpu.memref_slice %arg4[%add3A] : memref<640000xi32, #tpu.memory_space<hbm>> -> memref<80xi32, #tpu.memory_space<hbm>>
    %dma_wait3A_35 = tpu.memref_slice %arg4[%add3A] : memref<640000xi32, #tpu.memory_space<hbm>> -> memref<80xi32, #tpu.memory_space<hbm>>
    tpu.wait_dma2 semaphore(%arg18 : memref<!tpu.dma_semaphore, #tpu.memory_space<semaphore_mem>>) src(%dma_wait3A_35 : memref<80xi32, #tpu.memory_space<hbm>>) dst(%arg10 : memref<80xi32, #tpu.memory_space<vmem>>)
    %dma_wait3A_36 = tpu.memref_slice %arg5[%mul3A_4] : memref<320000xi32, #tpu.memory_space<hbm>> -> memref<80xi32, #tpu.memory_space<hbm>>
    %dma_wait3A_37 = tpu.memref_slice %arg5[%mul3A_4] : memref<320000xi32, #tpu.memory_space<hbm>> -> memref<80xi32, #tpu.memory_space<hbm>>
    tpu.wait_dma2 semaphore(%arg18 : memref<!tpu.dma_semaphore, #tpu.memory_space<semaphore_mem>>) src(%dma_wait3A_37 : memref<80xi32, #tpu.memory_space<hbm>>) dst(%arg12 : memref<80xi32, #tpu.memory_space<vmem>>)
    %dma_start3A_38 = arith.constant 0 : i32
    %dma_start3A_39 = arith.constant 0 : i32
    %dma_start3A_40 = tpu.memref_slice %arg2[%dma_start3A_38, %dma_start3A_39] : memref<20000x128xf32, #tpu.memory_space<hbm>> -> memref<20000x128xf32, #tpu.memory_space<hbm>>
    tpu.enqueue_indirect_dma source(%dma_start3A_40 : memref<20000x128xf32, #tpu.memory_space<hbm>>) target(%arg14 : memref<80x128xf32, #tpu.memory_space<vmem>>) offsets(%arg10 : memref<80xi32, #tpu.memory_space<vmem>>) semaphore(%arg20 : memref<!tpu.dma_semaphore, #tpu.memory_space<semaphore_mem>>)
    %add3A_41 = arith.constant 80 : i32
    %add3A_42 = arith.addi %add3A, %add3A_41 : i32
    %dma_start3A_43 = arith.constant 0 : i32
    %dma_start3A_44 = tpu.memref_slice %arg3[%add3A_42, %dma_start3A_43] : memref<640000x128xf32, #tpu.memory_space<hbm>> -> memref<80x128xf32, #tpu.memory_space<hbm>>
    %dma_start3A_45 = arith.constant 0 : i32
    %dma_start3A_46 = tpu.memref_slice %arg3[%add3A_42, %dma_start3A_45] : memref<640000x128xf32, #tpu.memory_space<hbm>> -> memref<80x128xf32, #tpu.memory_space<hbm>>
    tpu.enqueue_dma source(%dma_start3A_46 : memref<80x128xf32, #tpu.memory_space<hbm>>) target(%arg16 : memref<80x128xf32, #tpu.memory_space<vmem>>) target_semaphore(%arg22 : memref<!tpu.dma_semaphore, #tpu.memory_space<semaphore_mem>>)
    %dma_wait3A_47 = arith.constant 0 : i32
    %dma_wait3A_48 = arith.constant 0 : i32
    %dma_wait3A_49 = tpu.memref_slice %arg2[%dma_wait3A_47, %dma_wait3A_48] : memref<20000x128xf32, #tpu.memory_space<hbm>> -> memref<20000x128xf32, #tpu.memory_space<hbm>>
    tpu.wait_indirect_dma semaphore(%arg19 : memref<!tpu.dma_semaphore, #tpu.memory_space<semaphore_mem>>) src(%dma_wait3A_49 : memref<20000x128xf32, #tpu.memory_space<hbm>>) dst(%arg13 : memref<80x128xf32, #tpu.memory_space<vmem>>)
    %dma_wait3A_50 = arith.constant 0 : i32
    %dma_wait3A_51 = tpu.memref_slice %arg3[%add3A, %dma_wait3A_50] : memref<640000x128xf32, #tpu.memory_space<hbm>> -> memref<80x128xf32, #tpu.memory_space<hbm>>
    %dma_wait3A_52 = arith.constant 0 : i32
    %dma_wait3A_53 = tpu.memref_slice %arg3[%add3A, %dma_wait3A_52] : memref<640000x128xf32, #tpu.memory_space<hbm>> -> memref<80x128xf32, #tpu.memory_space<hbm>>
    tpu.wait_dma2 semaphore(%arg21 : memref<!tpu.dma_semaphore, #tpu.memory_space<semaphore_mem>>) src(%dma_wait3A_53 : memref<80x128xf32, #tpu.memory_space<hbm>>) dst(%arg15 : memref<80x128xf32, #tpu.memory_space<vmem>>)
    %scan3A = arith.constant 0 : i32
    %scan3A_54 = arith.constant 0 : i32
    %scan3A_55 = arith.constant 40 : i32
    %scan3A_56 = arith.addi %scan3A_54, %scan3A_55 : i32
    %scan3A_57 = arith.constant 1 : i32
    scf.for %scan3A_113 = %scan3A_54 to %scan3A_56 step %scan3A_57  : i32 {
      %mul3A_114 = arith.constant 2 : i32
      %mul3A_115 = arith.muli %scan3A_113, %mul3A_114 : i32
      %add3A_116 = arith.constant 0 : i32
      %add3A_117 = arith.addi %mul3A_115, %add3A_116 : i32
      %get3A = arith.index_cast %add3A_117 : i32 to index
      %get3A_118 = arith.constant 0 : index
      %get3A_119 = tpu.vector_load %arg13[%get3A, %get3A_118] {strides = array<i32>} : memref<80x128xf32, #tpu.memory_space<vmem>>, vector<1x16xf32>,
      %get3A_120 = vector.shape_cast %get3A_119 : vector<1x16xf32> to vector<16xf32>
      %get3A_121 = arith.index_cast %add3A_117 : i32 to index
      %get3A_122 = arith.constant 0 : index
      %get3A_123 = tpu.vector_load %arg15[%get3A_121, %get3A_122] {strides = array<i32>} : memref<80x128xf32, #tpu.memory_space<vmem>>, vector<1x16xf32>,
      %get3A_124 = vector.shape_cast %get3A_123 : vector<1x16xf32> to vector<16xf32>
      %add3A_125 = arith.addf %get3A_120, %get3A_124 : vector<16xf32>
      %max3A = arith.constant 0.000000e+00 : f32
      %max3A_126 = vector.broadcast %max3A : f32 to vector<16xf32>
      %max3A_127 = arith.maximumf %add3A_125, %max3A_126 : vector<16xf32>
      %swap3A = arith.index_cast %add3A_117 : i32 to index
      %swap3A_128 = arith.constant 0 : index
      %swap3A_129 = tpu.vector_load %arg13[%swap3A, %swap3A_128] {strides = array<i32>} : memref<80x128xf32, #tpu.memory_space<vmem>>, vector<1x16xf32>,
      %swap3A_130 = vector.shape_cast %swap3A_129 : vector<1x16xf32> to vector<16xf32>
      %swap3A_131 = vector.shape_cast %max3A_127 : vector<16xf32> to vector<1x16xf32>
      tpu.vector_store %arg13[%swap3A, %swap3A_128], %swap3A_131 {strides = array<i32>} : memref<80x128xf32, #tpu.memory_space<vmem>>, vector<1x16xf32>,
      %mul3A_132 = arith.constant 2 : i32
      %mul3A_133 = arith.muli %scan3A_113, %mul3A_132 : i32
      %add3A_134 = arith.constant 0 : i32
      %add3A_135 = arith.addi %mul3A_133, %add3A_134 : i32
      %get3A_136 = arith.index_cast %add3A_135 : i32 to index
      %get3A_137 = arith.constant 16 : index
      %get3A_138 = tpu.vector_load %arg13[%get3A_136, %get3A_137] {strides = array<i32>} : memref<80x128xf32, #tpu.memory_space<vmem>>, vector<1x16xf32>,
      %get3A_139 = vector.shape_cast %get3A_138 : vector<1x16xf32> to vector<16xf32>
      %get3A_140 = arith.index_cast %add3A_135 : i32 to index
      %get3A_141 = arith.constant 16 : index
      %get3A_142 = tpu.vector_load %arg15[%get3A_140, %get3A_141] {strides = array<i32>} : memref<80x128xf32, #tpu.memory_space<vmem>>, vector<1x16xf32>,
      %get3A_143 = vector.shape_cast %get3A_142 : vector<1x16xf32> to vector<16xf32>
      %add3A_144 = arith.addf %get3A_139, %get3A_143 : vector<16xf32>
      %max3A_145 = arith.constant 0.000000e+00 : f32
      %max3A_146 = vector.broadcast %max3A_145 : f32 to vector<16xf32>
      %max3A_147 = arith.maximumf %add3A_144, %max3A_146 : vector<16xf32>
      %swap3A_148 = arith.index_cast %add3A_135 : i32 to index
      %swap3A_149 = arith.constant 16 : index
      %swap3A_150 = tpu.vector_load %arg13[%swap3A_148, %swap3A_149] {strides = array<i32>} : memref<80x128xf32, #tpu.memory_space<vmem>>, vector<1x16xf32>,
      %swap3A_151 = vector.shape_cast %swap3A_150 : vector<1x16xf32> to vector<16xf32>
      %swap3A_152 = vector.shape_cast %max3A_147 : vector<16xf32> to vector<1x16xf32>
      tpu.vector_store %arg13[%swap3A_148, %swap3A_149], %swap3A_152 {strides = array<i32>} : memref<80x128xf32, #tpu.memory_space<vmem>>, vector<1x16xf32>,
      %mul3A_153 = arith.constant 2 : i32
      %mul3A_154 = arith.muli %scan3A_113, %mul3A_153 : i32
      %add3A_155 = arith.constant 0 : i32
      %add3A_156 = arith.addi %mul3A_154, %add3A_155 : i32
      %get3A_157 = arith.index_cast %add3A_156 : i32 to index
      %get3A_158 = arith.constant 32 : index
      %get3A_159 = tpu.vector_load %arg13[%get3A_157, %get3A_158] {strides = array<i32>} : memref<80x128xf32, #tpu.memory_space<vmem>>, vector<1x16xf32>,
      %get3A_160 = vector.shape_cast %get3A_159 : vector<1x16xf32> to vector<16xf32>
      %get3A_161 = arith.index_cast %add3A_156 : i32 to index
      %get3A_162 = arith.constant 32 : index
      %get3A_163 = tpu.vector_load %arg15[%get3A_161, %get3A_162] {strides = array<i32>} : memref<80x128xf32, #tpu.memory_space<vmem>>, vector<1x16xf32>,
      %get3A_164 = vector.shape_cast %get3A_163 : vector<1x16xf32> to vector<16xf32>
      %add3A_165 = arith.addf %get3A_160, %get3A_164 : vector<16xf32>
      %max3A_166 = arith.constant 0.000000e+00 : f32
      %max3A_167 = vector.broadcast %max3A_166 : f32 to vector<16xf32>
      %max3A_168 = arith.maximumf %add3A_165, %max3A_167 : vector<16xf32>
      %swap3A_169 = arith.index_cast %add3A_156 : i32 to index
      %swap3A_170 = arith.constant 32 : index
      %swap3A_171 = tpu.vector_load %arg13[%swap3A_169, %swap3A_170] {strides = array<i32>} : memref<80x128xf32, #tpu.memory_space<vmem>>, vector<1x16xf32>,
      %swap3A_172 = vector.shape_cast %swap3A_171 : vector<1x16xf32> to vector<16xf32>
      %swap3A_173 = vector.shape_cast %max3A_168 : vector<16xf32> to vector<1x16xf32>
      tpu.vector_store %arg13[%swap3A_169, %swap3A_170], %swap3A_173 {strides = array<i32>} : memref<80x128xf32, #tpu.memory_space<vmem>>, vector<1x16xf32>,
      %mul3A_174 = arith.constant 2 : i32
      %mul3A_175 = arith.muli %scan3A_113, %mul3A_174 : i32
      %add3A_176 = arith.constant 0 : i32
      %add3A_177 = arith.addi %mul3A_175, %add3A_176 : i32
      %get3A_178 = arith.index_cast %add3A_177 : i32 to index
      %get3A_179 = arith.constant 48 : index
      %get3A_180 = tpu.vector_load %arg13[%get3A_178, %get3A_179] {strides = array<i32>} : memref<80x128xf32, #tpu.memory_space<vmem>>, vector<1x16xf32>,
      %get3A_181 = vector.shape_cast %get3A_180 : vector<1x16xf32> to vector<16xf32>
      %get3A_182 = arith.index_cast %add3A_177 : i32 to index
      %get3A_183 = arith.constant 48 : index
      %get3A_184 = tpu.vector_load %arg15[%get3A_182, %get3A_183] {strides = array<i32>} : memref<80x128xf32, #tpu.memory_space<vmem>>, vector<1x16xf32>,
      %get3A_185 = vector.shape_cast %get3A_184 : vector<1x16xf32> to vector<16xf32>
      %add3A_186 = arith.addf %get3A_181, %get3A_185 : vector<16xf32>
      %max3A_187 = arith.constant 0.000000e+00 : f32
      %max3A_188 = vector.broadcast %max3A_187 : f32 to vector<16xf32>
      %max3A_189 = arith.maximumf %add3A_186, %max3A_188 : vector<16xf32>
      %swap3A_190 = arith.index_cast %add3A_177 : i32 to index
      %swap3A_191 = arith.constant 48 : index
      %swap3A_192 = tpu.vector_load %arg13[%swap3A_190, %swap3A_191] {strides = array<i32>} : memref<80x128xf32, #tpu.memory_space<vmem>>, vector<1x16xf32>,
      %swap3A_193 = vector.shape_cast %swap3A_192 : vector<1x16xf32> to vector<16xf32>
      %swap3A_194 = vector.shape_cast %max3A_189 : vector<16xf32> to vector<1x16xf32>
      tpu.vector_store %arg13[%swap3A_190, %swap3A_191], %swap3A_194 {strides = array<i32>} : memref<80x128xf32, #tpu.memory_space<vmem>>, vector<1x16xf32>,
      %mul3A_195 = arith.constant 2 : i32
      %mul3A_196 = arith.muli %scan3A_113, %mul3A_195 : i32
      %add3A_197 = arith.constant 0 : i32
      %add3A_198 = arith.addi %mul3A_196, %add3A_197 : i32
      %get3A_199 = arith.index_cast %add3A_198 : i32 to index
      %get3A_200 = arith.constant 64 : index
      %get3A_201 = tpu.vector_load %arg13[%get3A_199, %get3A_200] {strides = array<i32>} : memref<80x128xf32, #tpu.memory_space<vmem>>, vector<1x16xf32>,
      %get3A_202 = vector.shape_cast %get3A_201 : vector<1x16xf32> to vector<16xf32>
      %get3A_203 = arith.index_cast %add3A_198 : i32 to index
      %get3A_204 = arith.constant 64 : index
      %get3A_205 = tpu.vector_load %arg15[%get3A_203, %get3A_204] {strides = array<i32>} : memref<80x128xf32, #tpu.memory_space<vmem>>, vector<1x16xf32>,
      %get3A_206 = vector.shape_cast %get3A_205 : vector<1x16xf32> to vector<16xf32>
      %add3A_207 = arith.addf %get3A_202, %get3A_206 : vector<16xf32>
      %max3A_208 = arith.constant 0.000000e+00 : f32
      %max3A_209 = vector.broadcast %max3A_208 : f32 to vector<16xf32>
      %max3A_210 = arith.maximumf %add3A_207, %max3A_209 : vector<16xf32>
      %swap3A_211 = arith.index_cast %add3A_198 : i32 to index
      %swap3A_212 = arith.constant 64 : index
      %swap3A_213 = tpu.vector_load %arg13[%swap3A_211, %swap3A_212] {strides = array<i32>} : memref<80x128xf32, #tpu.memory_space<vmem>>, vector<1x16xf32>,
      %swap3A_214 = vector.shape_cast %swap3A_213 : vector<1x16xf32> to vector<16xf32>
      %swap3A_215 = vector.shape_cast %max3A_210 : vector<16xf32> to vector<1x16xf32>
      tpu.vector_store %arg13[%swap3A_211, %swap3A_212], %swap3A_215 {strides = array<i32>} : memref<80x128xf32, #tpu.memory_space<vmem>>, vector<1x16xf32>,
      %mul3A_216 = arith.constant 2 : i32
      %mul3A_217 = arith.muli %scan3A_113, %mul3A_216 : i32
      %add3A_218 = arith.constant 0 : i32
      %add3A_219 = arith.addi %mul3A_217, %add3A_218 : i32
      %get3A_220 = arith.index_cast %add3A_219 : i32 to index
      %get3A_221 = arith.constant 80 : index
      %get3A_222 = tpu.vector_load %arg13[%get3A_220, %get3A_221] {strides = array<i32>} : memref<80x128xf32, #tpu.memory_space<vmem>>, vector<1x16xf32>,
      %get3A_223 = vector.shape_cast %get3A_222 : vector<1x16xf32> to vector<16xf32>
      %get3A_224 = arith.index_cast %add3A_219 : i32 to index
      %get3A_225 = arith.constant 80 : index
      %get3A_226 = tpu.vector_load %arg15[%get3A_224, %get3A_225] {strides = array<i32>} : memref<80x128xf32, #tpu.memory_space<vmem>>, vector<1x16xf32>,
      %get3A_227 = vector.shape_cast %get3A_226 : vector<1x16xf32> to vector<16xf32>
      %add3A_228 = arith.addf %get3A_223, %get3A_227 : vector<16xf32>
      %max3A_229 = arith.constant 0.000000e+00 : f32
      %max3A_230 = vector.broadcast %max3A_229 : f32 to vector<16xf32>
      %max3A_231 = arith.maximumf %add3A_228, %max3A_230 : vector<16xf32>
      %swap3A_232 = arith.index_cast %add3A_219 : i32 to index
      %swap3A_233 = arith.constant 80 : index
      %swap3A_234 = tpu.vector_load %arg13[%swap3A_232, %swap3A_233] {strides = array<i32>} : memref<80x128xf32, #tpu.memory_space<vmem>>, vector<1x16xf32>,
      %swap3A_235 = vector.shape_cast %swap3A_234 : vector<1x16xf32> to vector<16xf32>
      %swap3A_236 = vector.shape_cast %max3A_231 : vector<16xf32> to vector<1x16xf32>
      tpu.vector_store %arg13[%swap3A_232, %swap3A_233], %swap3A_236 {strides = array<i32>} : memref<80x128xf32, #tpu.memory_space<vmem>>, vector<1x16xf32>,
      %mul3A_237 = arith.constant 2 : i32
      %mul3A_238 = arith.muli %scan3A_113, %mul3A_237 : i32
      %add3A_239 = arith.constant 0 : i32
      %add3A_240 = arith.addi %mul3A_238, %add3A_239 : i32
      %get3A_241 = arith.index_cast %add3A_240 : i32 to index
      %get3A_242 = arith.constant 96 : index
      %get3A_243 = tpu.vector_load %arg13[%get3A_241, %get3A_242] {strides = array<i32>} : memref<80x128xf32, #tpu.memory_space<vmem>>, vector<1x16xf32>,
      %get3A_244 = vector.shape_cast %get3A_243 : vector<1x16xf32> to vector<16xf32>
      %get3A_245 = arith.index_cast %add3A_240 : i32 to index
      %get3A_246 = arith.constant 96 : index
      %get3A_247 = tpu.vector_load %arg15[%get3A_245, %get3A_246] {strides = array<i32>} : memref<80x128xf32, #tpu.memory_space<vmem>>, vector<1x16xf32>,
      %get3A_248 = vector.shape_cast %get3A_247 : vector<1x16xf32> to vector<16xf32>
      %add3A_249 = arith.addf %get3A_244, %get3A_248 : vector<16xf32>
      %max3A_250 = arith.constant 0.000000e+00 : f32
      %max3A_251 = vector.broadcast %max3A_250 : f32 to vector<16xf32>
      %max3A_252 = arith.maximumf %add3A_249, %max3A_251 : vector<16xf32>
      %swap3A_253 = arith.index_cast %add3A_240 : i32 to index
      %swap3A_254 = arith.constant 96 : index
      %swap3A_255 = tpu.vector_load %arg13[%swap3A_253, %swap3A_254] {strides = array<i32>} : memref<80x128xf32, #tpu.memory_space<vmem>>, vector<1x16xf32>,
      %swap3A_256 = vector.shape_cast %swap3A_255 : vector<1x16xf32> to vector<16xf32>
      %swap3A_257 = vector.shape_cast %max3A_252 : vector<16xf32> to vector<1x16xf32>
      tpu.vector_store %arg13[%swap3A_253, %swap3A_254], %swap3A_257 {strides = array<i32>} : memref<80x128xf32, #tpu.memory_space<vmem>>, vector<1x16xf32>,
      %mul3A_258 = arith.constant 2 : i32
      %mul3A_259 = arith.muli %scan3A_113, %mul3A_258 : i32
      %add3A_260 = arith.constant 0 : i32
      %add3A_261 = arith.addi %mul3A_259, %add3A_260 : i32
      %get3A_262 = arith.index_cast %add3A_261 : i32 to index
      %get3A_263 = arith.constant 112 : index
      %get3A_264 = tpu.vector_load %arg13[%get3A_262, %get3A_263] {strides = array<i32>} : memref<80x128xf32, #tpu.memory_space<vmem>>, vector<1x16xf32>,
      %get3A_265 = vector.shape_cast %get3A_264 : vector<1x16xf32> to vector<16xf32>
      %get3A_266 = arith.index_cast %add3A_261 : i32 to index
      %get3A_267 = arith.constant 112 : index
      %get3A_268 = tpu.vector_load %arg15[%get3A_266, %get3A_267] {strides = array<i32>} : memref<80x128xf32, #tpu.memory_space<vmem>>, vector<1x16xf32>,
      %get3A_269 = vector.shape_cast %get3A_268 : vector<1x16xf32> to vector<16xf32>
      %add3A_270 = arith.addf %get3A_265, %get3A_269 : vector<16xf32>
      %max3A_271 = arith.constant 0.000000e+00 : f32
      %max3A_272 = vector.broadcast %max3A_271 : f32 to vector<16xf32>
      %max3A_273 = arith.maximumf %add3A_270, %max3A_272 : vector<16xf32>
      %swap3A_274 = arith.index_cast %add3A_261 : i32 to index
      %swap3A_275 = arith.constant 112 : index
      %swap3A_276 = tpu.vector_load %arg13[%swap3A_274, %swap3A_275] {strides = array<i32>} : memref<80x128xf32, #tpu.memory_space<vmem>>, vector<1x16xf32>,
      %swap3A_277 = vector.shape_cast %swap3A_276 : vector<1x16xf32> to vector<16xf32>
      %swap3A_278 = vector.shape_cast %max3A_273 : vector<16xf32> to vector<1x16xf32>
      tpu.vector_store %arg13[%swap3A_274, %swap3A_275], %swap3A_278 {strides = array<i32>} : memref<80x128xf32, #tpu.memory_space<vmem>>, vector<1x16xf32>,
      %mul3A_279 = arith.constant 2 : i32
      %mul3A_280 = arith.muli %scan3A_113, %mul3A_279 : i32
      %add3A_281 = arith.constant 1 : i32
      %add3A_282 = arith.addi %mul3A_280, %add3A_281 : i32
      %get3A_283 = arith.index_cast %add3A_282 : i32 to index
      %get3A_284 = arith.constant 0 : index
      %get3A_285 = tpu.vector_load %arg13[%get3A_283, %get3A_284] {strides = array<i32>} : memref<80x128xf32, #tpu.memory_space<vmem>>, vector<1x16xf32>,
      %get3A_286 = vector.shape_cast %get3A_285 : vector<1x16xf32> to vector<16xf32>
      %get3A_287 = arith.index_cast %add3A_282 : i32 to index
      %get3A_288 = arith.constant 0 : index
      %get3A_289 = tpu.vector_load %arg15[%get3A_287, %get3A_288] {strides = array<i32>} : memref<80x128xf32, #tpu.memory_space<vmem>>, vector<1x16xf32>,
      %get3A_290 = vector.shape_cast %get3A_289 : vector<1x16xf32> to vector<16xf32>
      %add3A_291 = arith.addf %get3A_286, %get3A_290 : vector<16xf32>
      %max3A_292 = arith.constant 0.000000e+00 : f32
      %max3A_293 = vector.broadcast %max3A_292 : f32 to vector<16xf32>
      %max3A_294 = arith.maximumf %add3A_291, %max3A_293 : vector<16xf32>
      %swap3A_295 = arith.index_cast %add3A_282 : i32 to index
      %swap3A_296 = arith.constant 0 : index
      %swap3A_297 = tpu.vector_load %arg13[%swap3A_295, %swap3A_296] {strides = array<i32>} : memref<80x128xf32, #tpu.memory_space<vmem>>, vector<1x16xf32>,
      %swap3A_298 = vector.shape_cast %swap3A_297 : vector<1x16xf32> to vector<16xf32>
      %swap3A_299 = vector.shape_cast %max3A_294 : vector<16xf32> to vector<1x16xf32>
      tpu.vector_store %arg13[%swap3A_295, %swap3A_296], %swap3A_299 {strides = array<i32>} : memref<80x128xf32, #tpu.memory_space<vmem>>, vector<1x16xf32>,
      %mul3A_300 = arith.constant 2 : i32
      %mul3A_301 = arith.muli %scan3A_113, %mul3A_300 : i32
      %add3A_302 = arith.constant 1 : i32
      %add3A_303 = arith.addi %mul3A_301, %add3A_302 : i32
      %get3A_304 = arith.index_cast %add3A_303 : i32 to index
      %get3A_305 = arith.constant 16 : index
      %get3A_306 = tpu.vector_load %arg13[%get3A_304, %get3A_305] {strides = array<i32>} : memref<80x128xf32, #tpu.memory_space<vmem>>, vector<1x16xf32>,
      %get3A_307 = vector.shape_cast %get3A_306 : vector<1x16xf32> to vector<16xf32>
      %get3A_308 = arith.index_cast %add3A_303 : i32 to index
      %get3A_309 = arith.constant 16 : index
      %get3A_310 = tpu.vector_load %arg15[%get3A_308, %get3A_309] {strides = array<i32>} : memref<80x128xf32, #tpu.memory_space<vmem>>, vector<1x16xf32>,
      %get3A_311 = vector.shape_cast %get3A_310 : vector<1x16xf32> to vector<16xf32>
      %add3A_312 = arith.addf %get3A_307, %get3A_311 : vector<16xf32>
      %max3A_313 = arith.constant 0.000000e+00 : f32
      %max3A_314 = vector.broadcast %max3A_313 : f32 to vector<16xf32>
      %max3A_315 = arith.maximumf %add3A_312, %max3A_314 : vector<16xf32>
      %swap3A_316 = arith.index_cast %add3A_303 : i32 to index
      %swap3A_317 = arith.constant 16 : index
      %swap3A_318 = tpu.vector_load %arg13[%swap3A_316, %swap3A_317] {strides = array<i32>} : memref<80x128xf32, #tpu.memory_space<vmem>>, vector<1x16xf32>,
      %swap3A_319 = vector.shape_cast %swap3A_318 : vector<1x16xf32> to vector<16xf32>
      %swap3A_320 = vector.shape_cast %max3A_315 : vector<16xf32> to vector<1x16xf32>
      tpu.vector_store %arg13[%swap3A_316, %swap3A_317], %swap3A_320 {strides = array<i32>} : memref<80x128xf32, #tpu.memory_space<vmem>>, vector<1x16xf32>,
      %mul3A_321 = arith.constant 2 : i32
      %mul3A_322 = arith.muli %scan3A_113, %mul3A_321 : i32
      %add3A_323 = arith.constant 1 : i32
      %add3A_324 = arith.addi %mul3A_322, %add3A_323 : i32
      %get3A_325 = arith.index_cast %add3A_324 : i32 to index
      %get3A_326 = arith.constant 32 : index
      %get3A_327 = tpu.vector_load %arg13[%get3A_325, %get3A_326] {strides = array<i32>} : memref<80x128xf32, #tpu.memory_space<vmem>>, vector<1x16xf32>,
      %get3A_328 = vector.shape_cast %get3A_327 : vector<1x16xf32> to vector<16xf32>
      %get3A_329 = arith.index_cast %add3A_324 : i32 to index
      %get3A_330 = arith.constant 32 : index
      %get3A_331 = tpu.vector_load %arg15[%get3A_329, %get3A_330] {strides = array<i32>} : memref<80x128xf32, #tpu.memory_space<vmem>>, vector<1x16xf32>,
      %get3A_332 = vector.shape_cast %get3A_331 : vector<1x16xf32> to vector<16xf32>
      %add3A_333 = arith.addf %get3A_328, %get3A_332 : vector<16xf32>
      %max3A_334 = arith.constant 0.000000e+00 : f32
      %max3A_335 = vector.broadcast %max3A_334 : f32 to vector<16xf32>
      %max3A_336 = arith.maximumf %add3A_333, %max3A_335 : vector<16xf32>
      %swap3A_337 = arith.index_cast %add3A_324 : i32 to index
      %swap3A_338 = arith.constant 32 : index
      %swap3A_339 = tpu.vector_load %arg13[%swap3A_337, %swap3A_338] {strides = array<i32>} : memref<80x128xf32, #tpu.memory_space<vmem>>, vector<1x16xf32>,
      %swap3A_340 = vector.shape_cast %swap3A_339 : vector<1x16xf32> to vector<16xf32>
      %swap3A_341 = vector.shape_cast %max3A_336 : vector<16xf32> to vector<1x16xf32>
      tpu.vector_store %arg13[%swap3A_337, %swap3A_338], %swap3A_341 {strides = array<i32>} : memref<80x128xf32, #tpu.memory_space<vmem>>, vector<1x16xf32>,
      %mul3A_342 = arith.constant 2 : i32
      %mul3A_343 = arith.muli %scan3A_113, %mul3A_342 : i32
      %add3A_344 = arith.constant 1 : i32
      %add3A_345 = arith.addi %mul3A_343, %add3A_344 : i32
      %get3A_346 = arith.index_cast %add3A_345 : i32 to index
      %get3A_347 = arith.constant 48 : index
      %get3A_348 = tpu.vector_load %arg13[%get3A_346, %get3A_347] {strides = array<i32>} : memref<80x128xf32, #tpu.memory_space<vmem>>, vector<1x16xf32>,
      %get3A_349 = vector.shape_cast %get3A_348 : vector<1x16xf32> to vector<16xf32>
      %get3A_350 = arith.index_cast %add3A_345 : i32 to index
      %get3A_351 = arith.constant 48 : index
      %get3A_352 = tpu.vector_load %arg15[%get3A_350, %get3A_351] {strides = array<i32>} : memref<80x128xf32, #tpu.memory_space<vmem>>, vector<1x16xf32>,
      %get3A_353 = vector.shape_cast %get3A_352 : vector<1x16xf32> to vector<16xf32>
      %add3A_354 = arith.addf %get3A_349, %get3A_353 : vector<16xf32>
      %max3A_355 = arith.constant 0.000000e+00 : f32
      %max3A_356 = vector.broadcast %max3A_355 : f32 to vector<16xf32>
      %max3A_357 = arith.maximumf %add3A_354, %max3A_356 : vector<16xf32>
      %swap3A_358 = arith.index_cast %add3A_345 : i32 to index
      %swap3A_359 = arith.constant 48 : index
      %swap3A_360 = tpu.vector_load %arg13[%swap3A_358, %swap3A_359] {strides = array<i32>} : memref<80x128xf32, #tpu.memory_space<vmem>>, vector<1x16xf32>,
      %swap3A_361 = vector.shape_cast %swap3A_360 : vector<1x16xf32> to vector<16xf32>
      %swap3A_362 = vector.shape_cast %max3A_357 : vector<16xf32> to vector<1x16xf32>
      tpu.vector_store %arg13[%swap3A_358, %swap3A_359], %swap3A_362 {strides = array<i32>} : memref<80x128xf32, #tpu.memory_space<vmem>>, vector<1x16xf32>,
      %mul3A_363 = arith.constant 2 : i32
      %mul3A_364 = arith.muli %scan3A_113, %mul3A_363 : i32
      %add3A_365 = arith.constant 1 : i32
      %add3A_366 = arith.addi %mul3A_364, %add3A_365 : i32
      %get3A_367 = arith.index_cast %add3A_366 : i32 to index
      %get3A_368 = arith.constant 64 : index
      %get3A_369 = tpu.vector_load %arg13[%get3A_367, %get3A_368] {strides = array<i32>} : memref<80x128xf32, #tpu.memory_space<vmem>>, vector<1x16xf32>,
      %get3A_370 = vector.shape_cast %get3A_369 : vector<1x16xf32> to vector<16xf32>
      %get3A_371 = arith.index_cast %add3A_366 : i32 to index
      %get3A_372 = arith.constant 64 : index
      %get3A_373 = tpu.vector_load %arg15[%get3A_371, %get3A_372] {strides = array<i32>} : memref<80x128xf32, #tpu.memory_space<vmem>>, vector<1x16xf32>,
      %get3A_374 = vector.shape_cast %get3A_373 : vector<1x16xf32> to vector<16xf32>
      %add3A_375 = arith.addf %get3A_370, %get3A_374 : vector<16xf32>
      %max3A_376 = arith.constant 0.000000e+00 : f32
      %max3A_377 = vector.broadcast %max3A_376 : f32 to vector<16xf32>
      %max3A_378 = arith.maximumf %add3A_375, %max3A_377 : vector<16xf32>
      %swap3A_379 = arith.index_cast %add3A_366 : i32 to index
      %swap3A_380 = arith.constant 64 : index
      %swap3A_381 = tpu.vector_load %arg13[%swap3A_379, %swap3A_380] {strides = array<i32>} : memref<80x128xf32, #tpu.memory_space<vmem>>, vector<1x16xf32>,
      %swap3A_382 = vector.shape_cast %swap3A_381 : vector<1x16xf32> to vector<16xf32>
      %swap3A_383 = vector.shape_cast %max3A_378 : vector<16xf32> to vector<1x16xf32>
      tpu.vector_store %arg13[%swap3A_379, %swap3A_380], %swap3A_383 {strides = array<i32>} : memref<80x128xf32, #tpu.memory_space<vmem>>, vector<1x16xf32>,
      %mul3A_384 = arith.constant 2 : i32
      %mul3A_385 = arith.muli %scan3A_113, %mul3A_384 : i32
      %add3A_386 = arith.constant 1 : i32
      %add3A_387 = arith.addi %mul3A_385, %add3A_386 : i32
      %get3A_388 = arith.index_cast %add3A_387 : i32 to index
      %get3A_389 = arith.constant 80 : index
      %get3A_390 = tpu.vector_load %arg13[%get3A_388, %get3A_389] {strides = array<i32>} : memref<80x128xf32, #tpu.memory_space<vmem>>, vector<1x16xf32>,
      %get3A_391 = vector.shape_cast %get3A_390 : vector<1x16xf32> to vector<16xf32>
      %get3A_392 = arith.index_cast %add3A_387 : i32 to index
      %get3A_393 = arith.constant 80 : index
      %get3A_394 = tpu.vector_load %arg15[%get3A_392, %get3A_393] {strides = array<i32>} : memref<80x128xf32, #tpu.memory_space<vmem>>, vector<1x16xf32>,
      %get3A_395 = vector.shape_cast %get3A_394 : vector<1x16xf32> to vector<16xf32>
      %add3A_396 = arith.addf %get3A_391, %get3A_395 : vector<16xf32>
      %max3A_397 = arith.constant 0.000000e+00 : f32
      %max3A_398 = vector.broadcast %max3A_397 : f32 to vector<16xf32>
      %max3A_399 = arith.maximumf %add3A_396, %max3A_398 : vector<16xf32>
      %swap3A_400 = arith.index_cast %add3A_387 : i32 to index
      %swap3A_401 = arith.constant 80 : index
      %swap3A_402 = tpu.vector_load %arg13[%swap3A_400, %swap3A_401] {strides = array<i32>} : memref<80x128xf32, #tpu.memory_space<vmem>>, vector<1x16xf32>,
      %swap3A_403 = vector.shape_cast %swap3A_402 : vector<1x16xf32> to vector<16xf32>
      %swap3A_404 = vector.shape_cast %max3A_399 : vector<16xf32> to vector<1x16xf32>
      tpu.vector_store %arg13[%swap3A_400, %swap3A_401], %swap3A_404 {strides = array<i32>} : memref<80x128xf32, #tpu.memory_space<vmem>>, vector<1x16xf32>,
      %mul3A_405 = arith.constant 2 : i32
      %mul3A_406 = arith.muli %scan3A_113, %mul3A_405 : i32
      %add3A_407 = arith.constant 1 : i32
      %add3A_408 = arith.addi %mul3A_406, %add3A_407 : i32
      %get3A_409 = arith.index_cast %add3A_408 : i32 to index
      %get3A_410 = arith.constant 96 : index
      %get3A_411 = tpu.vector_load %arg13[%get3A_409, %get3A_410] {strides = array<i32>} : memref<80x128xf32, #tpu.memory_space<vmem>>, vector<1x16xf32>,
      %get3A_412 = vector.shape_cast %get3A_411 : vector<1x16xf32> to vector<16xf32>
      %get3A_413 = arith.index_cast %add3A_408 : i32 to index
      %get3A_414 = arith.constant 96 : index
      %get3A_415 = tpu.vector_load %arg15[%get3A_413, %get3A_414] {strides = array<i32>} : memref<80x128xf32, #tpu.memory_space<vmem>>, vector<1x16xf32>,
      %get3A_416 = vector.shape_cast %get3A_415 : vector<1x16xf32> to vector<16xf32>
      %add3A_417 = arith.addf %get3A_412, %get3A_416 : vector<16xf32>
      %max3A_418 = arith.constant 0.000000e+00 : f32
      %max3A_419 = vector.broadcast %max3A_418 : f32 to vector<16xf32>
      %max3A_420 = arith.maximumf %add3A_417, %max3A_419 : vector<16xf32>
      %swap3A_421 = arith.index_cast %add3A_408 : i32 to index
      %swap3A_422 = arith.constant 96 : index
      %swap3A_423 = tpu.vector_load %arg13[%swap3A_421, %swap3A_422] {strides = array<i32>} : memref<80x128xf32, #tpu.memory_space<vmem>>, vector<1x16xf32>,
      %swap3A_424 = vector.shape_cast %swap3A_423 : vector<1x16xf32> to vector<16xf32>
      %swap3A_425 = vector.shape_cast %max3A_420 : vector<16xf32> to vector<1x16xf32>
      tpu.vector_store %arg13[%swap3A_421, %swap3A_422], %swap3A_425 {strides = array<i32>} : memref<80x128xf32, #tpu.memory_space<vmem>>, vector<1x16xf32>,
      %mul3A_426 = arith.constant 2 : i32
      %mul3A_427 = arith.muli %scan3A_113, %mul3A_426 : i32
      %add3A_428 = arith.constant 1 : i32
      %add3A_429 = arith.addi %mul3A_427, %add3A_428 : i32
      %get3A_430 = arith.index_cast %add3A_429 : i32 to index
      %get3A_431 = arith.constant 112 : index
      %get3A_432 = tpu.vector_load %arg13[%get3A_430, %get3A_431] {strides = array<i32>} : memref<80x128xf32, #tpu.memory_space<vmem>>, vector<1x16xf32>,
      %get3A_433 = vector.shape_cast %get3A_432 : vector<1x16xf32> to vector<16xf32>
      %get3A_434 = arith.index_cast %add3A_429 : i32 to index
      %get3A_435 = arith.constant 112 : index
      %get3A_436 = tpu.vector_load %arg15[%get3A_434, %get3A_435] {strides = array<i32>} : memref<80x128xf32, #tpu.memory_space<vmem>>, vector<1x16xf32>,
      %get3A_437 = vector.shape_cast %get3A_436 : vector<1x16xf32> to vector<16xf32>
      %add3A_438 = arith.addf %get3A_433, %get3A_437 : vector<16xf32>
      %max3A_439 = arith.constant 0.000000e+00 : f32
      %max3A_440 = vector.broadcast %max3A_439 : f32 to vector<16xf32>
      %max3A_441 = arith.maximumf %add3A_438, %max3A_440 : vector<16xf32>
      %swap3A_442 = arith.index_cast %add3A_429 : i32 to index
      %swap3A_443 = arith.constant 112 : index
      %swap3A_444 = tpu.vector_load %arg13[%swap3A_442, %swap3A_443] {strides = array<i32>} : memref<80x128xf32, #tpu.memory_space<vmem>>, vector<1x16xf32>,
      %swap3A_445 = vector.shape_cast %swap3A_444 : vector<1x16xf32> to vector<16xf32>
      %swap3A_446 = vector.shape_cast %max3A_441 : vector<16xf32> to vector<1x16xf32>
      tpu.vector_store %arg13[%swap3A_442, %swap3A_443], %swap3A_446 {strides = array<i32>} : memref<80x128xf32, #tpu.memory_space<vmem>>, vector<1x16xf32>,
    }
    %scan3A_58 = arith.constant 40 : i32
    "tpu.region"() ({
      %run_scoped3A = tpu.sem_alloc : memref<!tpu.dma_semaphore, #tpu.memory_space<semaphore_mem>>
      %dma_start3A_113 = arith.constant 0 : i32
      %dma_start3A_114 = arith.constant 0 : i32
      %dma_start3A_115 = tpu.memref_slice %arg8[%dma_start3A_113, %dma_start3A_114] : memref<10000x128xf32, #tpu.memory_space<vmem_shared>> -> memref<10000x128xf32, #tpu.memory_space<vmem_shared>>
      tpu.enqueue_indirect_dma source(%arg13 : memref<80x128xf32, #tpu.memory_space<vmem>>) target(%dma_start3A_115 : memref<10000x128xf32, #tpu.memory_space<vmem_shared>>) offsets(%arg11 : memref<80xi32, #tpu.memory_space<vmem>>) semaphore(%run_scoped3A : memref<!tpu.dma_semaphore, #tpu.memory_space<semaphore_mem>>) {add = true}
      %dma_wait3A_116 = arith.constant 0 : i32
      %dma_wait3A_117 = arith.constant 0 : i32
      %dma_wait3A_118 = tpu.memref_slice %arg8[%dma_wait3A_116, %dma_wait3A_117] : memref<10000x128xf32, #tpu.memory_space<vmem_shared>> -> memref<10000x128xf32, #tpu.memory_space<vmem_shared>>
      tpu.wait_indirect_dma semaphore(%run_scoped3A : memref<!tpu.dma_semaphore, #tpu.memory_space<semaphore_mem>>) src(%arg13 : memref<80x128xf32, #tpu.memory_space<vmem>>) dst(%dma_wait3A_118 : memref<10000x128xf32, #tpu.memory_space<vmem_shared>>)
      tpu.yield
    }) : () -> ()
    %add3A_59 = arith.constant 160 : i32
    %add3A_60 = arith.addi %add3A, %add3A_59 : i32
    %dma_start3A_61 = tpu.memref_slice %arg4[%add3A_60] : memref<640000xi32, #tpu.memory_space<hbm>> -> memref<80xi32, #tpu.memory_space<hbm>>
    %dma_start3A_62 = tpu.memref_slice %arg4[%add3A_60] : memref<640000xi32, #tpu.memory_space<hbm>> -> memref<80xi32, #tpu.memory_space<hbm>>
    tpu.enqueue_dma source(%dma_start3A_62 : memref<80xi32, #tpu.memory_space<hbm>>) target(%arg9 : memref<80xi32, #tpu.memory_space<vmem>>) target_semaphore(%arg17 : memref<!tpu.dma_semaphore, #tpu.memory_space<semaphore_mem>>)
    %add3A_63 = arith.constant 160 : i32
    %add3A_64 = arith.addi %mul3A_4, %add3A_63 : i32
    %dma_start3A_65 = tpu.memref_slice %arg5[%add3A_64] : memref<320000xi32, #tpu.memory_space<hbm>> -> memref<80xi32, #tpu.memory_space<hbm>>
    %dma_start3A_66 = tpu.memref_slice %arg5[%add3A_64] : memref<320000xi32, #tpu.memory_space<hbm>> -> memref<80xi32, #tpu.memory_space<hbm>>
    tpu.enqueue_dma source(%dma_start3A_66 : memref<80xi32, #tpu.memory_space<hbm>>) target(%arg11 : memref<80xi32, #tpu.memory_space<vmem>>) target_semaphore(%arg17 : memref<!tpu.dma_semaphore, #tpu.memory_space<semaphore_mem>>)
    %dma_wait3A_67 = tpu.memref_slice %arg4[%add3A] : memref<640000xi32, #tpu.memory_space<hbm>> -> memref<80xi32, #tpu.memory_space<hbm>>
    %dma_wait3A_68 = tpu.memref_slice %arg4[%add3A] : memref<640000xi32, #tpu.memory_space<hbm>> -> memref<80xi32, #tpu.memory_space<hbm>>
    tpu.wait_dma2 semaphore(%arg17 : memref<!tpu.dma_semaphore, #tpu.memory_space<semaphore_mem>>) src(%dma_wait3A_68 : memref<80xi32, #tpu.memory_space<hbm>>) dst(%arg9 : memref<80xi32, #tpu.memory_space<vmem>>)
    %dma_wait3A_69 = tpu.memref_slice %arg5[%mul3A_4] : memref<320000xi32, #tpu.memory_space<hbm>> -> memref<80xi32, #tpu.memory_space<hbm>>
    %dma_wait3A_70 = tpu.memref_slice %arg5[%mul3A_4] : memref<320000xi32, #tpu.memory_space<hbm>> -> memref<80xi32, #tpu.memory_space<hbm>>
    tpu.wait_dma2 semaphore(%arg17 : memref<!tpu.dma_semaphore, #tpu.memory_space<semaphore_mem>>) src(%dma_wait3A_70 : memref<80xi32, #tpu.memory_space<hbm>>) dst(%arg11 : memref<80xi32, #tpu.memory_space<vmem>>)
    %dma_start3A_71 = arith.constant 0 : i32
    %dma_start3A_72 = arith.constant 0 : i32
    %dma_start3A_73 = tpu.memref_slice %arg2[%dma_start3A_71, %dma_start3A_72] : memref<20000x128xf32, #tpu.memory_space<hbm>> -> memref<20000x128xf32, #tpu.memory_space<hbm>>
    tpu.enqueue_indirect_dma source(%dma_start3A_73 : memref<20000x128xf32, #tpu.memory_space<hbm>>) target(%arg13 : memref<80x128xf32, #tpu.memory_space<vmem>>) offsets(%arg9 : memref<80xi32, #tpu.memory_space<vmem>>) semaphore(%arg19 : memref<!tpu.dma_semaphore, #tpu.memory_space<semaphore_mem>>)
    %add3A_74 = arith.constant 160 : i32
    %add3A_75 = arith.addi %add3A, %add3A_74 : i32
    %dma_start3A_76 = arith.constant 0 : i32
    %dma_start3A_77 = tpu.memref_slice %arg3[%add3A_75, %dma_start3A_76] : memref<640000x128xf32, #tpu.memory_space<hbm>> -> memref<80x128xf32, #tpu.memory_space<hbm>>
    %dma_start3A_78 = arith.constant 0 : i32
    %dma_start3A_79 = tpu.memref_slice %arg3[%add3A_75, %dma_start3A_78] : memref<640000x128xf32, #tpu.memory_space<hbm>> -> memref<80x128xf32, #tpu.memory_space<hbm>>
    tpu.enqueue_dma source(%dma_start3A_79 : memref<80x128xf32, #tpu.memory_space<hbm>>) target(%arg15 : memref<80x128xf32, #tpu.memory_space<vmem>>) target_semaphore(%arg21 : memref<!tpu.dma_semaphore, #tpu.memory_space<semaphore_mem>>)
    %dma_wait3A_80 = arith.constant 0 : i32
    %dma_wait3A_81 = arith.constant 0 : i32
    %dma_wait3A_82 = tpu.memref_slice %arg2[%dma_wait3A_80, %dma_wait3A_81] : memref<20000x128xf32, #tpu.memory_space<hbm>> -> memref<20000x128xf32, #tpu.memory_space<hbm>>
    tpu.wait_indirect_dma semaphore(%arg20 : memref<!tpu.dma_semaphore, #tpu.memory_space<semaphore_mem>>) src(%dma_wait3A_82 : memref<20000x128xf32, #tpu.memory_space<hbm>>) dst(%arg14 : memref<80x128xf32, #tpu.memory_space<vmem>>)
    %dma_wait3A_83 = arith.constant 0 : i32
    %dma_wait3A_84 = tpu.memref_slice %arg3[%add3A, %dma_wait3A_83] : memref<640000x128xf32, #tpu.memory_space<hbm>> -> memref<80x128xf32, #tpu.memory_space<hbm>>
    %dma_wait3A_85 = arith.constant 0 : i32
    %dma_wait3A_86 = tpu.memref_slice %arg3[%add3A, %dma_wait3A_85] : memref<640000x128xf32, #tpu.memory_space<hbm>> -> memref<80x128xf32, #tpu.memory_space<hbm>>
    tpu.wait_dma2 semaphore(%arg22 : memref<!tpu.dma_semaphore, #tpu.memory_space<semaphore_mem>>) src(%dma_wait3A_86 : memref<80x128xf32, #tpu.memory_space<hbm>>) dst(%arg16 : memref<80x128xf32, #tpu.memory_space<vmem>>)
    %scan3A_87 = arith.constant 0 : i32
    %scan3A_88 = arith.constant 0 : i32
    %scan3A_89 = arith.constant 40 : i32
    %scan3A_90 = arith.addi %scan3A_88, %scan3A_89 : i32
    %scan3A_91 = arith.constant 1 : i32
    scf.for %scan3A_113 = %scan3A_88 to %scan3A_90 step %scan3A_91  : i32 {
      %mul3A_114 = arith.constant 2 : i32
      %mul3A_115 = arith.muli %scan3A_113, %mul3A_114 : i32
      %add3A_116 = arith.constant 0 : i32
      %add3A_117 = arith.addi %mul3A_115, %add3A_116 : i32
      %get3A = arith.index_cast %add3A_117 : i32 to index
      %get3A_118 = arith.constant 0 : index
      %get3A_119 = tpu.vector_load %arg14[%get3A, %get3A_118] {strides = array<i32>} : memref<80x128xf32, #tpu.memory_space<vmem>>, vector<1x16xf32>,
      %get3A_120 = vector.shape_cast %get3A_119 : vector<1x16xf32> to vector<16xf32>
      %get3A_121 = arith.index_cast %add3A_117 : i32 to index
      %get3A_122 = arith.constant 0 : index
      %get3A_123 = tpu.vector_load %arg16[%get3A_121, %get3A_122] {strides = array<i32>} : memref<80x128xf32, #tpu.memory_space<vmem>>, vector<1x16xf32>,
      %get3A_124 = vector.shape_cast %get3A_123 : vector<1x16xf32> to vector<16xf32>
      %add3A_125 = arith.addf %get3A_120, %get3A_124 : vector<16xf32>
      %max3A = arith.constant 0.000000e+00 : f32
      %max3A_126 = vector.broadcast %max3A : f32 to vector<16xf32>
      %max3A_127 = arith.maximumf %add3A_125, %max3A_126 : vector<16xf32>
      %swap3A = arith.index_cast %add3A_117 : i32 to index
      %swap3A_128 = arith.constant 0 : index
      %swap3A_129 = tpu.vector_load %arg14[%swap3A, %swap3A_128] {strides = array<i32>} : memref<80x128xf32, #tpu.memory_space<vmem>>, vector<1x16xf32>,
      %swap3A_130 = vector.shape_cast %swap3A_129 : vector<1x16xf32> to vector<16xf32>
      %swap3A_131 = vector.shape_cast %max3A_127 : vector<16xf32> to vector<1x16xf32>
      tpu.vector_store %arg14[%swap3A, %swap3A_128], %swap3A_131 {strides = array<i32>} : memref<80x128xf32, #tpu.memory_space<vmem>>, vector<1x16xf32>,
      %mul3A_132 = arith.constant 2 : i32
      %mul3A_133 = arith.muli %scan3A_113, %mul3A_132 : i32
      %add3A_134 = arith.constant 0 : i32
      %add3A_135 = arith.addi %mul3A_133, %add3A_134 : i32
      %get3A_136 = arith.index_cast %add3A_135 : i32 to index
      %get3A_137 = arith.constant 16 : index
      %get3A_138 = tpu.vector_load %arg14[%get3A_136, %get3A_137] {strides = array<i32>} : memref<80x128xf32, #tpu.memory_space<vmem>>, vector<1x16xf32>,
      %get3A_139 = vector.shape_cast %get3A_138 : vector<1x16xf32> to vector<16xf32>
      %get3A_140 = arith.index_cast %add3A_135 : i32 to index
      %get3A_141 = arith.constant 16 : index
      %get3A_142 = tpu.vector_load %arg16[%get3A_140, %get3A_141] {strides = array<i32>} : memref<80x128xf32, #tpu.memory_space<vmem>>, vector<1x16xf32>,
      %get3A_143 = vector.shape_cast %get3A_142 : vector<1x16xf32> to vector<16xf32>
      %add3A_144 = arith.addf %get3A_139, %get3A_143 : vector<16xf32>
      %max3A_145 = arith.constant 0.000000e+00 : f32
      %max3A_146 = vector.broadcast %max3A_145 : f32 to vector<16xf32>
      %max3A_147 = arith.maximumf %add3A_144, %max3A_146 : vector<16xf32>
      %swap3A_148 = arith.index_cast %add3A_135 : i32 to index
      %swap3A_149 = arith.constant 16 : index
      %swap3A_150 = tpu.vector_load %arg14[%swap3A_148, %swap3A_149] {strides = array<i32>} : memref<80x128xf32, #tpu.memory_space<vmem>>, vector<1x16xf32>,
      %swap3A_151 = vector.shape_cast %swap3A_150 : vector<1x16xf32> to vector<16xf32>
      %swap3A_152 = vector.shape_cast %max3A_147 : vector<16xf32> to vector<1x16xf32>
      tpu.vector_store %arg14[%swap3A_148, %swap3A_149], %swap3A_152 {strides = array<i32>} : memref<80x128xf32, #tpu.memory_space<vmem>>, vector<1x16xf32>,
      %mul3A_153 = arith.constant 2 : i32
      %mul3A_154 = arith.muli %scan3A_113, %mul3A_153 : i32
      %add3A_155 = arith.constant 0 : i32
      %add3A_156 = arith.addi %mul3A_154, %add3A_155 : i32
      %get3A_157 = arith.index_cast %add3A_156 : i32 to index
      %get3A_158 = arith.constant 32 : index
      %get3A_159 = tpu.vector_load %arg14[%get3A_157, %get3A_158] {strides = array<i32>} : memref<80x128xf32, #tpu.memory_space<vmem>>, vector<1x16xf32>,
      %get3A_160 = vector.shape_cast %get3A_159 : vector<1x16xf32> to vector<16xf32>
      %get3A_161 = arith.index_cast %add3A_156 : i32 to index
      %get3A_162 = arith.constant 32 : index
      %get3A_163 = tpu.vector_load %arg16[%get3A_161, %get3A_162] {strides = array<i32>} : memref<80x128xf32, #tpu.memory_space<vmem>>, vector<1x16xf32>,
      %get3A_164 = vector.shape_cast %get3A_163 : vector<1x16xf32> to vector<16xf32>
      %add3A_165 = arith.addf %get3A_160, %get3A_164 : vector<16xf32>
      %max3A_166 = arith.constant 0.000000e+00 : f32
      %max3A_167 = vector.broadcast %max3A_166 : f32 to vector<16xf32>
      %max3A_168 = arith.maximumf %add3A_165, %max3A_167 : vector<16xf32>
      %swap3A_169 = arith.index_cast %add3A_156 : i32 to index
      %swap3A_170 = arith.constant 32 : index
      %swap3A_171 = tpu.vector_load %arg14[%swap3A_169, %swap3A_170] {strides = array<i32>} : memref<80x128xf32, #tpu.memory_space<vmem>>, vector<1x16xf32>,
      %swap3A_172 = vector.shape_cast %swap3A_171 : vector<1x16xf32> to vector<16xf32>
      %swap3A_173 = vector.shape_cast %max3A_168 : vector<16xf32> to vector<1x16xf32>
      tpu.vector_store %arg14[%swap3A_169, %swap3A_170], %swap3A_173 {strides = array<i32>} : memref<80x128xf32, #tpu.memory_space<vmem>>, vector<1x16xf32>,
      %mul3A_174 = arith.constant 2 : i32
      %mul3A_175 = arith.muli %scan3A_113, %mul3A_174 : i32
      %add3A_176 = arith.constant 0 : i32
      %add3A_177 = arith.addi %mul3A_175, %add3A_176 : i32
      %get3A_178 = arith.index_cast %add3A_177 : i32 to index
      %get3A_179 = arith.constant 48 : index
      %get3A_180 = tpu.vector_load %arg14[%get3A_178, %get3A_179] {strides = array<i32>} : memref<80x128xf32, #tpu.memory_space<vmem>>, vector<1x16xf32>,
      %get3A_181 = vector.shape_cast %get3A_180 : vector<1x16xf32> to vector<16xf32>
      %get3A_182 = arith.index_cast %add3A_177 : i32 to index
      %get3A_183 = arith.constant 48 : index
      %get3A_184 = tpu.vector_load %arg16[%get3A_182, %get3A_183] {strides = array<i32>} : memref<80x128xf32, #tpu.memory_space<vmem>>, vector<1x16xf32>,
      %get3A_185 = vector.shape_cast %get3A_184 : vector<1x16xf32> to vector<16xf32>
      %add3A_186 = arith.addf %get3A_181, %get3A_185 : vector<16xf32>
      %max3A_187 = arith.constant 0.000000e+00 : f32
      %max3A_188 = vector.broadcast %max3A_187 : f32 to vector<16xf32>
      %max3A_189 = arith.maximumf %add3A_186, %max3A_188 : vector<16xf32>
      %swap3A_190 = arith.index_cast %add3A_177 : i32 to index
      %swap3A_191 = arith.constant 48 : index
      %swap3A_192 = tpu.vector_load %arg14[%swap3A_190, %swap3A_191] {strides = array<i32>} : memref<80x128xf32, #tpu.memory_space<vmem>>, vector<1x16xf32>,
      %swap3A_193 = vector.shape_cast %swap3A_192 : vector<1x16xf32> to vector<16xf32>
      %swap3A_194 = vector.shape_cast %max3A_189 : vector<16xf32> to vector<1x16xf32>
      tpu.vector_store %arg14[%swap3A_190, %swap3A_191], %swap3A_194 {strides = array<i32>} : memref<80x128xf32, #tpu.memory_space<vmem>>, vector<1x16xf32>,
      %mul3A_195 = arith.constant 2 : i32
      %mul3A_196 = arith.muli %scan3A_113, %mul3A_195 : i32
      %add3A_197 = arith.constant 0 : i32
      %add3A_198 = arith.addi %mul3A_196, %add3A_197 : i32
      %get3A_199 = arith.index_cast %add3A_198 : i32 to index
      %get3A_200 = arith.constant 64 : index
      %get3A_201 = tpu.vector_load %arg14[%get3A_199, %get3A_200] {strides = array<i32>} : memref<80x128xf32, #tpu.memory_space<vmem>>, vector<1x16xf32>,
      %get3A_202 = vector.shape_cast %get3A_201 : vector<1x16xf32> to vector<16xf32>
      %get3A_203 = arith.index_cast %add3A_198 : i32 to index
      %get3A_204 = arith.constant 64 : index
      %get3A_205 = tpu.vector_load %arg16[%get3A_203, %get3A_204] {strides = array<i32>} : memref<80x128xf32, #tpu.memory_space<vmem>>, vector<1x16xf32>,
      %get3A_206 = vector.shape_cast %get3A_205 : vector<1x16xf32> to vector<16xf32>
      %add3A_207 = arith.addf %get3A_202, %get3A_206 : vector<16xf32>
      %max3A_208 = arith.constant 0.000000e+00 : f32
      %max3A_209 = vector.broadcast %max3A_208 : f32 to vector<16xf32>
      %max3A_210 = arith.maximumf %add3A_207, %max3A_209 : vector<16xf32>
      %swap3A_211 = arith.index_cast %add3A_198 : i32 to index
      %swap3A_212 = arith.constant 64 : index
      %swap3A_213 = tpu.vector_load %arg14[%swap3A_211, %swap3A_212] {strides = array<i32>} : memref<80x128xf32, #tpu.memory_space<vmem>>, vector<1x16xf32>,
      %swap3A_214 = vector.shape_cast %swap3A_213 : vector<1x16xf32> to vector<16xf32>
      %swap3A_215 = vector.shape_cast %max3A_210 : vector<16xf32> to vector<1x16xf32>
      tpu.vector_store %arg14[%swap3A_211, %swap3A_212], %swap3A_215 {strides = array<i32>} : memref<80x128xf32, #tpu.memory_space<vmem>>, vector<1x16xf32>,
      %mul3A_216 = arith.constant 2 : i32
      %mul3A_217 = arith.muli %scan3A_113, %mul3A_216 : i32
      %add3A_218 = arith.constant 0 : i32
      %add3A_219 = arith.addi %mul3A_217, %add3A_218 : i32
      %get3A_220 = arith.index_cast %add3A_219 : i32 to index
      %get3A_221 = arith.constant 80 : index
      %get3A_222 = tpu.vector_load %arg14[%get3A_220, %get3A_221] {strides = array<i32>} : memref<80x128xf32, #tpu.memory_space<vmem>>, vector<1x16xf32>,
      %get3A_223 = vector.shape_cast %get3A_222 : vector<1x16xf32> to vector<16xf32>
      %get3A_224 = arith.index_cast %add3A_219 : i32 to index
      %get3A_225 = arith.constant 80 : index
      %get3A_226 = tpu.vector_load %arg16[%get3A_224, %get3A_225] {strides = array<i32>} : memref<80x128xf32, #tpu.memory_space<vmem>>, vector<1x16xf32>,
      %get3A_227 = vector.shape_cast %get3A_226 : vector<1x16xf32> to vector<16xf32>
      %add3A_228 = arith.addf %get3A_223, %get3A_227 : vector<16xf32>
      %max3A_229 = arith.constant 0.000000e+00 : f32
      %max3A_230 = vector.broadcast %max3A_229 : f32 to vector<16xf32>
      %max3A_231 = arith.maximumf %add3A_228, %max3A_230 : vector<16xf32>
      %swap3A_232 = arith.index_cast %add3A_219 : i32 to index
      %swap3A_233 = arith.constant 80 : index
      %swap3A_234 = tpu.vector_load %arg14[%swap3A_232, %swap3A_233] {strides = array<i32>} : memref<80x128xf32, #tpu.memory_space<vmem>>, vector<1x16xf32>,
      %swap3A_235 = vector.shape_cast %swap3A_234 : vector<1x16xf32> to vector<16xf32>
      %swap3A_236 = vector.shape_cast %max3A_231 : vector<16xf32> to vector<1x16xf32>
      tpu.vector_store %arg14[%swap3A_232, %swap3A_233], %swap3A_236 {strides = array<i32>} : memref<80x128xf32, #tpu.memory_space<vmem>>, vector<1x16xf32>,
      %mul3A_237 = arith.constant 2 : i32
      %mul3A_238 = arith.muli %scan3A_113, %mul3A_237 : i32
      %add3A_239 = arith.constant 0 : i32
      %add3A_240 = arith.addi %mul3A_238, %add3A_239 : i32
      %get3A_241 = arith.index_cast %add3A_240 : i32 to index
      %get3A_242 = arith.constant 96 : index
      %get3A_243 = tpu.vector_load %arg14[%get3A_241, %get3A_242] {strides = array<i32>} : memref<80x128xf32, #tpu.memory_space<vmem>>, vector<1x16xf32>,
      %get3A_244 = vector.shape_cast %get3A_243 : vector<1x16xf32> to vector<16xf32>
      %get3A_245 = arith.index_cast %add3A_240 : i32 to index
      %get3A_246 = arith.constant 96 : index
      %get3A_247 = tpu.vector_load %arg16[%get3A_245, %get3A_246] {strides = array<i32>} : memref<80x128xf32, #tpu.memory_space<vmem>>, vector<1x16xf32>,
      %get3A_248 = vector.shape_cast %get3A_247 : vector<1x16xf32> to vector<16xf32>
      %add3A_249 = arith.addf %get3A_244, %get3A_248 : vector<16xf32>
      %max3A_250 = arith.constant 0.000000e+00 : f32
      %max3A_251 = vector.broadcast %max3A_250 : f32 to vector<16xf32>
      %max3A_252 = arith.maximumf %add3A_249, %max3A_251 : vector<16xf32>
      %swap3A_253 = arith.index_cast %add3A_240 : i32 to index
      %swap3A_254 = arith.constant 96 : index
      %swap3A_255 = tpu.vector_load %arg14[%swap3A_253, %swap3A_254] {strides = array<i32>} : memref<80x128xf32, #tpu.memory_space<vmem>>, vector<1x16xf32>,
      %swap3A_256 = vector.shape_cast %swap3A_255 : vector<1x16xf32> to vector<16xf32>
      %swap3A_257 = vector.shape_cast %max3A_252 : vector<16xf32> to vector<1x16xf32>
      tpu.vector_store %arg14[%swap3A_253, %swap3A_254], %swap3A_257 {strides = array<i32>} : memref<80x128xf32, #tpu.memory_space<vmem>>, vector<1x16xf32>,
      %mul3A_258 = arith.constant 2 : i32
      %mul3A_259 = arith.muli %scan3A_113, %mul3A_258 : i32
      %add3A_260 = arith.constant 0 : i32
      %add3A_261 = arith.addi %mul3A_259, %add3A_260 : i32
      %get3A_262 = arith.index_cast %add3A_261 : i32 to index
      %get3A_263 = arith.constant 112 : index
      %get3A_264 = tpu.vector_load %arg14[%get3A_262, %get3A_263] {strides = array<i32>} : memref<80x128xf32, #tpu.memory_space<vmem>>, vector<1x16xf32>,
      %get3A_265 = vector.shape_cast %get3A_264 : vector<1x16xf32> to vector<16xf32>
      %get3A_266 = arith.index_cast %add3A_261 : i32 to index
      %get3A_267 = arith.constant 112 : index
      %get3A_268 = tpu.vector_load %arg16[%get3A_266, %get3A_267] {strides = array<i32>} : memref<80x128xf32, #tpu.memory_space<vmem>>, vector<1x16xf32>,
      %get3A_269 = vector.shape_cast %get3A_268 : vector<1x16xf32> to vector<16xf32>
      %add3A_270 = arith.addf %get3A_265, %get3A_269 : vector<16xf32>
      %max3A_271 = arith.constant 0.000000e+00 : f32
      %max3A_272 = vector.broadcast %max3A_271 : f32 to vector<16xf32>
      %max3A_273 = arith.maximumf %add3A_270, %max3A_272 : vector<16xf32>
      %swap3A_274 = arith.index_cast %add3A_261 : i32 to index
      %swap3A_275 = arith.constant 112 : index
      %swap3A_276 = tpu.vector_load %arg14[%swap3A_274, %swap3A_275] {strides = array<i32>} : memref<80x128xf32, #tpu.memory_space<vmem>>, vector<1x16xf32>,
      %swap3A_277 = vector.shape_cast %swap3A_276 : vector<1x16xf32> to vector<16xf32>
      %swap3A_278 = vector.shape_cast %max3A_273 : vector<16xf32> to vector<1x16xf32>
      tpu.vector_store %arg14[%swap3A_274, %swap3A_275], %swap3A_278 {strides = array<i32>} : memref<80x128xf32, #tpu.memory_space<vmem>>, vector<1x16xf32>,
      %mul3A_279 = arith.constant 2 : i32
      %mul3A_280 = arith.muli %scan3A_113, %mul3A_279 : i32
      %add3A_281 = arith.constant 1 : i32
      %add3A_282 = arith.addi %mul3A_280, %add3A_281 : i32
      %get3A_283 = arith.index_cast %add3A_282 : i32 to index
      %get3A_284 = arith.constant 0 : index
      %get3A_285 = tpu.vector_load %arg14[%get3A_283, %get3A_284] {strides = array<i32>} : memref<80x128xf32, #tpu.memory_space<vmem>>, vector<1x16xf32>,
      %get3A_286 = vector.shape_cast %get3A_285 : vector<1x16xf32> to vector<16xf32>
      %get3A_287 = arith.index_cast %add3A_282 : i32 to index
      %get3A_288 = arith.constant 0 : index
      %get3A_289 = tpu.vector_load %arg16[%get3A_287, %get3A_288] {strides = array<i32>} : memref<80x128xf32, #tpu.memory_space<vmem>>, vector<1x16xf32>,
      %get3A_290 = vector.shape_cast %get3A_289 : vector<1x16xf32> to vector<16xf32>
      %add3A_291 = arith.addf %get3A_286, %get3A_290 : vector<16xf32>
      %max3A_292 = arith.constant 0.000000e+00 : f32
      %max3A_293 = vector.broadcast %max3A_292 : f32 to vector<16xf32>
      %max3A_294 = arith.maximumf %add3A_291, %max3A_293 : vector<16xf32>
      %swap3A_295 = arith.index_cast %add3A_282 : i32 to index
      %swap3A_296 = arith.constant 0 : index
      %swap3A_297 = tpu.vector_load %arg14[%swap3A_295, %swap3A_296] {strides = array<i32>} : memref<80x128xf32, #tpu.memory_space<vmem>>, vector<1x16xf32>,
      %swap3A_298 = vector.shape_cast %swap3A_297 : vector<1x16xf32> to vector<16xf32>
      %swap3A_299 = vector.shape_cast %max3A_294 : vector<16xf32> to vector<1x16xf32>
      tpu.vector_store %arg14[%swap3A_295, %swap3A_296], %swap3A_299 {strides = array<i32>} : memref<80x128xf32, #tpu.memory_space<vmem>>, vector<1x16xf32>,
      %mul3A_300 = arith.constant 2 : i32
      %mul3A_301 = arith.muli %scan3A_113, %mul3A_300 : i32
      %add3A_302 = arith.constant 1 : i32
      %add3A_303 = arith.addi %mul3A_301, %add3A_302 : i32
      %get3A_304 = arith.index_cast %add3A_303 : i32 to index
      %get3A_305 = arith.constant 16 : index
      %get3A_306 = tpu.vector_load %arg14[%get3A_304, %get3A_305] {strides = array<i32>} : memref<80x128xf32, #tpu.memory_space<vmem>>, vector<1x16xf32>,
      %get3A_307 = vector.shape_cast %get3A_306 : vector<1x16xf32> to vector<16xf32>
      %get3A_308 = arith.index_cast %add3A_303 : i32 to index
      %get3A_309 = arith.constant 16 : index
      %get3A_310 = tpu.vector_load %arg16[%get3A_308, %get3A_309] {strides = array<i32>} : memref<80x128xf32, #tpu.memory_space<vmem>>, vector<1x16xf32>,
      %get3A_311 = vector.shape_cast %get3A_310 : vector<1x16xf32> to vector<16xf32>
      %add3A_312 = arith.addf %get3A_307, %get3A_311 : vector<16xf32>
      %max3A_313 = arith.constant 0.000000e+00 : f32
      %max3A_314 = vector.broadcast %max3A_313 : f32 to vector<16xf32>
      %max3A_315 = arith.maximumf %add3A_312, %max3A_314 : vector<16xf32>
      %swap3A_316 = arith.index_cast %add3A_303 : i32 to index
      %swap3A_317 = arith.constant 16 : index
      %swap3A_318 = tpu.vector_load %arg14[%swap3A_316, %swap3A_317] {strides = array<i32>} : memref<80x128xf32, #tpu.memory_space<vmem>>, vector<1x16xf32>,
      %swap3A_319 = vector.shape_cast %swap3A_318 : vector<1x16xf32> to vector<16xf32>
      %swap3A_320 = vector.shape_cast %max3A_315 : vector<16xf32> to vector<1x16xf32>
      tpu.vector_store %arg14[%swap3A_316, %swap3A_317], %swap3A_320 {strides = array<i32>} : memref<80x128xf32, #tpu.memory_space<vmem>>, vector<1x16xf32>,
      %mul3A_321 = arith.constant 2 : i32
      %mul3A_322 = arith.muli %scan3A_113, %mul3A_321 : i32
      %add3A_323 = arith.constant 1 : i32
      %add3A_324 = arith.addi %mul3A_322, %add3A_323 : i32
      %get3A_325 = arith.index_cast %add3A_324 : i32 to index
      %get3A_326 = arith.constant 32 : index
      %get3A_327 = tpu.vector_load %arg14[%get3A_325, %get3A_326] {strides = array<i32>} : memref<80x128xf32, #tpu.memory_space<vmem>>, vector<1x16xf32>,
      %get3A_328 = vector.shape_cast %get3A_327 : vector<1x16xf32> to vector<16xf32>
      %get3A_329 = arith.index_cast %add3A_324 : i32 to index
      %get3A_330 = arith.constant 32 : index
      %get3A_331 = tpu.vector_load %arg16[%get3A_329, %get3A_330] {strides = array<i32>} : memref<80x128xf32, #tpu.memory_space<vmem>>, vector<1x16xf32>,
      %get3A_332 = vector.shape_cast %get3A_331 : vector<1x16xf32> to vector<16xf32>
      %add3A_333 = arith.addf %get3A_328, %get3A_332 : vector<16xf32>
      %max3A_334 = arith.constant 0.000000e+00 : f32
      %max3A_335 = vector.broadcast %max3A_334 : f32 to vector<16xf32>
      %max3A_336 = arith.maximumf %add3A_333, %max3A_335 : vector<16xf32>
      %swap3A_337 = arith.index_cast %add3A_324 : i32 to index
      %swap3A_338 = arith.constant 32 : index
      %swap3A_339 = tpu.vector_load %arg14[%swap3A_337, %swap3A_338] {strides = array<i32>} : memref<80x128xf32, #tpu.memory_space<vmem>>, vector<1x16xf32>,
      %swap3A_340 = vector.shape_cast %swap3A_339 : vector<1x16xf32> to vector<16xf32>
      %swap3A_341 = vector.shape_cast %max3A_336 : vector<16xf32> to vector<1x16xf32>
      tpu.vector_store %arg14[%swap3A_337, %swap3A_338], %swap3A_341 {strides = array<i32>} : memref<80x128xf32, #tpu.memory_space<vmem>>, vector<1x16xf32>,
      %mul3A_342 = arith.constant 2 : i32
      %mul3A_343 = arith.muli %scan3A_113, %mul3A_342 : i32
      %add3A_344 = arith.constant 1 : i32
      %add3A_345 = arith.addi %mul3A_343, %add3A_344 : i32
      %get3A_346 = arith.index_cast %add3A_345 : i32 to index
      %get3A_347 = arith.constant 48 : index
      %get3A_348 = tpu.vector_load %arg14[%get3A_346, %get3A_347] {strides = array<i32>} : memref<80x128xf32, #tpu.memory_space<vmem>>, vector<1x16xf32>,
      %get3A_349 = vector.shape_cast %get3A_348 : vector<1x16xf32> to vector<16xf32>
      %get3A_350 = arith.index_cast %add3A_345 : i32 to index
      %get3A_351 = arith.constant 48 : index
      %get3A_352 = tpu.vector_load %arg16[%get3A_350, %get3A_351] {strides = array<i32>} : memref<80x128xf32, #tpu.memory_space<vmem>>, vector<1x16xf32>,
      %get3A_353 = vector.shape_cast %get3A_352 : vector<1x16xf32> to vector<16xf32>
      %add3A_354 = arith.addf %get3A_349, %get3A_353 : vector<16xf32>
      %max3A_355 = arith.constant 0.000000e+00 : f32
      %max3A_356 = vector.broadcast %max3A_355 : f32 to vector<16xf32>
      %max3A_357 = arith.maximumf %add3A_354, %max3A_356 : vector<16xf32>
      %swap3A_358 = arith.index_cast %add3A_345 : i32 to index
      %swap3A_359 = arith.constant 48 : index
      %swap3A_360 = tpu.vector_load %arg14[%swap3A_358, %swap3A_359] {strides = array<i32>} : memref<80x128xf32, #tpu.memory_space<vmem>>, vector<1x16xf32>,
      %swap3A_361 = vector.shape_cast %swap3A_360 : vector<1x16xf32> to vector<16xf32>
      %swap3A_362 = vector.shape_cast %max3A_357 : vector<16xf32> to vector<1x16xf32>
      tpu.vector_store %arg14[%swap3A_358, %swap3A_359], %swap3A_362 {strides = array<i32>} : memref<80x128xf32, #tpu.memory_space<vmem>>, vector<1x16xf32>,
      %mul3A_363 = arith.constant 2 : i32
      %mul3A_364 = arith.muli %scan3A_113, %mul3A_363 : i32
      %add3A_365 = arith.constant 1 : i32
      %add3A_366 = arith.addi %mul3A_364, %add3A_365 : i32
      %get3A_367 = arith.index_cast %add3A_366 : i32 to index
      %get3A_368 = arith.constant 64 : index
      %get3A_369 = tpu.vector_load %arg14[%get3A_367, %get3A_368] {strides = array<i32>} : memref<80x128xf32, #tpu.memory_space<vmem>>, vector<1x16xf32>,
      %get3A_370 = vector.shape_cast %get3A_369 : vector<1x16xf32> to vector<16xf32>
      %get3A_371 = arith.index_cast %add3A_366 : i32 to index
      %get3A_372 = arith.constant 64 : index
      %get3A_373 = tpu.vector_load %arg16[%get3A_371, %get3A_372] {strides = array<i32>} : memref<80x128xf32, #tpu.memory_space<vmem>>, vector<1x16xf32>,
      %get3A_374 = vector.shape_cast %get3A_373 : vector<1x16xf32> to vector<16xf32>
      %add3A_375 = arith.addf %get3A_370, %get3A_374 : vector<16xf32>
      %max3A_376 = arith.constant 0.000000e+00 : f32
      %max3A_377 = vector.broadcast %max3A_376 : f32 to vector<16xf32>
      %max3A_378 = arith.maximumf %add3A_375, %max3A_377 : vector<16xf32>
      %swap3A_379 = arith.index_cast %add3A_366 : i32 to index
      %swap3A_380 = arith.constant 64 : index
      %swap3A_381 = tpu.vector_load %arg14[%swap3A_379, %swap3A_380] {strides = array<i32>} : memref<80x128xf32, #tpu.memory_space<vmem>>, vector<1x16xf32>,
      %swap3A_382 = vector.shape_cast %swap3A_381 : vector<1x16xf32> to vector<16xf32>
      %swap3A_383 = vector.shape_cast %max3A_378 : vector<16xf32> to vector<1x16xf32>
      tpu.vector_store %arg14[%swap3A_379, %swap3A_380], %swap3A_383 {strides = array<i32>} : memref<80x128xf32, #tpu.memory_space<vmem>>, vector<1x16xf32>,
      %mul3A_384 = arith.constant 2 : i32
      %mul3A_385 = arith.muli %scan3A_113, %mul3A_384 : i32
      %add3A_386 = arith.constant 1 : i32
      %add3A_387 = arith.addi %mul3A_385, %add3A_386 : i32
      %get3A_388 = arith.index_cast %add3A_387 : i32 to index
      %get3A_389 = arith.constant 80 : index
      %get3A_390 = tpu.vector_load %arg14[%get3A_388, %get3A_389] {strides = array<i32>} : memref<80x128xf32, #tpu.memory_space<vmem>>, vector<1x16xf32>,
      %get3A_391 = vector.shape_cast %get3A_390 : vector<1x16xf32> to vector<16xf32>
      %get3A_392 = arith.index_cast %add3A_387 : i32 to index
      %get3A_393 = arith.constant 80 : index
      %get3A_394 = tpu.vector_load %arg16[%get3A_392, %get3A_393] {strides = array<i32>} : memref<80x128xf32, #tpu.memory_space<vmem>>, vector<1x16xf32>,
      %get3A_395 = vector.shape_cast %get3A_394 : vector<1x16xf32> to vector<16xf32>
      %add3A_396 = arith.addf %get3A_391, %get3A_395 : vector<16xf32>
      %max3A_397 = arith.constant 0.000000e+00 : f32
      %max3A_398 = vector.broadcast %max3A_397 : f32 to vector<16xf32>
      %max3A_399 = arith.maximumf %add3A_396, %max3A_398 : vector<16xf32>
      %swap3A_400 = arith.index_cast %add3A_387 : i32 to index
      %swap3A_401 = arith.constant 80 : index
      %swap3A_402 = tpu.vector_load %arg14[%swap3A_400, %swap3A_401] {strides = array<i32>} : memref<80x128xf32, #tpu.memory_space<vmem>>, vector<1x16xf32>,
      %swap3A_403 = vector.shape_cast %swap3A_402 : vector<1x16xf32> to vector<16xf32>
      %swap3A_404 = vector.shape_cast %max3A_399 : vector<16xf32> to vector<1x16xf32>
      tpu.vector_store %arg14[%swap3A_400, %swap3A_401], %swap3A_404 {strides = array<i32>} : memref<80x128xf32, #tpu.memory_space<vmem>>, vector<1x16xf32>,
      %mul3A_405 = arith.constant 2 : i32
      %mul3A_406 = arith.muli %scan3A_113, %mul3A_405 : i32
      %add3A_407 = arith.constant 1 : i32
      %add3A_408 = arith.addi %mul3A_406, %add3A_407 : i32
      %get3A_409 = arith.index_cast %add3A_408 : i32 to index
      %get3A_410 = arith.constant 96 : index
      %get3A_411 = tpu.vector_load %arg14[%get3A_409, %get3A_410] {strides = array<i32>} : memref<80x128xf32, #tpu.memory_space<vmem>>, vector<1x16xf32>,
      %get3A_412 = vector.shape_cast %get3A_411 : vector<1x16xf32> to vector<16xf32>
      %get3A_413 = arith.index_cast %add3A_408 : i32 to index
      %get3A_414 = arith.constant 96 : index
      %get3A_415 = tpu.vector_load %arg16[%get3A_413, %get3A_414] {strides = array<i32>} : memref<80x128xf32, #tpu.memory_space<vmem>>, vector<1x16xf32>,
      %get3A_416 = vector.shape_cast %get3A_415 : vector<1x16xf32> to vector<16xf32>
      %add3A_417 = arith.addf %get3A_412, %get3A_416 : vector<16xf32>
      %max3A_418 = arith.constant 0.000000e+00 : f32
      %max3A_419 = vector.broadcast %max3A_418 : f32 to vector<16xf32>
      %max3A_420 = arith.maximumf %add3A_417, %max3A_419 : vector<16xf32>
      %swap3A_421 = arith.index_cast %add3A_408 : i32 to index
      %swap3A_422 = arith.constant 96 : index
      %swap3A_423 = tpu.vector_load %arg14[%swap3A_421, %swap3A_422] {strides = array<i32>} : memref<80x128xf32, #tpu.memory_space<vmem>>, vector<1x16xf32>,
      %swap3A_424 = vector.shape_cast %swap3A_423 : vector<1x16xf32> to vector<16xf32>
      %swap3A_425 = vector.shape_cast %max3A_420 : vector<16xf32> to vector<1x16xf32>
      tpu.vector_store %arg14[%swap3A_421, %swap3A_422], %swap3A_425 {strides = array<i32>} : memref<80x128xf32, #tpu.memory_space<vmem>>, vector<1x16xf32>,
      %mul3A_426 = arith.constant 2 : i32
      %mul3A_427 = arith.muli %scan3A_113, %mul3A_426 : i32
      %add3A_428 = arith.constant 1 : i32
      %add3A_429 = arith.addi %mul3A_427, %add3A_428 : i32
      %get3A_430 = arith.index_cast %add3A_429 : i32 to index
      %get3A_431 = arith.constant 112 : index
      %get3A_432 = tpu.vector_load %arg14[%get3A_430, %get3A_431] {strides = array<i32>} : memref<80x128xf32, #tpu.memory_space<vmem>>, vector<1x16xf32>,
      %get3A_433 = vector.shape_cast %get3A_432 : vector<1x16xf32> to vector<16xf32>
      %get3A_434 = arith.index_cast %add3A_429 : i32 to index
      %get3A_435 = arith.constant 112 : index
      %get3A_436 = tpu.vector_load %arg16[%get3A_434, %get3A_435] {strides = array<i32>} : memref<80x128xf32, #tpu.memory_space<vmem>>, vector<1x16xf32>,
      %get3A_437 = vector.shape_cast %get3A_436 : vector<1x16xf32> to vector<16xf32>
      %add3A_438 = arith.addf %get3A_433, %get3A_437 : vector<16xf32>
      %max3A_439 = arith.constant 0.000000e+00 : f32
      %max3A_440 = vector.broadcast %max3A_439 : f32 to vector<16xf32>
      %max3A_441 = arith.maximumf %add3A_438, %max3A_440 : vector<16xf32>
      %swap3A_442 = arith.index_cast %add3A_429 : i32 to index
      %swap3A_443 = arith.constant 112 : index
      %swap3A_444 = tpu.vector_load %arg14[%swap3A_442, %swap3A_443] {strides = array<i32>} : memref<80x128xf32, #tpu.memory_space<vmem>>, vector<1x16xf32>,
      %swap3A_445 = vector.shape_cast %swap3A_444 : vector<1x16xf32> to vector<16xf32>
      %swap3A_446 = vector.shape_cast %max3A_441 : vector<16xf32> to vector<1x16xf32>
      tpu.vector_store %arg14[%swap3A_442, %swap3A_443], %swap3A_446 {strides = array<i32>} : memref<80x128xf32, #tpu.memory_space<vmem>>, vector<1x16xf32>,
    }
    %scan3A_92 = arith.constant 40 : i32
    "tpu.region"() ({
      %run_scoped3A = tpu.sem_alloc : memref<!tpu.dma_semaphore, #tpu.memory_space<semaphore_mem>>
      %dma_start3A_113 = arith.constant 0 : i32
      %dma_start3A_114 = arith.constant 0 : i32
      %dma_start3A_115 = tpu.memref_slice %arg8[%dma_start3A_113, %dma_start3A_114] : memref<10000x128xf32, #tpu.memory_space<vmem_shared>> -> memref<10000x128xf32, #tpu.memory_space<vmem_shared>>
      tpu.enqueue_indirect_dma source(%arg14 : memref<80x128xf32, #tpu.memory_space<vmem>>) target(%dma_start3A_115 : memref<10000x128xf32, #tpu.memory_space<vmem_shared>>) offsets(%arg12 : memref<80xi32, #tpu.memory_space<vmem>>) semaphore(%run_scoped3A : memref<!tpu.dma_semaphore, #tpu.memory_space<semaphore_mem>>) {add = true}
      %dma_wait3A_116 = arith.constant 0 : i32
      %dma_wait3A_117 = arith.constant 0 : i32
      %dma_wait3A_118 = tpu.memref_slice %arg8[%dma_wait3A_116, %dma_wait3A_117] : memref<10000x128xf32, #tpu.memory_space<vmem_shared>> -> memref<10000x128xf32, #tpu.memory_space<vmem_shared>>
      tpu.wait_indirect_dma semaphore(%run_scoped3A : memref<!tpu.dma_semaphore, #tpu.memory_space<semaphore_mem>>) src(%arg14 : memref<80x128xf32, #tpu.memory_space<vmem>>) dst(%dma_wait3A_118 : memref<10000x128xf32, #tpu.memory_space<vmem_shared>>)
      tpu.yield
    }) : () -> ()
    %add3A_93 = arith.constant 240 : i32
    %add3A_94 = arith.addi %add3A, %add3A_93 : i32
    %dma_start3A_95 = tpu.memref_slice %arg4[%add3A_94] : memref<640000xi32, #tpu.memory_space<hbm>> -> memref<80xi32, #tpu.memory_space<hbm>>
    %dma_start3A_96 = tpu.memref_slice %arg4[%add3A_94] : memref<640000xi32, #tpu.memory_space<hbm>> -> memref<80xi32, #tpu.memory_space<hbm>>
    tpu.enqueue_dma source(%dma_start3A_96 : memref<80xi32, #tpu.memory_space<hbm>>) target(%arg10 : memref<80xi32, #tpu.memory_space<vmem>>) target_semaphore(%arg18 : memref<!tpu.dma_semaphore, #tpu.memory_space<semaphore_mem>>)
    %add3A_97 = arith.constant 240 : i32
    %add3A_98 = arith.addi %mul3A_4, %add3A_97 : i32
    %dma_start3A_99 = tpu.memref_slice %arg5[%add3A_98] : memref<320000xi32, #tpu.memory_space<hbm>> -> memref<80xi32, #tpu.memory_space<hbm>>
    %dma_start3A_100 = tpu.memref_slice %arg5[%add3A_98] : memref<320000xi32, #tpu.memory_space<hbm>> -> memref<80xi32, #tpu.memory_space<hbm>>
    tpu.enqueue_dma source(%dma_start3A_100 : memref<80xi32, #tpu.memory_space<hbm>>) target(%arg12 : memref<80xi32, #tpu.memory_space<vmem>>) target_semaphore(%arg18 : memref<!tpu.dma_semaphore, #tpu.memory_space<semaphore_mem>>)
    %scan3A_101 = arith.constant 0 : i32
    %scan3A_102 = arith.constant 1 : i32
    %scan3A_103 = arith.constant 124 : i32
    %scan3A_104 = arith.addi %scan3A_102, %scan3A_103 : i32
    %scan3A_105 = arith.constant 1 : i32
    scf.for %scan3A_113 = %scan3A_102 to %scan3A_104 step %scan3A_105  : i32 {
      %mul3A_114 = arith.constant 2 : i32
      %mul3A_115 = arith.muli %mul3A_114, %scan3A_113 : i32
      %add3A_116 = arith.constant 1 : i32
      %add3A_117 = arith.addi %mul3A_115, %add3A_116 : i32
      %lt3A_118 = arith.constant 250 : i32
      %lt3A_119 = arith.cmpi slt, %add3A_117, %lt3A_118 : i32
      %convert_element_type3A_120 = arith.extui %lt3A_119 : i1 to i32
      %cond3A_121 = arith.constant 0 : i32
      %cond3A_122 = arith.cmpi ne, %convert_element_type3A_120, %cond3A_121 : i32
      scf.if %cond3A_122 {
        %add3A_174 = arith.constant 1 : i32
        %add3A_175 = arith.addi %mul3A_115, %add3A_174 : i32
        %dma_wait3A_176 = tpu.memref_slice %arg4[%add3A] : memref<640000xi32, #tpu.memory_space<hbm>> -> memref<80xi32, #tpu.memory_space<hbm>>
        %dma_wait3A_177 = tpu.memref_slice %arg4[%add3A] : memref<640000xi32, #tpu.memory_space<hbm>> -> memref<80xi32, #tpu.memory_space<hbm>>
        tpu.wait_dma2 semaphore(%arg18 : memref<!tpu.dma_semaphore, #tpu.memory_space<semaphore_mem>>) src(%dma_wait3A_177 : memref<80xi32, #tpu.memory_space<hbm>>) dst(%arg10 : memref<80xi32, #tpu.memory_space<vmem>>)
        %dma_wait3A_178 = tpu.memref_slice %arg5[%mul3A_4] : memref<320000xi32, #tpu.memory_space<hbm>> -> memref<80xi32, #tpu.memory_space<hbm>>
        %dma_wait3A_179 = tpu.memref_slice %arg5[%mul3A_4] : memref<320000xi32, #tpu.memory_space<hbm>> -> memref<80xi32, #tpu.memory_space<hbm>>
        tpu.wait_dma2 semaphore(%arg18 : memref<!tpu.dma_semaphore, #tpu.memory_space<semaphore_mem>>) src(%dma_wait3A_179 : memref<80xi32, #tpu.memory_space<hbm>>) dst(%arg12 : memref<80xi32, #tpu.memory_space<vmem>>)
        %add3A_180 = arith.constant 1 : i32
        %add3A_181 = arith.addi %mul3A_115, %add3A_180 : i32
        %dma_start3A_182 = arith.constant 0 : i32
        %dma_start3A_183 = arith.constant 0 : i32
        %dma_start3A_184 = tpu.memref_slice %arg2[%dma_start3A_182, %dma_start3A_183] : memref<20000x128xf32, #tpu.memory_space<hbm>> -> memref<20000x128xf32, #tpu.memory_space<hbm>>
        tpu.enqueue_indirect_dma source(%dma_start3A_184 : memref<20000x128xf32, #tpu.memory_space<hbm>>) target(%arg14 : memref<80x128xf32, #tpu.memory_space<vmem>>) offsets(%arg10 : memref<80xi32, #tpu.memory_space<vmem>>) semaphore(%arg20 : memref<!tpu.dma_semaphore, #tpu.memory_space<semaphore_mem>>)
        %mul3A_185 = arith.constant 80 : i32
        %mul3A_186 = arith.muli %add3A_181, %mul3A_185 : i32
        %add3A_187 = arith.addi %add3A, %mul3A_186 : i32
        %dma_start3A_188 = arith.constant 0 : i32
        %dma_start3A_189 = tpu.memref_slice %arg3[%add3A_187, %dma_start3A_188] : memref<640000x128xf32, #tpu.memory_space<hbm>> -> memref<80x128xf32, #tpu.memory_space<hbm>>
        %dma_start3A_190 = arith.constant 0 : i32
        %dma_start3A_191 = tpu.memref_slice %arg3[%add3A_187, %dma_start3A_190] : memref<640000x128xf32, #tpu.memory_space<hbm>> -> memref<80x128xf32, #tpu.memory_space<hbm>>
        tpu.enqueue_dma source(%dma_start3A_191 : memref<80x128xf32, #tpu.memory_space<hbm>>) target(%arg16 : memref<80x128xf32, #tpu.memory_space<vmem>>) target_semaphore(%arg22 : memref<!tpu.dma_semaphore, #tpu.memory_space<semaphore_mem>>)
      } else {
      }
      %dma_wait3A_123 = arith.constant 0 : i32
      %dma_wait3A_124 = arith.constant 0 : i32
      %dma_wait3A_125 = tpu.memref_slice %arg2[%dma_wait3A_123, %dma_wait3A_124] : memref<20000x128xf32, #tpu.memory_space<hbm>> -> memref<20000x128xf32, #tpu.memory_space<hbm>>
      tpu.wait_indirect_dma semaphore(%arg19 : memref<!tpu.dma_semaphore, #tpu.memory_space<semaphore_mem>>) src(%dma_wait3A_125 : memref<20000x128xf32, #tpu.memory_space<hbm>>) dst(%arg13 : memref<80x128xf32, #tpu.memory_space<vmem>>)
      %dma_wait3A_126 = arith.constant 0 : i32
      %dma_wait3A_127 = tpu.memref_slice %arg3[%add3A, %dma_wait3A_126] : memref<640000x128xf32, #tpu.memory_space<hbm>> -> memref<80x128xf32, #tpu.memory_space<hbm>>
      %dma_wait3A_128 = arith.constant 0 : i32
      %dma_wait3A_129 = tpu.memref_slice %arg3[%add3A, %dma_wait3A_128] : memref<640000x128xf32, #tpu.memory_space<hbm>> -> memref<80x128xf32, #tpu.memory_space<hbm>>
      tpu.wait_dma2 semaphore(%arg21 : memref<!tpu.dma_semaphore, #tpu.memory_space<semaphore_mem>>) src(%dma_wait3A_129 : memref<80x128xf32, #tpu.memory_space<hbm>>) dst(%arg15 : memref<80x128xf32, #tpu.memory_space<vmem>>)
      %scan3A_130 = arith.constant 0 : i32
      %scan3A_131 = arith.constant 0 : i32
      %scan3A_132 = arith.constant 40 : i32
      %scan3A_133 = arith.addi %scan3A_131, %scan3A_132 : i32
      %scan3A_134 = arith.constant 1 : i32
      scf.for %scan3A_174 = %scan3A_131 to %scan3A_133 step %scan3A_134  : i32 {
        %mul3A_175 = arith.constant 2 : i32
        %mul3A_176 = arith.muli %scan3A_174, %mul3A_175 : i32
        %add3A_177 = arith.constant 0 : i32
        %add3A_178 = arith.addi %mul3A_176, %add3A_177 : i32
        %get3A = arith.index_cast %add3A_178 : i32 to index
        %get3A_179 = arith.constant 0 : index
        %get3A_180 = tpu.vector_load %arg13[%get3A, %get3A_179] {strides = array<i32>} : memref<80x128xf32, #tpu.memory_space<vmem>>, vector<1x16xf32>,
        %get3A_181 = vector.shape_cast %get3A_180 : vector<1x16xf32> to vector<16xf32>
        %get3A_182 = arith.index_cast %add3A_178 : i32 to index
        %get3A_183 = arith.constant 0 : index
        %get3A_184 = tpu.vector_load %arg15[%get3A_182, %get3A_183] {strides = array<i32>} : memref<80x128xf32, #tpu.memory_space<vmem>>, vector<1x16xf32>,
        %get3A_185 = vector.shape_cast %get3A_184 : vector<1x16xf32> to vector<16xf32>
        %add3A_186 = arith.addf %get3A_181, %get3A_185 : vector<16xf32>
        %max3A = arith.constant 0.000000e+00 : f32
        %max3A_187 = vector.broadcast %max3A : f32 to vector<16xf32>
        %max3A_188 = arith.maximumf %add3A_186, %max3A_187 : vector<16xf32>
        %swap3A = arith.index_cast %add3A_178 : i32 to index
        %swap3A_189 = arith.constant 0 : index
        %swap3A_190 = tpu.vector_load %arg13[%swap3A, %swap3A_189] {strides = array<i32>} : memref<80x128xf32, #tpu.memory_space<vmem>>, vector<1x16xf32>,
        %swap3A_191 = vector.shape_cast %swap3A_190 : vector<1x16xf32> to vector<16xf32>
        %swap3A_192 = vector.shape_cast %max3A_188 : vector<16xf32> to vector<1x16xf32>
        tpu.vector_store %arg13[%swap3A, %swap3A_189], %swap3A_192 {strides = array<i32>} : memref<80x128xf32, #tpu.memory_space<vmem>>, vector<1x16xf32>,
        %mul3A_193 = arith.constant 2 : i32
        %mul3A_194 = arith.muli %scan3A_174, %mul3A_193 : i32
        %add3A_195 = arith.constant 0 : i32
        %add3A_196 = arith.addi %mul3A_194, %add3A_195 : i32
        %get3A_197 = arith.index_cast %add3A_196 : i32 to index
        %get3A_198 = arith.constant 16 : index
        %get3A_199 = tpu.vector_load %arg13[%get3A_197, %get3A_198] {strides = array<i32>} : memref<80x128xf32, #tpu.memory_space<vmem>>, vector<1x16xf32>,
        %get3A_200 = vector.shape_cast %get3A_199 : vector<1x16xf32> to vector<16xf32>
        %get3A_201 = arith.index_cast %add3A_196 : i32 to index
        %get3A_202 = arith.constant 16 : index
        %get3A_203 = tpu.vector_load %arg15[%get3A_201, %get3A_202] {strides = array<i32>} : memref<80x128xf32, #tpu.memory_space<vmem>>, vector<1x16xf32>,
        %get3A_204 = vector.shape_cast %get3A_203 : vector<1x16xf32> to vector<16xf32>
        %add3A_205 = arith.addf %get3A_200, %get3A_204 : vector<16xf32>
        %max3A_206 = arith.constant 0.000000e+00 : f32
        %max3A_207 = vector.broadcast %max3A_206 : f32 to vector<16xf32>
        %max3A_208 = arith.maximumf %add3A_205, %max3A_207 : vector<16xf32>
        %swap3A_209 = arith.index_cast %add3A_196 : i32 to index
        %swap3A_210 = arith.constant 16 : index
        %swap3A_211 = tpu.vector_load %arg13[%swap3A_209, %swap3A_210] {strides = array<i32>} : memref<80x128xf32, #tpu.memory_space<vmem>>, vector<1x16xf32>,
        %swap3A_212 = vector.shape_cast %swap3A_211 : vector<1x16xf32> to vector<16xf32>
        %swap3A_213 = vector.shape_cast %max3A_208 : vector<16xf32> to vector<1x16xf32>
        tpu.vector_store %arg13[%swap3A_209, %swap3A_210], %swap3A_213 {strides = array<i32>} : memref<80x128xf32, #tpu.memory_space<vmem>>, vector<1x16xf32>,
        %mul3A_214 = arith.constant 2 : i32
        %mul3A_215 = arith.muli %scan3A_174, %mul3A_214 : i32
        %add3A_216 = arith.constant 0 : i32
        %add3A_217 = arith.addi %mul3A_215, %add3A_216 : i32
        %get3A_218 = arith.index_cast %add3A_217 : i32 to index
        %get3A_219 = arith.constant 32 : index
        %get3A_220 = tpu.vector_load %arg13[%get3A_218, %get3A_219] {strides = array<i32>} : memref<80x128xf32, #tpu.memory_space<vmem>>, vector<1x16xf32>,
        %get3A_221 = vector.shape_cast %get3A_220 : vector<1x16xf32> to vector<16xf32>
        %get3A_222 = arith.index_cast %add3A_217 : i32 to index
        %get3A_223 = arith.constant 32 : index
        %get3A_224 = tpu.vector_load %arg15[%get3A_222, %get3A_223] {strides = array<i32>} : memref<80x128xf32, #tpu.memory_space<vmem>>, vector<1x16xf32>,
        %get3A_225 = vector.shape_cast %get3A_224 : vector<1x16xf32> to vector<16xf32>
        %add3A_226 = arith.addf %get3A_221, %get3A_225 : vector<16xf32>
        %max3A_227 = arith.constant 0.000000e+00 : f32
        %max3A_228 = vector.broadcast %max3A_227 : f32 to vector<16xf32>
        %max3A_229 = arith.maximumf %add3A_226, %max3A_228 : vector<16xf32>
        %swap3A_230 = arith.index_cast %add3A_217 : i32 to index
        %swap3A_231 = arith.constant 32 : index
        %swap3A_232 = tpu.vector_load %arg13[%swap3A_230, %swap3A_231] {strides = array<i32>} : memref<80x128xf32, #tpu.memory_space<vmem>>, vector<1x16xf32>,
        %swap3A_233 = vector.shape_cast %swap3A_232 : vector<1x16xf32> to vector<16xf32>
        %swap3A_234 = vector.shape_cast %max3A_229 : vector<16xf32> to vector<1x16xf32>
        tpu.vector_store %arg13[%swap3A_230, %swap3A_231], %swap3A_234 {strides = array<i32>} : memref<80x128xf32, #tpu.memory_space<vmem>>, vector<1x16xf32>,
        %mul3A_235 = arith.constant 2 : i32
        %mul3A_236 = arith.muli %scan3A_174, %mul3A_235 : i32
        %add3A_237 = arith.constant 0 : i32
        %add3A_238 = arith.addi %mul3A_236, %add3A_237 : i32
        %get3A_239 = arith.index_cast %add3A_238 : i32 to index
        %get3A_240 = arith.constant 48 : index
        %get3A_241 = tpu.vector_load %arg13[%get3A_239, %get3A_240] {strides = array<i32>} : memref<80x128xf32, #tpu.memory_space<vmem>>, vector<1x16xf32>,
        %get3A_242 = vector.shape_cast %get3A_241 : vector<1x16xf32> to vector<16xf32>
        %get3A_243 = arith.index_cast %add3A_238 : i32 to index
        %get3A_244 = arith.constant 48 : index
        %get3A_245 = tpu.vector_load %arg15[%get3A_243, %get3A_244] {strides = array<i32>} : memref<80x128xf32, #tpu.memory_space<vmem>>, vector<1x16xf32>,
        %get3A_246 = vector.shape_cast %get3A_245 : vector<1x16xf32> to vector<16xf32>
        %add3A_247 = arith.addf %get3A_242, %get3A_246 : vector<16xf32>
        %max3A_248 = arith.constant 0.000000e+00 : f32
        %max3A_249 = vector.broadcast %max3A_248 : f32 to vector<16xf32>
        %max3A_250 = arith.maximumf %add3A_247, %max3A_249 : vector<16xf32>
        %swap3A_251 = arith.index_cast %add3A_238 : i32 to index
        %swap3A_252 = arith.constant 48 : index
        %swap3A_253 = tpu.vector_load %arg13[%swap3A_251, %swap3A_252] {strides = array<i32>} : memref<80x128xf32, #tpu.memory_space<vmem>>, vector<1x16xf32>,
        %swap3A_254 = vector.shape_cast %swap3A_253 : vector<1x16xf32> to vector<16xf32>
        %swap3A_255 = vector.shape_cast %max3A_250 : vector<16xf32> to vector<1x16xf32>
        tpu.vector_store %arg13[%swap3A_251, %swap3A_252], %swap3A_255 {strides = array<i32>} : memref<80x128xf32, #tpu.memory_space<vmem>>, vector<1x16xf32>,
        %mul3A_256 = arith.constant 2 : i32
        %mul3A_257 = arith.muli %scan3A_174, %mul3A_256 : i32
        %add3A_258 = arith.constant 0 : i32
        %add3A_259 = arith.addi %mul3A_257, %add3A_258 : i32
        %get3A_260 = arith.index_cast %add3A_259 : i32 to index
        %get3A_261 = arith.constant 64 : index
        %get3A_262 = tpu.vector_load %arg13[%get3A_260, %get3A_261] {strides = array<i32>} : memref<80x128xf32, #tpu.memory_space<vmem>>, vector<1x16xf32>,
        %get3A_263 = vector.shape_cast %get3A_262 : vector<1x16xf32> to vector<16xf32>
        %get3A_264 = arith.index_cast %add3A_259 : i32 to index
        %get3A_265 = arith.constant 64 : index
        %get3A_266 = tpu.vector_load %arg15[%get3A_264, %get3A_265] {strides = array<i32>} : memref<80x128xf32, #tpu.memory_space<vmem>>, vector<1x16xf32>,
        %get3A_267 = vector.shape_cast %get3A_266 : vector<1x16xf32> to vector<16xf32>
        %add3A_268 = arith.addf %get3A_263, %get3A_267 : vector<16xf32>
        %max3A_269 = arith.constant 0.000000e+00 : f32
        %max3A_270 = vector.broadcast %max3A_269 : f32 to vector<16xf32>
        %max3A_271 = arith.maximumf %add3A_268, %max3A_270 : vector<16xf32>
        %swap3A_272 = arith.index_cast %add3A_259 : i32 to index
        %swap3A_273 = arith.constant 64 : index
        %swap3A_274 = tpu.vector_load %arg13[%swap3A_272, %swap3A_273] {strides = array<i32>} : memref<80x128xf32, #tpu.memory_space<vmem>>, vector<1x16xf32>,
        %swap3A_275 = vector.shape_cast %swap3A_274 : vector<1x16xf32> to vector<16xf32>
        %swap3A_276 = vector.shape_cast %max3A_271 : vector<16xf32> to vector<1x16xf32>
        tpu.vector_store %arg13[%swap3A_272, %swap3A_273], %swap3A_276 {strides = array<i32>} : memref<80x128xf32, #tpu.memory_space<vmem>>, vector<1x16xf32>,
        %mul3A_277 = arith.constant 2 : i32
        %mul3A_278 = arith.muli %scan3A_174, %mul3A_277 : i32
        %add3A_279 = arith.constant 0 : i32
        %add3A_280 = arith.addi %mul3A_278, %add3A_279 : i32
        %get3A_281 = arith.index_cast %add3A_280 : i32 to index
        %get3A_282 = arith.constant 80 : index
        %get3A_283 = tpu.vector_load %arg13[%get3A_281, %get3A_282] {strides = array<i32>} : memref<80x128xf32, #tpu.memory_space<vmem>>, vector<1x16xf32>,
        %get3A_284 = vector.shape_cast %get3A_283 : vector<1x16xf32> to vector<16xf32>
        %get3A_285 = arith.index_cast %add3A_280 : i32 to index
        %get3A_286 = arith.constant 80 : index
        %get3A_287 = tpu.vector_load %arg15[%get3A_285, %get3A_286] {strides = array<i32>} : memref<80x128xf32, #tpu.memory_space<vmem>>, vector<1x16xf32>,
        %get3A_288 = vector.shape_cast %get3A_287 : vector<1x16xf32> to vector<16xf32>
        %add3A_289 = arith.addf %get3A_284, %get3A_288 : vector<16xf32>
        %max3A_290 = arith.constant 0.000000e+00 : f32
        %max3A_291 = vector.broadcast %max3A_290 : f32 to vector<16xf32>
        %max3A_292 = arith.maximumf %add3A_289, %max3A_291 : vector<16xf32>
        %swap3A_293 = arith.index_cast %add3A_280 : i32 to index
        %swap3A_294 = arith.constant 80 : index
        %swap3A_295 = tpu.vector_load %arg13[%swap3A_293, %swap3A_294] {strides = array<i32>} : memref<80x128xf32, #tpu.memory_space<vmem>>, vector<1x16xf32>,
        %swap3A_296 = vector.shape_cast %swap3A_295 : vector<1x16xf32> to vector<16xf32>
        %swap3A_297 = vector.shape_cast %max3A_292 : vector<16xf32> to vector<1x16xf32>
        tpu.vector_store %arg13[%swap3A_293, %swap3A_294], %swap3A_297 {strides = array<i32>} : memref<80x128xf32, #tpu.memory_space<vmem>>, vector<1x16xf32>,
        %mul3A_298 = arith.constant 2 : i32
        %mul3A_299 = arith.muli %scan3A_174, %mul3A_298 : i32
        %add3A_300 = arith.constant 0 : i32
        %add3A_301 = arith.addi %mul3A_299, %add3A_300 : i32
        %get3A_302 = arith.index_cast %add3A_301 : i32 to index
        %get3A_303 = arith.constant 96 : index
        %get3A_304 = tpu.vector_load %arg13[%get3A_302, %get3A_303] {strides = array<i32>} : memref<80x128xf32, #tpu.memory_space<vmem>>, vector<1x16xf32>,
        %get3A_305 = vector.shape_cast %get3A_304 : vector<1x16xf32> to vector<16xf32>
        %get3A_306 = arith.index_cast %add3A_301 : i32 to index
        %get3A_307 = arith.constant 96 : index
        %get3A_308 = tpu.vector_load %arg15[%get3A_306, %get3A_307] {strides = array<i32>} : memref<80x128xf32, #tpu.memory_space<vmem>>, vector<1x16xf32>,
        %get3A_309 = vector.shape_cast %get3A_308 : vector<1x16xf32> to vector<16xf32>
        %add3A_310 = arith.addf %get3A_305, %get3A_309 : vector<16xf32>
        %max3A_311 = arith.constant 0.000000e+00 : f32
        %max3A_312 = vector.broadcast %max3A_311 : f32 to vector<16xf32>
        %max3A_313 = arith.maximumf %add3A_310, %max3A_312 : vector<16xf32>
        %swap3A_314 = arith.index_cast %add3A_301 : i32 to index
        %swap3A_315 = arith.constant 96 : index
        %swap3A_316 = tpu.vector_load %arg13[%swap3A_314, %swap3A_315] {strides = array<i32>} : memref<80x128xf32, #tpu.memory_space<vmem>>, vector<1x16xf32>,
        %swap3A_317 = vector.shape_cast %swap3A_316 : vector<1x16xf32> to vector<16xf32>
        %swap3A_318 = vector.shape_cast %max3A_313 : vector<16xf32> to vector<1x16xf32>
        tpu.vector_store %arg13[%swap3A_314, %swap3A_315], %swap3A_318 {strides = array<i32>} : memref<80x128xf32, #tpu.memory_space<vmem>>, vector<1x16xf32>,
        %mul3A_319 = arith.constant 2 : i32
        %mul3A_320 = arith.muli %scan3A_174, %mul3A_319 : i32
        %add3A_321 = arith.constant 0 : i32
        %add3A_322 = arith.addi %mul3A_320, %add3A_321 : i32
        %get3A_323 = arith.index_cast %add3A_322 : i32 to index
        %get3A_324 = arith.constant 112 : index
        %get3A_325 = tpu.vector_load %arg13[%get3A_323, %get3A_324] {strides = array<i32>} : memref<80x128xf32, #tpu.memory_space<vmem>>, vector<1x16xf32>,
        %get3A_326 = vector.shape_cast %get3A_325 : vector<1x16xf32> to vector<16xf32>
        %get3A_327 = arith.index_cast %add3A_322 : i32 to index
        %get3A_328 = arith.constant 112 : index
        %get3A_329 = tpu.vector_load %arg15[%get3A_327, %get3A_328] {strides = array<i32>} : memref<80x128xf32, #tpu.memory_space<vmem>>, vector<1x16xf32>,
        %get3A_330 = vector.shape_cast %get3A_329 : vector<1x16xf32> to vector<16xf32>
        %add3A_331 = arith.addf %get3A_326, %get3A_330 : vector<16xf32>
        %max3A_332 = arith.constant 0.000000e+00 : f32
        %max3A_333 = vector.broadcast %max3A_332 : f32 to vector<16xf32>
        %max3A_334 = arith.maximumf %add3A_331, %max3A_333 : vector<16xf32>
        %swap3A_335 = arith.index_cast %add3A_322 : i32 to index
        %swap3A_336 = arith.constant 112 : index
        %swap3A_337 = tpu.vector_load %arg13[%swap3A_335, %swap3A_336] {strides = array<i32>} : memref<80x128xf32, #tpu.memory_space<vmem>>, vector<1x16xf32>,
        %swap3A_338 = vector.shape_cast %swap3A_337 : vector<1x16xf32> to vector<16xf32>
        %swap3A_339 = vector.shape_cast %max3A_334 : vector<16xf32> to vector<1x16xf32>
        tpu.vector_store %arg13[%swap3A_335, %swap3A_336], %swap3A_339 {strides = array<i32>} : memref<80x128xf32, #tpu.memory_space<vmem>>, vector<1x16xf32>,
        %mul3A_340 = arith.constant 2 : i32
        %mul3A_341 = arith.muli %scan3A_174, %mul3A_340 : i32
        %add3A_342 = arith.constant 1 : i32
        %add3A_343 = arith.addi %mul3A_341, %add3A_342 : i32
        %get3A_344 = arith.index_cast %add3A_343 : i32 to index
        %get3A_345 = arith.constant 0 : index
        %get3A_346 = tpu.vector_load %arg13[%get3A_344, %get3A_345] {strides = array<i32>} : memref<80x128xf32, #tpu.memory_space<vmem>>, vector<1x16xf32>,
        %get3A_347 = vector.shape_cast %get3A_346 : vector<1x16xf32> to vector<16xf32>
        %get3A_348 = arith.index_cast %add3A_343 : i32 to index
        %get3A_349 = arith.constant 0 : index
        %get3A_350 = tpu.vector_load %arg15[%get3A_348, %get3A_349] {strides = array<i32>} : memref<80x128xf32, #tpu.memory_space<vmem>>, vector<1x16xf32>,
        %get3A_351 = vector.shape_cast %get3A_350 : vector<1x16xf32> to vector<16xf32>
        %add3A_352 = arith.addf %get3A_347, %get3A_351 : vector<16xf32>
        %max3A_353 = arith.constant 0.000000e+00 : f32
        %max3A_354 = vector.broadcast %max3A_353 : f32 to vector<16xf32>
        %max3A_355 = arith.maximumf %add3A_352, %max3A_354 : vector<16xf32>
        %swap3A_356 = arith.index_cast %add3A_343 : i32 to index
        %swap3A_357 = arith.constant 0 : index
        %swap3A_358 = tpu.vector_load %arg13[%swap3A_356, %swap3A_357] {strides = array<i32>} : memref<80x128xf32, #tpu.memory_space<vmem>>, vector<1x16xf32>,
        %swap3A_359 = vector.shape_cast %swap3A_358 : vector<1x16xf32> to vector<16xf32>
        %swap3A_360 = vector.shape_cast %max3A_355 : vector<16xf32> to vector<1x16xf32>
        tpu.vector_store %arg13[%swap3A_356, %swap3A_357], %swap3A_360 {strides = array<i32>} : memref<80x128xf32, #tpu.memory_space<vmem>>, vector<1x16xf32>,
        %mul3A_361 = arith.constant 2 : i32
        %mul3A_362 = arith.muli %scan3A_174, %mul3A_361 : i32
        %add3A_363 = arith.constant 1 : i32
        %add3A_364 = arith.addi %mul3A_362, %add3A_363 : i32
        %get3A_365 = arith.index_cast %add3A_364 : i32 to index
        %get3A_366 = arith.constant 16 : index
        %get3A_367 = tpu.vector_load %arg13[%get3A_365, %get3A_366] {strides = array<i32>} : memref<80x128xf32, #tpu.memory_space<vmem>>, vector<1x16xf32>,
        %get3A_368 = vector.shape_cast %get3A_367 : vector<1x16xf32> to vector<16xf32>
        %get3A_369 = arith.index_cast %add3A_364 : i32 to index
        %get3A_370 = arith.constant 16 : index
        %get3A_371 = tpu.vector_load %arg15[%get3A_369, %get3A_370] {strides = array<i32>} : memref<80x128xf32, #tpu.memory_space<vmem>>, vector<1x16xf32>,
        %get3A_372 = vector.shape_cast %get3A_371 : vector<1x16xf32> to vector<16xf32>
        %add3A_373 = arith.addf %get3A_368, %get3A_372 : vector<16xf32>
        %max3A_374 = arith.constant 0.000000e+00 : f32
        %max3A_375 = vector.broadcast %max3A_374 : f32 to vector<16xf32>
        %max3A_376 = arith.maximumf %add3A_373, %max3A_375 : vector<16xf32>
        %swap3A_377 = arith.index_cast %add3A_364 : i32 to index
        %swap3A_378 = arith.constant 16 : index
        %swap3A_379 = tpu.vector_load %arg13[%swap3A_377, %swap3A_378] {strides = array<i32>} : memref<80x128xf32, #tpu.memory_space<vmem>>, vector<1x16xf32>,
        %swap3A_380 = vector.shape_cast %swap3A_379 : vector<1x16xf32> to vector<16xf32>
        %swap3A_381 = vector.shape_cast %max3A_376 : vector<16xf32> to vector<1x16xf32>
        tpu.vector_store %arg13[%swap3A_377, %swap3A_378], %swap3A_381 {strides = array<i32>} : memref<80x128xf32, #tpu.memory_space<vmem>>, vector<1x16xf32>,
        %mul3A_382 = arith.constant 2 : i32
        %mul3A_383 = arith.muli %scan3A_174, %mul3A_382 : i32
        %add3A_384 = arith.constant 1 : i32
        %add3A_385 = arith.addi %mul3A_383, %add3A_384 : i32
        %get3A_386 = arith.index_cast %add3A_385 : i32 to index
        %get3A_387 = arith.constant 32 : index
        %get3A_388 = tpu.vector_load %arg13[%get3A_386, %get3A_387] {strides = array<i32>} : memref<80x128xf32, #tpu.memory_space<vmem>>, vector<1x16xf32>,
        %get3A_389 = vector.shape_cast %get3A_388 : vector<1x16xf32> to vector<16xf32>
        %get3A_390 = arith.index_cast %add3A_385 : i32 to index
        %get3A_391 = arith.constant 32 : index
        %get3A_392 = tpu.vector_load %arg15[%get3A_390, %get3A_391] {strides = array<i32>} : memref<80x128xf32, #tpu.memory_space<vmem>>, vector<1x16xf32>,
        %get3A_393 = vector.shape_cast %get3A_392 : vector<1x16xf32> to vector<16xf32>
        %add3A_394 = arith.addf %get3A_389, %get3A_393 : vector<16xf32>
        %max3A_395 = arith.constant 0.000000e+00 : f32
        %max3A_396 = vector.broadcast %max3A_395 : f32 to vector<16xf32>
        %max3A_397 = arith.maximumf %add3A_394, %max3A_396 : vector<16xf32>
        %swap3A_398 = arith.index_cast %add3A_385 : i32 to index
        %swap3A_399 = arith.constant 32 : index
        %swap3A_400 = tpu.vector_load %arg13[%swap3A_398, %swap3A_399] {strides = array<i32>} : memref<80x128xf32, #tpu.memory_space<vmem>>, vector<1x16xf32>,
        %swap3A_401 = vector.shape_cast %swap3A_400 : vector<1x16xf32> to vector<16xf32>
        %swap3A_402 = vector.shape_cast %max3A_397 : vector<16xf32> to vector<1x16xf32>
        tpu.vector_store %arg13[%swap3A_398, %swap3A_399], %swap3A_402 {strides = array<i32>} : memref<80x128xf32, #tpu.memory_space<vmem>>, vector<1x16xf32>,
        %mul3A_403 = arith.constant 2 : i32
        %mul3A_404 = arith.muli %scan3A_174, %mul3A_403 : i32
        %add3A_405 = arith.constant 1 : i32
        %add3A_406 = arith.addi %mul3A_404, %add3A_405 : i32
        %get3A_407 = arith.index_cast %add3A_406 : i32 to index
        %get3A_408 = arith.constant 48 : index
        %get3A_409 = tpu.vector_load %arg13[%get3A_407, %get3A_408] {strides = array<i32>} : memref<80x128xf32, #tpu.memory_space<vmem>>, vector<1x16xf32>,
        %get3A_410 = vector.shape_cast %get3A_409 : vector<1x16xf32> to vector<16xf32>
        %get3A_411 = arith.index_cast %add3A_406 : i32 to index
        %get3A_412 = arith.constant 48 : index
        %get3A_413 = tpu.vector_load %arg15[%get3A_411, %get3A_412] {strides = array<i32>} : memref<80x128xf32, #tpu.memory_space<vmem>>, vector<1x16xf32>,
        %get3A_414 = vector.shape_cast %get3A_413 : vector<1x16xf32> to vector<16xf32>
        %add3A_415 = arith.addf %get3A_410, %get3A_414 : vector<16xf32>
        %max3A_416 = arith.constant 0.000000e+00 : f32
        %max3A_417 = vector.broadcast %max3A_416 : f32 to vector<16xf32>
        %max3A_418 = arith.maximumf %add3A_415, %max3A_417 : vector<16xf32>
        %swap3A_419 = arith.index_cast %add3A_406 : i32 to index
        %swap3A_420 = arith.constant 48 : index
        %swap3A_421 = tpu.vector_load %arg13[%swap3A_419, %swap3A_420] {strides = array<i32>} : memref<80x128xf32, #tpu.memory_space<vmem>>, vector<1x16xf32>,
        %swap3A_422 = vector.shape_cast %swap3A_421 : vector<1x16xf32> to vector<16xf32>
        %swap3A_423 = vector.shape_cast %max3A_418 : vector<16xf32> to vector<1x16xf32>
        tpu.vector_store %arg13[%swap3A_419, %swap3A_420], %swap3A_423 {strides = array<i32>} : memref<80x128xf32, #tpu.memory_space<vmem>>, vector<1x16xf32>,
        %mul3A_424 = arith.constant 2 : i32
        %mul3A_425 = arith.muli %scan3A_174, %mul3A_424 : i32
        %add3A_426 = arith.constant 1 : i32
        %add3A_427 = arith.addi %mul3A_425, %add3A_426 : i32
        %get3A_428 = arith.index_cast %add3A_427 : i32 to index
        %get3A_429 = arith.constant 64 : index
        %get3A_430 = tpu.vector_load %arg13[%get3A_428, %get3A_429] {strides = array<i32>} : memref<80x128xf32, #tpu.memory_space<vmem>>, vector<1x16xf32>,
        %get3A_431 = vector.shape_cast %get3A_430 : vector<1x16xf32> to vector<16xf32>
        %get3A_432 = arith.index_cast %add3A_427 : i32 to index
        %get3A_433 = arith.constant 64 : index
        %get3A_434 = tpu.vector_load %arg15[%get3A_432, %get3A_433] {strides = array<i32>} : memref<80x128xf32, #tpu.memory_space<vmem>>, vector<1x16xf32>,
        %get3A_435 = vector.shape_cast %get3A_434 : vector<1x16xf32> to vector<16xf32>
        %add3A_436 = arith.addf %get3A_431, %get3A_435 : vector<16xf32>
        %max3A_437 = arith.constant 0.000000e+00 : f32
        %max3A_438 = vector.broadcast %max3A_437 : f32 to vector<16xf32>
        %max3A_439 = arith.maximumf %add3A_436, %max3A_438 : vector<16xf32>
        %swap3A_440 = arith.index_cast %add3A_427 : i32 to index
        %swap3A_441 = arith.constant 64 : index
        %swap3A_442 = tpu.vector_load %arg13[%swap3A_440, %swap3A_441] {strides = array<i32>} : memref<80x128xf32, #tpu.memory_space<vmem>>, vector<1x16xf32>,
        %swap3A_443 = vector.shape_cast %swap3A_442 : vector<1x16xf32> to vector<16xf32>
        %swap3A_444 = vector.shape_cast %max3A_439 : vector<16xf32> to vector<1x16xf32>
        tpu.vector_store %arg13[%swap3A_440, %swap3A_441], %swap3A_444 {strides = array<i32>} : memref<80x128xf32, #tpu.memory_space<vmem>>, vector<1x16xf32>,
        %mul3A_445 = arith.constant 2 : i32
        %mul3A_446 = arith.muli %scan3A_174, %mul3A_445 : i32
        %add3A_447 = arith.constant 1 : i32
        %add3A_448 = arith.addi %mul3A_446, %add3A_447 : i32
        %get3A_449 = arith.index_cast %add3A_448 : i32 to index
        %get3A_450 = arith.constant 80 : index
        %get3A_451 = tpu.vector_load %arg13[%get3A_449, %get3A_450] {strides = array<i32>} : memref<80x128xf32, #tpu.memory_space<vmem>>, vector<1x16xf32>,
        %get3A_452 = vector.shape_cast %get3A_451 : vector<1x16xf32> to vector<16xf32>
        %get3A_453 = arith.index_cast %add3A_448 : i32 to index
        %get3A_454 = arith.constant 80 : index
        %get3A_455 = tpu.vector_load %arg15[%get3A_453, %get3A_454] {strides = array<i32>} : memref<80x128xf32, #tpu.memory_space<vmem>>, vector<1x16xf32>,
        %get3A_456 = vector.shape_cast %get3A_455 : vector<1x16xf32> to vector<16xf32>
        %add3A_457 = arith.addf %get3A_452, %get3A_456 : vector<16xf32>
        %max3A_458 = arith.constant 0.000000e+00 : f32
        %max3A_459 = vector.broadcast %max3A_458 : f32 to vector<16xf32>
        %max3A_460 = arith.maximumf %add3A_457, %max3A_459 : vector<16xf32>
        %swap3A_461 = arith.index_cast %add3A_448 : i32 to index
        %swap3A_462 = arith.constant 80 : index
        %swap3A_463 = tpu.vector_load %arg13[%swap3A_461, %swap3A_462] {strides = array<i32>} : memref<80x128xf32, #tpu.memory_space<vmem>>, vector<1x16xf32>,
        %swap3A_464 = vector.shape_cast %swap3A_463 : vector<1x16xf32> to vector<16xf32>
        %swap3A_465 = vector.shape_cast %max3A_460 : vector<16xf32> to vector<1x16xf32>
        tpu.vector_store %arg13[%swap3A_461, %swap3A_462], %swap3A_465 {strides = array<i32>} : memref<80x128xf32, #tpu.memory_space<vmem>>, vector<1x16xf32>,
        %mul3A_466 = arith.constant 2 : i32
        %mul3A_467 = arith.muli %scan3A_174, %mul3A_466 : i32
        %add3A_468 = arith.constant 1 : i32
        %add3A_469 = arith.addi %mul3A_467, %add3A_468 : i32
        %get3A_470 = arith.index_cast %add3A_469 : i32 to index
        %get3A_471 = arith.constant 96 : index
        %get3A_472 = tpu.vector_load %arg13[%get3A_470, %get3A_471] {strides = array<i32>} : memref<80x128xf32, #tpu.memory_space<vmem>>, vector<1x16xf32>,
        %get3A_473 = vector.shape_cast %get3A_472 : vector<1x16xf32> to vector<16xf32>
        %get3A_474 = arith.index_cast %add3A_469 : i32 to index
        %get3A_475 = arith.constant 96 : index
        %get3A_476 = tpu.vector_load %arg15[%get3A_474, %get3A_475] {strides = array<i32>} : memref<80x128xf32, #tpu.memory_space<vmem>>, vector<1x16xf32>,
        %get3A_477 = vector.shape_cast %get3A_476 : vector<1x16xf32> to vector<16xf32>
        %add3A_478 = arith.addf %get3A_473, %get3A_477 : vector<16xf32>
        %max3A_479 = arith.constant 0.000000e+00 : f32
        %max3A_480 = vector.broadcast %max3A_479 : f32 to vector<16xf32>
        %max3A_481 = arith.maximumf %add3A_478, %max3A_480 : vector<16xf32>
        %swap3A_482 = arith.index_cast %add3A_469 : i32 to index
        %swap3A_483 = arith.constant 96 : index
        %swap3A_484 = tpu.vector_load %arg13[%swap3A_482, %swap3A_483] {strides = array<i32>} : memref<80x128xf32, #tpu.memory_space<vmem>>, vector<1x16xf32>,
        %swap3A_485 = vector.shape_cast %swap3A_484 : vector<1x16xf32> to vector<16xf32>
        %swap3A_486 = vector.shape_cast %max3A_481 : vector<16xf32> to vector<1x16xf32>
        tpu.vector_store %arg13[%swap3A_482, %swap3A_483], %swap3A_486 {strides = array<i32>} : memref<80x128xf32, #tpu.memory_space<vmem>>, vector<1x16xf32>,
        %mul3A_487 = arith.constant 2 : i32
        %mul3A_488 = arith.muli %scan3A_174, %mul3A_487 : i32
        %add3A_489 = arith.constant 1 : i32
        %add3A_490 = arith.addi %mul3A_488, %add3A_489 : i32
        %get3A_491 = arith.index_cast %add3A_490 : i32 to index
        %get3A_492 = arith.constant 112 : index
        %get3A_493 = tpu.vector_load %arg13[%get3A_491, %get3A_492] {strides = array<i32>} : memref<80x128xf32, #tpu.memory_space<vmem>>, vector<1x16xf32>,
        %get3A_494 = vector.shape_cast %get3A_493 : vector<1x16xf32> to vector<16xf32>
        %get3A_495 = arith.index_cast %add3A_490 : i32 to index
        %get3A_496 = arith.constant 112 : index
        %get3A_497 = tpu.vector_load %arg15[%get3A_495, %get3A_496] {strides = array<i32>} : memref<80x128xf32, #tpu.memory_space<vmem>>, vector<1x16xf32>,
        %get3A_498 = vector.shape_cast %get3A_497 : vector<1x16xf32> to vector<16xf32>
        %add3A_499 = arith.addf %get3A_494, %get3A_498 : vector<16xf32>
        %max3A_500 = arith.constant 0.000000e+00 : f32
        %max3A_501 = vector.broadcast %max3A_500 : f32 to vector<16xf32>
        %max3A_502 = arith.maximumf %add3A_499, %max3A_501 : vector<16xf32>
        %swap3A_503 = arith.index_cast %add3A_490 : i32 to index
        %swap3A_504 = arith.constant 112 : index
        %swap3A_505 = tpu.vector_load %arg13[%swap3A_503, %swap3A_504] {strides = array<i32>} : memref<80x128xf32, #tpu.memory_space<vmem>>, vector<1x16xf32>,
        %swap3A_506 = vector.shape_cast %swap3A_505 : vector<1x16xf32> to vector<16xf32>
        %swap3A_507 = vector.shape_cast %max3A_502 : vector<16xf32> to vector<1x16xf32>
        tpu.vector_store %arg13[%swap3A_503, %swap3A_504], %swap3A_507 {strides = array<i32>} : memref<80x128xf32, #tpu.memory_space<vmem>>, vector<1x16xf32>,
      }
      %scan3A_135 = arith.constant 40 : i32
      "tpu.region"() ({
        %run_scoped3A = tpu.sem_alloc : memref<!tpu.dma_semaphore, #tpu.memory_space<semaphore_mem>>
        %dma_start3A_174 = arith.constant 0 : i32
        %dma_start3A_175 = arith.constant 0 : i32
        %dma_start3A_176 = tpu.memref_slice %arg8[%dma_start3A_174, %dma_start3A_175] : memref<10000x128xf32, #tpu.memory_space<vmem_shared>> -> memref<10000x128xf32, #tpu.memory_space<vmem_shared>>
        tpu.enqueue_indirect_dma source(%arg13 : memref<80x128xf32, #tpu.memory_space<vmem>>) target(%dma_start3A_176 : memref<10000x128xf32, #tpu.memory_space<vmem_shared>>) offsets(%arg11 : memref<80xi32, #tpu.memory_space<vmem>>) semaphore(%run_scoped3A : memref<!tpu.dma_semaphore, #tpu.memory_space<semaphore_mem>>) {add = true}
        %dma_wait3A_177 = arith.constant 0 : i32
        %dma_wait3A_178 = arith.constant 0 : i32
        %dma_wait3A_179 = tpu.memref_slice %arg8[%dma_wait3A_177, %dma_wait3A_178] : memref<10000x128xf32, #tpu.memory_space<vmem_shared>> -> memref<10000x128xf32, #tpu.memory_space<vmem_shared>>
        tpu.wait_indirect_dma semaphore(%run_scoped3A : memref<!tpu.dma_semaphore, #tpu.memory_space<semaphore_mem>>) src(%arg13 : memref<80x128xf32, #tpu.memory_space<vmem>>) dst(%dma_wait3A_179 : memref<10000x128xf32, #tpu.memory_space<vmem_shared>>)
        tpu.yield
      }) : () -> ()
      %add3A_136 = arith.constant 2 : i32
      %add3A_137 = arith.addi %mul3A_115, %add3A_136 : i32
      %lt3A_138 = arith.constant 250 : i32
      %lt3A_139 = arith.cmpi slt, %add3A_137, %lt3A_138 : i32
      %convert_element_type3A_140 = arith.extui %lt3A_139 : i1 to i32
      %cond3A_141 = arith.constant 0 : i32
      %cond3A_142 = arith.cmpi ne, %convert_element_type3A_140, %cond3A_141 : i32
      scf.if %cond3A_142 {
        %add3A_174 = arith.constant 2 : i32
        %add3A_175 = arith.addi %mul3A_115, %add3A_174 : i32
        %mul3A_176 = arith.constant 80 : i32
        %mul3A_177 = arith.muli %add3A_175, %mul3A_176 : i32
        %add3A_178 = arith.addi %add3A, %mul3A_177 : i32
        %dma_start3A_179 = tpu.memref_slice %arg4[%add3A_178] : memref<640000xi32, #tpu.memory_space<hbm>> -> memref<80xi32, #tpu.memory_space<hbm>>
        %dma_start3A_180 = tpu.memref_slice %arg4[%add3A_178] : memref<640000xi32, #tpu.memory_space<hbm>> -> memref<80xi32, #tpu.memory_space<hbm>>
        tpu.enqueue_dma source(%dma_start3A_180 : memref<80xi32, #tpu.memory_space<hbm>>) target(%arg9 : memref<80xi32, #tpu.memory_space<vmem>>) target_semaphore(%arg17 : memref<!tpu.dma_semaphore, #tpu.memory_space<semaphore_mem>>)
        %mul3A_181 = arith.constant 80 : i32
        %mul3A_182 = arith.muli %add3A_175, %mul3A_181 : i32
        %add3A_183 = arith.addi %mul3A_4, %mul3A_182 : i32
        %dma_start3A_184 = tpu.memref_slice %arg5[%add3A_183] : memref<320000xi32, #tpu.memory_space<hbm>> -> memref<80xi32, #tpu.memory_space<hbm>>
        %dma_start3A_185 = tpu.memref_slice %arg5[%add3A_183] : memref<320000xi32, #tpu.memory_space<hbm>> -> memref<80xi32, #tpu.memory_space<hbm>>
        tpu.enqueue_dma source(%dma_start3A_185 : memref<80xi32, #tpu.memory_space<hbm>>) target(%arg11 : memref<80xi32, #tpu.memory_space<vmem>>) target_semaphore(%arg17 : memref<!tpu.dma_semaphore, #tpu.memory_space<semaphore_mem>>)
      } else {
      }
      %mul3A_143 = arith.constant 2 : i32
      %mul3A_144 = arith.muli %mul3A_143, %scan3A_113 : i32
      %add3A_145 = arith.constant 1 : i32
      %add3A_146 = arith.addi %mul3A_144, %add3A_145 : i32
      %add3A_147 = arith.constant 1 : i32
      %add3A_148 = arith.addi %add3A_146, %add3A_147 : i32
      %lt3A_149 = arith.constant 250 : i32
      %lt3A_150 = arith.cmpi slt, %add3A_148, %lt3A_149 : i32
      %convert_element_type3A_151 = arith.extui %lt3A_150 : i1 to i32
      %cond3A_152 = arith.constant 0 : i32
      %cond3A_153 = arith.cmpi ne, %convert_element_type3A_151, %cond3A_152 : i32
      scf.if %cond3A_153 {
        %add3A_174 = arith.constant 1 : i32
        %add3A_175 = arith.addi %add3A_146, %add3A_174 : i32
        %dma_wait3A_176 = tpu.memref_slice %arg4[%add3A] : memref<640000xi32, #tpu.memory_space<hbm>> -> memref<80xi32, #tpu.memory_space<hbm>>
        %dma_wait3A_177 = tpu.memref_slice %arg4[%add3A] : memref<640000xi32, #tpu.memory_space<hbm>> -> memref<80xi32, #tpu.memory_space<hbm>>
        tpu.wait_dma2 semaphore(%arg17 : memref<!tpu.dma_semaphore, #tpu.memory_space<semaphore_mem>>) src(%dma_wait3A_177 : memref<80xi32, #tpu.memory_space<hbm>>) dst(%arg9 : memref<80xi32, #tpu.memory_space<vmem>>)
        %dma_wait3A_178 = tpu.memref_slice %arg5[%mul3A_4] : memref<320000xi32, #tpu.memory_space<hbm>> -> memref<80xi32, #tpu.memory_space<hbm>>
        %dma_wait3A_179 = tpu.memref_slice %arg5[%mul3A_4] : memref<320000xi32, #tpu.memory_space<hbm>> -> memref<80xi32, #tpu.memory_space<hbm>>
        tpu.wait_dma2 semaphore(%arg17 : memref<!tpu.dma_semaphore, #tpu.memory_space<semaphore_mem>>) src(%dma_wait3A_179 : memref<80xi32, #tpu.memory_space<hbm>>) dst(%arg11 : memref<80xi32, #tpu.memory_space<vmem>>)
        %add3A_180 = arith.constant 1 : i32
        %add3A_181 = arith.addi %add3A_146, %add3A_180 : i32
        %dma_start3A_182 = arith.constant 0 : i32
        %dma_start3A_183 = arith.constant 0 : i32
        %dma_start3A_184 = tpu.memref_slice %arg2[%dma_start3A_182, %dma_start3A_183] : memref<20000x128xf32, #tpu.memory_space<hbm>> -> memref<20000x128xf32, #tpu.memory_space<hbm>>
        tpu.enqueue_indirect_dma source(%dma_start3A_184 : memref<20000x128xf32, #tpu.memory_space<hbm>>) target(%arg13 : memref<80x128xf32, #tpu.memory_space<vmem>>) offsets(%arg9 : memref<80xi32, #tpu.memory_space<vmem>>) semaphore(%arg19 : memref<!tpu.dma_semaphore, #tpu.memory_space<semaphore_mem>>)
        %mul3A_185 = arith.constant 80 : i32
        %mul3A_186 = arith.muli %add3A_181, %mul3A_185 : i32
        %add3A_187 = arith.addi %add3A, %mul3A_186 : i32
        %dma_start3A_188 = arith.constant 0 : i32
        %dma_start3A_189 = tpu.memref_slice %arg3[%add3A_187, %dma_start3A_188] : memref<640000x128xf32, #tpu.memory_space<hbm>> -> memref<80x128xf32, #tpu.memory_space<hbm>>
        %dma_start3A_190 = arith.constant 0 : i32
        %dma_start3A_191 = tpu.memref_slice %arg3[%add3A_187, %dma_start3A_190] : memref<640000x128xf32, #tpu.memory_space<hbm>> -> memref<80x128xf32, #tpu.memory_space<hbm>>
        tpu.enqueue_dma source(%dma_start3A_191 : memref<80x128xf32, #tpu.memory_space<hbm>>) target(%arg15 : memref<80x128xf32, #tpu.memory_space<vmem>>) target_semaphore(%arg21 : memref<!tpu.dma_semaphore, #tpu.memory_space<semaphore_mem>>)
      } else {
      }
      %dma_wait3A_154 = arith.constant 0 : i32
      %dma_wait3A_155 = arith.constant 0 : i32
      %dma_wait3A_156 = tpu.memref_slice %arg2[%dma_wait3A_154, %dma_wait3A_155] : memref<20000x128xf32, #tpu.memory_space<hbm>> -> memref<20000x128xf32, #tpu.memory_space<hbm>>
      tpu.wait_indirect_dma semaphore(%arg20 : memref<!tpu.dma_semaphore, #tpu.memory_space<semaphore_mem>>) src(%dma_wait3A_156 : memref<20000x128xf32, #tpu.memory_space<hbm>>) dst(%arg14 : memref<80x128xf32, #tpu.memory_space<vmem>>)
      %dma_wait3A_157 = arith.constant 0 : i32
      %dma_wait3A_158 = tpu.memref_slice %arg3[%add3A, %dma_wait3A_157] : memref<640000x128xf32, #tpu.memory_space<hbm>> -> memref<80x128xf32, #tpu.memory_space<hbm>>
      %dma_wait3A_159 = arith.constant 0 : i32
      %dma_wait3A_160 = tpu.memref_slice %arg3[%add3A, %dma_wait3A_159] : memref<640000x128xf32, #tpu.memory_space<hbm>> -> memref<80x128xf32, #tpu.memory_space<hbm>>
      tpu.wait_dma2 semaphore(%arg22 : memref<!tpu.dma_semaphore, #tpu.memory_space<semaphore_mem>>) src(%dma_wait3A_160 : memref<80x128xf32, #tpu.memory_space<hbm>>) dst(%arg16 : memref<80x128xf32, #tpu.memory_space<vmem>>)
      %scan3A_161 = arith.constant 0 : i32
      %scan3A_162 = arith.constant 0 : i32
      %scan3A_163 = arith.constant 40 : i32
      %scan3A_164 = arith.addi %scan3A_162, %scan3A_163 : i32
      %scan3A_165 = arith.constant 1 : i32
      scf.for %scan3A_174 = %scan3A_162 to %scan3A_164 step %scan3A_165  : i32 {
        %mul3A_175 = arith.constant 2 : i32
        %mul3A_176 = arith.muli %scan3A_174, %mul3A_175 : i32
        %add3A_177 = arith.constant 0 : i32
        %add3A_178 = arith.addi %mul3A_176, %add3A_177 : i32
        %get3A = arith.index_cast %add3A_178 : i32 to index
        %get3A_179 = arith.constant 0 : index
        %get3A_180 = tpu.vector_load %arg14[%get3A, %get3A_179] {strides = array<i32>} : memref<80x128xf32, #tpu.memory_space<vmem>>, vector<1x16xf32>,
        %get3A_181 = vector.shape_cast %get3A_180 : vector<1x16xf32> to vector<16xf32>
        %get3A_182 = arith.index_cast %add3A_178 : i32 to index
        %get3A_183 = arith.constant 0 : index
        %get3A_184 = tpu.vector_load %arg16[%get3A_182, %get3A_183] {strides = array<i32>} : memref<80x128xf32, #tpu.memory_space<vmem>>, vector<1x16xf32>,
        %get3A_185 = vector.shape_cast %get3A_184 : vector<1x16xf32> to vector<16xf32>
        %add3A_186 = arith.addf %get3A_181, %get3A_185 : vector<16xf32>
        %max3A = arith.constant 0.000000e+00 : f32
        %max3A_187 = vector.broadcast %max3A : f32 to vector<16xf32>
        %max3A_188 = arith.maximumf %add3A_186, %max3A_187 : vector<16xf32>
        %swap3A = arith.index_cast %add3A_178 : i32 to index
        %swap3A_189 = arith.constant 0 : index
        %swap3A_190 = tpu.vector_load %arg14[%swap3A, %swap3A_189] {strides = array<i32>} : memref<80x128xf32, #tpu.memory_space<vmem>>, vector<1x16xf32>,
        %swap3A_191 = vector.shape_cast %swap3A_190 : vector<1x16xf32> to vector<16xf32>
        %swap3A_192 = vector.shape_cast %max3A_188 : vector<16xf32> to vector<1x16xf32>
        tpu.vector_store %arg14[%swap3A, %swap3A_189], %swap3A_192 {strides = array<i32>} : memref<80x128xf32, #tpu.memory_space<vmem>>, vector<1x16xf32>,
        %mul3A_193 = arith.constant 2 : i32
        %mul3A_194 = arith.muli %scan3A_174, %mul3A_193 : i32
        %add3A_195 = arith.constant 0 : i32
        %add3A_196 = arith.addi %mul3A_194, %add3A_195 : i32
        %get3A_197 = arith.index_cast %add3A_196 : i32 to index
        %get3A_198 = arith.constant 16 : index
        %get3A_199 = tpu.vector_load %arg14[%get3A_197, %get3A_198] {strides = array<i32>} : memref<80x128xf32, #tpu.memory_space<vmem>>, vector<1x16xf32>,
        %get3A_200 = vector.shape_cast %get3A_199 : vector<1x16xf32> to vector<16xf32>
        %get3A_201 = arith.index_cast %add3A_196 : i32 to index
        %get3A_202 = arith.constant 16 : index
        %get3A_203 = tpu.vector_load %arg16[%get3A_201, %get3A_202] {strides = array<i32>} : memref<80x128xf32, #tpu.memory_space<vmem>>, vector<1x16xf32>,
        %get3A_204 = vector.shape_cast %get3A_203 : vector<1x16xf32> to vector<16xf32>
        %add3A_205 = arith.addf %get3A_200, %get3A_204 : vector<16xf32>
        %max3A_206 = arith.constant 0.000000e+00 : f32
        %max3A_207 = vector.broadcast %max3A_206 : f32 to vector<16xf32>
        %max3A_208 = arith.maximumf %add3A_205, %max3A_207 : vector<16xf32>
        %swap3A_209 = arith.index_cast %add3A_196 : i32 to index
        %swap3A_210 = arith.constant 16 : index
        %swap3A_211 = tpu.vector_load %arg14[%swap3A_209, %swap3A_210] {strides = array<i32>} : memref<80x128xf32, #tpu.memory_space<vmem>>, vector<1x16xf32>,
        %swap3A_212 = vector.shape_cast %swap3A_211 : vector<1x16xf32> to vector<16xf32>
        %swap3A_213 = vector.shape_cast %max3A_208 : vector<16xf32> to vector<1x16xf32>
        tpu.vector_store %arg14[%swap3A_209, %swap3A_210], %swap3A_213 {strides = array<i32>} : memref<80x128xf32, #tpu.memory_space<vmem>>, vector<1x16xf32>,
        %mul3A_214 = arith.constant 2 : i32
        %mul3A_215 = arith.muli %scan3A_174, %mul3A_214 : i32
        %add3A_216 = arith.constant 0 : i32
        %add3A_217 = arith.addi %mul3A_215, %add3A_216 : i32
        %get3A_218 = arith.index_cast %add3A_217 : i32 to index
        %get3A_219 = arith.constant 32 : index
        %get3A_220 = tpu.vector_load %arg14[%get3A_218, %get3A_219] {strides = array<i32>} : memref<80x128xf32, #tpu.memory_space<vmem>>, vector<1x16xf32>,
        %get3A_221 = vector.shape_cast %get3A_220 : vector<1x16xf32> to vector<16xf32>
        %get3A_222 = arith.index_cast %add3A_217 : i32 to index
        %get3A_223 = arith.constant 32 : index
        %get3A_224 = tpu.vector_load %arg16[%get3A_222, %get3A_223] {strides = array<i32>} : memref<80x128xf32, #tpu.memory_space<vmem>>, vector<1x16xf32>,
        %get3A_225 = vector.shape_cast %get3A_224 : vector<1x16xf32> to vector<16xf32>
        %add3A_226 = arith.addf %get3A_221, %get3A_225 : vector<16xf32>
        %max3A_227 = arith.constant 0.000000e+00 : f32
        %max3A_228 = vector.broadcast %max3A_227 : f32 to vector<16xf32>
        %max3A_229 = arith.maximumf %add3A_226, %max3A_228 : vector<16xf32>
        %swap3A_230 = arith.index_cast %add3A_217 : i32 to index
        %swap3A_231 = arith.constant 32 : index
        %swap3A_232 = tpu.vector_load %arg14[%swap3A_230, %swap3A_231] {strides = array<i32>} : memref<80x128xf32, #tpu.memory_space<vmem>>, vector<1x16xf32>,
        %swap3A_233 = vector.shape_cast %swap3A_232 : vector<1x16xf32> to vector<16xf32>
        %swap3A_234 = vector.shape_cast %max3A_229 : vector<16xf32> to vector<1x16xf32>
        tpu.vector_store %arg14[%swap3A_230, %swap3A_231], %swap3A_234 {strides = array<i32>} : memref<80x128xf32, #tpu.memory_space<vmem>>, vector<1x16xf32>,
        %mul3A_235 = arith.constant 2 : i32
        %mul3A_236 = arith.muli %scan3A_174, %mul3A_235 : i32
        %add3A_237 = arith.constant 0 : i32
        %add3A_238 = arith.addi %mul3A_236, %add3A_237 : i32
        %get3A_239 = arith.index_cast %add3A_238 : i32 to index
        %get3A_240 = arith.constant 48 : index
        %get3A_241 = tpu.vector_load %arg14[%get3A_239, %get3A_240] {strides = array<i32>} : memref<80x128xf32, #tpu.memory_space<vmem>>, vector<1x16xf32>,
        %get3A_242 = vector.shape_cast %get3A_241 : vector<1x16xf32> to vector<16xf32>
        %get3A_243 = arith.index_cast %add3A_238 : i32 to index
        %get3A_244 = arith.constant 48 : index
        %get3A_245 = tpu.vector_load %arg16[%get3A_243, %get3A_244] {strides = array<i32>} : memref<80x128xf32, #tpu.memory_space<vmem>>, vector<1x16xf32>,
        %get3A_246 = vector.shape_cast %get3A_245 : vector<1x16xf32> to vector<16xf32>
        %add3A_247 = arith.addf %get3A_242, %get3A_246 : vector<16xf32>
        %max3A_248 = arith.constant 0.000000e+00 : f32
        %max3A_249 = vector.broadcast %max3A_248 : f32 to vector<16xf32>
        %max3A_250 = arith.maximumf %add3A_247, %max3A_249 : vector<16xf32>
        %swap3A_251 = arith.index_cast %add3A_238 : i32 to index
        %swap3A_252 = arith.constant 48 : index
        %swap3A_253 = tpu.vector_load %arg14[%swap3A_251, %swap3A_252] {strides = array<i32>} : memref<80x128xf32, #tpu.memory_space<vmem>>, vector<1x16xf32>,
        %swap3A_254 = vector.shape_cast %swap3A_253 : vector<1x16xf32> to vector<16xf32>
        %swap3A_255 = vector.shape_cast %max3A_250 : vector<16xf32> to vector<1x16xf32>
        tpu.vector_store %arg14[%swap3A_251, %swap3A_252], %swap3A_255 {strides = array<i32>} : memref<80x128xf32, #tpu.memory_space<vmem>>, vector<1x16xf32>,
        %mul3A_256 = arith.constant 2 : i32
        %mul3A_257 = arith.muli %scan3A_174, %mul3A_256 : i32
        %add3A_258 = arith.constant 0 : i32
        %add3A_259 = arith.addi %mul3A_257, %add3A_258 : i32
        %get3A_260 = arith.index_cast %add3A_259 : i32 to index
        %get3A_261 = arith.constant 64 : index
        %get3A_262 = tpu.vector_load %arg14[%get3A_260, %get3A_261] {strides = array<i32>} : memref<80x128xf32, #tpu.memory_space<vmem>>, vector<1x16xf32>,
        %get3A_263 = vector.shape_cast %get3A_262 : vector<1x16xf32> to vector<16xf32>
        %get3A_264 = arith.index_cast %add3A_259 : i32 to index
        %get3A_265 = arith.constant 64 : index
        %get3A_266 = tpu.vector_load %arg16[%get3A_264, %get3A_265] {strides = array<i32>} : memref<80x128xf32, #tpu.memory_space<vmem>>, vector<1x16xf32>,
        %get3A_267 = vector.shape_cast %get3A_266 : vector<1x16xf32> to vector<16xf32>
        %add3A_268 = arith.addf %get3A_263, %get3A_267 : vector<16xf32>
        %max3A_269 = arith.constant 0.000000e+00 : f32
        %max3A_270 = vector.broadcast %max3A_269 : f32 to vector<16xf32>
        %max3A_271 = arith.maximumf %add3A_268, %max3A_270 : vector<16xf32>
        %swap3A_272 = arith.index_cast %add3A_259 : i32 to index
        %swap3A_273 = arith.constant 64 : index
        %swap3A_274 = tpu.vector_load %arg14[%swap3A_272, %swap3A_273] {strides = array<i32>} : memref<80x128xf32, #tpu.memory_space<vmem>>, vector<1x16xf32>,
        %swap3A_275 = vector.shape_cast %swap3A_274 : vector<1x16xf32> to vector<16xf32>
        %swap3A_276 = vector.shape_cast %max3A_271 : vector<16xf32> to vector<1x16xf32>
        tpu.vector_store %arg14[%swap3A_272, %swap3A_273], %swap3A_276 {strides = array<i32>} : memref<80x128xf32, #tpu.memory_space<vmem>>, vector<1x16xf32>,
        %mul3A_277 = arith.constant 2 : i32
        %mul3A_278 = arith.muli %scan3A_174, %mul3A_277 : i32
        %add3A_279 = arith.constant 0 : i32
        %add3A_280 = arith.addi %mul3A_278, %add3A_279 : i32
        %get3A_281 = arith.index_cast %add3A_280 : i32 to index
        %get3A_282 = arith.constant 80 : index
        %get3A_283 = tpu.vector_load %arg14[%get3A_281, %get3A_282] {strides = array<i32>} : memref<80x128xf32, #tpu.memory_space<vmem>>, vector<1x16xf32>,
        %get3A_284 = vector.shape_cast %get3A_283 : vector<1x16xf32> to vector<16xf32>
        %get3A_285 = arith.index_cast %add3A_280 : i32 to index
        %get3A_286 = arith.constant 80 : index
        %get3A_287 = tpu.vector_load %arg16[%get3A_285, %get3A_286] {strides = array<i32>} : memref<80x128xf32, #tpu.memory_space<vmem>>, vector<1x16xf32>,
        %get3A_288 = vector.shape_cast %get3A_287 : vector<1x16xf32> to vector<16xf32>
        %add3A_289 = arith.addf %get3A_284, %get3A_288 : vector<16xf32>
        %max3A_290 = arith.constant 0.000000e+00 : f32
        %max3A_291 = vector.broadcast %max3A_290 : f32 to vector<16xf32>
        %max3A_292 = arith.maximumf %add3A_289, %max3A_291 : vector<16xf32>
        %swap3A_293 = arith.index_cast %add3A_280 : i32 to index
        %swap3A_294 = arith.constant 80 : index
        %swap3A_295 = tpu.vector_load %arg14[%swap3A_293, %swap3A_294] {strides = array<i32>} : memref<80x128xf32, #tpu.memory_space<vmem>>, vector<1x16xf32>,
        %swap3A_296 = vector.shape_cast %swap3A_295 : vector<1x16xf32> to vector<16xf32>
        %swap3A_297 = vector.shape_cast %max3A_292 : vector<16xf32> to vector<1x16xf32>
        tpu.vector_store %arg14[%swap3A_293, %swap3A_294], %swap3A_297 {strides = array<i32>} : memref<80x128xf32, #tpu.memory_space<vmem>>, vector<1x16xf32>,
        %mul3A_298 = arith.constant 2 : i32
        %mul3A_299 = arith.muli %scan3A_174, %mul3A_298 : i32
        %add3A_300 = arith.constant 0 : i32
        %add3A_301 = arith.addi %mul3A_299, %add3A_300 : i32
        %get3A_302 = arith.index_cast %add3A_301 : i32 to index
        %get3A_303 = arith.constant 96 : index
        %get3A_304 = tpu.vector_load %arg14[%get3A_302, %get3A_303] {strides = array<i32>} : memref<80x128xf32, #tpu.memory_space<vmem>>, vector<1x16xf32>,
        %get3A_305 = vector.shape_cast %get3A_304 : vector<1x16xf32> to vector<16xf32>
        %get3A_306 = arith.index_cast %add3A_301 : i32 to index
        %get3A_307 = arith.constant 96 : index
        %get3A_308 = tpu.vector_load %arg16[%get3A_306, %get3A_307] {strides = array<i32>} : memref<80x128xf32, #tpu.memory_space<vmem>>, vector<1x16xf32>,
        %get3A_309 = vector.shape_cast %get3A_308 : vector<1x16xf32> to vector<16xf32>
        %add3A_310 = arith.addf %get3A_305, %get3A_309 : vector<16xf32>
        %max3A_311 = arith.constant 0.000000e+00 : f32
        %max3A_312 = vector.broadcast %max3A_311 : f32 to vector<16xf32>
        %max3A_313 = arith.maximumf %add3A_310, %max3A_312 : vector<16xf32>
        %swap3A_314 = arith.index_cast %add3A_301 : i32 to index
        %swap3A_315 = arith.constant 96 : index
        %swap3A_316 = tpu.vector_load %arg14[%swap3A_314, %swap3A_315] {strides = array<i32>} : memref<80x128xf32, #tpu.memory_space<vmem>>, vector<1x16xf32>,
        %swap3A_317 = vector.shape_cast %swap3A_316 : vector<1x16xf32> to vector<16xf32>
        %swap3A_318 = vector.shape_cast %max3A_313 : vector<16xf32> to vector<1x16xf32>
        tpu.vector_store %arg14[%swap3A_314, %swap3A_315], %swap3A_318 {strides = array<i32>} : memref<80x128xf32, #tpu.memory_space<vmem>>, vector<1x16xf32>,
        %mul3A_319 = arith.constant 2 : i32
        %mul3A_320 = arith.muli %scan3A_174, %mul3A_319 : i32
        %add3A_321 = arith.constant 0 : i32
        %add3A_322 = arith.addi %mul3A_320, %add3A_321 : i32
        %get3A_323 = arith.index_cast %add3A_322 : i32 to index
        %get3A_324 = arith.constant 112 : index
        %get3A_325 = tpu.vector_load %arg14[%get3A_323, %get3A_324] {strides = array<i32>} : memref<80x128xf32, #tpu.memory_space<vmem>>, vector<1x16xf32>,
        %get3A_326 = vector.shape_cast %get3A_325 : vector<1x16xf32> to vector<16xf32>
        %get3A_327 = arith.index_cast %add3A_322 : i32 to index
        %get3A_328 = arith.constant 112 : index
        %get3A_329 = tpu.vector_load %arg16[%get3A_327, %get3A_328] {strides = array<i32>} : memref<80x128xf32, #tpu.memory_space<vmem>>, vector<1x16xf32>,
        %get3A_330 = vector.shape_cast %get3A_329 : vector<1x16xf32> to vector<16xf32>
        %add3A_331 = arith.addf %get3A_326, %get3A_330 : vector<16xf32>
        %max3A_332 = arith.constant 0.000000e+00 : f32
        %max3A_333 = vector.broadcast %max3A_332 : f32 to vector<16xf32>
        %max3A_334 = arith.maximumf %add3A_331, %max3A_333 : vector<16xf32>
        %swap3A_335 = arith.index_cast %add3A_322 : i32 to index
        %swap3A_336 = arith.constant 112 : index
        %swap3A_337 = tpu.vector_load %arg14[%swap3A_335, %swap3A_336] {strides = array<i32>} : memref<80x128xf32, #tpu.memory_space<vmem>>, vector<1x16xf32>,
        %swap3A_338 = vector.shape_cast %swap3A_337 : vector<1x16xf32> to vector<16xf32>
        %swap3A_339 = vector.shape_cast %max3A_334 : vector<16xf32> to vector<1x16xf32>
        tpu.vector_store %arg14[%swap3A_335, %swap3A_336], %swap3A_339 {strides = array<i32>} : memref<80x128xf32, #tpu.memory_space<vmem>>, vector<1x16xf32>,
        %mul3A_340 = arith.constant 2 : i32
        %mul3A_341 = arith.muli %scan3A_174, %mul3A_340 : i32
        %add3A_342 = arith.constant 1 : i32
        %add3A_343 = arith.addi %mul3A_341, %add3A_342 : i32
        %get3A_344 = arith.index_cast %add3A_343 : i32 to index
        %get3A_345 = arith.constant 0 : index
        %get3A_346 = tpu.vector_load %arg14[%get3A_344, %get3A_345] {strides = array<i32>} : memref<80x128xf32, #tpu.memory_space<vmem>>, vector<1x16xf32>,
        %get3A_347 = vector.shape_cast %get3A_346 : vector<1x16xf32> to vector<16xf32>
        %get3A_348 = arith.index_cast %add3A_343 : i32 to index
        %get3A_349 = arith.constant 0 : index
        %get3A_350 = tpu.vector_load %arg16[%get3A_348, %get3A_349] {strides = array<i32>} : memref<80x128xf32, #tpu.memory_space<vmem>>, vector<1x16xf32>,
        %get3A_351 = vector.shape_cast %get3A_350 : vector<1x16xf32> to vector<16xf32>
        %add3A_352 = arith.addf %get3A_347, %get3A_351 : vector<16xf32>
        %max3A_353 = arith.constant 0.000000e+00 : f32
        %max3A_354 = vector.broadcast %max3A_353 : f32 to vector<16xf32>
        %max3A_355 = arith.maximumf %add3A_352, %max3A_354 : vector<16xf32>
        %swap3A_356 = arith.index_cast %add3A_343 : i32 to index
        %swap3A_357 = arith.constant 0 : index
        %swap3A_358 = tpu.vector_load %arg14[%swap3A_356, %swap3A_357] {strides = array<i32>} : memref<80x128xf32, #tpu.memory_space<vmem>>, vector<1x16xf32>,
        %swap3A_359 = vector.shape_cast %swap3A_358 : vector<1x16xf32> to vector<16xf32>
        %swap3A_360 = vector.shape_cast %max3A_355 : vector<16xf32> to vector<1x16xf32>
        tpu.vector_store %arg14[%swap3A_356, %swap3A_357], %swap3A_360 {strides = array<i32>} : memref<80x128xf32, #tpu.memory_space<vmem>>, vector<1x16xf32>,
        %mul3A_361 = arith.constant 2 : i32
        %mul3A_362 = arith.muli %scan3A_174, %mul3A_361 : i32
        %add3A_363 = arith.constant 1 : i32
        %add3A_364 = arith.addi %mul3A_362, %add3A_363 : i32
        %get3A_365 = arith.index_cast %add3A_364 : i32 to index
        %get3A_366 = arith.constant 16 : index
        %get3A_367 = tpu.vector_load %arg14[%get3A_365, %get3A_366] {strides = array<i32>} : memref<80x128xf32, #tpu.memory_space<vmem>>, vector<1x16xf32>,
        %get3A_368 = vector.shape_cast %get3A_367 : vector<1x16xf32> to vector<16xf32>
        %get3A_369 = arith.index_cast %add3A_364 : i32 to index
        %get3A_370 = arith.constant 16 : index
        %get3A_371 = tpu.vector_load %arg16[%get3A_369, %get3A_370] {strides = array<i32>} : memref<80x128xf32, #tpu.memory_space<vmem>>, vector<1x16xf32>,
        %get3A_372 = vector.shape_cast %get3A_371 : vector<1x16xf32> to vector<16xf32>
        %add3A_373 = arith.addf %get3A_368, %get3A_372 : vector<16xf32>
        %max3A_374 = arith.constant 0.000000e+00 : f32
        %max3A_375 = vector.broadcast %max3A_374 : f32 to vector<16xf32>
        %max3A_376 = arith.maximumf %add3A_373, %max3A_375 : vector<16xf32>
        %swap3A_377 = arith.index_cast %add3A_364 : i32 to index
        %swap3A_378 = arith.constant 16 : index
        %swap3A_379 = tpu.vector_load %arg14[%swap3A_377, %swap3A_378] {strides = array<i32>} : memref<80x128xf32, #tpu.memory_space<vmem>>, vector<1x16xf32>,
        %swap3A_380 = vector.shape_cast %swap3A_379 : vector<1x16xf32> to vector<16xf32>
        %swap3A_381 = vector.shape_cast %max3A_376 : vector<16xf32> to vector<1x16xf32>
        tpu.vector_store %arg14[%swap3A_377, %swap3A_378], %swap3A_381 {strides = array<i32>} : memref<80x128xf32, #tpu.memory_space<vmem>>, vector<1x16xf32>,
        %mul3A_382 = arith.constant 2 : i32
        %mul3A_383 = arith.muli %scan3A_174, %mul3A_382 : i32
        %add3A_384 = arith.constant 1 : i32
        %add3A_385 = arith.addi %mul3A_383, %add3A_384 : i32
        %get3A_386 = arith.index_cast %add3A_385 : i32 to index
        %get3A_387 = arith.constant 32 : index
        %get3A_388 = tpu.vector_load %arg14[%get3A_386, %get3A_387] {strides = array<i32>} : memref<80x128xf32, #tpu.memory_space<vmem>>, vector<1x16xf32>,
        %get3A_389 = vector.shape_cast %get3A_388 : vector<1x16xf32> to vector<16xf32>
        %get3A_390 = arith.index_cast %add3A_385 : i32 to index
        %get3A_391 = arith.constant 32 : index
        %get3A_392 = tpu.vector_load %arg16[%get3A_390, %get3A_391] {strides = array<i32>} : memref<80x128xf32, #tpu.memory_space<vmem>>, vector<1x16xf32>,
        %get3A_393 = vector.shape_cast %get3A_392 : vector<1x16xf32> to vector<16xf32>
        %add3A_394 = arith.addf %get3A_389, %get3A_393 : vector<16xf32>
        %max3A_395 = arith.constant 0.000000e+00 : f32
        %max3A_396 = vector.broadcast %max3A_395 : f32 to vector<16xf32>
        %max3A_397 = arith.maximumf %add3A_394, %max3A_396 : vector<16xf32>
        %swap3A_398 = arith.index_cast %add3A_385 : i32 to index
        %swap3A_399 = arith.constant 32 : index
        %swap3A_400 = tpu.vector_load %arg14[%swap3A_398, %swap3A_399] {strides = array<i32>} : memref<80x128xf32, #tpu.memory_space<vmem>>, vector<1x16xf32>,
        %swap3A_401 = vector.shape_cast %swap3A_400 : vector<1x16xf32> to vector<16xf32>
        %swap3A_402 = vector.shape_cast %max3A_397 : vector<16xf32> to vector<1x16xf32>
        tpu.vector_store %arg14[%swap3A_398, %swap3A_399], %swap3A_402 {strides = array<i32>} : memref<80x128xf32, #tpu.memory_space<vmem>>, vector<1x16xf32>,
        %mul3A_403 = arith.constant 2 : i32
        %mul3A_404 = arith.muli %scan3A_174, %mul3A_403 : i32
        %add3A_405 = arith.constant 1 : i32
        %add3A_406 = arith.addi %mul3A_404, %add3A_405 : i32
        %get3A_407 = arith.index_cast %add3A_406 : i32 to index
        %get3A_408 = arith.constant 48 : index
        %get3A_409 = tpu.vector_load %arg14[%get3A_407, %get3A_408] {strides = array<i32>} : memref<80x128xf32, #tpu.memory_space<vmem>>, vector<1x16xf32>,
        %get3A_410 = vector.shape_cast %get3A_409 : vector<1x16xf32> to vector<16xf32>
        %get3A_411 = arith.index_cast %add3A_406 : i32 to index
        %get3A_412 = arith.constant 48 : index
        %get3A_413 = tpu.vector_load %arg16[%get3A_411, %get3A_412] {strides = array<i32>} : memref<80x128xf32, #tpu.memory_space<vmem>>, vector<1x16xf32>,
        %get3A_414 = vector.shape_cast %get3A_413 : vector<1x16xf32> to vector<16xf32>
        %add3A_415 = arith.addf %get3A_410, %get3A_414 : vector<16xf32>
        %max3A_416 = arith.constant 0.000000e+00 : f32
        %max3A_417 = vector.broadcast %max3A_416 : f32 to vector<16xf32>
        %max3A_418 = arith.maximumf %add3A_415, %max3A_417 : vector<16xf32>
        %swap3A_419 = arith.index_cast %add3A_406 : i32 to index
        %swap3A_420 = arith.constant 48 : index
        %swap3A_421 = tpu.vector_load %arg14[%swap3A_419, %swap3A_420] {strides = array<i32>} : memref<80x128xf32, #tpu.memory_space<vmem>>, vector<1x16xf32>,
        %swap3A_422 = vector.shape_cast %swap3A_421 : vector<1x16xf32> to vector<16xf32>
        %swap3A_423 = vector.shape_cast %max3A_418 : vector<16xf32> to vector<1x16xf32>
        tpu.vector_store %arg14[%swap3A_419, %swap3A_420], %swap3A_423 {strides = array<i32>} : memref<80x128xf32, #tpu.memory_space<vmem>>, vector<1x16xf32>,
        %mul3A_424 = arith.constant 2 : i32
        %mul3A_425 = arith.muli %scan3A_174, %mul3A_424 : i32
        %add3A_426 = arith.constant 1 : i32
        %add3A_427 = arith.addi %mul3A_425, %add3A_426 : i32
        %get3A_428 = arith.index_cast %add3A_427 : i32 to index
        %get3A_429 = arith.constant 64 : index
        %get3A_430 = tpu.vector_load %arg14[%get3A_428, %get3A_429] {strides = array<i32>} : memref<80x128xf32, #tpu.memory_space<vmem>>, vector<1x16xf32>,
        %get3A_431 = vector.shape_cast %get3A_430 : vector<1x16xf32> to vector<16xf32>
        %get3A_432 = arith.index_cast %add3A_427 : i32 to index
        %get3A_433 = arith.constant 64 : index
        %get3A_434 = tpu.vector_load %arg16[%get3A_432, %get3A_433] {strides = array<i32>} : memref<80x128xf32, #tpu.memory_space<vmem>>, vector<1x16xf32>,
        %get3A_435 = vector.shape_cast %get3A_434 : vector<1x16xf32> to vector<16xf32>
        %add3A_436 = arith.addf %get3A_431, %get3A_435 : vector<16xf32>
        %max3A_437 = arith.constant 0.000000e+00 : f32
        %max3A_438 = vector.broadcast %max3A_437 : f32 to vector<16xf32>
        %max3A_439 = arith.maximumf %add3A_436, %max3A_438 : vector<16xf32>
        %swap3A_440 = arith.index_cast %add3A_427 : i32 to index
        %swap3A_441 = arith.constant 64 : index
        %swap3A_442 = tpu.vector_load %arg14[%swap3A_440, %swap3A_441] {strides = array<i32>} : memref<80x128xf32, #tpu.memory_space<vmem>>, vector<1x16xf32>,
        %swap3A_443 = vector.shape_cast %swap3A_442 : vector<1x16xf32> to vector<16xf32>
        %swap3A_444 = vector.shape_cast %max3A_439 : vector<16xf32> to vector<1x16xf32>
        tpu.vector_store %arg14[%swap3A_440, %swap3A_441], %swap3A_444 {strides = array<i32>} : memref<80x128xf32, #tpu.memory_space<vmem>>, vector<1x16xf32>,
        %mul3A_445 = arith.constant 2 : i32
        %mul3A_446 = arith.muli %scan3A_174, %mul3A_445 : i32
        %add3A_447 = arith.constant 1 : i32
        %add3A_448 = arith.addi %mul3A_446, %add3A_447 : i32
        %get3A_449 = arith.index_cast %add3A_448 : i32 to index
        %get3A_450 = arith.constant 80 : index
        %get3A_451 = tpu.vector_load %arg14[%get3A_449, %get3A_450] {strides = array<i32>} : memref<80x128xf32, #tpu.memory_space<vmem>>, vector<1x16xf32>,
        %get3A_452 = vector.shape_cast %get3A_451 : vector<1x16xf32> to vector<16xf32>
        %get3A_453 = arith.index_cast %add3A_448 : i32 to index
        %get3A_454 = arith.constant 80 : index
        %get3A_455 = tpu.vector_load %arg16[%get3A_453, %get3A_454] {strides = array<i32>} : memref<80x128xf32, #tpu.memory_space<vmem>>, vector<1x16xf32>,
        %get3A_456 = vector.shape_cast %get3A_455 : vector<1x16xf32> to vector<16xf32>
        %add3A_457 = arith.addf %get3A_452, %get3A_456 : vector<16xf32>
        %max3A_458 = arith.constant 0.000000e+00 : f32
        %max3A_459 = vector.broadcast %max3A_458 : f32 to vector<16xf32>
        %max3A_460 = arith.maximumf %add3A_457, %max3A_459 : vector<16xf32>
        %swap3A_461 = arith.index_cast %add3A_448 : i32 to index
        %swap3A_462 = arith.constant 80 : index
        %swap3A_463 = tpu.vector_load %arg14[%swap3A_461, %swap3A_462] {strides = array<i32>} : memref<80x128xf32, #tpu.memory_space<vmem>>, vector<1x16xf32>,
        %swap3A_464 = vector.shape_cast %swap3A_463 : vector<1x16xf32> to vector<16xf32>
        %swap3A_465 = vector.shape_cast %max3A_460 : vector<16xf32> to vector<1x16xf32>
        tpu.vector_store %arg14[%swap3A_461, %swap3A_462], %swap3A_465 {strides = array<i32>} : memref<80x128xf32, #tpu.memory_space<vmem>>, vector<1x16xf32>,
        %mul3A_466 = arith.constant 2 : i32
        %mul3A_467 = arith.muli %scan3A_174, %mul3A_466 : i32
        %add3A_468 = arith.constant 1 : i32
        %add3A_469 = arith.addi %mul3A_467, %add3A_468 : i32
        %get3A_470 = arith.index_cast %add3A_469 : i32 to index
        %get3A_471 = arith.constant 96 : index
        %get3A_472 = tpu.vector_load %arg14[%get3A_470, %get3A_471] {strides = array<i32>} : memref<80x128xf32, #tpu.memory_space<vmem>>, vector<1x16xf32>,
        %get3A_473 = vector.shape_cast %get3A_472 : vector<1x16xf32> to vector<16xf32>
        %get3A_474 = arith.index_cast %add3A_469 : i32 to index
        %get3A_475 = arith.constant 96 : index
        %get3A_476 = tpu.vector_load %arg16[%get3A_474, %get3A_475] {strides = array<i32>} : memref<80x128xf32, #tpu.memory_space<vmem>>, vector<1x16xf32>,
        %get3A_477 = vector.shape_cast %get3A_476 : vector<1x16xf32> to vector<16xf32>
        %add3A_478 = arith.addf %get3A_473, %get3A_477 : vector<16xf32>
        %max3A_479 = arith.constant 0.000000e+00 : f32
        %max3A_480 = vector.broadcast %max3A_479 : f32 to vector<16xf32>
        %max3A_481 = arith.maximumf %add3A_478, %max3A_480 : vector<16xf32>
        %swap3A_482 = arith.index_cast %add3A_469 : i32 to index
        %swap3A_483 = arith.constant 96 : index
        %swap3A_484 = tpu.vector_load %arg14[%swap3A_482, %swap3A_483] {strides = array<i32>} : memref<80x128xf32, #tpu.memory_space<vmem>>, vector<1x16xf32>,
        %swap3A_485 = vector.shape_cast %swap3A_484 : vector<1x16xf32> to vector<16xf32>
        %swap3A_486 = vector.shape_cast %max3A_481 : vector<16xf32> to vector<1x16xf32>
        tpu.vector_store %arg14[%swap3A_482, %swap3A_483], %swap3A_486 {strides = array<i32>} : memref<80x128xf32, #tpu.memory_space<vmem>>, vector<1x16xf32>,
        %mul3A_487 = arith.constant 2 : i32
        %mul3A_488 = arith.muli %scan3A_174, %mul3A_487 : i32
        %add3A_489 = arith.constant 1 : i32
        %add3A_490 = arith.addi %mul3A_488, %add3A_489 : i32
        %get3A_491 = arith.index_cast %add3A_490 : i32 to index
        %get3A_492 = arith.constant 112 : index
        %get3A_493 = tpu.vector_load %arg14[%get3A_491, %get3A_492] {strides = array<i32>} : memref<80x128xf32, #tpu.memory_space<vmem>>, vector<1x16xf32>,
        %get3A_494 = vector.shape_cast %get3A_493 : vector<1x16xf32> to vector<16xf32>
        %get3A_495 = arith.index_cast %add3A_490 : i32 to index
        %get3A_496 = arith.constant 112 : index
        %get3A_497 = tpu.vector_load %arg16[%get3A_495, %get3A_496] {strides = array<i32>} : memref<80x128xf32, #tpu.memory_space<vmem>>, vector<1x16xf32>,
        %get3A_498 = vector.shape_cast %get3A_497 : vector<1x16xf32> to vector<16xf32>
        %add3A_499 = arith.addf %get3A_494, %get3A_498 : vector<16xf32>
        %max3A_500 = arith.constant 0.000000e+00 : f32
        %max3A_501 = vector.broadcast %max3A_500 : f32 to vector<16xf32>
        %max3A_502 = arith.maximumf %add3A_499, %max3A_501 : vector<16xf32>
        %swap3A_503 = arith.index_cast %add3A_490 : i32 to index
        %swap3A_504 = arith.constant 112 : index
        %swap3A_505 = tpu.vector_load %arg14[%swap3A_503, %swap3A_504] {strides = array<i32>} : memref<80x128xf32, #tpu.memory_space<vmem>>, vector<1x16xf32>,
        %swap3A_506 = vector.shape_cast %swap3A_505 : vector<1x16xf32> to vector<16xf32>
        %swap3A_507 = vector.shape_cast %max3A_502 : vector<16xf32> to vector<1x16xf32>
        tpu.vector_store %arg14[%swap3A_503, %swap3A_504], %swap3A_507 {strides = array<i32>} : memref<80x128xf32, #tpu.memory_space<vmem>>, vector<1x16xf32>,
      }
      %scan3A_166 = arith.constant 40 : i32
      "tpu.region"() ({
        %run_scoped3A = tpu.sem_alloc : memref<!tpu.dma_semaphore, #tpu.memory_space<semaphore_mem>>
        %dma_start3A_174 = arith.constant 0 : i32
        %dma_start3A_175 = arith.constant 0 : i32
        %dma_start3A_176 = tpu.memref_slice %arg8[%dma_start3A_174, %dma_start3A_175] : memref<10000x128xf32, #tpu.memory_space<vmem_shared>> -> memref<10000x128xf32, #tpu.memory_space<vmem_shared>>
        tpu.enqueue_indirect_dma source(%arg14 : memref<80x128xf32, #tpu.memory_space<vmem>>) target(%dma_start3A_176 : memref<10000x128xf32, #tpu.memory_space<vmem_shared>>) offsets(%arg12 : memref<80xi32, #tpu.memory_space<vmem>>) semaphore(%run_scoped3A : memref<!tpu.dma_semaphore, #tpu.memory_space<semaphore_mem>>) {add = true}
        %dma_wait3A_177 = arith.constant 0 : i32
        %dma_wait3A_178 = arith.constant 0 : i32
        %dma_wait3A_179 = tpu.memref_slice %arg8[%dma_wait3A_177, %dma_wait3A_178] : memref<10000x128xf32, #tpu.memory_space<vmem_shared>> -> memref<10000x128xf32, #tpu.memory_space<vmem_shared>>
        tpu.wait_indirect_dma semaphore(%run_scoped3A : memref<!tpu.dma_semaphore, #tpu.memory_space<semaphore_mem>>) src(%arg14 : memref<80x128xf32, #tpu.memory_space<vmem>>) dst(%dma_wait3A_179 : memref<10000x128xf32, #tpu.memory_space<vmem_shared>>)
        tpu.yield
      }) : () -> ()
      %add3A_167 = arith.constant 2 : i32
      %add3A_168 = arith.addi %add3A_146, %add3A_167 : i32
      %lt3A_169 = arith.constant 250 : i32
      %lt3A_170 = arith.cmpi slt, %add3A_168, %lt3A_169 : i32
      %convert_element_type3A_171 = arith.extui %lt3A_170 : i1 to i32
      %cond3A_172 = arith.constant 0 : i32
      %cond3A_173 = arith.cmpi ne, %convert_element_type3A_171, %cond3A_172 : i32
      scf.if %cond3A_173 {
        %add3A_174 = arith.constant 2 : i32
        %add3A_175 = arith.addi %add3A_146, %add3A_174 : i32
        %mul3A_176 = arith.constant 80 : i32
        %mul3A_177 = arith.muli %add3A_175, %mul3A_176 : i32
        %add3A_178 = arith.addi %add3A, %mul3A_177 : i32
        %dma_start3A_179 = tpu.memref_slice %arg4[%add3A_178] : memref<640000xi32, #tpu.memory_space<hbm>> -> memref<80xi32, #tpu.memory_space<hbm>>
        %dma_start3A_180 = tpu.memref_slice %arg4[%add3A_178] : memref<640000xi32, #tpu.memory_space<hbm>> -> memref<80xi32, #tpu.memory_space<hbm>>
        tpu.enqueue_dma source(%dma_start3A_180 : memref<80xi32, #tpu.memory_space<hbm>>) target(%arg10 : memref<80xi32, #tpu.memory_space<vmem>>) target_semaphore(%arg18 : memref<!tpu.dma_semaphore, #tpu.memory_space<semaphore_mem>>)
        %mul3A_181 = arith.constant 80 : i32
        %mul3A_182 = arith.muli %add3A_175, %mul3A_181 : i32
        %add3A_183 = arith.addi %mul3A_4, %mul3A_182 : i32
        %dma_start3A_184 = tpu.memref_slice %arg5[%add3A_183] : memref<320000xi32, #tpu.memory_space<hbm>> -> memref<80xi32, #tpu.memory_space<hbm>>
        %dma_start3A_185 = tpu.memref_slice %arg5[%add3A_183] : memref<320000xi32, #tpu.memory_space<hbm>> -> memref<80xi32, #tpu.memory_space<hbm>>
        tpu.enqueue_dma source(%dma_start3A_185 : memref<80xi32, #tpu.memory_space<hbm>>) target(%arg12 : memref<80xi32, #tpu.memory_space<vmem>>) target_semaphore(%arg18 : memref<!tpu.dma_semaphore, #tpu.memory_space<semaphore_mem>>)
      } else {
      }
    }
    %scan3A_106 = arith.constant 124 : i32
    %barrier3A_107 = arith.constant 0 : index
    tpu.barrier barrier_id(%barrier3A_107)
    %lt3A_108 = arith.constant 10 : i32
    %lt3A_109 = arith.cmpi slt, %arg1, %lt3A_108 : i32
    %convert_element_type3A_110 = arith.extui %lt3A_109 : i1 to i32
    %cond3A_111 = arith.constant 0 : i32
    %cond3A_112 = arith.cmpi ne, %convert_element_type3A_110, %cond3A_111 : i32
    scf.if %cond3A_112 {
      %mul3A_113 = arith.constant 10000 : i32
      %mul3A_114 = arith.muli %arg0, %mul3A_113 : i32
      %add3A_115 = arith.addi %mul3A_114, %mul3A_0 : i32
      "tpu.region"() ({
        %run_scoped3A = tpu.sem_alloc : memref<!tpu.dma_semaphore, #tpu.memory_space<semaphore_mem>>
        %dma_start3A_116 = arith.constant 0 : i32
        %dma_start3A_117 = tpu.memref_slice %arg7[%add3A_115, %dma_start3A_116] : memref<20000x128xf32, #tpu.memory_space<hbm>> -> memref<1000x128xf32, #tpu.memory_space<hbm>>
        %dma_start3A_118 = arith.constant 0 : i32
        %dma_start3A_119 = tpu.memref_slice %arg8[%mul3A_0, %dma_start3A_118] : memref<10000x128xf32, #tpu.memory_space<vmem_shared>> -> memref<1000x128xf32, #tpu.memory_space<vmem_shared>>
        tpu.enqueue_dma source(%dma_start3A_119 : memref<1000x128xf32, #tpu.memory_space<vmem_shared>>) target(%dma_start3A_117 : memref<1000x128xf32, #tpu.memory_space<hbm>>) target_semaphore(%run_scoped3A : memref<!tpu.dma_semaphore, #tpu.memory_space<semaphore_mem>>)
        %dma_wait3A_120 = arith.constant 0 : i32
        %dma_wait3A_121 = tpu.memref_slice %arg7[%add3A_115, %dma_wait3A_120] : memref<20000x128xf32, #tpu.memory_space<hbm>> -> memref<1000x128xf32, #tpu.memory_space<hbm>>
        %dma_wait3A_122 = arith.constant 0 : i32
        %dma_wait3A_123 = tpu.memref_slice %arg8[%mul3A_0, %dma_wait3A_122] : memref<10000x128xf32, #tpu.memory_space<vmem_shared>> -> memref<1000x128xf32, #tpu.memory_space<vmem_shared>>
        tpu.wait_dma2 semaphore(%run_scoped3A : memref<!tpu.dma_semaphore, #tpu.memory_space<semaphore_mem>>) src(%dma_wait3A_123 : memref<1000x128xf32, #tpu.memory_space<vmem_shared>>) dst(%dma_wait3A_121 : memref<1000x128xf32, #tpu.memory_space<hbm>>)
        tpu.yield
      }) : () -> ()
    } else {
    }
    return
  }
}

module attributes {stable_mosaic.version = 14 : i64} {
  func.func @_edge_proj_body(%arg0: i32, %arg1: i32, %arg2: memref<4000x16xf32, #tpu.memory_space<vmem>>, %arg3: memref<16x128xf32, #tpu.memory_space<vmem>>, %arg4: memref<1x128xf32, #tpu.memory_space<vmem>>, %arg5: memref<1x4000x128xf32, #tpu.memory_space<vmem>>) attributes {dimension_semantics = [#tpu.dimension_semantics<arbitrary>, #tpu.dimension_semantics<arbitrary>], iteration_bounds = array<i64: 1, 80>, scalar_prefetch = 0 : i64, scratch_operands = 0 : i64, tpu.core_type = #tpu.core_type<tc>, window_params = [{transform_indices = @transform_0, window_bounds = array<i64: 4000, 16>}, {transform_indices = @transform_1, window_bounds = array<i64: 16, 128>}, {transform_indices = @transform_2, window_bounds = array<i64: 1, 128>}, {transform_indices = @transform_3, window_bounds = array<i64: 1, 4000, 128>}]} {
    %get3A = arith.constant 0 : index
    %get3A_0 = arith.constant 0 : index
    %get3A_1 = vector.load %arg2[%get3A, %get3A_0] : memref<4000x16xf32, #tpu.memory_space<vmem>>, vector<4000x16xf32>
    %get3A_2 = arith.constant 0 : index
    %get3A_3 = arith.constant 0 : index
    %get3A_4 = vector.load %arg3[%get3A_2, %get3A_3] : memref<16x128xf32, #tpu.memory_space<vmem>>, vector<16x128xf32>
    %dot_general3A = arith.constant dense<0.000000e+00> : vector<4000x128xf32>
    %dot_general3A_5 = tpu.matmul %get3A_1, %get3A_4, %dot_general3A {dimension_numbers = #tpu.dot_dimension_numbers<[1], [0], [0], [1], [0, 0, 1, 1], [], []>, transpose_lhs_hint = false} : vector<4000x16xf32>, vector<16x128xf32>, vector<4000x128xf32> -> vector<4000x128xf32>
    %get3A_6 = arith.constant 0 : index
    %get3A_7 = arith.constant 0 : index
    %get3A_8 = vector.load %arg4[%get3A_6, %get3A_7] : memref<1x128xf32, #tpu.memory_space<vmem>>, vector<1x128xf32>
    %add3A = vector.broadcast %get3A_8 : vector<1x128xf32> to vector<4000x128xf32>
    %add3A_9 = arith.addf %dot_general3A_5, %add3A : vector<4000x128xf32>
    %broadcast_in_dim3A = vector.shape_cast %add3A_9 : vector<4000x128xf32> to vector<1x4000x128xf32>
    %swap3A = arith.constant 0 : index
    %swap3A_10 = arith.constant 0 : index
    %swap3A_11 = arith.constant 0 : index
    %swap3A_12 = vector.load %arg5[%swap3A, %swap3A_10, %swap3A_11] : memref<1x4000x128xf32, #tpu.memory_space<vmem>>, vector<1x4000x128xf32>
    tpu.vector_store %arg5[%swap3A, %swap3A_10, %swap3A_11], %broadcast_in_dim3A {strides = array<i32>} : memref<1x4000x128xf32, #tpu.memory_space<vmem>>, vector<1x4000x128xf32>,
    return
  }
  func.func @transform_0(%arg0: i32, %arg1: i32) -> (i32, i32) {
    %c0_i32 = arith.constant 0 : i32
    %c0_i32_0 = arith.constant 0 : i32
    return %arg1, %c0_i32 : i32, i32
  }
  func.func @transform_1(%arg0: i32, %arg1: i32) -> (i32, i32) {
    %c0_i32 = arith.constant 0 : i32
    %c0_i32_0 = arith.constant 0 : i32
    return %c0_i32, %arg0 : i32, i32
  }
  func.func @transform_2(%arg0: i32, %arg1: i32) -> (i32, i32) {
    %c0_i32 = arith.constant 0 : i32
    %c0_i32_0 = arith.constant 0 : i32
    return %c0_i32, %arg0 : i32, i32
  }
  func.func @transform_3(%arg0: i32, %arg1: i32) -> (i32, i32, i32) {
    %c0_i32 = arith.constant 0 : i32
    %c0_i32_0 = arith.constant 0 : i32
    return %arg0, %arg1, %c0_i32 : i32, i32, i32
  }
}

module attributes {stable_mosaic.version = 14 : i64} {
  func.func @_edge_proj_body(%arg0: i32, %arg1: i32, %arg2: memref<4000x16xf32, #tpu.memory_space<vmem>>, %arg3: memref<16x128xf32, #tpu.memory_space<vmem>>, %arg4: memref<1x128xf32, #tpu.memory_space<vmem>>, %arg5: memref<1x4000x128xf32, #tpu.memory_space<vmem>>) attributes {dimension_semantics = [#tpu.dimension_semantics<arbitrary>, #tpu.dimension_semantics<arbitrary>], iteration_bounds = array<i64: 2, 80>, scalar_prefetch = 0 : i64, scratch_operands = 0 : i64, tpu.core_type = #tpu.core_type<tc>, window_params = [{transform_indices = @transform_0, window_bounds = array<i64: 4000, 16>}, {transform_indices = @transform_1, window_bounds = array<i64: 16, 128>}, {transform_indices = @transform_2, window_bounds = array<i64: 1, 128>}, {transform_indices = @transform_3, window_bounds = array<i64: 1, 4000, 128>}]} {
    %get3A = arith.constant 0 : index
    %get3A_0 = arith.constant 0 : index
    %get3A_1 = vector.load %arg2[%get3A, %get3A_0] : memref<4000x16xf32, #tpu.memory_space<vmem>>, vector<4000x16xf32>
    %get3A_2 = arith.constant 0 : index
    %get3A_3 = arith.constant 0 : index
    %get3A_4 = vector.load %arg3[%get3A_2, %get3A_3] : memref<16x128xf32, #tpu.memory_space<vmem>>, vector<16x128xf32>
    %dot_general3A = arith.constant dense<0.000000e+00> : vector<4000x128xf32>
    %dot_general3A_5 = tpu.matmul %get3A_1, %get3A_4, %dot_general3A {dimension_numbers = #tpu.dot_dimension_numbers<[1], [0], [0], [1], [0, 0, 1, 1], [], []>, transpose_lhs_hint = false} : vector<4000x16xf32>, vector<16x128xf32>, vector<4000x128xf32> -> vector<4000x128xf32>
    %get3A_6 = arith.constant 0 : index
    %get3A_7 = arith.constant 0 : index
    %get3A_8 = vector.load %arg4[%get3A_6, %get3A_7] : memref<1x128xf32, #tpu.memory_space<vmem>>, vector<1x128xf32>
    %add3A = vector.broadcast %get3A_8 : vector<1x128xf32> to vector<4000x128xf32>
    %add3A_9 = arith.addf %dot_general3A_5, %add3A : vector<4000x128xf32>
    %broadcast_in_dim3A = vector.shape_cast %add3A_9 : vector<4000x128xf32> to vector<1x4000x128xf32>
    %swap3A = arith.constant 0 : index
    %swap3A_10 = arith.constant 0 : index
    %swap3A_11 = arith.constant 0 : index
    %swap3A_12 = vector.load %arg5[%swap3A, %swap3A_10, %swap3A_11] : memref<1x4000x128xf32, #tpu.memory_space<vmem>>, vector<1x4000x128xf32>
    tpu.vector_store %arg5[%swap3A, %swap3A_10, %swap3A_11], %broadcast_in_dim3A {strides = array<i32>} : memref<1x4000x128xf32, #tpu.memory_space<vmem>>, vector<1x4000x128xf32>,
    return
  }
  func.func @transform_0(%arg0: i32, %arg1: i32) -> (i32, i32) {
    %c0_i32 = arith.constant 0 : i32
    %c0_i32_0 = arith.constant 0 : i32
    return %arg1, %c0_i32 : i32, i32
  }
  func.func @transform_1(%arg0: i32, %arg1: i32) -> (i32, i32) {
    %c0_i32 = arith.constant 0 : i32
    %c0_i32_0 = arith.constant 0 : i32
    return %c0_i32, %arg0 : i32, i32
  }
  func.func @transform_2(%arg0: i32, %arg1: i32) -> (i32, i32) {
    %c0_i32 = arith.constant 0 : i32
    %c0_i32_0 = arith.constant 0 : i32
    return %c0_i32, %arg0 : i32, i32
  }
  func.func @transform_3(%arg0: i32, %arg1: i32) -> (i32, i32, i32) {
    %c0_i32 = arith.constant 0 : i32
    %c0_i32_0 = arith.constant 0 : i32
    return %arg0, %arg1, %c0_i32 : i32, i32, i32
  }
}

module attributes {stable_mosaic.version = 14 : i64} {
  func.func @_node1_body(%arg0: memref<10000x128xf32, #tpu.memory_space<vmem>>, %arg1: memref<2x10000x128xf32, #tpu.memory_space<vmem>>, %arg2: memref<1x1xf32, #tpu.memory_space<vmem>>, %arg3: memref<128x256xf32, #tpu.memory_space<vmem>>, %arg4: memref<1x256xf32, #tpu.memory_space<vmem>>, %arg5: memref<1x256xf32, #tpu.memory_space<vmem>>, %arg6: memref<1x256xf32, #tpu.memory_space<vmem>>, %arg7: memref<256x256xf32, #tpu.memory_space<vmem>>, %arg8: memref<1x256xf32, #tpu.memory_space<vmem>>, %arg9: memref<1x256xf32, #tpu.memory_space<vmem>>, %arg10: memref<1x256xf32, #tpu.memory_space<vmem>>, %arg11: memref<2x10000x128xf32, #tpu.memory_space<vmem>>) attributes {dimension_semantics = [], scalar_prefetch = 0 : i64, scratch_operands = 0 : i64, tpu.core_type = #tpu.core_type<tc>} {
    %get3A = arith.constant 0 : index
    %get3A_0 = arith.constant 0 : index
    %get3A_1 = vector.load %arg0[%get3A, %get3A_0] : memref<10000x128xf32, #tpu.memory_space<vmem>>, vector<10000x128xf32>
    %get3A_2 = arith.constant 0 : index
    %get3A_3 = arith.constant 0 : index
    %get3A_4 = vector.load %arg2[%get3A_2, %get3A_3] : memref<1x1xf32, #tpu.memory_space<vmem>>, vector<1x1xf32>
    %add3A = arith.constant 1.000000e+00 : f32
    %add3A_5 = vector.broadcast %add3A : f32 to vector<1x1xf32>
    %add3A_6 = arith.addf %add3A_5, %get3A_4 : vector<1x1xf32>
    %mul3A = vector.broadcast %add3A_6 : vector<1x1xf32> to vector<10000x128xf32>
    %mul3A_7 = arith.mulf %get3A_1, %mul3A : vector<10000x128xf32>
    %get3A_8 = arith.constant 0 : index
    %get3A_9 = arith.constant 0 : index
    %get3A_10 = arith.constant 0 : index
    %get3A_11 = vector.load %arg1[%get3A_8, %get3A_9, %get3A_10] : memref<2x10000x128xf32, #tpu.memory_space<vmem>>, vector<1x10000x128xf32>
    %get3A_12 = vector.shape_cast %get3A_11 : vector<1x10000x128xf32> to vector<10000x128xf32>
    %add3A_13 = arith.addf %mul3A_7, %get3A_12 : vector<10000x128xf32>
    %get3A_14 = arith.constant 1 : index
    %get3A_15 = arith.constant 0 : index
    %get3A_16 = arith.constant 0 : index
    %get3A_17 = vector.load %arg1[%get3A_14, %get3A_15, %get3A_16] : memref<2x10000x128xf32, #tpu.memory_space<vmem>>, vector<1x10000x128xf32>
    %get3A_18 = vector.shape_cast %get3A_17 : vector<1x10000x128xf32> to vector<10000x128xf32>
    %add3A_19 = arith.addf %add3A_13, %get3A_18 : vector<10000x128xf32>
    %get3A_20 = arith.constant 0 : index
    %get3A_21 = arith.constant 0 : index
    %get3A_22 = vector.load %arg3[%get3A_20, %get3A_21] : memref<128x256xf32, #tpu.memory_space<vmem>>, vector<128x256xf32>
    %dot_general3A = arith.constant dense<0.000000e+00> : vector<10000x256xf32>
    %dot_general3A_23 = tpu.matmul %add3A_19, %get3A_22, %dot_general3A {dimension_numbers = #tpu.dot_dimension_numbers<[1], [0], [0], [1], [0, 0, 1, 1], [], []>, transpose_lhs_hint = false} : vector<10000x128xf32>, vector<128x256xf32>, vector<10000x256xf32> -> vector<10000x256xf32>
    %get3A_24 = arith.constant 0 : index
    %get3A_25 = arith.constant 0 : index
    %get3A_26 = vector.load %arg4[%get3A_24, %get3A_25] : memref<1x256xf32, #tpu.memory_space<vmem>>, vector<1x256xf32>
    %add3A_27 = vector.broadcast %get3A_26 : vector<1x256xf32> to vector<10000x256xf32>
    %add3A_28 = arith.addf %dot_general3A_23, %add3A_27 : vector<10000x256xf32>
    %get3A_29 = arith.constant 0 : index
    %get3A_30 = arith.constant 0 : index
    %get3A_31 = vector.load %arg5[%get3A_29, %get3A_30] : memref<1x256xf32, #tpu.memory_space<vmem>>, vector<1x256xf32>
    %get3A_32 = arith.constant 0 : index
    %get3A_33 = arith.constant 0 : index
    %get3A_34 = vector.load %arg6[%get3A_32, %get3A_33] : memref<1x256xf32, #tpu.memory_space<vmem>>, vector<1x256xf32>
    %reduce_sum3A = arith.constant dense<0.000000e+00> : vector<256xf32>
    %reduce_sum3A_35 = vector.multi_reduction <add>, %add3A_28, %reduce_sum3A [0] : vector<10000x256xf32> to vector<256xf32>
    %broadcast_in_dim3A = vector.shape_cast %reduce_sum3A_35 : vector<256xf32> to vector<1x256xf32>
    %div3A = arith.constant 1.000000e+04 : f32
    %div3A_36 = vector.broadcast %div3A : f32 to vector<1x256xf32>
    %div3A_37 = arith.divf %broadcast_in_dim3A, %div3A_36 : vector<1x256xf32>
    %sub3A = vector.broadcast %div3A_37 : vector<1x256xf32> to vector<10000x256xf32>
    %sub3A_38 = arith.subf %add3A_28, %sub3A : vector<10000x256xf32>
    %integer_pow3A = arith.mulf %sub3A_38, %sub3A_38 : vector<10000x256xf32>
    %reduce_sum3A_39 = arith.constant dense<0.000000e+00> : vector<256xf32>
    %reduce_sum3A_40 = vector.multi_reduction <add>, %integer_pow3A, %reduce_sum3A_39 [0] : vector<10000x256xf32> to vector<256xf32>
    %broadcast_in_dim3A_41 = vector.shape_cast %reduce_sum3A_40 : vector<256xf32> to vector<1x256xf32>
    %div3A_42 = arith.constant 1.000000e+04 : f32
    %div3A_43 = vector.broadcast %div3A_42 : f32 to vector<1x256xf32>
    %div3A_44 = arith.divf %broadcast_in_dim3A_41, %div3A_43 : vector<1x256xf32>
    %sub3A_45 = vector.broadcast %div3A_37 : vector<1x256xf32> to vector<10000x256xf32>
    %sub3A_46 = arith.subf %add3A_28, %sub3A_45 : vector<10000x256xf32>
    %mul3A_47 = vector.broadcast %get3A_31 : vector<1x256xf32> to vector<10000x256xf32>
    %mul3A_48 = arith.mulf %mul3A_47, %sub3A_46 : vector<10000x256xf32>
    %add3A_49 = arith.constant 9.99999974E-6 : f32
    %add3A_50 = vector.broadcast %add3A_49 : f32 to vector<1x256xf32>
    %add3A_51 = arith.addf %div3A_44, %add3A_50 : vector<1x256xf32>
    %sqrt3A = math.sqrt %add3A_51 : vector<1x256xf32>
    %div3A_52 = vector.broadcast %sqrt3A : vector<1x256xf32> to vector<10000x256xf32>
    %div3A_53 = arith.divf %mul3A_48, %div3A_52 : vector<10000x256xf32>
    %add3A_54 = vector.broadcast %get3A_34 : vector<1x256xf32> to vector<10000x256xf32>
    %add3A_55 = arith.addf %div3A_53, %add3A_54 : vector<10000x256xf32>
    %max3A = arith.constant 0.000000e+00 : f32
    %max3A_56 = vector.broadcast %max3A : f32 to vector<10000x256xf32>
    %max3A_57 = arith.maximumf %add3A_55, %max3A_56 : vector<10000x256xf32>
    %get3A_58 = arith.constant 0 : index
    %get3A_59 = arith.constant 0 : index
    %get3A_60 = vector.load %arg7[%get3A_58, %get3A_59] : memref<256x256xf32, #tpu.memory_space<vmem>>, vector<256x256xf32>
    %dot_general3A_61 = arith.constant dense<0.000000e+00> : vector<10000x256xf32>
    %dot_general3A_62 = tpu.matmul %max3A_57, %get3A_60, %dot_general3A_61 {dimension_numbers = #tpu.dot_dimension_numbers<[1], [0], [0], [1], [0, 0, 1, 1], [], []>, transpose_lhs_hint = false} : vector<10000x256xf32>, vector<256x256xf32>, vector<10000x256xf32> -> vector<10000x256xf32>
    %get3A_63 = arith.constant 0 : index
    %get3A_64 = arith.constant 0 : index
    %get3A_65 = vector.load %arg8[%get3A_63, %get3A_64] : memref<1x256xf32, #tpu.memory_space<vmem>>, vector<1x256xf32>
    %add3A_66 = vector.broadcast %get3A_65 : vector<1x256xf32> to vector<10000x256xf32>
    %add3A_67 = arith.addf %dot_general3A_62, %add3A_66 : vector<10000x256xf32>
    %get3A_68 = arith.constant 0 : index
    %get3A_69 = arith.constant 0 : index
    %get3A_70 = vector.load %arg9[%get3A_68, %get3A_69] : memref<1x256xf32, #tpu.memory_space<vmem>>, vector<1x256xf32>
    %get3A_71 = arith.constant 0 : index
    %get3A_72 = arith.constant 0 : index
    %get3A_73 = vector.load %arg10[%get3A_71, %get3A_72] : memref<1x256xf32, #tpu.memory_space<vmem>>, vector<1x256xf32>
    %reduce_sum3A_74 = arith.constant dense<0.000000e+00> : vector<256xf32>
    %reduce_sum3A_75 = vector.multi_reduction <add>, %add3A_67, %reduce_sum3A_74 [0] : vector<10000x256xf32> to vector<256xf32>
    %broadcast_in_dim3A_76 = vector.shape_cast %reduce_sum3A_75 : vector<256xf32> to vector<1x256xf32>
    %div3A_77 = arith.constant 1.000000e+04 : f32
    %div3A_78 = vector.broadcast %div3A_77 : f32 to vector<1x256xf32>
    %div3A_79 = arith.divf %broadcast_in_dim3A_76, %div3A_78 : vector<1x256xf32>
    %sub3A_80 = vector.broadcast %div3A_79 : vector<1x256xf32> to vector<10000x256xf32>
    %sub3A_81 = arith.subf %add3A_67, %sub3A_80 : vector<10000x256xf32>
    %integer_pow3A_82 = arith.mulf %sub3A_81, %sub3A_81 : vector<10000x256xf32>
    %reduce_sum3A_83 = arith.constant dense<0.000000e+00> : vector<256xf32>
    %reduce_sum3A_84 = vector.multi_reduction <add>, %integer_pow3A_82, %reduce_sum3A_83 [0] : vector<10000x256xf32> to vector<256xf32>
    %broadcast_in_dim3A_85 = vector.shape_cast %reduce_sum3A_84 : vector<256xf32> to vector<1x256xf32>
    %div3A_86 = arith.constant 1.000000e+04 : f32
    %div3A_87 = vector.broadcast %div3A_86 : f32 to vector<1x256xf32>
    %div3A_88 = arith.divf %broadcast_in_dim3A_85, %div3A_87 : vector<1x256xf32>
    %sub3A_89 = vector.broadcast %div3A_79 : vector<1x256xf32> to vector<10000x256xf32>
    %sub3A_90 = arith.subf %add3A_67, %sub3A_89 : vector<10000x256xf32>
    %mul3A_91 = vector.broadcast %get3A_70 : vector<1x256xf32> to vector<10000x256xf32>
    %mul3A_92 = arith.mulf %mul3A_91, %sub3A_90 : vector<10000x256xf32>
    %add3A_93 = arith.constant 9.99999974E-6 : f32
    %add3A_94 = vector.broadcast %add3A_93 : f32 to vector<1x256xf32>
    %add3A_95 = arith.addf %div3A_88, %add3A_94 : vector<1x256xf32>
    %sqrt3A_96 = math.sqrt %add3A_95 : vector<1x256xf32>
    %div3A_97 = vector.broadcast %sqrt3A_96 : vector<1x256xf32> to vector<10000x256xf32>
    %div3A_98 = arith.divf %mul3A_92, %div3A_97 : vector<10000x256xf32>
    %add3A_99 = vector.broadcast %get3A_73 : vector<1x256xf32> to vector<10000x256xf32>
    %add3A_100 = arith.addf %div3A_98, %add3A_99 : vector<10000x256xf32>
    %max3A_101 = arith.constant 0.000000e+00 : f32
    %max3A_102 = vector.broadcast %max3A_101 : f32 to vector<10000x256xf32>
    %max3A_103 = arith.maximumf %add3A_100, %max3A_102 : vector<10000x256xf32>
    %slice3A = vector.extract_strided_slice %max3A_103 {offsets = [0, 0], sizes = [10000, 128], strides = [1, 1]} : vector<10000x256xf32> to vector<10000x128xf32>
    %swap3A = arith.constant 0 : index
    %swap3A_104 = arith.constant 0 : index
    %swap3A_105 = arith.constant 0 : index
    %swap3A_106 = vector.load %arg11[%swap3A, %swap3A_104, %swap3A_105] : memref<2x10000x128xf32, #tpu.memory_space<vmem>>, vector<1x10000x128xf32>
    %swap3A_107 = vector.shape_cast %swap3A_106 : vector<1x10000x128xf32> to vector<10000x128xf32>
    %swap3A_108 = vector.shape_cast %slice3A : vector<10000x128xf32> to vector<1x10000x128xf32>
    tpu.vector_store %arg11[%swap3A, %swap3A_104, %swap3A_105], %swap3A_108 {strides = array<i32>} : memref<2x10000x128xf32, #tpu.memory_space<vmem>>, vector<1x10000x128xf32>,
    %slice3A_109 = vector.extract_strided_slice %max3A_103 {offsets = [0, 128], sizes = [10000, 128], strides = [1, 1]} : vector<10000x256xf32> to vector<10000x128xf32>
    %swap3A_110 = arith.constant 1 : index
    %swap3A_111 = arith.constant 0 : index
    %swap3A_112 = arith.constant 0 : index
    %swap3A_113 = vector.load %arg11[%swap3A_110, %swap3A_111, %swap3A_112] : memref<2x10000x128xf32, #tpu.memory_space<vmem>>, vector<1x10000x128xf32>
    %swap3A_114 = vector.shape_cast %swap3A_113 : vector<1x10000x128xf32> to vector<10000x128xf32>
    %swap3A_115 = vector.shape_cast %slice3A_109 : vector<10000x128xf32> to vector<1x10000x128xf32>
    tpu.vector_store %arg11[%swap3A_110, %swap3A_111, %swap3A_112], %swap3A_115 {strides = array<i32>} : memref<2x10000x128xf32, #tpu.memory_space<vmem>>, vector<1x10000x128xf32>,
    return
  }
}

module attributes {stable_mosaic.version = 14 : i64} {
  func.func @_node2_body(%arg0: memref<2x10000x128xf32, #tpu.memory_space<vmem>>, %arg1: memref<2x10000x128xf32, #tpu.memory_space<vmem>>, %arg2: memref<1x1xf32, #tpu.memory_space<vmem>>, %arg3: memref<256x128xf32, #tpu.memory_space<vmem>>, %arg4: memref<1x128xf32, #tpu.memory_space<vmem>>, %arg5: memref<1x128xf32, #tpu.memory_space<vmem>>, %arg6: memref<1x128xf32, #tpu.memory_space<vmem>>, %arg7: memref<128x128xf32, #tpu.memory_space<vmem>>, %arg8: memref<1x128xf32, #tpu.memory_space<vmem>>, %arg9: memref<1x128xf32, #tpu.memory_space<vmem>>, %arg10: memref<1x128xf32, #tpu.memory_space<vmem>>, %arg11: memref<128x128xf32, #tpu.memory_space<vmem>>, %arg12: memref<1x1xf32, #tpu.memory_space<vmem>>, %arg13: memref<10000x1xf32, #tpu.memory_space<vmem>>) attributes {dimension_semantics = [], scalar_prefetch = 0 : i64, scratch_operands = 0 : i64, tpu.core_type = #tpu.core_type<tc>} {
    %get3A = arith.constant 0 : index
    %get3A_0 = arith.constant 0 : index
    %get3A_1 = arith.constant 0 : index
    %get3A_2 = vector.load %arg0[%get3A, %get3A_0, %get3A_1] : memref<2x10000x128xf32, #tpu.memory_space<vmem>>, vector<1x10000x128xf32>
    %get3A_3 = vector.shape_cast %get3A_2 : vector<1x10000x128xf32> to vector<10000x128xf32>
    %get3A_4 = arith.constant 1 : index
    %get3A_5 = arith.constant 0 : index
    %get3A_6 = arith.constant 0 : index
    %get3A_7 = vector.load %arg0[%get3A_4, %get3A_5, %get3A_6] : memref<2x10000x128xf32, #tpu.memory_space<vmem>>, vector<1x10000x128xf32>
    %get3A_8 = vector.shape_cast %get3A_7 : vector<1x10000x128xf32> to vector<10000x128xf32>
    %concatenate3A = tpu.concatenate %get3A_3, %get3A_8 in 1 : vector<10000x128xf32>, vector<10000x128xf32> -> vector<10000x256xf32>
    %get3A_9 = arith.constant 0 : index
    %get3A_10 = arith.constant 0 : index
    %get3A_11 = arith.constant 0 : index
    %get3A_12 = vector.load %arg1[%get3A_9, %get3A_10, %get3A_11] : memref<2x10000x128xf32, #tpu.memory_space<vmem>>, vector<1x10000x128xf32>
    %get3A_13 = vector.shape_cast %get3A_12 : vector<1x10000x128xf32> to vector<10000x128xf32>
    %get3A_14 = arith.constant 1 : index
    %get3A_15 = arith.constant 0 : index
    %get3A_16 = arith.constant 0 : index
    %get3A_17 = vector.load %arg1[%get3A_14, %get3A_15, %get3A_16] : memref<2x10000x128xf32, #tpu.memory_space<vmem>>, vector<1x10000x128xf32>
    %get3A_18 = vector.shape_cast %get3A_17 : vector<1x10000x128xf32> to vector<10000x128xf32>
    %concatenate3A_19 = tpu.concatenate %get3A_13, %get3A_18 in 1 : vector<10000x128xf32>, vector<10000x128xf32> -> vector<10000x256xf32>
    %get3A_20 = arith.constant 0 : index
    %get3A_21 = arith.constant 0 : index
    %get3A_22 = vector.load %arg2[%get3A_20, %get3A_21] : memref<1x1xf32, #tpu.memory_space<vmem>>, vector<1x1xf32>
    %add3A = arith.constant 1.000000e+00 : f32
    %add3A_23 = vector.broadcast %add3A : f32 to vector<1x1xf32>
    %add3A_24 = arith.addf %add3A_23, %get3A_22 : vector<1x1xf32>
    %mul3A = vector.broadcast %add3A_24 : vector<1x1xf32> to vector<10000x256xf32>
    %mul3A_25 = arith.mulf %concatenate3A, %mul3A : vector<10000x256xf32>
    %add3A_26 = arith.addf %mul3A_25, %concatenate3A_19 : vector<10000x256xf32>
    %get3A_27 = arith.constant 0 : index
    %get3A_28 = arith.constant 0 : index
    %get3A_29 = vector.load %arg3[%get3A_27, %get3A_28] : memref<256x128xf32, #tpu.memory_space<vmem>>, vector<256x128xf32>
    %dot_general3A = arith.constant dense<0.000000e+00> : vector<10000x128xf32>
    %dot_general3A_30 = tpu.matmul %add3A_26, %get3A_29, %dot_general3A {dimension_numbers = #tpu.dot_dimension_numbers<[1], [0], [0], [1], [0, 0, 1, 1], [], []>, transpose_lhs_hint = false} : vector<10000x256xf32>, vector<256x128xf32>, vector<10000x128xf32> -> vector<10000x128xf32>
    %get3A_31 = arith.constant 0 : index
    %get3A_32 = arith.constant 0 : index
    %get3A_33 = vector.load %arg4[%get3A_31, %get3A_32] : memref<1x128xf32, #tpu.memory_space<vmem>>, vector<1x128xf32>
    %add3A_34 = vector.broadcast %get3A_33 : vector<1x128xf32> to vector<10000x128xf32>
    %add3A_35 = arith.addf %dot_general3A_30, %add3A_34 : vector<10000x128xf32>
    %get3A_36 = arith.constant 0 : index
    %get3A_37 = arith.constant 0 : index
    %get3A_38 = vector.load %arg5[%get3A_36, %get3A_37] : memref<1x128xf32, #tpu.memory_space<vmem>>, vector<1x128xf32>
    %get3A_39 = arith.constant 0 : index
    %get3A_40 = arith.constant 0 : index
    %get3A_41 = vector.load %arg6[%get3A_39, %get3A_40] : memref<1x128xf32, #tpu.memory_space<vmem>>, vector<1x128xf32>
    %reduce_sum3A = arith.constant dense<0.000000e+00> : vector<128xf32>
    %reduce_sum3A_42 = vector.multi_reduction <add>, %add3A_35, %reduce_sum3A [0] : vector<10000x128xf32> to vector<128xf32>
    %broadcast_in_dim3A = vector.shape_cast %reduce_sum3A_42 : vector<128xf32> to vector<1x128xf32>
    %div3A = arith.constant 1.000000e+04 : f32
    %div3A_43 = vector.broadcast %div3A : f32 to vector<1x128xf32>
    %div3A_44 = arith.divf %broadcast_in_dim3A, %div3A_43 : vector<1x128xf32>
    %sub3A = vector.broadcast %div3A_44 : vector<1x128xf32> to vector<10000x128xf32>
    %sub3A_45 = arith.subf %add3A_35, %sub3A : vector<10000x128xf32>
    %integer_pow3A = arith.mulf %sub3A_45, %sub3A_45 : vector<10000x128xf32>
    %reduce_sum3A_46 = arith.constant dense<0.000000e+00> : vector<128xf32>
    %reduce_sum3A_47 = vector.multi_reduction <add>, %integer_pow3A, %reduce_sum3A_46 [0] : vector<10000x128xf32> to vector<128xf32>
    %broadcast_in_dim3A_48 = vector.shape_cast %reduce_sum3A_47 : vector<128xf32> to vector<1x128xf32>
    %div3A_49 = arith.constant 1.000000e+04 : f32
    %div3A_50 = vector.broadcast %div3A_49 : f32 to vector<1x128xf32>
    %div3A_51 = arith.divf %broadcast_in_dim3A_48, %div3A_50 : vector<1x128xf32>
    %sub3A_52 = vector.broadcast %div3A_44 : vector<1x128xf32> to vector<10000x128xf32>
    %sub3A_53 = arith.subf %add3A_35, %sub3A_52 : vector<10000x128xf32>
    %mul3A_54 = vector.broadcast %get3A_38 : vector<1x128xf32> to vector<10000x128xf32>
    %mul3A_55 = arith.mulf %mul3A_54, %sub3A_53 : vector<10000x128xf32>
    %add3A_56 = arith.constant 9.99999974E-6 : f32
    %add3A_57 = vector.broadcast %add3A_56 : f32 to vector<1x128xf32>
    %add3A_58 = arith.addf %div3A_51, %add3A_57 : vector<1x128xf32>
    %sqrt3A = math.sqrt %add3A_58 : vector<1x128xf32>
    %div3A_59 = vector.broadcast %sqrt3A : vector<1x128xf32> to vector<10000x128xf32>
    %div3A_60 = arith.divf %mul3A_55, %div3A_59 : vector<10000x128xf32>
    %add3A_61 = vector.broadcast %get3A_41 : vector<1x128xf32> to vector<10000x128xf32>
    %add3A_62 = arith.addf %div3A_60, %add3A_61 : vector<10000x128xf32>
    %max3A = arith.constant 0.000000e+00 : f32
    %max3A_63 = vector.broadcast %max3A : f32 to vector<10000x128xf32>
    %max3A_64 = arith.maximumf %add3A_62, %max3A_63 : vector<10000x128xf32>
    %get3A_65 = arith.constant 0 : index
    %get3A_66 = arith.constant 0 : index
    %get3A_67 = vector.load %arg7[%get3A_65, %get3A_66] : memref<128x128xf32, #tpu.memory_space<vmem>>, vector<128x128xf32>
    %dot_general3A_68 = arith.constant dense<0.000000e+00> : vector<10000x128xf32>
    %dot_general3A_69 = tpu.matmul %max3A_64, %get3A_67, %dot_general3A_68 {dimension_numbers = #tpu.dot_dimension_numbers<[1], [0], [0], [1], [0, 0, 1, 1], [], []>, transpose_lhs_hint = false} : vector<10000x128xf32>, vector<128x128xf32>, vector<10000x128xf32> -> vector<10000x128xf32>
    %get3A_70 = arith.constant 0 : index
    %get3A_71 = arith.constant 0 : index
    %get3A_72 = vector.load %arg8[%get3A_70, %get3A_71] : memref<1x128xf32, #tpu.memory_space<vmem>>, vector<1x128xf32>
    %add3A_73 = vector.broadcast %get3A_72 : vector<1x128xf32> to vector<10000x128xf32>
    %add3A_74 = arith.addf %dot_general3A_69, %add3A_73 : vector<10000x128xf32>
    %get3A_75 = arith.constant 0 : index
    %get3A_76 = arith.constant 0 : index
    %get3A_77 = vector.load %arg9[%get3A_75, %get3A_76] : memref<1x128xf32, #tpu.memory_space<vmem>>, vector<1x128xf32>
    %get3A_78 = arith.constant 0 : index
    %get3A_79 = arith.constant 0 : index
    %get3A_80 = vector.load %arg10[%get3A_78, %get3A_79] : memref<1x128xf32, #tpu.memory_space<vmem>>, vector<1x128xf32>
    %reduce_sum3A_81 = arith.constant dense<0.000000e+00> : vector<128xf32>
    %reduce_sum3A_82 = vector.multi_reduction <add>, %add3A_74, %reduce_sum3A_81 [0] : vector<10000x128xf32> to vector<128xf32>
    %broadcast_in_dim3A_83 = vector.shape_cast %reduce_sum3A_82 : vector<128xf32> to vector<1x128xf32>
    %div3A_84 = arith.constant 1.000000e+04 : f32
    %div3A_85 = vector.broadcast %div3A_84 : f32 to vector<1x128xf32>
    %div3A_86 = arith.divf %broadcast_in_dim3A_83, %div3A_85 : vector<1x128xf32>
    %sub3A_87 = vector.broadcast %div3A_86 : vector<1x128xf32> to vector<10000x128xf32>
    %sub3A_88 = arith.subf %add3A_74, %sub3A_87 : vector<10000x128xf32>
    %integer_pow3A_89 = arith.mulf %sub3A_88, %sub3A_88 : vector<10000x128xf32>
    %reduce_sum3A_90 = arith.constant dense<0.000000e+00> : vector<128xf32>
    %reduce_sum3A_91 = vector.multi_reduction <add>, %integer_pow3A_89, %reduce_sum3A_90 [0] : vector<10000x128xf32> to vector<128xf32>
    %broadcast_in_dim3A_92 = vector.shape_cast %reduce_sum3A_91 : vector<128xf32> to vector<1x128xf32>
    %div3A_93 = arith.constant 1.000000e+04 : f32
    %div3A_94 = vector.broadcast %div3A_93 : f32 to vector<1x128xf32>
    %div3A_95 = arith.divf %broadcast_in_dim3A_92, %div3A_94 : vector<1x128xf32>
    %sub3A_96 = vector.broadcast %div3A_86 : vector<1x128xf32> to vector<10000x128xf32>
    %sub3A_97 = arith.subf %add3A_74, %sub3A_96 : vector<10000x128xf32>
    %mul3A_98 = vector.broadcast %get3A_77 : vector<1x128xf32> to vector<10000x128xf32>
    %mul3A_99 = arith.mulf %mul3A_98, %sub3A_97 : vector<10000x128xf32>
    %add3A_100 = arith.constant 9.99999974E-6 : f32
    %add3A_101 = vector.broadcast %add3A_100 : f32 to vector<1x128xf32>
    %add3A_102 = arith.addf %div3A_95, %add3A_101 : vector<1x128xf32>
    %sqrt3A_103 = math.sqrt %add3A_102 : vector<1x128xf32>
    %div3A_104 = vector.broadcast %sqrt3A_103 : vector<1x128xf32> to vector<10000x128xf32>
    %div3A_105 = arith.divf %mul3A_99, %div3A_104 : vector<10000x128xf32>
    %add3A_106 = vector.broadcast %get3A_80 : vector<1x128xf32> to vector<10000x128xf32>
    %add3A_107 = arith.addf %div3A_105, %add3A_106 : vector<10000x128xf32>
    %max3A_108 = arith.constant 0.000000e+00 : f32
    %max3A_109 = vector.broadcast %max3A_108 : f32 to vector<10000x128xf32>
    %max3A_110 = arith.maximumf %add3A_107, %max3A_109 : vector<10000x128xf32>
    %get3A_111 = arith.constant 0 : index
    %get3A_112 = arith.constant 0 : index
    %get3A_113 = vector.load %arg11[%get3A_111, %get3A_112] : memref<128x128xf32, #tpu.memory_space<vmem>>, vector<128x128xf32>
    %dot_general3A_114 = arith.constant dense<0.000000e+00> : vector<10000x128xf32>
    %dot_general3A_115 = tpu.matmul %max3A_110, %get3A_113, %dot_general3A_114 {dimension_numbers = #tpu.dot_dimension_numbers<[1], [0], [0], [1], [0, 0, 1, 1], [], []>, transpose_lhs_hint = false} : vector<10000x128xf32>, vector<128x128xf32>, vector<10000x128xf32> -> vector<10000x128xf32>
    %slice3A = vector.extract_strided_slice %dot_general3A_115 {offsets = [0, 0], sizes = [10000, 1], strides = [1, 1]} : vector<10000x128xf32> to vector<10000x1xf32>
    %get3A_116 = arith.constant 0 : index
    %get3A_117 = arith.constant 0 : index
    %get3A_118 = vector.load %arg12[%get3A_116, %get3A_117] : memref<1x1xf32, #tpu.memory_space<vmem>>, vector<1x1xf32>
    %add3A_119 = vector.broadcast %get3A_118 : vector<1x1xf32> to vector<10000x1xf32>
    %add3A_120 = arith.addf %slice3A, %add3A_119 : vector<10000x1xf32>
    %swap3A = arith.constant 0 : index
    %swap3A_121 = arith.constant 0 : index
    %swap3A_122 = vector.load %arg13[%swap3A, %swap3A_121] : memref<10000x1xf32, #tpu.memory_space<vmem>>, vector<10000x1xf32>
    tpu.vector_store %arg13[%swap3A, %swap3A_121], %add3A_120 {strides = array<i32>} : memref<10000x1xf32, #tpu.memory_space<vmem>>, vector<10000x1xf32>,
    return
  }
}

</mosaic_0001>

<sc_bundles>
// kernel: kernel.11.cloned.1.call-start
scs
__scs_entry_jumppad:
0x0: {  	(pc) =	sbr.rel $0x88, $3  }
0x1: {  	(tag) =	ssettag $0x0;
	lr =	simm.s32 $0x1  }
0x2: {  	[smem:$0x3F86] =	sst lr;
	_ =	strace $0xD0000000  }
0x3: {  	_ = 	snop  }
0x4: {  	_ = 	snop  }
0x5: {  	_ = 	snop  }
0x6: {  	_ = 	snop  }
0x7: {  	_ = 	snop  }
__scs_overlays_trampoline_lowered:
0x8: {  	[smem:$0x3F95] =	sst s0  }
0x9: {  	[smem:$0x3F96] =	sst s1  }
0xa: {  	[smem:$0x3F97] =	sst s2  }
0xb: {  	[smem:$0x3F98] =	sst s3  }
0xc: {  	[smem:$0x3F99] =	sst s4  }
0xd: {  	[smem:$0x3F9A] =	sst s5  }
0xe: {  	[smem:$0x3F9B] =	sst s6  }
0xf: {  	[smem:$0x3F9C] =	sst s7  }
0x10: {  	[smem:$0x3F9D] =	sst s8  }
0x11: {  	[smem:$0x3F9E] =	sst s9;
	s0 =	simm.s32 @!p0 $0x0  }
0x12: {  	s1 =	sld [smem:$0x3F84];
	s0 =	simm.s32 @p0 $0x1  }
0x13: {  	[smem:$0x3F9F] =	sst s0;
	s0 =	simm.s32 @!p1 $0x0  }
0x14: {  	s2 =	sld [smem:$0x3F83];
	s0 =	simm.s32 @p1 $0x1  }
0x15: {  	[smem:$0x3FA0] =	sst s0;
	s0 =	simm.s32 @!p2 $0x0  }
0x16: {  	s3 =	sld [smem:$0x3FDB];
	s0 =	simm.s32 @p2 $0x1  }
0x17: {  	s4 =	simm.s32 $0x1BF5;
	[smem:$0x3FA2] =	sst s0  }
0x18: {  	s0 =	sld [smem:$0x3F85];
	_ =	swait.ge [sflag:s4], $0x0  }
0x19: {  	s7 =	sld [smem:$0x3F86]  }
0x1a: {  	s8 =	sadd.s32 $0xFFFFE003, lr  }
0x1b: {  	s9 =	sadd.s32 $0xFFFFFEF7, lr;
	s5 =	simm.s32 $0xFFFFFFFF;
	p2 =	slt.u32 s8, $0xFFFFF086  }
0x1c: {  	p1 =	slt.u32 s9, $0xF7A;
	s5 =	simm.s32 @!p2 $0x0  }
0x1d: {  	s5 =	simm.s32 @p1 $0x1;
	p0 =	seq.s32 s7, s2  }
0x1e: {  	s7 =	smul.u32 @!p0 $0xF7A, s2;
	p2 =	seq.s32 @!p0 s5, $0x0  }
0x1f: {  	s9 =	smul.u32 $0xF7A, s1;
	s8 =	simm.s32 @!p0 $0x1BF5;
	p2 =	por !p2, p0  }
0x20: {  	[sflag:s8] =	ssyncset.s32 @!p0 $0xFFFFF086;
	s6 =	sadd.s32 @!p0 s3, s7;
	s7 =	simm.s32 @!p0 $0x108  }
0x21: {  	s3 =	sadd.s32 s3, s9;
	s6 =	sadd.s32 @!p0 $0x88, s6;
	s7 =	simm.s32 @p2 $0x1082  }
0x22: {  	[simem:s7], [sflag:s8] =	dma.local @!p0 [hbm:s6], $0xF7A  }
0x23: {  	s9 =	sor.u32 $0xD0000000, s2;
	s6 =	simm.s32 $0x108;
	_ =	swait.ge @!p0 [sflag:s8], $0x0  }
0x24: {  	s3 =	sadd.s32 $0x88, s3;
	s6 =	simm.s32 @!p1 $0x1082;
	[sflag:s4] =	ssyncset.s32 $0xFFFFF086  }
0x25: {  	[simem:s6], [sflag:s4] =	dma.local [hbm:s3], $0xF7A  }
0x26: {  	[smem:$0x3F86] =	sst s1;
	(tag) =	ssettag s2;
	_ =	strace s9  }
0x27: {  	s1 =	sld [smem:$0x3F96]  }
0x28: {  	s2 =	sld [smem:$0x3F97]  }
0x29: {  	s4 =	sld [smem:$0x3F99]  }
0x2a: {  	p0 =	seq.s32 s5, $0x0;
	s5 =	sld [smem:$0x3F9A]  }
0x2b: {  	s6 =	sld [smem:$0x3F9B]  }
0x2c: {  	s7 =	sld [smem:$0x3F9C]  }
0x2d: {  	s3 =	simm.s32 $0x108;
	s8 =	sld [smem:$0x3F9D]  }
0x2e: {  	s3 =	simm.s32 @!p0 $0x1082;
	s9 =	sld [smem:$0x3F9E]  }
0x2f: {  	lr =	sadd.s32 s0, s3;
	s0 =	sld [smem:$0x3F95]  }
0x30: {  	s3 =	sld [smem:$0x3F98]  }
0x31: {  	[smem:$0x3FA1] =	sst s10  }
0x32: {  	s10 =	sld [smem:$0x3F9F];
	_ =	sdelay $0x3  }
0x33: {  	p0 =	seq.s32 s10, $0x1;
	s10 =	sld [smem:$0x3FA1];
	_ =	sdelay $0x3  }
0x34: {  	[smem:$0x3FA1] =	sst s10  }
0x35: {  	s10 =	sld [smem:$0x3FA0];
	_ =	sdelay $0x3  }
0x36: {  	p1 =	seq.s32 s10, $0x1;
	s10 =	sld [smem:$0x3FA1];
	_ =	sdelay $0x3  }
0x37: {  	[smem:$0x3FA1] =	sst s10  }
0x38: {  	s10 =	sld [smem:$0x3FA2]  }
0x39: {  	_ = 	snop;
	(pc) =	sbr.ind lr, $3  }
0x3a: {  	_ = 	snop  }
0x3b: {  	_ = 	snop  }
0x3c: {  	p2 =	seq.s32 s10, $0x1;
	s10 =	sld [smem:$0x3FA1]  }
0x3d: {  	_ =	shalt  }
0x3e: {  	_ =	shalt  }
0x3f: {  	_ =	shalt  }
0x40: {  	_ =	shalt  }
0x41: {  	_ =	shalt  }
0x42: {  	_ =	shalt  }
0x43: {  	_ =	shalt  }
0x44: {  	_ =	shalt  }
0x45: {  	_ =	shalt  }
0x46: {  	_ =	shalt  }
0x47: {  	_ =	shalt  }
0x48: {  	_ =	shalt  }
0x49: {  	_ =	shalt  }
0x4a: {  	_ =	shalt  }
0x4b: {  	_ =	shalt  }
0x4c: {  	_ =	shalt  }
0x4d: {  	_ =	shalt  }
0x4e: {  	_ =	shalt  }
0x4f: {  	_ =	shalt  }
0x50: {  	_ =	shalt  }
0x51: {  	_ =	shalt  }
0x52: {  	_ =	shalt  }
0x53: {  	_ =	shalt  }
0x54: {  	_ =	shalt  }
0x55: {  	_ =	shalt  }
0x56: {  	_ =	shalt  }
0x57: {  	_ =	shalt  }
0x58: {  	_ =	shalt  }
0x59: {  	_ =	shalt  }
0x5a: {  	_ =	shalt  }
0x5b: {  	_ =	shalt  }
0x5c: {  	_ =	shalt  }
0x5d: {  	_ =	shalt  }
0x5e: {  	_ =	shalt  }
0x5f: {  	_ =	shalt  }
0x60: {  	_ =	shalt  }
0x61: {  	_ =	shalt  }
0x62: {  	_ =	shalt  }
0x63: {  	_ =	shalt  }
0x64: {  	_ =	shalt  }
0x65: {  	_ =	shalt  }
0x66: {  	_ =	shalt  }
0x67: {  	_ =	shalt  }
0x68: {  	_ =	shalt  }
0x69: {  	_ =	shalt  }
0x6a: {  	_ =	shalt  }
0x6b: {  	_ =	shalt  }
0x6c: {  	_ =	shalt  }
0x6d: {  	_ =	shalt  }
0x6e: {  	_ =	shalt  }
0x6f: {  	_ =	shalt  }
0x70: {  	_ =	shalt  }
0x71: {  	_ =	shalt  }
0x72: {  	_ =	shalt  }
0x73: {  	_ =	shalt  }
0x74: {  	_ =	shalt  }
0x75: {  	_ =	shalt  }
0x76: {  	_ =	shalt  }
0x77: {  	_ =	shalt  }
0x78: {  	_ =	shalt  }
0x79: {  	_ =	shalt  }
0x7a: {  	_ =	shalt  }
0x7b: {  	_ =	shalt  }
0x7c: {  	_ =	shalt  }
0x7d: {  	_ =	shalt  }
0x7e: {  	_ =	shalt  }
0x7f: {  	_ =	shalt  }
0x80: {  	_ =	shalt  }
0x81: {  	_ =	shalt  }
0x82: {  	_ =	shalt  }
0x83: {  	_ =	shalt  }
0x84: {  	_ =	shalt  }
0x85: {  	_ =	shalt  }
0x86: {  	_ =	shalt  }
0x87: {  	_ =	shalt  }
.Lfunc_end0:
.L_simem_size_0:
called_computation.1_lowered:
.L_overlay_start_0:
0x88: {  	s2 =	sld [smem:$0x3FD9]  }
0x89: {  	s3 =	sld [smem:$0x3FFE];
	_ =	sdelay $0x1  }
0x8a: {  	s1 =	srdreg.scid  }
0x8b: {  	s0 =	sand.u32 $0x1, s1  }
0x8c: {  	s16 =	sshll.u32 s0, $0xA;
	s2 =	sadd.s32 s3, s2  }
0x8d: {  	s2 =	sadd.s32 s2, s16  }
0x8e: {  	[smem:$0x3FAD] =	sst s2  }
0x8f: {  	_ = 	snop  }
0x90: {  	(tm) =	ssettm $0x1  }
0x91: {  	s17 =	sld [smem:$0x3FFB];
	_ =	sdelay $0x3  }
0x92: {  	_ =	strace s17  }
0x93: {  	s2 =	sld [smem:$0x3FFC];
	_ =	sdelay $0x3  }
0x94: {  	_ =	strace s2  }
0x95: {  	s2 =	sld [smem:$0x3FFD];
	_ =	sdelay $0x3  }
0x96: {  	_ =	strace s2  }
0x97: {  	_ =	strace $0x8FFFFFFF  }
0x98: {  	s18 =	sld [smem:$0x3FDB];
	_ =	sdelay $0x1  }
0x99: {  	s19 =	simm.s32 $_scs_section_size  }
0x9a: {  	s4 =	simm.s32 $_size__tile_overlayer_lowered;
	s5 =	simm.s32 $_tile_overlayer_lowered  }
0x9b: {  	s22 =	simm.s32 $0x1BFF;
	s21 =	sshll.u32 s5, $0x1;
	s2 =	sadd.s32 s19, s18  }
0x9c: {  	s6 =	simm.s32 $0x0;
	s20 =	sshll.u32 s4, $0x1;
	s4 =	sadd.s32 s21, s2  }
0x9d: {  	[timem:s6], [sflag:s22] =	dma.local [hbm:s4], s20  }
0x9e: {  	_ =	swait.ge [sflag:s22], s20  }
0x9f: {  	s3 =	ssub.s32 $0x0, s20;
	[sflag:s22] =	ssyncset.done $0x0  }
0xa0: {  	[sflag:s22] =	ssyncadd.s32 s3;
	_ =	sdelay $0x1  }
0xa1: {  	s23 =	simm.s32 $0x1B8B  }
0xa2: {  	_ =	swait.ge [sflag:s23], $0x1  }
0xa3: {  	[sflag:s23] =	ssyncset.done $0x0  }
0xa4: {  	s25 =	simm.s32 $0x1B8E;
	s24 =	sld [smem:$0x3FFE];
	[sflag:s23] =	ssyncadd.s32 $0xFFFFFFFF  }
0xa5: {  	s26 =	simm.s32 $execute0_lowered;
	[smem:$0x3FD2] =	sst s25  }
0xa6: {  	s4 =	sshll.u32 s26, $0x1;
	_ =	strace $0x80000049;
	[dreg:$0x1] =	wrdreg $0xFFFFFFFF  }
0xa7: {  	s28 =	simm.s32 $_size_execute0_lowered;
	s2 =	sadd.s32 s2, s4;
	[dreg:$0x0] =	wrdreg $0x0  }
0xa8: {  	s4 =	sshll.u32 s28, $0x1;
	[dreg:$0x2] =	wrdreg s2  }
0xa9: {  	[dreg:$0x3] =	wrdreg s4  }
0xaa: {  	[dreg:$0x4] =	wrdreg $0xC0  }
0xab: {  	_ =	task [dreg:s6], $0x5FFFF  }
0xac: {  	[dreg:$0x1] =	wrdreg $0xFFFFFFFF  }
0xad: {  	[dreg:$0x0] =	wrdreg $0x60  }
0xae: {  	[dreg:$0x2] =	wrdreg s24  }
0xaf: {  	[dreg:$0x3] =	wrdreg $0x0  }
0xb0: {  	[dreg:$0x4] =	wrdreg $0x9  }
0xb1: {  	_ =	task.clear_ibuf [dreg:s6], $0x5FFFF;
	_ =	strace $0x90000049  }
0xb2: {  	s29 =	simm.s32 $0x9;
	_ =	strace $0x8000004B  }
0xb3: {  	_ =	swait.ge [sflag:s29], $0x1  }
0xb4: {  	[sflag:s29] =	ssyncadd.s32 $0xFFFFFFFF  }
0xb5: {  	_ =	strace $0x9000004B  }
0xb6: {  	_ =	sfence  }
0xb7: {  	s30 =	sld [smem:$0x0];
	_ =	sdelay $0x2  }
0xb8: {  	s31 =	sshll.u32 s1, $0xD;
	s1 =	sshrl.u32 s1, $0x2  }
0xb9: {  	s3 =	sand.u32 $0x4000, s31;
	s1 =	sadd.s32 s1, s30  }
0xba: {  	s0 =	sor.u32 s3, s0;
	s1 =	sshll.u32 s1, $0x11  }
0xbb: {  	s0 =	sor.u32 s1, s0  }
0xbc: {  	s0 =	sadd.s32 $0x8F2B, s0  }
0xbd: {  	[sflag:s0] =	ssyncadd.remote.s32 $0x1  }
0xbe: {  	_ =	sfence.sel $0xFFFF  }
0xbf: {  	[dreg:$0x0] =	wrdreg $0xFFFFFFFF;
	(pc) =	sbr.abs _section_cstart, $3  }
0xc0: {  	[dreg:$0x1] =	wrdreg $0xFFFFFFFF  }
0xc1: {  	_ =	task.clear_ibuf [dreg:s6], $0x2FFFF;
	_ =	strace $0x9FFFFFFF  }
0xc2: {  	(tm) =	ssettm $0x7FFFFFFF  }
0xc3: {  	_ =	shalt  }
tec
execute0_lowered:
.L_overlay_start_1:
0x0: {  	(tag) =	ssettag $0x1  }
0x1: {  	s0 =	rddreg [dreg:$0x0]  }
0x2: {  	s2 =	rddreg [dreg:$0x1]  }
0x3: {  	s3 =	simm.s32 $0x0;
	s14 =	stileid.u32;
	s1 =	srdreg.scid  }
0x4: {  	s28 =	simm.s32 $0x13980;
	s29 =	simm.s32 $0x13900;
	s30 =	simm.s32 $0x13A00  }
0x5: {  	s31 =	simm.s32 $0x1;
	[smem:$0x7FF] =	sst s3;
	s9 =	smul.u32 $0x3E80, s14  }
0x6: {  	s1 =	sand.u32 $0x1, s1;
	s4 =	sadd.s32 $0xA02200, s0;
	s11 =	smul.u32 $0x7D000, s14  }
0x7: {  	s5 =	sadd.s32 $0xA50400, s0;
	s6 =	sadd.s32 $0x3400, s0;
	s8 =	smul.u32 $0x4E20, s14  }
0x8: {  	s7 =	sadd.s32 $0x4EF200, s0;
	p0 =	sgt.u32 s14, $0x9;
	s10 =	smul.u32 $0x27100, s1  }
0x9: {  	_ =	strace $0x8000004A;
	s12 =	ssub.s32 $0x2, s1;
	s1 =	smul.u32 $0x4E200, s1  }
0xa: {  	s13 =	sadd.s32 s9, s0;
	s21 =	sshrl.u32 s12, $0x1;
	s11 =	sshrl.u32 s11, $0x2  }
0xb: {  	s25 =	sshrl.u32 s8, $0x3;
	s10 =	sadd.s32 s9, s10;
	s9 =	sadd.s32 s8, s1  }
0xc: {  	s22 =	sadd.s32 s11, s2;
	s23 =	sadd.s32 $0x9DB000, s13;
	s16 =	sadd.s32 s7, s25  }
0xd: {  	s0 =	sadd.s32 s10, s0;
	s10 =	ssub.s32 s12, s21;
	[dreg:$0x3] =	wrdreg s22  }
0xe: {  	[dreg:$0x4] =	wrdreg s23;
	s12 =	sadd.s32 $0x50, s9;
	s24 =	sshrl.u32 s9, $0x3  }
0xf: {  	s13 =	sadd.s32 $0xA, s16;
	s17 =	sshll.u32 s9, $0x4;
	s18 =	sadd.s32 $0xA0, s9  }
0x10: {  	s23 =	sadd.s32 $0x14, s16;
	[dreg:$0x6] =	wrdreg s16;
	s25 =	sadd.s32 $0x1E, s16  }
0x11: {  	s16 =	simm.s32 $0x1B280;
	s26 =	sshrl.u32 s12, $0x3;
	s15 =	sadd.s32 s6, s24  }
0x12: {  	[dreg:$0x8] =	wrdreg s13;
	s1 =	sadd.s32 s5, s17;
	s19 =	sshll.u32 s12, $0x4  }
0x13: {  	s20 =	sshrl.u32 s18, $0x3;
	s22 =	sshll.u32 s18, $0x4;
	[dreg:$0xc] =	wrdreg s23  }
0x14: {  	[dreg:$0xf] =	wrdreg s25;
	s0 =	sadd.s32 $0x16E00, s0;
	s23 =	simm.s32 $0x18A80  }
0x15: {  	s17 =	simm.s32 $0x3;
	s18 =	simm.s32 $0x5;
	[dreg:$0x9] =	wrdreg s1  }
0x16: {  	s11 =	sadd.s32 s6, s26;
	s1 =	sadd.s32 s5, s19;
	[dreg:$0x5] =	wrdreg s15  }
0x17: {  	s21 =	sadd.s32 s6, s20;
	s24 =	sadd.s32 $0x1E, s15;
	[dreg:$0x10] =	wrdreg s0  }
0x18: {  	s26 =	smax.u32 s10, $0x1;
	s0 =	simm.s32 $0x50;
	[dreg:$0x7] =	wrdreg s11  }
.Ltmp0:
0x19: {  	s15 =	simm.s32 $0x16280;
	[dreg:$0xa] =	wrdreg s1;
	(pc) =	sbr.rel .LBB2_1-.Ltmp0, $4  }
0x1a: {  	s19 =	simm.s32 $0x7;
	s10 =	simm.s32 $0x4;
	[dreg:$0xb] =	wrdreg s21  }
0x1b: {  	s20 =	simm.s32 $0x6;
	s1 =	sadd.s32 s5, s22;
	[dreg:$0xe] =	wrdreg s24  }
0x1c: {  	[dreg:$0x11] =	wrdreg s26;
	s22 =	simm.s32 $0x13880;
	s11 =	simm.s32 $0x2  }
0x1d: {  	s21 =	simm.s32 $0x0;
	[dreg:$0xd] =	wrdreg s1;
	s1 =	simm.s32 $0x13A80  }
.LBB2_12:
0x1e: {  	[bflag:$0x0] =	sbarrier.arrive $0xFFFF  }
0x1f: {  	s13 =	rddreg [dreg:$0x10]  }
0x20: {  	s14 =	rddreg [dreg:$0x12]  }
0x21: {  	s22 =	rddreg [dreg:$0x13]  }
0x22: {  	[hbm:s13], [sflag:s14] =	dma.local @!p0 [spmem:s22], $0x3E80  }
0x23: {  	s13 =	simm.s32 @!p0 $0x7  }
0x24: {  	_ =	swait.ge @!p0 [sflag:s13], $0x3E80  }
0x25: {  	s21 =	sadd.s32 $0x1, s21;
	s26 =	rddreg [dreg:$0x11]  }
0x26: {  	p1 =	sne.s32 s21, s26  }
.Ltmp1:
0x27: {  	_ = 	snop;
	(pc) =	sbr.rel @!p1 .LBB2_13-.Ltmp1, $3  }
0x28: {  	_ =	sdelay $0x1  }
0x29: {  	[sflag:s13] =	ssyncset.done @!p0 $0x0  }
0x2a: {  	s23 =	simm.s32 $0x18A80;
	s22 =	simm.s32 $0x13880;
	[sflag:s13] =	ssyncadd.s32 @!p0 $0xFFFFC180  }
.LBB2_1:
0x2b: {  	s13 =	stileid.u32  }
0x2c: {  	s13 =	sshll.u32 @!p0 s13, $0x6  }
0x2d: {  	s14 =	sor.u32 @!p0 $0x1C07, s13;
	s13 =	rddreg [dreg:$0x3]  }
0x2e: {  	s24 =	sshrl.u32 @!p0 s13, $0x3;
	s13 =	rddreg [dreg:$0x4]  }
0x2f: {  	[dreg:$0x12] =	wrdreg s14  }
0x30: {  	[dreg:$0x13] =	wrdreg s24  }
0x31: {  	[spmem:s24], [sflag:s14] =	dma.local @!p0 [hbm:s13], $0x3E80  }
0x32: {  	s13 =	simm.s32 @!p0 $0x7  }
0x33: {  	_ =	swait.ge @!p0 [sflag:s13], $0x3E80  }
0x34: {  	[sflag:s13] =	ssyncset.done @!p0 $0x0  }
0x35: {  	[sflag:s13] =	ssyncadd.s32 @!p0 $0xFFFFC180  }
0x36: {  	[bflag:$0x0] =	sbarrier.arrive $0xFFFF  }
0x37: {  	s25 =	rddreg [dreg:$0x5]  }
0x38: {  	[tilespmem:s22], [sflag:$0x1] =	stream.linear.gather [hbm4b:s25+s3], $0x50, $0x38;
	[tilespmem:$0x1DA80] =	vst v63  }
0x39: {  	s26 =	rddreg [dreg:$0x6]  }
0x3a: {  	[tilespmem:s28], [sflag:$0x1] =	stream.linear.gather [hbm4b:s26+s3], $0x50, $0x38;
	[tilespmem:$0x1DA80] =	vst v63  }
0x3b: {  	s14 =	rddreg [dreg:$0x7]  }
0x3c: {  	[tilespmem:s29], [sflag:$0x2] =	stream.linear.gather [hbm4b:s14+s3], $0x50, $0x38;
	[tilespmem:$0x1DA80] =	vst v63  }
0x3d: {  	s24 =	rddreg [dreg:$0x8]  }
0x3e: {  	[tilespmem:s30], [sflag:$0x2] =	stream.linear.gather [hbm4b:s24+s3], $0x50, $0x38;
	[tilespmem:$0x1DA80] =	vst v63  }
0x3f: {  	_ =	swait.ge [sflag:s31], $0x50  }
0x40: {  	[sflag:s31] =	ssyncset.done $0x0  }
0x41: {  	[sflag:s31] =	ssyncadd.s32 $0xFFFFFFB0  }
0x42: {  	_ =	swait.ge [sflag:s31], $0x50  }
0x43: {  	[sflag:s31] =	ssyncset.done $0x0  }
0x44: {  	[sflag:s31] =	ssyncadd.s32 $0xFFFFFFB0  }
0x45: {  	[tilespmem:s1], [sflag:$0x3] =	stream.indirect.gather [hbm4b:s4+s0], $0x80, s22, s0, $0xb8;
	[tilespmem:$0x1DA80] =	vst v63  }
0x46: {  	s25 =	rddreg [dreg:$0x9]  }
0x47: {  	[tilespmem:s23], [sflag:$0x5] =	stream.linear.gather [hbm4b:s25+s3], $0x2800, $0x38;
	[tilespmem:$0x1DA80] =	vst v63  }
0x48: {  	_ =	swait.ge [sflag:s11], $0x50  }
0x49: {  	[sflag:s11] =	ssyncset.done $0x0  }
0x4a: {  	[sflag:s11] =	ssyncadd.s32 $0xFFFFFFB0  }
0x4b: {  	_ =	swait.ge [sflag:s11], $0x50  }
0x4c: {  	[sflag:s11] =	ssyncset.done $0x0  }
0x4d: {  	[sflag:s11] =	ssyncadd.s32 $0xFFFFFFB0  }
0x4e: {  	[tilespmem:s15], [sflag:$0x4] =	stream.indirect.gather [hbm4b:s4+s0], $0x80, s29, s0, $0xb8;
	[tilespmem:$0x1DA80] =	vst v63  }
0x4f: {  	s26 =	rddreg [dreg:$0xa]  }
0x50: {  	[tilespmem:s16], [sflag:$0x6] =	stream.linear.gather [hbm4b:s26+s3], $0x2800, $0x38;
	[tilespmem:$0x1DA80] =	vst v63  }
0x51: {  	_ =	swait.ge [sflag:s17], $0x2800  }
0x52: {  	[sflag:s17] =	ssyncset.done $0x0  }
0x53: {  	[sflag:s17] =	ssyncadd.s32 $0xFFFFD800  }
0x54: {  	_ =	swait.ge [sflag:s18], $0x2800  }
0x55: {  	[sflag:s18] =	ssyncset.done $0x0  }
0x56: {  	s24 =	simm.s32 $0xF0;
	[sflag:s18] =	ssyncadd.s32 $0xFFFFD800  }
0x57: {  	v6 =	vld [tilespmem:s24+$0x18990]  }
0x58: {  	v7 =	vld [tilespmem:s24+$0x189A0]  }
0x59: {  	v8 =	vld [tilespmem:s24+$0x189B0]  }
0x5a: {  	v9 =	vld [tilespmem:s24+$0x189C0]  }
0x5b: {  	v10 =	vld [tilespmem:s24+$0x189D0]  }
0x5c: {  	v11 =	vld [tilespmem:s24+$0x189E0]  }
0x5d: {  	v12 =	vld [tilespmem:s24+$0x189F0]  }
0x5e: {  	v13 =	vld [tilespmem:s24+$0x18A00]  }
0x5f: {  	v14 =	vld [tilespmem:s24+$0x18A10]  }
0x60: {  	v15 =	vld [tilespmem:s24+$0x18A20]  }
0x61: {  	v5 =	vld [tilespmem:s24+$0x18A30]  }
0x62: {  	v4 =	vld [tilespmem:s24+$0x18A40]  }
0x63: {  	v3 =	vld [tilespmem:s24+$0x18A50]  }
0x64: {  	v16 =	vld [tilespmem:s24+$0x13990]  }
0x65: {  	v17 =	vld [tilespmem:s24+$0x139A0]  }
0x66: {  	v2 =	vld [tilespmem:s24+$0x18A60]  }
0x67: {  	v18 =	vld [tilespmem:s24+$0x139B0]  }
0x68: {  	v19 =	vld [tilespmem:s24+$0x139C0]  }
0x69: {  	v1 =	vld [tilespmem:s24+$0x18A70];
	v6 =	vadd.f32 v6, v16  }
0x6a: {  	v20 =	vld [tilespmem:s24+$0x139D0];
	v7 =	vadd.f32 v7, v17  }
0x6b: {  	v60 =	vld [tilespmem:s24+$0x139E0];
	v6 =	vmax.f32 v6, $0.0e+00  }
0x6c: {  	v0 =	vld [tilespmem:s24+$0x18A80];
	v7 =	vmax.f32 v7, $0.0e+00;
	[tilespmem:s24+$0x13990] =	vst v6;
	v6 =	vadd.f32 v8, v18  }
0x6d: {  	v21 =	vld [tilespmem:s24+$0x139F0];
	[tilespmem:s24+$0x139A0] =	vst v7;
	v7 =	vadd.f32 v9, v19  }
0x6e: {  	v61 =	vld [tilespmem:s24+$0x13A00];
	v6 =	vmax.f32 v6, $0.0e+00  }
0x6f: {  	v62 =	vld [tilespmem:s24+$0x13A10];
	v8 =	vmax.f32 v7, $0.0e+00;
	[tilespmem:s24+$0x139B0] =	vst v6;
	v6 =	vadd.f32 v10, v20  }
0x70: {  	v63 =	vld [tilespmem:s24+$0x13A20];
	[tilespmem:s24+$0x139C0] =	vst v8;
	v8 =	vadd.f32 v11, v60  }
0x71: {  	v7 =	vld [tilespmem:s24+$0x13A30];
	v9 =	vmax.f32 v6, $0.0e+00  }
0x72: {  	v6 =	vld [tilespmem:s24+$0x13A40];
	v10 =	vmax.f32 v8, $0.0e+00;
	[tilespmem:s24+$0x139D0] =	vst v9;
	v9 =	vadd.f32 v12, v21  }
0x73: {  	v8 =	vld [tilespmem:s24+$0x13A50];
	[tilespmem:s24+$0x139E0] =	vst v10;
	v10 =	vadd.f32 v13, v61  }
0x74: {  	v12 =	vadd.f32 v14, v62;
	v11 =	vmax.f32 v9, $0.0e+00;
	v9 =	vld [tilespmem:s24+$0x13A60]  }
0x75: {  	s13 =	simm.s32 $0x7C0;
	v13 =	vmax.f32 v10, $0.0e+00;
	v10 =	vld [tilespmem:s24+$0x13A70];
	[tilespmem:s24+$0x139F0] =	vst v11;
	v11 =	vadd.f32 v15, v63  }
.LBB2_2:
0x76: {  	s14 =	sshra.s32 s13, $0x2;
	p1 =	sne.s32 s13, $0x9FC0;
	[tilespmem:s24+$0x13A00] =	vst v13;
	v12 =	vmax.f32 v12, $0.0e+00;
	v5 =	vadd.f32 v5, v7;
	v7 =	vld [tilespmem:s24+$0x13A80]  }
0x77: {  	v13 =	vld [tilespmem:s14+$0x18990];
	[tilespmem:s24+$0x13A10] =	vst v12;
	v11 =	vmax.f32 v11, $0.0e+00;
	v4 =	vadd.f32 v4, v6  }
0x78: {  	v6 =	vld [tilespmem:s14+$0x189A0];
	[tilespmem:s24+$0x13A20] =	vst v11;
	v5 =	vmax.f32 v5, $0.0e+00;
	v3 =	vadd.f32 v3, v8  }
0x79: {  	v8 =	vld [tilespmem:s14+$0x189B0];
	[tilespmem:s24+$0x13A30] =	vst v5;
	v4 =	vmax.f32 v4, $0.0e+00;
	v2 =	vadd.f32 v2, v9  }
0x7a: {  	v9 =	vld [tilespmem:s14+$0x189C0];
	[tilespmem:s24+$0x13A40] =	vst v4;
	v3 =	vmax.f32 v3, $0.0e+00;
	v1 =	vadd.f32 v1, v10  }
0x7b: {  	v10 =	vld [tilespmem:s14+$0x189D0];
	[tilespmem:s24+$0x13A50] =	vst v3;
	v2 =	vmax.f32 v2, $0.0e+00;
	v0 =	vadd.f32 v0, v7  }
0x7c: {  	v7 =	vld [tilespmem:s14+$0x189E0];
	[tilespmem:s24+$0x13A60] =	vst v2;
	v1 =	vmax.f32 v1, $0.0e+00  }
0x7d: {  	v11 =	vld [tilespmem:s14+$0x189F0];
	[tilespmem:s24+$0x13A70] =	vst v1;
	v0 =	vmax.f32 v0, $0.0e+00  }
0x7e: {  	v12 =	vld [tilespmem:s14+$0x18A00];
	[tilespmem:s24+$0x13A80] =	vst v0;
	s24 =	smov.u32 s14  }
0x7f: {  	v14 =	vld [tilespmem:s24+$0x18A10]  }
0x80: {  	v15 =	vld [tilespmem:s24+$0x18A20]  }
0x81: {  	v5 =	vld [tilespmem:s24+$0x18A30]  }
0x82: {  	v4 =	vld [tilespmem:s24+$0x18A40]  }
0x83: {  	v3 =	vld [tilespmem:s24+$0x18A50]  }
0x84: {  	v2 =	vld [tilespmem:s24+$0x18A60]  }
0x85: {  	v1 =	vld [tilespmem:s24+$0x18A70]  }
0x86: {  	v0 =	vld [tilespmem:s24+$0x18A80]  }
0x87: {  	v16 =	vld [tilespmem:s24+$0x13990]  }
0x88: {  	v17 =	vld [tilespmem:s24+$0x139A0]  }
0x89: {  	v18 =	vld [tilespmem:s24+$0x139B0]  }
0x8a: {  	v19 =	vld [tilespmem:s24+$0x139C0]  }
0x8b: {  	v20 =	vld [tilespmem:s24+$0x139D0]  }
0x8c: {  	v13 =	vadd.f32 v13, v16;
	v16 =	vld [tilespmem:s24+$0x139E0]  }
0x8d: {  	v6 =	vadd.f32 v6, v17;
	v17 =	vld [tilespmem:s24+$0x139F0]  }
0x8e: {  	v13 =	vmax.f32 v13, $0.0e+00;
	v8 =	vadd.f32 v8, v18;
	v18 =	vld [tilespmem:s24+$0x13A00]  }
0x8f: {  	[tilespmem:s24+$0x13990] =	vst v13;
	v6 =	vmax.f32 v6, $0.0e+00;
	v9 =	vadd.f32 v9, v19;
	v13 =	vld [tilespmem:s24+$0x13A10]  }
0x90: {  	[tilespmem:s24+$0x139A0] =	vst v6;
	v6 =	vmax.f32 v8, $0.0e+00;
	v8 =	vadd.f32 v10, v20;
	v10 =	vld [tilespmem:s24+$0x13A20]  }
.Ltmp2:
0x91: {  	[tilespmem:s24+$0x139B0] =	vst v6;
	v6 =	vmax.f32 v9, $0.0e+00;
	v9 =	vadd.f32 v7, v16;
	v7 =	vld [tilespmem:s24+$0x13A30];
	(pc) =	sbr.rel @p1 .LBB2_2-.Ltmp2, $4  }
0x92: {  	[tilespmem:s24+$0x139C0] =	vst v6;
	v8 =	vmax.f32 v8, $0.0e+00;
	v11 =	vadd.f32 v11, v17;
	v6 =	vld [tilespmem:s24+$0x13A40]  }
0x93: {  	[tilespmem:s24+$0x139D0] =	vst v8;
	v9 =	vmax.f32 v9, $0.0e+00;
	v16 =	vadd.f32 v12, v18;
	v8 =	vld [tilespmem:s24+$0x13A50]  }
0x94: {  	[tilespmem:s24+$0x139E0] =	vst v9;
	v11 =	vmax.f32 v11, $0.0e+00;
	v12 =	vadd.f32 v14, v13;
	v9 =	vld [tilespmem:s24+$0x13A60]  }
0x95: {  	s13 =	sadd.s32 $0x400, s13;
	[tilespmem:s24+$0x139F0] =	vst v11;
	v13 =	vmax.f32 v16, $0.0e+00;
	v11 =	vadd.f32 v15, v10;
	v10 =	vld [tilespmem:s24+$0x13A70]  }
0x96: {  	[tilespmem:s24+$0x13A00] =	vst v13;
	v12 =	vmax.f32 v12, $0.0e+00;
	v5 =	vadd.f32 v5, v7;
	v7 =	vld [tilespmem:s24+$0x13A80]  }
0x97: {  	[tilespmem:s24+$0x13A10] =	vst v12;
	v11 =	vmax.f32 v11, $0.0e+00;
	v4 =	vadd.f32 v4, v6  }
0x98: {  	[tilespmem:s24+$0x13A20] =	vst v11;
	v5 =	vmax.f32 v5, $0.0e+00;
	v3 =	vadd.f32 v3, v8  }
0x99: {  	[tilespmem:s24+$0x13A30] =	vst v5;
	v4 =	vmax.f32 v4, $0.0e+00;
	v2 =	vadd.f32 v2, v9  }
0x9a: {  	[tilespmem:s24+$0x13A40] =	vst v4;
	v3 =	vmax.f32 v3, $0.0e+00;
	v1 =	vadd.f32 v1, v10  }
0x9b: {  	[tilespmem:s24+$0x13A50] =	vst v3;
	v2 =	vmax.f32 v2, $0.0e+00;
	v0 =	vadd.f32 v0, v7  }
0x9c: {  	[tilespmem:s24+$0x13A60] =	vst v2;
	v1 =	vmax.f32 v1, $0.0e+00  }
0x9d: {  	[tilespmem:s24+$0x13A70] =	vst v1;
	v0 =	vmax.f32 v0, $0.0e+00  }
0x9e: {  	[tilespmem:s24+$0x13A80] =	vst v0  }
0x9f: {  	[spmem:s2] =	stream.indirect.scatter.add.f32 [tilespmem:s1], [sflag:$0x7], $0x80, s28, s0, $0xb8;
	[tilespmem:$0x1DA80] =	vst v63  }
0xa0: {  	_ =	swait.ge [sflag:s19], $0x2800  }
0xa1: {  	[sflag:s19] =	ssyncset.done $0x0  }
0xa2: {  	s13 =	rddreg [dreg:$0xb];
	[sflag:s19] =	ssyncadd.s32 $0xFFFFD800  }
0xa3: {  	[tilespmem:s22], [sflag:$0x1] =	stream.linear.gather [hbm4b:s13+s3], $0x50, $0x38;
	[tilespmem:$0x1DA80] =	vst v63  }
0xa4: {  	s25 =	rddreg [dreg:$0xc]  }
0xa5: {  	[tilespmem:s28], [sflag:$0x1] =	stream.linear.gather [hbm4b:s25+s3], $0x50, $0x38;
	[tilespmem:$0x1DA80] =	vst v63  }
0xa6: {  	_ =	swait.ge [sflag:s31], $0x50  }
0xa7: {  	[sflag:s31] =	ssyncset.done $0x0  }
0xa8: {  	[sflag:s31] =	ssyncadd.s32 $0xFFFFFFB0  }
0xa9: {  	_ =	swait.ge [sflag:s31], $0x50  }
0xaa: {  	[sflag:s31] =	ssyncset.done $0x0  }
0xab: {  	[sflag:s31] =	ssyncadd.s32 $0xFFFFFFB0  }
0xac: {  	[tilespmem:s1], [sflag:$0x3] =	stream.indirect.gather [hbm4b:s4+s0], $0x80, s22, s0, $0xb8;
	[tilespmem:$0x1DA80] =	vst v63  }
0xad: {  	s26 =	rddreg [dreg:$0xd]  }
0xae: {  	[tilespmem:s23], [sflag:$0x5] =	stream.linear.gather [hbm4b:s26+s3], $0x2800, $0x38;
	[tilespmem:$0x1DA80] =	vst v63  }
0xaf: {  	_ =	swait.ge [sflag:s10], $0x2800  }
0xb0: {  	[sflag:s10] =	ssyncset.done $0x0  }
0xb1: {  	[sflag:s10] =	ssyncadd.s32 $0xFFFFD800  }
0xb2: {  	_ =	swait.ge [sflag:s20], $0x2800  }
0xb3: {  	[sflag:s20] =	ssyncset.done $0x0  }
0xb4: {  	s24 =	simm.s32 $0xF0;
	[sflag:s20] =	ssyncadd.s32 $0xFFFFD800  }
0xb5: {  	v6 =	vld [tilespmem:s24+$0x1B190]  }
0xb6: {  	v7 =	vld [tilespmem:s24+$0x1B1A0]  }
0xb7: {  	v8 =	vld [tilespmem:s24+$0x1B1B0]  }
0xb8: {  	v9 =	vld [tilespmem:s24+$0x1B1C0]  }
0xb9: {  	v10 =	vld [tilespmem:s24+$0x1B1D0]  }
0xba: {  	v11 =	vld [tilespmem:s24+$0x1B1E0]  }
0xbb: {  	v12 =	vld [tilespmem:s24+$0x1B1F0]  }
0xbc: {  	v13 =	vld [tilespmem:s24+$0x1B200]  }
0xbd: {  	v14 =	vld [tilespmem:s24+$0x1B210]  }
0xbe: {  	v15 =	vld [tilespmem:s24+$0x1B220]  }
0xbf: {  	v5 =	vld [tilespmem:s24+$0x1B230]  }
0xc0: {  	v4 =	vld [tilespmem:s24+$0x1B240]  }
0xc1: {  	v3 =	vld [tilespmem:s24+$0x1B250]  }
0xc2: {  	v16 =	vld [tilespmem:s24+$0x16190]  }
0xc3: {  	v17 =	vld [tilespmem:s24+$0x161A0]  }
0xc4: {  	v2 =	vld [tilespmem:s24+$0x1B260]  }
0xc5: {  	v18 =	vld [tilespmem:s24+$0x161B0]  }
0xc6: {  	v19 =	vld [tilespmem:s24+$0x161C0]  }
0xc7: {  	v1 =	vld [tilespmem:s24+$0x1B270];
	v6 =	vadd.f32 v6, v16  }
0xc8: {  	v20 =	vld [tilespmem:s24+$0x161D0];
	v7 =	vadd.f32 v7, v17  }
0xc9: {  	v60 =	vld [tilespmem:s24+$0x161E0];
	v6 =	vmax.f32 v6, $0.0e+00  }
0xca: {  	v0 =	vld [tilespmem:s24+$0x1B280];
	v7 =	vmax.f32 v7, $0.0e+00;
	[tilespmem:s24+$0x16190] =	vst v6;
	v6 =	vadd.f32 v8, v18  }
0xcb: {  	v21 =	vld [tilespmem:s24+$0x161F0];
	[tilespmem:s24+$0x161A0] =	vst v7;
	v7 =	vadd.f32 v9, v19  }
0xcc: {  	v61 =	vld [tilespmem:s24+$0x16200];
	v6 =	vmax.f32 v6, $0.0e+00  }
0xcd: {  	v62 =	vld [tilespmem:s24+$0x16210];
	v8 =	vmax.f32 v7, $0.0e+00;
	[tilespmem:s24+$0x161B0] =	vst v6;
	v6 =	vadd.f32 v10, v20  }
0xce: {  	v63 =	vld [tilespmem:s24+$0x16220];
	[tilespmem:s24+$0x161C0] =	vst v8;
	v8 =	vadd.f32 v11, v60  }
0xcf: {  	v7 =	vld [tilespmem:s24+$0x16230];
	v9 =	vmax.f32 v6, $0.0e+00  }
0xd0: {  	v6 =	vld [tilespmem:s24+$0x16240];
	v10 =	vmax.f32 v8, $0.0e+00;
	[tilespmem:s24+$0x161D0] =	vst v9;
	v9 =	vadd.f32 v12, v21  }
0xd1: {  	v8 =	vld [tilespmem:s24+$0x16250];
	[tilespmem:s24+$0x161E0] =	vst v10;
	v10 =	vadd.f32 v13, v61  }
0xd2: {  	v12 =	vadd.f32 v14, v62;
	v11 =	vmax.f32 v9, $0.0e+00;
	v9 =	vld [tilespmem:s24+$0x16260]  }
0xd3: {  	s13 =	simm.s32 $0x7C0;
	v13 =	vmax.f32 v10, $0.0e+00;
	v10 =	vld [tilespmem:s24+$0x16270];
	[tilespmem:s24+$0x161F0] =	vst v11;
	v11 =	vadd.f32 v15, v63  }
.LBB2_4:
0xd4: {  	s14 =	sshra.s32 s13, $0x2;
	p1 =	sne.s32 s13, $0x9FC0;
	[tilespmem:s24+$0x16200] =	vst v13;
	v12 =	vmax.f32 v12, $0.0e+00;
	v5 =	vadd.f32 v5, v7;
	v7 =	vld [tilespmem:s24+$0x16280]  }
0xd5: {  	v13 =	vld [tilespmem:s14+$0x1B190];
	[tilespmem:s24+$0x16210] =	vst v12;
	v11 =	vmax.f32 v11, $0.0e+00;
	v4 =	vadd.f32 v4, v6  }
0xd6: {  	v6 =	vld [tilespmem:s14+$0x1B1A0];
	[tilespmem:s24+$0x16220] =	vst v11;
	v5 =	vmax.f32 v5, $0.0e+00;
	v3 =	vadd.f32 v3, v8  }
0xd7: {  	v8 =	vld [tilespmem:s14+$0x1B1B0];
	[tilespmem:s24+$0x16230] =	vst v5;
	v4 =	vmax.f32 v4, $0.0e+00;
	v2 =	vadd.f32 v2, v9  }
0xd8: {  	v9 =	vld [tilespmem:s14+$0x1B1C0];
	[tilespmem:s24+$0x16240] =	vst v4;
	v3 =	vmax.f32 v3, $0.0e+00;
	v1 =	vadd.f32 v1, v10  }
0xd9: {  	v10 =	vld [tilespmem:s14+$0x1B1D0];
	[tilespmem:s24+$0x16250] =	vst v3;
	v2 =	vmax.f32 v2, $0.0e+00;
	v0 =	vadd.f32 v0, v7  }
0xda: {  	v7 =	vld [tilespmem:s14+$0x1B1E0];
	[tilespmem:s24+$0x16260] =	vst v2;
	v1 =	vmax.f32 v1, $0.0e+00  }
0xdb: {  	v11 =	vld [tilespmem:s14+$0x1B1F0];
	[tilespmem:s24+$0x16270] =	vst v1;
	v0 =	vmax.f32 v0, $0.0e+00  }
0xdc: {  	v12 =	vld [tilespmem:s14+$0x1B200];
	[tilespmem:s24+$0x16280] =	vst v0;
	s24 =	smov.u32 s14  }
0xdd: {  	v14 =	vld [tilespmem:s24+$0x1B210]  }
0xde: {  	v15 =	vld [tilespmem:s24+$0x1B220]  }
0xdf: {  	v5 =	vld [tilespmem:s24+$0x1B230]  }
0xe0: {  	v4 =	vld [tilespmem:s24+$0x1B240]  }
0xe1: {  	v3 =	vld [tilespmem:s24+$0x1B250]  }
0xe2: {  	v2 =	vld [tilespmem:s24+$0x1B260]  }
0xe3: {  	v1 =	vld [tilespmem:s24+$0x1B270]  }
0xe4: {  	v0 =	vld [tilespmem:s24+$0x1B280]  }
0xe5: {  	v16 =	vld [tilespmem:s24+$0x16190]  }
0xe6: {  	v17 =	vld [tilespmem:s24+$0x161A0]  }
0xe7: {  	v18 =	vld [tilespmem:s24+$0x161B0]  }
0xe8: {  	v19 =	vld [tilespmem:s24+$0x161C0]  }
0xe9: {  	v20 =	vld [tilespmem:s24+$0x161D0]  }
0xea: {  	v13 =	vadd.f32 v13, v16;
	v16 =	vld [tilespmem:s24+$0x161E0]  }
0xeb: {  	v6 =	vadd.f32 v6, v17;
	v17 =	vld [tilespmem:s24+$0x161F0]  }
0xec: {  	v13 =	vmax.f32 v13, $0.0e+00;
	v8 =	vadd.f32 v8, v18;
	v18 =	vld [tilespmem:s24+$0x16200]  }
0xed: {  	[tilespmem:s24+$0x16190] =	vst v13;
	v6 =	vmax.f32 v6, $0.0e+00;
	v9 =	vadd.f32 v9, v19;
	v13 =	vld [tilespmem:s24+$0x16210]  }
0xee: {  	[tilespmem:s24+$0x161A0] =	vst v6;
	v6 =	vmax.f32 v8, $0.0e+00;
	v8 =	vadd.f32 v10, v20;
	v10 =	vld [tilespmem:s24+$0x16220]  }
.Ltmp3:
0xef: {  	[tilespmem:s24+$0x161B0] =	vst v6;
	v6 =	vmax.f32 v9, $0.0e+00;
	v9 =	vadd.f32 v7, v16;
	v7 =	vld [tilespmem:s24+$0x16230];
	(pc) =	sbr.rel @p1 .LBB2_4-.Ltmp3, $4  }
0xf0: {  	[tilespmem:s24+$0x161C0] =	vst v6;
	v8 =	vmax.f32 v8, $0.0e+00;
	v11 =	vadd.f32 v11, v17;
	v6 =	vld [tilespmem:s24+$0x16240]  }
0xf1: {  	[tilespmem:s24+$0x161D0] =	vst v8;
	v9 =	vmax.f32 v9, $0.0e+00;
	v16 =	vadd.f32 v12, v18;
	v8 =	vld [tilespmem:s24+$0x16250]  }
0xf2: {  	[tilespmem:s24+$0x161E0] =	vst v9;
	v11 =	vmax.f32 v11, $0.0e+00;
	v12 =	vadd.f32 v14, v13;
	v9 =	vld [tilespmem:s24+$0x16260]  }
0xf3: {  	s13 =	sadd.s32 $0x400, s13;
	[tilespmem:s24+$0x161F0] =	vst v11;
	v13 =	vmax.f32 v16, $0.0e+00;
	v11 =	vadd.f32 v15, v10;
	v10 =	vld [tilespmem:s24+$0x16270]  }
0xf4: {  	[tilespmem:s24+$0x16200] =	vst v13;
	v12 =	vmax.f32 v12, $0.0e+00;
	v5 =	vadd.f32 v5, v7;
	v63 =	vld [tilespmem:s24+$0x16280]  }
0xf5: {  	[tilespmem:s24+$0x16210] =	vst v12;
	v11 =	vmax.f32 v11, $0.0e+00;
	v4 =	vadd.f32 v4, v6  }
0xf6: {  	[tilespmem:s24+$0x16220] =	vst v11;
	v5 =	vmax.f32 v5, $0.0e+00;
	v3 =	vadd.f32 v3, v8  }
0xf7: {  	[tilespmem:s24+$0x16230] =	vst v5;
	v4 =	vmax.f32 v4, $0.0e+00;
	v2 =	vadd.f32 v2, v9  }
0xf8: {  	[tilespmem:s24+$0x16240] =	vst v4;
	v3 =	vmax.f32 v3, $0.0e+00;
	v1 =	vadd.f32 v1, v10  }
0xf9: {  	[tilespmem:s24+$0x16250] =	vst v3;
	v2 =	vmax.f32 v2, $0.0e+00;
	v0 =	vadd.f32 v0, v63  }
0xfa: {  	[tilespmem:s24+$0x16260] =	vst v2;
	v1 =	vmax.f32 v1, $0.0e+00  }
0xfb: {  	[tilespmem:s24+$0x16270] =	vst v1;
	v0 =	vmax.f32 v0, $0.0e+00  }
0xfc: {  	[tilespmem:s24+$0x16280] =	vst v0  }
0xfd: {  	[spmem:s2] =	stream.indirect.scatter.add.f32 [tilespmem:s15], [sflag:$0x7], $0x80, s30, s0, $0xb8;
	[tilespmem:$0x1DA80] =	vst v63  }
0xfe: {  	_ =	swait.ge [sflag:s19], $0x2800  }
0xff: {  	[sflag:s19] =	ssyncset.done $0x0  }
0x100: {  	s13 =	rddreg [dreg:$0xe];
	[sflag:s19] =	ssyncadd.s32 $0xFFFFD800  }
0x101: {  	[tilespmem:s29], [sflag:$0x2] =	stream.linear.gather [hbm4b:s13+s3], $0x50, $0x38;
	[tilespmem:$0x1DA80] =	vst v63  }
0x102: {  	s24 =	simm.s32 $0x1;
	s26 =	rddreg [dreg:$0xf]  }
0x103: {  	[tilespmem:s30], [sflag:$0x2] =	stream.linear.gather [hbm4b:s26+s3], $0x50, $0x38;
	[tilespmem:$0x1DA80] =	vst v63  }
.LBB2_6:
0x104: {  	_ =	swait.ge [sflag:s11], $0x50  }
0x105: {  	[sflag:s11] =	ssyncset.done $0x0  }
0x106: {  	s25 =	smul.u32 $0xA0, s24;
	[sflag:s11] =	ssyncadd.s32 $0xFFFFFFB0  }
0x107: {  	_ =	swait.ge [sflag:s11], $0x50  }
0x108: {  	s13 =	sadd.s32 s25, s12;
	[sflag:s11] =	ssyncset.done $0x0  }
0x109: {  	s13 =	sshll.u32 s13, $0x4;
	[sflag:s11] =	ssyncadd.s32 $0xFFFFFFB0  }
0x10a: {  	[tilespmem:s15], [sflag:$0x4] =	stream.indirect.gather [hbm4b:s4+s0], $0x80, s29, s0, $0xb8;
	[tilespmem:$0x1DA80] =	vst v63  }
0x10b: {  	s13 =	sadd.s32 s5, s13  }
0x10c: {  	[tilespmem:s16], [sflag:$0x6] =	stream.linear.gather [hbm4b:s13+s3], $0x2800, $0x38;
	[tilespmem:$0x1DA80] =	vst v63  }
0x10d: {  	_ =	swait.ge [sflag:s17], $0x2800  }
0x10e: {  	[sflag:s17] =	ssyncset.done $0x0  }
0x10f: {  	[sflag:s17] =	ssyncadd.s32 $0xFFFFD800  }
0x110: {  	_ =	swait.ge [sflag:s18], $0x2800  }
0x111: {  	[sflag:s18] =	ssyncset.done $0x0  }
0x112: {  	s13 =	simm.s32 $0xF0;
	[sflag:s18] =	ssyncadd.s32 $0xFFFFD800  }
0x113: {  	v6 =	vld [tilespmem:s13+$0x18990]  }
0x114: {  	v7 =	vld [tilespmem:s13+$0x189A0]  }
0x115: {  	v8 =	vld [tilespmem:s13+$0x189B0]  }
0x116: {  	v9 =	vld [tilespmem:s13+$0x189C0]  }
0x117: {  	v10 =	vld [tilespmem:s13+$0x189D0]  }
0x118: {  	v11 =	vld [tilespmem:s13+$0x189E0]  }
0x119: {  	v12 =	vld [tilespmem:s13+$0x189F0]  }
0x11a: {  	v13 =	vld [tilespmem:s13+$0x18A00]  }
0x11b: {  	v14 =	vld [tilespmem:s13+$0x18A10]  }
0x11c: {  	v15 =	vld [tilespmem:s13+$0x18A20]  }
0x11d: {  	v5 =	vld [tilespmem:s13+$0x18A30]  }
0x11e: {  	v4 =	vld [tilespmem:s13+$0x18A40]  }
0x11f: {  	v3 =	vld [tilespmem:s13+$0x18A50]  }
0x120: {  	v16 =	vld [tilespmem:s13+$0x13990]  }
0x121: {  	v17 =	vld [tilespmem:s13+$0x139A0]  }
0x122: {  	v2 =	vld [tilespmem:s13+$0x18A60]  }
0x123: {  	v18 =	vld [tilespmem:s13+$0x139B0]  }
0x124: {  	v19 =	vld [tilespmem:s13+$0x139C0]  }
0x125: {  	v1 =	vld [tilespmem:s13+$0x18A70];
	v6 =	vadd.f32 v6, v16  }
0x126: {  	v20 =	vld [tilespmem:s13+$0x139D0];
	v7 =	vadd.f32 v7, v17  }
0x127: {  	v60 =	vld [tilespmem:s13+$0x139E0];
	v6 =	vmax.f32 v6, $0.0e+00  }
0x128: {  	v0 =	vld [tilespmem:s13+$0x18A80];
	v7 =	vmax.f32 v7, $0.0e+00;
	[tilespmem:s13+$0x13990] =	vst v6;
	v6 =	vadd.f32 v8, v18  }
0x129: {  	v21 =	vld [tilespmem:s13+$0x139F0];
	[tilespmem:s13+$0x139A0] =	vst v7;
	v7 =	vadd.f32 v9, v19  }
0x12a: {  	v61 =	vld [tilespmem:s13+$0x13A00];
	v6 =	vmax.f32 v6, $0.0e+00  }
0x12b: {  	v62 =	vld [tilespmem:s13+$0x13A10];
	v8 =	vmax.f32 v7, $0.0e+00;
	[tilespmem:s13+$0x139B0] =	vst v6;
	v6 =	vadd.f32 v10, v20  }
0x12c: {  	v63 =	vld [tilespmem:s13+$0x13A20];
	[tilespmem:s13+$0x139C0] =	vst v8;
	v8 =	vadd.f32 v11, v60  }
0x12d: {  	v7 =	vld [tilespmem:s13+$0x13A30];
	v9 =	vmax.f32 v6, $0.0e+00  }
0x12e: {  	v6 =	vld [tilespmem:s13+$0x13A40];
	v10 =	vmax.f32 v8, $0.0e+00;
	[tilespmem:s13+$0x139D0] =	vst v9;
	v9 =	vadd.f32 v12, v21  }
0x12f: {  	v8 =	vld [tilespmem:s13+$0x13A50];
	[tilespmem:s13+$0x139E0] =	vst v10;
	v10 =	vadd.f32 v13, v61  }
0x130: {  	v12 =	vadd.f32 v14, v62;
	v11 =	vmax.f32 v9, $0.0e+00;
	v9 =	vld [tilespmem:s13+$0x13A60]  }
0x131: {  	s14 =	simm.s32 $0x7C0;
	v13 =	vmax.f32 v10, $0.0e+00;
	v10 =	vld [tilespmem:s13+$0x13A70];
	[tilespmem:s13+$0x139F0] =	vst v11;
	v11 =	vadd.f32 v15, v63  }
.LBB2_7:
0x132: {  	s26 =	sshra.s32 s14, $0x2;
	p1 =	sne.s32 s14, $0x9FC0;
	[tilespmem:s13+$0x13A00] =	vst v13;
	v12 =	vmax.f32 v12, $0.0e+00;
	v5 =	vadd.f32 v5, v7;
	v7 =	vld [tilespmem:s13+$0x13A80]  }
0x133: {  	v13 =	vld [tilespmem:s26+$0x18990];
	[tilespmem:s13+$0x13A10] =	vst v12;
	v11 =	vmax.f32 v11, $0.0e+00;
	v4 =	vadd.f32 v4, v6  }
0x134: {  	v6 =	vld [tilespmem:s26+$0x189A0];
	[tilespmem:s13+$0x13A20] =	vst v11;
	v5 =	vmax.f32 v5, $0.0e+00;
	v3 =	vadd.f32 v3, v8  }
0x135: {  	v8 =	vld [tilespmem:s26+$0x189B0];
	[tilespmem:s13+$0x13A30] =	vst v5;
	v4 =	vmax.f32 v4, $0.0e+00;
	v2 =	vadd.f32 v2, v9  }
0x136: {  	v9 =	vld [tilespmem:s26+$0x189C0];
	[tilespmem:s13+$0x13A40] =	vst v4;
	v3 =	vmax.f32 v3, $0.0e+00;
	v1 =	vadd.f32 v1, v10  }
0x137: {  	v10 =	vld [tilespmem:s26+$0x189D0];
	[tilespmem:s13+$0x13A50] =	vst v3;
	v2 =	vmax.f32 v2, $0.0e+00;
	v0 =	vadd.f32 v0, v7  }
0x138: {  	v7 =	vld [tilespmem:s26+$0x189E0];
	[tilespmem:s13+$0x13A60] =	vst v2;
	v1 =	vmax.f32 v1, $0.0e+00  }
0x139: {  	v11 =	vld [tilespmem:s26+$0x189F0];
	[tilespmem:s13+$0x13A70] =	vst v1;
	v0 =	vmax.f32 v0, $0.0e+00  }
0x13a: {  	v12 =	vld [tilespmem:s26+$0x18A00];
	[tilespmem:s13+$0x13A80] =	vst v0;
	s13 =	smov.u32 s26  }
0x13b: {  	v14 =	vld [tilespmem:s13+$0x18A10]  }
0x13c: {  	v15 =	vld [tilespmem:s13+$0x18A20]  }
0x13d: {  	v5 =	vld [tilespmem:s13+$0x18A30]  }
0x13e: {  	v4 =	vld [tilespmem:s13+$0x18A40]  }
0x13f: {  	v3 =	vld [tilespmem:s13+$0x18A50]  }
0x140: {  	v2 =	vld [tilespmem:s13+$0x18A60]  }
0x141: {  	v1 =	vld [tilespmem:s13+$0x18A70]  }
0x142: {  	v0 =	vld [tilespmem:s13+$0x18A80]  }
0x143: {  	v16 =	vld [tilespmem:s13+$0x13990]  }
0x144: {  	v17 =	vld [tilespmem:s13+$0x139A0]  }
0x145: {  	v18 =	vld [tilespmem:s13+$0x139B0]  }
0x146: {  	v19 =	vld [tilespmem:s13+$0x139C0]  }
0x147: {  	v20 =	vld [tilespmem:s13+$0x139D0]  }
0x148: {  	v13 =	vadd.f32 v13, v16;
	v16 =	vld [tilespmem:s13+$0x139E0]  }
0x149: {  	v6 =	vadd.f32 v6, v17;
	v17 =	vld [tilespmem:s13+$0x139F0]  }
0x14a: {  	v13 =	vmax.f32 v13, $0.0e+00;
	v8 =	vadd.f32 v8, v18;
	v18 =	vld [tilespmem:s13+$0x13A00]  }
0x14b: {  	[tilespmem:s13+$0x13990] =	vst v13;
	v6 =	vmax.f32 v6, $0.0e+00;
	v9 =	vadd.f32 v9, v19;
	v13 =	vld [tilespmem:s13+$0x13A10]  }
0x14c: {  	[tilespmem:s13+$0x139A0] =	vst v6;
	v6 =	vmax.f32 v8, $0.0e+00;
	v8 =	vadd.f32 v10, v20;
	v10 =	vld [tilespmem:s13+$0x13A20]  }
.Ltmp4:
0x14d: {  	[tilespmem:s13+$0x139B0] =	vst v6;
	v6 =	vmax.f32 v9, $0.0e+00;
	v9 =	vadd.f32 v7, v16;
	v7 =	vld [tilespmem:s13+$0x13A30];
	(pc) =	sbr.rel @p1 .LBB2_7-.Ltmp4, $4  }
0x14e: {  	[tilespmem:s13+$0x139C0] =	vst v6;
	v8 =	vmax.f32 v8, $0.0e+00;
	v11 =	vadd.f32 v11, v17;
	v6 =	vld [tilespmem:s13+$0x13A40]  }
0x14f: {  	[tilespmem:s13+$0x139D0] =	vst v8;
	v9 =	vmax.f32 v9, $0.0e+00;
	v16 =	vadd.f32 v12, v18;
	v8 =	vld [tilespmem:s13+$0x13A50]  }
0x150: {  	[tilespmem:s13+$0x139E0] =	vst v9;
	v11 =	vmax.f32 v11, $0.0e+00;
	v12 =	vadd.f32 v14, v13;
	v9 =	vld [tilespmem:s13+$0x13A60]  }
0x151: {  	s14 =	sadd.s32 $0x400, s14;
	[tilespmem:s13+$0x139F0] =	vst v11;
	v13 =	vmax.f32 v16, $0.0e+00;
	v11 =	vadd.f32 v15, v10;
	v10 =	vld [tilespmem:s13+$0x13A70]  }
0x152: {  	[tilespmem:s13+$0x13A00] =	vst v13;
	v12 =	vmax.f32 v12, $0.0e+00;
	v5 =	vadd.f32 v5, v7;
	v7 =	vld [tilespmem:s13+$0x13A80]  }
0x153: {  	[tilespmem:s13+$0x13A10] =	vst v12;
	v11 =	vmax.f32 v11, $0.0e+00;
	v4 =	vadd.f32 v4, v6  }
0x154: {  	[tilespmem:s13+$0x13A20] =	vst v11;
	v5 =	vmax.f32 v5, $0.0e+00;
	v3 =	vadd.f32 v3, v8  }
0x155: {  	[tilespmem:s13+$0x13A30] =	vst v5;
	v4 =	vmax.f32 v4, $0.0e+00;
	v2 =	vadd.f32 v2, v9  }
0x156: {  	[tilespmem:s13+$0x13A40] =	vst v4;
	v3 =	vmax.f32 v3, $0.0e+00;
	v1 =	vadd.f32 v1, v10  }
0x157: {  	[tilespmem:s13+$0x13A50] =	vst v3;
	v2 =	vmax.f32 v2, $0.0e+00;
	v0 =	vadd.f32 v0, v7  }
0x158: {  	[tilespmem:s13+$0x13A60] =	vst v2;
	v1 =	vmax.f32 v1, $0.0e+00  }
0x159: {  	p1 =	seq.s32 s24, $0x7C;
	[tilespmem:s13+$0x13A70] =	vst v1;
	v0 =	vmax.f32 v0, $0.0e+00  }
0x15a: {  	s22 =	simm.s32 @!p1 $0x0;
	[tilespmem:s13+$0x13A80] =	vst v0;
	s13 =	sadd.s32 @!p1 $0xA0, s25  }
0x15b: {  	[spmem:s2] =	stream.indirect.scatter.add.f32 [tilespmem:s1], [sflag:$0x7], $0x80, s28, s0, $0xb8;
	[tilespmem:$0x1DA80] =	vst v63  }
0x15c: {  	s23 =	simm.s32 @!p1 $0x13880;
	s14 =	sadd.s32 @!p1 s9, s13;
	_ =	swait.ge [sflag:s19], $0x2800  }
0x15d: {  	s13 =	sadd.s32 @!p1 s8, s13;
	s26 =	sshrl.u32 @!p1 s14, $0x3;
	[sflag:s19] =	ssyncset.done $0x0  }
0x15e: {  	s13 =	sshrl.u32 @!p1 s13, $0x3;
	s26 =	sadd.s32 @!p1 s6, s26;
	[sflag:s19] =	ssyncadd.s32 $0xFFFFD800  }
0x15f: {  	[tilespmem:s23], [sflag:$0x1] =	stream.linear.gather @!p1 [hbm4b:s26+s22], $0x50, $0x38;
	[tilespmem:$0x1DA80] =	vst v63  }
0x160: {  	s13 =	sadd.s32 @!p1 s7, s13;
	s26 =	simm.s32 @!p1 $0x13980  }
0x161: {  	[tilespmem:s26], [sflag:$0x1] =	stream.linear.gather @!p1 [hbm4b:s13+s22], $0x50, $0x38;
	[tilespmem:$0x1DA80] =	vst v63  }
0x162: {  	s13 =	simm.s32 @!p1 $0x1  }
0x163: {  	_ =	swait.ge @!p1 [sflag:s13], $0x50  }
0x164: {  	[sflag:s13] =	ssyncset.done @!p1 $0x0  }
0x165: {  	[sflag:s13] =	ssyncadd.s32 @!p1 $0xFFFFFFB0  }
0x166: {  	_ =	swait.ge @!p1 [sflag:s13], $0x50  }
0x167: {  	[sflag:s13] =	ssyncset.done @!p1 $0x0  }
0x168: {  	s26 =	simm.s32 @!p1 $0x13A80;
	[sflag:s13] =	ssyncadd.s32 @!p1 $0xFFFFFFB0;
	s13 =	simm.s32 @!p1 $0x50  }
0x169: {  	[tilespmem:s26], [sflag:$0x3] =	stream.indirect.gather @!p1 [hbm4b:s4+s13], $0x80, s23, s13, $0xb8;
	[tilespmem:$0x1DA80] =	vst v63  }
0x16a: {  	s13 =	sshll.u32 @!p1 s14, $0x4  }
0x16b: {  	s14 =	simm.s32 @!p1 $0x18A80;
	s13 =	sadd.s32 @!p1 s5, s13  }
0x16c: {  	[tilespmem:s14], [sflag:$0x5] =	stream.linear.gather @!p1 [hbm4b:s13+s22], $0x2800, $0x38;
	[tilespmem:$0x1DA80] =	vst v63  }
0x16d: {  	_ =	swait.ge [sflag:s10], $0x2800  }
0x16e: {  	[sflag:s10] =	ssyncset.done $0x0  }
0x16f: {  	[sflag:s10] =	ssyncadd.s32 $0xFFFFD800  }
0x170: {  	_ =	swait.ge [sflag:s20], $0x2800  }
0x171: {  	[sflag:s20] =	ssyncset.done $0x0  }
0x172: {  	s13 =	simm.s32 $0xF0;
	[sflag:s20] =	ssyncadd.s32 $0xFFFFD800  }
0x173: {  	v6 =	vld [tilespmem:s13+$0x1B190]  }
0x174: {  	v7 =	vld [tilespmem:s13+$0x1B1A0]  }
0x175: {  	v8 =	vld [tilespmem:s13+$0x1B1B0]  }
0x176: {  	v9 =	vld [tilespmem:s13+$0x1B1C0]  }
0x177: {  	v10 =	vld [tilespmem:s13+$0x1B1D0]  }
0x178: {  	v11 =	vld [tilespmem:s13+$0x1B1E0]  }
0x179: {  	v12 =	vld [tilespmem:s13+$0x1B1F0]  }
0x17a: {  	v13 =	vld [tilespmem:s13+$0x1B200]  }
0x17b: {  	v14 =	vld [tilespmem:s13+$0x1B210]  }
0x17c: {  	v15 =	vld [tilespmem:s13+$0x1B220]  }
0x17d: {  	v5 =	vld [tilespmem:s13+$0x1B230]  }
0x17e: {  	v4 =	vld [tilespmem:s13+$0x1B240]  }
0x17f: {  	v3 =	vld [tilespmem:s13+$0x1B250]  }
0x180: {  	v16 =	vld [tilespmem:s13+$0x16190]  }
0x181: {  	v17 =	vld [tilespmem:s13+$0x161A0]  }
0x182: {  	v2 =	vld [tilespmem:s13+$0x1B260]  }
0x183: {  	v18 =	vld [tilespmem:s13+$0x161B0]  }
0x184: {  	v19 =	vld [tilespmem:s13+$0x161C0]  }
0x185: {  	v1 =	vld [tilespmem:s13+$0x1B270];
	v6 =	vadd.f32 v6, v16  }
0x186: {  	v20 =	vld [tilespmem:s13+$0x161D0];
	v7 =	vadd.f32 v7, v17  }
0x187: {  	v60 =	vld [tilespmem:s13+$0x161E0];
	v6 =	vmax.f32 v6, $0.0e+00  }
0x188: {  	v0 =	vld [tilespmem:s13+$0x1B280];
	v7 =	vmax.f32 v7, $0.0e+00;
	[tilespmem:s13+$0x16190] =	vst v6;
	v6 =	vadd.f32 v8, v18  }
0x189: {  	v21 =	vld [tilespmem:s13+$0x161F0];
	[tilespmem:s13+$0x161A0] =	vst v7;
	v7 =	vadd.f32 v9, v19  }
0x18a: {  	v61 =	vld [tilespmem:s13+$0x16200];
	v6 =	vmax.f32 v6, $0.0e+00  }
0x18b: {  	v62 =	vld [tilespmem:s13+$0x16210];
	v8 =	vmax.f32 v7, $0.0e+00;
	[tilespmem:s13+$0x161B0] =	vst v6;
	v6 =	vadd.f32 v10, v20  }
0x18c: {  	v63 =	vld [tilespmem:s13+$0x16220];
	[tilespmem:s13+$0x161C0] =	vst v8;
	v8 =	vadd.f32 v11, v60  }
0x18d: {  	v7 =	vld [tilespmem:s13+$0x16230];
	v9 =	vmax.f32 v6, $0.0e+00  }
0x18e: {  	v6 =	vld [tilespmem:s13+$0x16240];
	v10 =	vmax.f32 v8, $0.0e+00;
	[tilespmem:s13+$0x161D0] =	vst v9;
	v9 =	vadd.f32 v12, v21  }
0x18f: {  	v8 =	vld [tilespmem:s13+$0x16250];
	[tilespmem:s13+$0x161E0] =	vst v10;
	v10 =	vadd.f32 v13, v61  }
0x190: {  	v12 =	vadd.f32 v14, v62;
	v11 =	vmax.f32 v9, $0.0e+00;
	v9 =	vld [tilespmem:s13+$0x16260]  }
0x191: {  	s14 =	simm.s32 $0x7C0;
	v13 =	vmax.f32 v10, $0.0e+00;
	v10 =	vld [tilespmem:s13+$0x16270];
	[tilespmem:s13+$0x161F0] =	vst v11;
	v11 =	vadd.f32 v15, v63  }
.LBB2_9:
0x192: {  	s22 =	sshra.s32 s14, $0x2;
	p2 =	sne.s32 s14, $0x9FC0;
	[tilespmem:s13+$0x16200] =	vst v13;
	v12 =	vmax.f32 v12, $0.0e+00;
	v5 =	vadd.f32 v5, v7;
	v7 =	vld [tilespmem:s13+$0x16280]  }
0x193: {  	v13 =	vld [tilespmem:s22+$0x1B190];
	[tilespmem:s13+$0x16210] =	vst v12;
	v11 =	vmax.f32 v11, $0.0e+00;
	v4 =	vadd.f32 v4, v6  }
0x194: {  	v6 =	vld [tilespmem:s22+$0x1B1A0];
	[tilespmem:s13+$0x16220] =	vst v11;
	v5 =	vmax.f32 v5, $0.0e+00;
	v3 =	vadd.f32 v3, v8  }
0x195: {  	v8 =	vld [tilespmem:s22+$0x1B1B0];
	[tilespmem:s13+$0x16230] =	vst v5;
	v4 =	vmax.f32 v4, $0.0e+00;
	v2 =	vadd.f32 v2, v9  }
0x196: {  	v9 =	vld [tilespmem:s22+$0x1B1C0];
	[tilespmem:s13+$0x16240] =	vst v4;
	v3 =	vmax.f32 v3, $0.0e+00;
	v1 =	vadd.f32 v1, v10  }
0x197: {  	v10 =	vld [tilespmem:s22+$0x1B1D0];
	[tilespmem:s13+$0x16250] =	vst v3;
	v2 =	vmax.f32 v2, $0.0e+00;
	v0 =	vadd.f32 v0, v7  }
0x198: {  	v7 =	vld [tilespmem:s22+$0x1B1E0];
	[tilespmem:s13+$0x16260] =	vst v2;
	v1 =	vmax.f32 v1, $0.0e+00  }
0x199: {  	v11 =	vld [tilespmem:s22+$0x1B1F0];
	[tilespmem:s13+$0x16270] =	vst v1;
	v0 =	vmax.f32 v0, $0.0e+00  }
0x19a: {  	v12 =	vld [tilespmem:s22+$0x1B200];
	[tilespmem:s13+$0x16280] =	vst v0;
	s13 =	smov.u32 s22  }
0x19b: {  	v14 =	vld [tilespmem:s13+$0x1B210]  }
0x19c: {  	v15 =	vld [tilespmem:s13+$0x1B220]  }
0x19d: {  	v5 =	vld [tilespmem:s13+$0x1B230]  }
0x19e: {  	v4 =	vld [tilespmem:s13+$0x1B240]  }
0x19f: {  	v3 =	vld [tilespmem:s13+$0x1B250]  }
0x1a0: {  	v2 =	vld [tilespmem:s13+$0x1B260]  }
0x1a1: {  	v1 =	vld [tilespmem:s13+$0x1B270]  }
0x1a2: {  	v0 =	vld [tilespmem:s13+$0x1B280]  }
0x1a3: {  	v16 =	vld [tilespmem:s13+$0x16190]  }
0x1a4: {  	v17 =	vld [tilespmem:s13+$0x161A0]  }
0x1a5: {  	v18 =	vld [tilespmem:s13+$0x161B0]  }
0x1a6: {  	v19 =	vld [tilespmem:s13+$0x161C0]  }
0x1a7: {  	v20 =	vld [tilespmem:s13+$0x161D0]  }
0x1a8: {  	v13 =	vadd.f32 v13, v16;
	v16 =	vld [tilespmem:s13+$0x161E0]  }
0x1a9: {  	v6 =	vadd.f32 v6, v17;
	v17 =	vld [tilespmem:s13+$0x161F0]  }
0x1aa: {  	v13 =	vmax.f32 v13, $0.0e+00;
	v8 =	vadd.f32 v8, v18;
	v18 =	vld [tilespmem:s13+$0x16200]  }
0x1ab: {  	[tilespmem:s13+$0x16190] =	vst v13;
	v6 =	vmax.f32 v6, $0.0e+00;
	v9 =	vadd.f32 v9, v19;
	v13 =	vld [tilespmem:s13+$0x16210]  }
0x1ac: {  	[tilespmem:s13+$0x161A0] =	vst v6;
	v6 =	vmax.f32 v8, $0.0e+00;
	v8 =	vadd.f32 v10, v20;
	v10 =	vld [tilespmem:s13+$0x16220]  }
.Ltmp5:
0x1ad: {  	[tilespmem:s13+$0x161B0] =	vst v6;
	v6 =	vmax.f32 v9, $0.0e+00;
	v9 =	vadd.f32 v7, v16;
	v7 =	vld [tilespmem:s13+$0x16230];
	(pc) =	sbr.rel @p2 .LBB2_9-.Ltmp5, $4  }
0x1ae: {  	[tilespmem:s13+$0x161C0] =	vst v6;
	v8 =	vmax.f32 v8, $0.0e+00;
	v11 =	vadd.f32 v11, v17;
	v6 =	vld [tilespmem:s13+$0x16240]  }
0x1af: {  	[tilespmem:s13+$0x161D0] =	vst v8;
	v9 =	vmax.f32 v9, $0.0e+00;
	v16 =	vadd.f32 v12, v18;
	v8 =	vld [tilespmem:s13+$0x16250]  }
0x1b0: {  	[tilespmem:s13+$0x161E0] =	vst v9;
	v11 =	vmax.f32 v11, $0.0e+00;
	v12 =	vadd.f32 v14, v13;
	v9 =	vld [tilespmem:s13+$0x16260]  }
0x1b1: {  	s14 =	sadd.s32 $0x400, s14;
	[tilespmem:s13+$0x161F0] =	vst v11;
	v13 =	vmax.f32 v16, $0.0e+00;
	v11 =	vadd.f32 v15, v10;
	v10 =	vld [tilespmem:s13+$0x16270]  }
0x1b2: {  	[tilespmem:s13+$0x16200] =	vst v13;
	v12 =	vmax.f32 v12, $0.0e+00;
	v5 =	vadd.f32 v5, v7;
	v63 =	vld [tilespmem:s13+$0x16280]  }
0x1b3: {  	[tilespmem:s13+$0x16210] =	vst v12;
	v11 =	vmax.f32 v11, $0.0e+00;
	v4 =	vadd.f32 v4, v6  }
0x1b4: {  	[tilespmem:s13+$0x16220] =	vst v11;
	v5 =	vmax.f32 v5, $0.0e+00;
	v3 =	vadd.f32 v3, v8  }
0x1b5: {  	[tilespmem:s13+$0x16230] =	vst v5;
	v4 =	vmax.f32 v4, $0.0e+00;
	v2 =	vadd.f32 v2, v9  }
0x1b6: {  	[tilespmem:s13+$0x16240] =	vst v4;
	v3 =	vmax.f32 v3, $0.0e+00;
	v1 =	vadd.f32 v1, v10  }
0x1b7: {  	[tilespmem:s13+$0x16250] =	vst v3;
	v2 =	vmax.f32 v2, $0.0e+00;
	v0 =	vadd.f32 v0, v63  }
0x1b8: {  	[tilespmem:s13+$0x16260] =	vst v2;
	v1 =	vmax.f32 v1, $0.0e+00  }
0x1b9: {  	[tilespmem:s13+$0x16270] =	vst v1;
	v0 =	vmax.f32 v0, $0.0e+00  }
.Ltmp6:
0x1ba: {  	[tilespmem:s13+$0x16280] =	vst v0;
	(pc) =	sbr.rel @p1 .LBB2_12-.Ltmp6, $4  }
0x1bb: {  	[spmem:s2] =	stream.indirect.scatter.add.f32 [tilespmem:s15], [sflag:$0x7], $0x80, s30, s0, $0xb8;
	[tilespmem:$0x1DA80] =	vst v63  }
0x1bc: {  	_ =	swait.ge [sflag:s19], $0x2800  }
0x1bd: {  	[sflag:s19] =	ssyncset.done $0x0  }
0x1be: {  	[sflag:s19] =	ssyncadd.s32 $0xFFFFD800  }
0x1bf: {  	s13 =	sadd.s32 $0xF0, s25  }
0x1c0: {  	s14 =	sadd.s32 s9, s13  }
.Ltmp7:
0x1c1: {  	s13 =	sadd.s32 s8, s13;
	s14 =	sshrl.u32 s14, $0x3;
	(pc) =	sbr.rel .LBB2_6-.Ltmp7, $4  }
0x1c2: {  	s13 =	sshrl.u32 s13, $0x3;
	s14 =	sadd.s32 s6, s14  }
0x1c3: {  	[tilespmem:s29], [sflag:$0x2] =	stream.linear.gather [hbm4b:s14+s3], $0x50, $0x38;
	[tilespmem:$0x1DA80] =	vst v63  }
0x1c4: {  	s24 =	sadd.s32 $0x1, s24;
	s13 =	sadd.s32 s7, s13  }
0x1c5: {  	[tilespmem:s30], [sflag:$0x2] =	stream.linear.gather [hbm4b:s13+s3], $0x50, $0x38;
	[tilespmem:$0x1DA80] =	vst v63  }
.LBB2_13:
0x1c6: {  	_ =	sfence.sel $0x180000  }
0x1c7: {  	[bflag:$0x0] =	sbarrier.arrive $0xFFFF  }
0x1c8: {  	_ =	strace $0x9000004A  }
0x1c9: {  	s0 =	stileid.u32;
	[bflag:$0x2] =	sbarrier.arrive $0xFFFF  }
0x1ca: {  	p0 =	sne.s32 s0, $0x0;
	s0 =	rddreg [dreg:$0x2]  }
0x1cb: {  	s0 =	sadd.s32 @!p0 $0x100000, s0  }
0x1cc: {  	[sflag:s0] =	ssyncadd.tile.s32 @!p0 $0x1;
	_ =	shalt  }
.Lfunc_end2:
_tile_overlayer_lowered:
.L_overlay_start_2:
0x1cd: {  	(tag) =	ssettag $0x2  }
0x1ce: {  	s0 =	rddreg [dreg:$0x0];
	s2 =	stileid.u32  }
0x1cf: {  	s1 =	rddreg [dreg:$0x1];
	p0 =	sne.s32 s2, $0x0  }
0x1d0: {  	s3 =	rddreg [dreg:$0x2];
	[bflag:$0x3] =	sbarrier.arrive $0xFFFF;
	s2 =	simm.s32 @!p0 $0x1C07  }
0x1d1: {  	[timem:s3], [sflag:s2] =	dma.local @!p0 [hbm:s0], s1  }
0x1d2: {  	s0 =	simm.s32 @!p0 $0x7  }
0x1d3: {  	_ =	swait.ge @!p0 [sflag:s0], s1  }
0x1d4: {  	s1 =	ssub.s32 @!p0 $0x0, s1;
	[sflag:s0] =	ssyncset.done @!p0 $0x0  }
0x1d5: {  	[sflag:s0] =	ssyncadd.s32 @!p0 s1  }
0x1d6: {  	[bflag:$0x3] =	sbarrier.arrive $0xFFFF  }
0x1d7: {  	_ =	shalt  }

// kernel: kernel.8.cloned.1.call-start
scs
__scs_entry_jumppad:
0x0: {  	(pc) =	sbr.rel $0x88, $3  }
0x1: {  	(tag) =	ssettag $0x0;
	lr =	simm.s32 $0x1  }
0x2: {  	[smem:$0x3F86] =	sst lr;
	_ =	strace $0xD0000000  }
0x3: {  	_ = 	snop  }
0x4: {  	_ = 	snop  }
0x5: {  	_ = 	snop  }
0x6: {  	_ = 	snop  }
0x7: {  	_ = 	snop  }
__scs_overlays_trampoline_lowered:
0x8: {  	[smem:$0x3F95] =	sst s0  }
0x9: {  	[smem:$0x3F96] =	sst s1  }
0xa: {  	[smem:$0x3F97] =	sst s2  }
0xb: {  	[smem:$0x3F98] =	sst s3  }
0xc: {  	[smem:$0x3F99] =	sst s4  }
0xd: {  	[smem:$0x3F9A] =	sst s5  }
0xe: {  	[smem:$0x3F9B] =	sst s6  }
0xf: {  	[smem:$0x3F9C] =	sst s7  }
0x10: {  	[smem:$0x3F9D] =	sst s8  }
0x11: {  	[smem:$0x3F9E] =	sst s9;
	s0 =	simm.s32 @!p0 $0x0  }
0x12: {  	s1 =	sld [smem:$0x3F84];
	s0 =	simm.s32 @p0 $0x1  }
0x13: {  	[smem:$0x3F9F] =	sst s0;
	s0 =	simm.s32 @!p1 $0x0  }
0x14: {  	s2 =	sld [smem:$0x3F83];
	s0 =	simm.s32 @p1 $0x1  }
0x15: {  	[smem:$0x3FA0] =	sst s0;
	s0 =	simm.s32 @!p2 $0x0  }
0x16: {  	s3 =	sld [smem:$0x3FDB];
	s0 =	simm.s32 @p2 $0x1  }
0x17: {  	s4 =	simm.s32 $0x1BF5;
	[smem:$0x3FA2] =	sst s0  }
0x18: {  	s0 =	sld [smem:$0x3F85];
	_ =	swait.ge [sflag:s4], $0x0  }
0x19: {  	s7 =	sld [smem:$0x3F86]  }
0x1a: {  	s8 =	sadd.s32 $0xFFFFE003, lr  }
0x1b: {  	s9 =	sadd.s32 $0xFFFFFEF7, lr;
	s5 =	simm.s32 $0xFFFFFFFF;
	p2 =	slt.u32 s8, $0xFFFFF086  }
0x1c: {  	p1 =	slt.u32 s9, $0xF7A;
	s5 =	simm.s32 @!p2 $0x0  }
0x1d: {  	s5 =	simm.s32 @p1 $0x1;
	p0 =	seq.s32 s7, s2  }
0x1e: {  	s7 =	smul.u32 @!p0 $0xF7A, s2;
	p2 =	seq.s32 @!p0 s5, $0x0  }
0x1f: {  	s9 =	smul.u32 $0xF7A, s1;
	s8 =	simm.s32 @!p0 $0x1BF5;
	p2 =	por !p2, p0  }
0x20: {  	[sflag:s8] =	ssyncset.s32 @!p0 $0xFFFFF086;
	s6 =	sadd.s32 @!p0 s3, s7;
	s7 =	simm.s32 @!p0 $0x108  }
0x21: {  	s3 =	sadd.s32 s3, s9;
	s6 =	sadd.s32 @!p0 $0x88, s6;
	s7 =	simm.s32 @p2 $0x1082  }
0x22: {  	[simem:s7], [sflag:s8] =	dma.local @!p0 [hbm:s6], $0xF7A  }
0x23: {  	s9 =	sor.u32 $0xD0000000, s2;
	s6 =	simm.s32 $0x108;
	_ =	swait.ge @!p0 [sflag:s8], $0x0  }
0x24: {  	s3 =	sadd.s32 $0x88, s3;
	s6 =	simm.s32 @!p1 $0x1082;
	[sflag:s4] =	ssyncset.s32 $0xFFFFF086  }
0x25: {  	[simem:s6], [sflag:s4] =	dma.local [hbm:s3], $0xF7A  }
0x26: {  	[smem:$0x3F86] =	sst s1;
	(tag) =	ssettag s2;
	_ =	strace s9  }
0x27: {  	s1 =	sld [smem:$0x3F96]  }
0x28: {  	s2 =	sld [smem:$0x3F97]  }
0x29: {  	s4 =	sld [smem:$0x3F99]  }
0x2a: {  	p0 =	seq.s32 s5, $0x0;
	s5 =	sld [smem:$0x3F9A]  }
0x2b: {  	s6 =	sld [smem:$0x3F9B]  }
0x2c: {  	s7 =	sld [smem:$0x3F9C]  }
0x2d: {  	s3 =	simm.s32 $0x108;
	s8 =	sld [smem:$0x3F9D]  }
0x2e: {  	s3 =	simm.s32 @!p0 $0x1082;
	s9 =	sld [smem:$0x3F9E]  }
0x2f: {  	lr =	sadd.s32 s0, s3;
	s0 =	sld [smem:$0x3F95]  }
0x30: {  	s3 =	sld [smem:$0x3F98]  }
0x31: {  	[smem:$0x3FA1] =	sst s10  }
0x32: {  	s10 =	sld [smem:$0x3F9F];
	_ =	sdelay $0x3  }
0x33: {  	p0 =	seq.s32 s10, $0x1;
	s10 =	sld [smem:$0x3FA1];
	_ =	sdelay $0x3  }
0x34: {  	[smem:$0x3FA1] =	sst s10  }
0x35: {  	s10 =	sld [smem:$0x3FA0];
	_ =	sdelay $0x3  }
0x36: {  	p1 =	seq.s32 s10, $0x1;
	s10 =	sld [smem:$0x3FA1];
	_ =	sdelay $0x3  }
0x37: {  	[smem:$0x3FA1] =	sst s10  }
0x38: {  	s10 =	sld [smem:$0x3FA2]  }
0x39: {  	_ = 	snop;
	(pc) =	sbr.ind lr, $3  }
0x3a: {  	_ = 	snop  }
0x3b: {  	_ = 	snop  }
0x3c: {  	p2 =	seq.s32 s10, $0x1;
	s10 =	sld [smem:$0x3FA1]  }
0x3d: {  	_ =	shalt  }
0x3e: {  	_ =	shalt  }
0x3f: {  	_ =	shalt  }
0x40: {  	_ =	shalt  }
0x41: {  	_ =	shalt  }
0x42: {  	_ =	shalt  }
0x43: {  	_ =	shalt  }
0x44: {  	_ =	shalt  }
0x45: {  	_ =	shalt  }
0x46: {  	_ =	shalt  }
0x47: {  	_ =	shalt  }
0x48: {  	_ =	shalt  }
0x49: {  	_ =	shalt  }
0x4a: {  	_ =	shalt  }
0x4b: {  	_ =	shalt  }
0x4c: {  	_ =	shalt  }
0x4d: {  	_ =	shalt  }
0x4e: {  	_ =	shalt  }
0x4f: {  	_ =	shalt  }
0x50: {  	_ =	shalt  }
0x51: {  	_ =	shalt  }
0x52: {  	_ =	shalt  }
0x53: {  	_ =	shalt  }
0x54: {  	_ =	shalt  }
0x55: {  	_ =	shalt  }
0x56: {  	_ =	shalt  }
0x57: {  	_ =	shalt  }
0x58: {  	_ =	shalt  }
0x59: {  	_ =	shalt  }
0x5a: {  	_ =	shalt  }
0x5b: {  	_ =	shalt  }
0x5c: {  	_ =	shalt  }
0x5d: {  	_ =	shalt  }
0x5e: {  	_ =	shalt  }
0x5f: {  	_ =	shalt  }
0x60: {  	_ =	shalt  }
0x61: {  	_ =	shalt  }
0x62: {  	_ =	shalt  }
0x63: {  	_ =	shalt  }
0x64: {  	_ =	shalt  }
0x65: {  	_ =	shalt  }
0x66: {  	_ =	shalt  }
0x67: {  	_ =	shalt  }
0x68: {  	_ =	shalt  }
0x69: {  	_ =	shalt  }
0x6a: {  	_ =	shalt  }
0x6b: {  	_ =	shalt  }
0x6c: {  	_ =	shalt  }
0x6d: {  	_ =	shalt  }
0x6e: {  	_ =	shalt  }
0x6f: {  	_ =	shalt  }
0x70: {  	_ =	shalt  }
0x71: {  	_ =	shalt  }
0x72: {  	_ =	shalt  }
0x73: {  	_ =	shalt  }
0x74: {  	_ =	shalt  }
0x75: {  	_ =	shalt  }
0x76: {  	_ =	shalt  }
0x77: {  	_ =	shalt  }
0x78: {  	_ =	shalt  }
0x79: {  	_ =	shalt  }
0x7a: {  	_ =	shalt  }
0x7b: {  	_ =	shalt  }
0x7c: {  	_ =	shalt  }
0x7d: {  	_ =	shalt  }
0x7e: {  	_ =	shalt  }
0x7f: {  	_ =	shalt  }
0x80: {  	_ =	shalt  }
0x81: {  	_ =	shalt  }
0x82: {  	_ =	shalt  }
0x83: {  	_ =	shalt  }
0x84: {  	_ =	shalt  }
0x85: {  	_ =	shalt  }
0x86: {  	_ =	shalt  }
0x87: {  	_ =	shalt  }
.Lfunc_end0:
.L_simem_size_0:
called_computation_lowered:
.L_overlay_start_0:
0x88: {  	s2 =	sld [smem:$0x3FD9]  }
0x89: {  	s3 =	sld [smem:$0x3FFE];
	_ =	sdelay $0x1  }
0x8a: {  	s1 =	srdreg.scid  }
0x8b: {  	s0 =	sand.u32 $0x1, s1  }
0x8c: {  	s17 =	sshll.u32 s0, $0xA;
	s2 =	sadd.s32 s3, s2  }
0x8d: {  	s2 =	sadd.s32 s2, s17  }
0x8e: {  	[smem:$0x3FAD] =	sst s2  }
0x8f: {  	_ = 	snop  }
0x90: {  	s2 =	sld [smem:$0x3FC9];
	(tm) =	ssettm $0x1  }
0x91: {  	s18 =	sld [smem:$0x3FFB];
	_ =	sdelay $0x3  }
0x92: {  	_ =	strace s18  }
0x93: {  	s3 =	sld [smem:$0x3FFC];
	_ =	sdelay $0x3  }
0x94: {  	_ =	strace s3  }
0x95: {  	s3 =	sld [smem:$0x3FFD];
	_ =	sdelay $0x3  }
0x96: {  	_ =	strace s3  }
0x97: {  	_ =	strace $0x8FFFFFFF  }
0x98: {  	s19 =	sld [smem:$0x3FDB];
	_ =	sdelay $0x1  }
0x99: {  	s4 =	simm.s32 $_scs_section_size  }
0x9a: {  	s5 =	simm.s32 $_size__tile_overlayer_lowered;
	s6 =	simm.s32 $_tile_overlayer_lowered  }
0x9b: {  	s22 =	simm.s32 $0x1BFF;
	s21 =	sshll.u32 s6, $0x1;
	s3 =	sadd.s32 s4, s19  }
0x9c: {  	s7 =	simm.s32 $0x0;
	s20 =	sshll.u32 s5, $0x1;
	s5 =	sadd.s32 s21, s3  }
0x9d: {  	[timem:s7], [sflag:s22] =	dma.local [hbm:s5], s20  }
0x9e: {  	_ =	swait.ge [sflag:s22], s20  }
0x9f: {  	s4 =	ssub.s32 $0x0, s20;
	[sflag:s22] =	ssyncset.done $0x0  }
0xa0: {  	[sflag:s22] =	ssyncadd.s32 s4;
	_ =	sdelay $0x1  }
0xa1: {  	s23 =	simm.s32 $0x1B8B  }
0xa2: {  	_ =	swait.ge [sflag:s23], $0x1  }
0xa3: {  	[sflag:s23] =	ssyncset.done $0x0  }
0xa4: {  	s25 =	simm.s32 $0x1B8E;
	s24 =	sld [smem:$0x3FFE];
	[sflag:s23] =	ssyncadd.s32 $0xFFFFFFFF  }
0xa5: {  	s26 =	simm.s32 $execute0_lowered;
	[smem:$0x3FD2] =	sst s25  }
0xa6: {  	s5 =	sshll.u32 s26, $0x1;
	_ =	strace $0x80000046;
	[dreg:$0x1] =	wrdreg $0xFFFFFFFF  }
0xa7: {  	s28 =	simm.s32 $_size_execute0_lowered;
	s3 =	sadd.s32 s3, s5;
	[dreg:$0x0] =	wrdreg $0x0  }
0xa8: {  	s5 =	sshll.u32 s28, $0x1;
	[dreg:$0x2] =	wrdreg s3  }
0xa9: {  	[dreg:$0x3] =	wrdreg s5  }
0xaa: {  	[dreg:$0x4] =	wrdreg $0xC0  }
0xab: {  	_ =	task [dreg:s7], $0x5FFFF  }
0xac: {  	[dreg:$0x1] =	wrdreg $0xFFFFFFFF  }
0xad: {  	[dreg:$0x0] =	wrdreg $0x60  }
0xae: {  	[dreg:$0x2] =	wrdreg s2  }
0xaf: {  	[dreg:$0x3] =	wrdreg s24  }
0xb0: {  	[dreg:$0x4] =	wrdreg $0x0  }
0xb1: {  	[dreg:$0x5] =	wrdreg $0x9  }
0xb2: {  	_ =	task.clear_ibuf [dreg:s7], $0x6FFFF;
	_ =	strace $0x90000046  }
0xb3: {  	s29 =	simm.s32 $0x9;
	_ =	strace $0x80000048  }
0xb4: {  	_ =	swait.ge [sflag:s29], $0x1  }
0xb5: {  	[sflag:s29] =	ssyncadd.s32 $0xFFFFFFFF  }
0xb6: {  	_ =	strace $0x90000048  }
0xb7: {  	_ =	sfence  }
0xb8: {  	s30 =	sld [smem:$0x0];
	_ =	sdelay $0x2  }
0xb9: {  	s31 =	sshll.u32 s1, $0xD;
	s1 =	sshrl.u32 s1, $0x2  }
0xba: {  	s3 =	sand.u32 $0x4000, s31;
	s1 =	sadd.s32 s1, s30  }
0xbb: {  	s0 =	sor.u32 s3, s0;
	s1 =	sshll.u32 s1, $0x11  }
0xbc: {  	s0 =	sor.u32 s1, s0  }
0xbd: {  	s0 =	sadd.s32 $0x8F2B, s0  }
0xbe: {  	[sflag:s0] =	ssyncadd.remote.s32 $0x1  }
0xbf: {  	_ =	sfence.sel $0xFFFF  }
0xc0: {  	[dreg:$0x0] =	wrdreg $0xFFFFFFFF;
	(pc) =	sbr.abs _section_cstart, $3  }
0xc1: {  	[dreg:$0x1] =	wrdreg $0xFFFFFFFF  }
0xc2: {  	_ =	task.clear_ibuf [dreg:s7], $0x2FFFF;
	_ =	strace $0x9FFFFFFF  }
0xc3: {  	(tm) =	ssettm $0x7FFFFFFF  }
tec
execute0_lowered:
.L_overlay_start_1:
0x0: {  	(tag) =	ssettag $0x1  }
0x1: {  	s1 =	rddreg [dreg:$0x0]  }
0x2: {  	s0 =	rddreg [dreg:$0x1]  }
0x3: {  	s2 =	rddreg [dreg:$0x2];
	s4 =	simm.s32 $0x0;
	s14 =	stileid.u32  }
0x4: {  	s3 =	srdreg.scid;
	s28 =	simm.s32 $0x13980;
	s29 =	simm.s32 $0x13900  }
0x5: {  	s30 =	simm.s32 $0x13A00;
	s31 =	simm.s32 $0x1;
	[smem:$0x7FF] =	sst s4  }
0x6: {  	s5 =	sadd.s32 $0x4E5400, s0;
	s8 =	smul.u32 $0x3E80, s14;
	s3 =	sand.u32 $0x1, s3  }
0x7: {  	s6 =	sadd.s32 $0x4F9000, s0;
	s7 =	sadd.s32 $0x4EF200, s0;
	s11 =	smul.u32 $0x7D000, s14  }
0x8: {  	p0 =	sgt.u32 s14, $0x9;
	_ =	strace $0x80000047;
	s9 =	smul.u32 $0x27100, s3  }
0x9: {  	s12 =	sshll.u32 s3, $0x4;
	s3 =	ssub.s32 $0x2, s3;
	s10 =	sadd.s32 s8, s0  }
0xa: {  	s21 =	sor.u32 s14, s12;
	s22 =	sshrl.u32 s3, $0x1;
	s11 =	sshrl.u32 s11, $0x2  }
0xb: {  	s14 =	simm.s32 $0x5;
	s8 =	sadd.s32 s8, s9;
	s13 =	smul.u32 $0x2710, s21  }
0xc: {  	s3 =	ssub.s32 s3, s22;
	s23 =	sadd.s32 s11, s2;
	s24 =	sadd.s32 $0x9DB000, s10  }
0xd: {  	s9 =	smul.u32 $0x27100, s21;
	s11 =	simm.s32 $0x16280;
	[dreg:$0x4] =	wrdreg s23  }
0xe: {  	s0 =	sadd.s32 s8, s0;
	[dreg:$0x5] =	wrdreg s24;
	s25 =	sshrl.u32 s13, $0x3  }
0xf: {  	s10 =	sadd.s32 $0x50, s13;
	s17 =	sadd.s32 s6, s9;
	s0 =	sadd.s32 $0xA02200, s0  }
0x10: {  	s9 =	simm.s32 $0x2;
	s26 =	sadd.s32 s5, s25;
	[dreg:$0xa] =	wrdreg s17  }
0x11: {  	s12 =	sshrl.u32 s10, $0x3;
	s8 =	sadd.s32 s7, s25;
	[dreg:$0x11] =	wrdreg s0  }
0x12: {  	s18 =	sshll.u32 s10, $0x4;
	s0 =	simm.s32 $0x50;
	[dreg:$0x6] =	wrdreg s26  }
0x13: {  	s17 =	simm.s32 $0x4;
	[dreg:$0x7] =	wrdreg s8;
	s15 =	sadd.s32 s5, s12  }
0x14: {  	s16 =	sadd.s32 s7, s12;
	s8 =	sadd.s32 s6, s18;
	[dreg:$0x8] =	wrdreg s15  }
0x15: {  	s18 =	sadd.s32 $0xF0, s13;
	s26 =	smax.u32 s3, $0x1;
	[dreg:$0x9] =	wrdreg s16  }
0x16: {  	s3 =	simm.s32 $0x13A80;
	s12 =	simm.s32 $0x1B280;
	[dreg:$0xb] =	wrdreg s8  }
0x17: {  	s16 =	sadd.s32 $0xA0, s13;
	s22 =	sshrl.u32 s18, $0x3;
	[dreg:$0x12] =	wrdreg s26  }
0x18: {  	s26 =	simm.s32 $0x13880;
	s13 =	simm.s32 $0x3;
	s24 =	sadd.s32 s5, s22  }
0x19: {  	s19 =	sshrl.u32 s16, $0x3;
	s25 =	sadd.s32 s7, s22;
	[dreg:$0xf] =	wrdreg s24  }
0x1a: {  	s15 =	simm.s32 $0x7;
	s20 =	sadd.s32 s5, s19;
	[dreg:$0x10] =	wrdreg s25  }
0x1b: {  	s21 =	sshll.u32 s16, $0x4;
	s8 =	sadd.s32 s7, s19;
	[dreg:$0xc] =	wrdreg s20  }
0x1c: {  	s23 =	sadd.s32 s6, s21;
	s19 =	simm.s32 $0x6;
	[dreg:$0xd] =	wrdreg s8  }
0x1d: {  	[dreg:$0xe] =	wrdreg s23;
	s8 =	simm.s32 $0x18A80;
	s20 =	simm.s32 $0x0  }
.LBB2_1:
0x1e: {  	s21 =	stileid.u32  }
0x1f: {  	s21 =	sshll.u32 @!p0 s21, $0x6  }
0x20: {  	s22 =	sor.u32 @!p0 $0x1C07, s21;
	s21 =	rddreg [dreg:$0x4]  }
0x21: {  	s23 =	sshrl.u32 @!p0 s21, $0x3;
	s21 =	rddreg [dreg:$0x5]  }
0x22: {  	[dreg:$0x13] =	wrdreg s22  }
0x23: {  	[dreg:$0x14] =	wrdreg s23  }
0x24: {  	[spmem:s23], [sflag:s22] =	dma.local @!p0 [hbm:s21], $0x3E80  }
0x25: {  	s21 =	simm.s32 @!p0 $0x7  }
0x26: {  	_ =	swait.ge @!p0 [sflag:s21], $0x3E80  }
0x27: {  	[sflag:s21] =	ssyncset.done @!p0 $0x0  }
0x28: {  	[sflag:s21] =	ssyncadd.s32 @!p0 $0xFFFFC180  }
0x29: {  	[bflag:$0x0] =	sbarrier.arrive $0xFFFF  }
0x2a: {  	s24 =	rddreg [dreg:$0x6]  }
0x2b: {  	[tilespmem:s26], [sflag:$0x1] =	stream.linear.gather [hbm4b:s24+s4], $0x50, $0x38;
	[tilespmem:$0x1DA80] =	vst v63  }
0x2c: {  	s25 =	rddreg [dreg:$0x7]  }
0x2d: {  	[tilespmem:s28], [sflag:$0x1] =	stream.linear.gather [hbm4b:s25+s4], $0x50, $0x38;
	[tilespmem:$0x1DA80] =	vst v63  }
0x2e: {  	s22 =	rddreg [dreg:$0x8]  }
0x2f: {  	[tilespmem:s29], [sflag:$0x2] =	stream.linear.gather [hbm4b:s22+s4], $0x50, $0x38;
	[tilespmem:$0x1DA80] =	vst v63  }
0x30: {  	s23 =	rddreg [dreg:$0x9]  }
0x31: {  	[tilespmem:s30], [sflag:$0x2] =	stream.linear.gather [hbm4b:s23+s4], $0x50, $0x38;
	[tilespmem:$0x1DA80] =	vst v63  }
0x32: {  	_ =	swait.ge [sflag:s31], $0x50  }
0x33: {  	[sflag:s31] =	ssyncset.done $0x0  }
0x34: {  	[sflag:s31] =	ssyncadd.s32 $0xFFFFFFB0  }
0x35: {  	_ =	swait.ge [sflag:s31], $0x50  }
0x36: {  	[sflag:s31] =	ssyncset.done $0x0  }
0x37: {  	[sflag:s31] =	ssyncadd.s32 $0xFFFFFFB0  }
0x38: {  	[tilespmem:s3], [sflag:$0x3] =	stream.indirect.gather [hbm4b:s1+s0], $0x80, s26, s0, $0xb8;
	[tilespmem:$0x1DA80] =	vst v63  }
0x39: {  	s24 =	rddreg [dreg:$0xa]  }
0x3a: {  	[tilespmem:s8], [sflag:$0x5] =	stream.linear.gather [hbm4b:s24+s4], $0x2800, $0x38;
	[tilespmem:$0x1DA80] =	vst v63  }
0x3b: {  	_ =	swait.ge [sflag:s9], $0x50  }
0x3c: {  	[sflag:s9] =	ssyncset.done $0x0  }
0x3d: {  	[sflag:s9] =	ssyncadd.s32 $0xFFFFFFB0  }
0x3e: {  	_ =	swait.ge [sflag:s9], $0x50  }
0x3f: {  	[sflag:s9] =	ssyncset.done $0x0  }
0x40: {  	[sflag:s9] =	ssyncadd.s32 $0xFFFFFFB0  }
0x41: {  	[tilespmem:s11], [sflag:$0x4] =	stream.indirect.gather [hbm4b:s1+s0], $0x80, s29, s0, $0xb8;
	[tilespmem:$0x1DA80] =	vst v63  }
0x42: {  	s25 =	rddreg [dreg:$0xb]  }
0x43: {  	[tilespmem:s12], [sflag:$0x6] =	stream.linear.gather [hbm4b:s25+s4], $0x2800, $0x38;
	[tilespmem:$0x1DA80] =	vst v63  }
0x44: {  	_ =	swait.ge [sflag:s13], $0x2800  }
0x45: {  	[sflag:s13] =	ssyncset.done $0x0  }
0x46: {  	[sflag:s13] =	ssyncadd.s32 $0xFFFFD800  }
0x47: {  	_ =	swait.ge [sflag:s14], $0x2800  }
0x48: {  	[sflag:s14] =	ssyncset.done $0x0  }
0x49: {  	s23 =	simm.s32 $0xF0;
	[sflag:s14] =	ssyncadd.s32 $0xFFFFD800  }
0x4a: {  	v6 =	vld [tilespmem:s23+$0x18990]  }
0x4b: {  	v7 =	vld [tilespmem:s23+$0x189A0]  }
0x4c: {  	v8 =	vld [tilespmem:s23+$0x189B0]  }
0x4d: {  	v9 =	vld [tilespmem:s23+$0x189C0]  }
0x4e: {  	v10 =	vld [tilespmem:s23+$0x189D0]  }
0x4f: {  	v11 =	vld [tilespmem:s23+$0x189E0]  }
0x50: {  	v12 =	vld [tilespmem:s23+$0x189F0]  }
0x51: {  	v13 =	vld [tilespmem:s23+$0x18A00]  }
0x52: {  	v14 =	vld [tilespmem:s23+$0x18A10]  }
0x53: {  	v15 =	vld [tilespmem:s23+$0x18A20]  }
0x54: {  	v5 =	vld [tilespmem:s23+$0x18A30]  }
0x55: {  	v4 =	vld [tilespmem:s23+$0x18A40]  }
0x56: {  	v3 =	vld [tilespmem:s23+$0x18A50]  }
0x57: {  	v16 =	vld [tilespmem:s23+$0x13990]  }
0x58: {  	v17 =	vld [tilespmem:s23+$0x139A0]  }
0x59: {  	v2 =	vld [tilespmem:s23+$0x18A60]  }
0x5a: {  	v18 =	vld [tilespmem:s23+$0x139B0]  }
0x5b: {  	v19 =	vld [tilespmem:s23+$0x139C0]  }
0x5c: {  	v1 =	vld [tilespmem:s23+$0x18A70];
	v6 =	vadd.f32 v6, v16  }
0x5d: {  	v20 =	vld [tilespmem:s23+$0x139D0];
	v7 =	vadd.f32 v7, v17  }
0x5e: {  	v60 =	vld [tilespmem:s23+$0x139E0];
	v6 =	vmax.f32 v6, $0.0e+00  }
0x5f: {  	v0 =	vld [tilespmem:s23+$0x18A80];
	v7 =	vmax.f32 v7, $0.0e+00;
	[tilespmem:s23+$0x13990] =	vst v6;
	v6 =	vadd.f32 v8, v18  }
0x60: {  	v21 =	vld [tilespmem:s23+$0x139F0];
	[tilespmem:s23+$0x139A0] =	vst v7;
	v7 =	vadd.f32 v9, v19  }
0x61: {  	v61 =	vld [tilespmem:s23+$0x13A00];
	v6 =	vmax.f32 v6, $0.0e+00  }
0x62: {  	v62 =	vld [tilespmem:s23+$0x13A10];
	v8 =	vmax.f32 v7, $0.0e+00;
	[tilespmem:s23+$0x139B0] =	vst v6;
	v6 =	vadd.f32 v10, v20  }
0x63: {  	v63 =	vld [tilespmem:s23+$0x13A20];
	[tilespmem:s23+$0x139C0] =	vst v8;
	v8 =	vadd.f32 v11, v60  }
0x64: {  	v7 =	vld [tilespmem:s23+$0x13A30];
	v9 =	vmax.f32 v6, $0.0e+00  }
0x65: {  	v6 =	vld [tilespmem:s23+$0x13A40];
	v10 =	vmax.f32 v8, $0.0e+00;
	[tilespmem:s23+$0x139D0] =	vst v9;
	v9 =	vadd.f32 v12, v21  }
0x66: {  	v8 =	vld [tilespmem:s23+$0x13A50];
	[tilespmem:s23+$0x139E0] =	vst v10;
	v10 =	vadd.f32 v13, v61  }
0x67: {  	v12 =	vadd.f32 v14, v62;
	v11 =	vmax.f32 v9, $0.0e+00;
	v9 =	vld [tilespmem:s23+$0x13A60]  }
0x68: {  	s24 =	simm.s32 $0x7C0;
	v13 =	vmax.f32 v10, $0.0e+00;
	v10 =	vld [tilespmem:s23+$0x13A70];
	[tilespmem:s23+$0x139F0] =	vst v11;
	v11 =	vadd.f32 v15, v63  }
.LBB2_2:
0x69: {  	s21 =	sshra.s32 s24, $0x2;
	p1 =	sne.s32 s24, $0x9FC0;
	[tilespmem:s23+$0x13A00] =	vst v13;
	v12 =	vmax.f32 v12, $0.0e+00;
	v5 =	vadd.f32 v5, v7;
	v7 =	vld [tilespmem:s23+$0x13A80]  }
0x6a: {  	v13 =	vld [tilespmem:s21+$0x18990];
	[tilespmem:s23+$0x13A10] =	vst v12;
	v11 =	vmax.f32 v11, $0.0e+00;
	v4 =	vadd.f32 v4, v6  }
0x6b: {  	v6 =	vld [tilespmem:s21+$0x189A0];
	[tilespmem:s23+$0x13A20] =	vst v11;
	v5 =	vmax.f32 v5, $0.0e+00;
	v3 =	vadd.f32 v3, v8  }
0x6c: {  	v8 =	vld [tilespmem:s21+$0x189B0];
	[tilespmem:s23+$0x13A30] =	vst v5;
	v4 =	vmax.f32 v4, $0.0e+00;
	v2 =	vadd.f32 v2, v9  }
0x6d: {  	v9 =	vld [tilespmem:s21+$0x189C0];
	[tilespmem:s23+$0x13A40] =	vst v4;
	v3 =	vmax.f32 v3, $0.0e+00;
	v1 =	vadd.f32 v1, v10  }
0x6e: {  	v10 =	vld [tilespmem:s21+$0x189D0];
	[tilespmem:s23+$0x13A50] =	vst v3;
	v2 =	vmax.f32 v2, $0.0e+00;
	v0 =	vadd.f32 v0, v7  }
0x6f: {  	v7 =	vld [tilespmem:s21+$0x189E0];
	[tilespmem:s23+$0x13A60] =	vst v2;
	v1 =	vmax.f32 v1, $0.0e+00  }
0x70: {  	v11 =	vld [tilespmem:s21+$0x189F0];
	[tilespmem:s23+$0x13A70] =	vst v1;
	v0 =	vmax.f32 v0, $0.0e+00  }
0x71: {  	v12 =	vld [tilespmem:s21+$0x18A00];
	[tilespmem:s23+$0x13A80] =	vst v0;
	s23 =	smov.u32 s21  }
0x72: {  	v14 =	vld [tilespmem:s23+$0x18A10]  }
0x73: {  	v15 =	vld [tilespmem:s23+$0x18A20]  }
0x74: {  	v5 =	vld [tilespmem:s23+$0x18A30]  }
0x75: {  	v4 =	vld [tilespmem:s23+$0x18A40]  }
0x76: {  	v3 =	vld [tilespmem:s23+$0x18A50]  }
0x77: {  	v2 =	vld [tilespmem:s23+$0x18A60]  }
0x78: {  	v1 =	vld [tilespmem:s23+$0x18A70]  }
0x79: {  	v0 =	vld [tilespmem:s23+$0x18A80]  }
0x7a: {  	v16 =	vld [tilespmem:s23+$0x13990]  }
0x7b: {  	v17 =	vld [tilespmem:s23+$0x139A0]  }
0x7c: {  	v18 =	vld [tilespmem:s23+$0x139B0]  }
0x7d: {  	v19 =	vld [tilespmem:s23+$0x139C0]  }
0x7e: {  	v20 =	vld [tilespmem:s23+$0x139D0]  }
0x7f: {  	v13 =	vadd.f32 v13, v16;
	v16 =	vld [tilespmem:s23+$0x139E0]  }
0x80: {  	v6 =	vadd.f32 v6, v17;
	v17 =	vld [tilespmem:s23+$0x139F0]  }
0x81: {  	v13 =	vmax.f32 v13, $0.0e+00;
	v8 =	vadd.f32 v8, v18;
	v18 =	vld [tilespmem:s23+$0x13A00]  }
0x82: {  	[tilespmem:s23+$0x13990] =	vst v13;
	v6 =	vmax.f32 v6, $0.0e+00;
	v9 =	vadd.f32 v9, v19;
	v13 =	vld [tilespmem:s23+$0x13A10]  }
0x83: {  	[tilespmem:s23+$0x139A0] =	vst v6;
	v6 =	vmax.f32 v8, $0.0e+00;
	v8 =	vadd.f32 v10, v20;
	v10 =	vld [tilespmem:s23+$0x13A20]  }
.Ltmp0:
0x84: {  	[tilespmem:s23+$0x139B0] =	vst v6;
	v6 =	vmax.f32 v9, $0.0e+00;
	v9 =	vadd.f32 v7, v16;
	v7 =	vld [tilespmem:s23+$0x13A30];
	(pc) =	sbr.rel @p1 .LBB2_2-.Ltmp0, $4  }
0x85: {  	[tilespmem:s23+$0x139C0] =	vst v6;
	v8 =	vmax.f32 v8, $0.0e+00;
	v11 =	vadd.f32 v11, v17;
	v6 =	vld [tilespmem:s23+$0x13A40]  }
0x86: {  	[tilespmem:s23+$0x139D0] =	vst v8;
	v9 =	vmax.f32 v9, $0.0e+00;
	v16 =	vadd.f32 v12, v18;
	v8 =	vld [tilespmem:s23+$0x13A50]  }
0x87: {  	[tilespmem:s23+$0x139E0] =	vst v9;
	v11 =	vmax.f32 v11, $0.0e+00;
	v12 =	vadd.f32 v14, v13;
	v9 =	vld [tilespmem:s23+$0x13A60]  }
0x88: {  	s24 =	sadd.s32 $0x400, s24;
	[tilespmem:s23+$0x139F0] =	vst v11;
	v13 =	vmax.f32 v16, $0.0e+00;
	v11 =	vadd.f32 v15, v10;
	v10 =	vld [tilespmem:s23+$0x13A70]  }
0x89: {  	[tilespmem:s23+$0x13A00] =	vst v13;
	v12 =	vmax.f32 v12, $0.0e+00;
	v5 =	vadd.f32 v5, v7;
	v7 =	vld [tilespmem:s23+$0x13A80]  }
0x8a: {  	[tilespmem:s23+$0x13A10] =	vst v12;
	v11 =	vmax.f32 v11, $0.0e+00;
	v4 =	vadd.f32 v4, v6  }
0x8b: {  	[tilespmem:s23+$0x13A20] =	vst v11;
	v5 =	vmax.f32 v5, $0.0e+00;
	v3 =	vadd.f32 v3, v8  }
0x8c: {  	[tilespmem:s23+$0x13A30] =	vst v5;
	v4 =	vmax.f32 v4, $0.0e+00;
	v2 =	vadd.f32 v2, v9  }
0x8d: {  	[tilespmem:s23+$0x13A40] =	vst v4;
	v3 =	vmax.f32 v3, $0.0e+00;
	v1 =	vadd.f32 v1, v10  }
0x8e: {  	[tilespmem:s23+$0x13A50] =	vst v3;
	v2 =	vmax.f32 v2, $0.0e+00;
	v0 =	vadd.f32 v0, v7  }
0x8f: {  	[tilespmem:s23+$0x13A60] =	vst v2;
	v1 =	vmax.f32 v1, $0.0e+00  }
0x90: {  	[tilespmem:s23+$0x13A70] =	vst v1;
	v0 =	vmax.f32 v0, $0.0e+00  }
0x91: {  	[tilespmem:s23+$0x13A80] =	vst v0  }
0x92: {  	[spmem:s2] =	stream.indirect.scatter.add.f32 [tilespmem:s3], [sflag:$0x7], $0x80, s28, s0, $0xb8;
	[tilespmem:$0x1DA80] =	vst v63  }
0x93: {  	_ =	swait.ge [sflag:s15], $0x2800  }
0x94: {  	[sflag:s15] =	ssyncset.done $0x0  }
0x95: {  	s21 =	rddreg [dreg:$0xc];
	[sflag:s15] =	ssyncadd.s32 $0xFFFFD800  }
0x96: {  	[tilespmem:s26], [sflag:$0x1] =	stream.linear.gather [hbm4b:s21+s4], $0x50, $0x38;
	[tilespmem:$0x1DA80] =	vst v63  }
0x97: {  	s24 =	rddreg [dreg:$0xd]  }
0x98: {  	[tilespmem:s28], [sflag:$0x1] =	stream.linear.gather [hbm4b:s24+s4], $0x50, $0x38;
	[tilespmem:$0x1DA80] =	vst v63  }
0x99: {  	_ =	swait.ge [sflag:s31], $0x50  }
0x9a: {  	[sflag:s31] =	ssyncset.done $0x0  }
0x9b: {  	[sflag:s31] =	ssyncadd.s32 $0xFFFFFFB0  }
0x9c: {  	_ =	swait.ge [sflag:s31], $0x50  }
0x9d: {  	[sflag:s31] =	ssyncset.done $0x0  }
0x9e: {  	[sflag:s31] =	ssyncadd.s32 $0xFFFFFFB0  }
0x9f: {  	[tilespmem:s3], [sflag:$0x3] =	stream.indirect.gather [hbm4b:s1+s0], $0x80, s26, s0, $0xb8;
	[tilespmem:$0x1DA80] =	vst v63  }
0xa0: {  	s25 =	rddreg [dreg:$0xe]  }
0xa1: {  	[tilespmem:s8], [sflag:$0x5] =	stream.linear.gather [hbm4b:s25+s4], $0x2800, $0x38;
	[tilespmem:$0x1DA80] =	vst v63  }
0xa2: {  	_ =	swait.ge [sflag:s17], $0x2800  }
0xa3: {  	[sflag:s17] =	ssyncset.done $0x0  }
0xa4: {  	[sflag:s17] =	ssyncadd.s32 $0xFFFFD800  }
0xa5: {  	_ =	swait.ge [sflag:s19], $0x2800  }
0xa6: {  	[sflag:s19] =	ssyncset.done $0x0  }
0xa7: {  	s23 =	simm.s32 $0xF0;
	[sflag:s19] =	ssyncadd.s32 $0xFFFFD800  }
0xa8: {  	v6 =	vld [tilespmem:s23+$0x1B190]  }
0xa9: {  	v7 =	vld [tilespmem:s23+$0x1B1A0]  }
0xaa: {  	v8 =	vld [tilespmem:s23+$0x1B1B0]  }
0xab: {  	v9 =	vld [tilespmem:s23+$0x1B1C0]  }
0xac: {  	v10 =	vld [tilespmem:s23+$0x1B1D0]  }
0xad: {  	v11 =	vld [tilespmem:s23+$0x1B1E0]  }
0xae: {  	v12 =	vld [tilespmem:s23+$0x1B1F0]  }
0xaf: {  	v13 =	vld [tilespmem:s23+$0x1B200]  }
0xb0: {  	v14 =	vld [tilespmem:s23+$0x1B210]  }
0xb1: {  	v15 =	vld [tilespmem:s23+$0x1B220]  }
0xb2: {  	v5 =	vld [tilespmem:s23+$0x1B230]  }
0xb3: {  	v4 =	vld [tilespmem:s23+$0x1B240]  }
0xb4: {  	v3 =	vld [tilespmem:s23+$0x1B250]  }
0xb5: {  	v16 =	vld [tilespmem:s23+$0x16190]  }
0xb6: {  	v17 =	vld [tilespmem:s23+$0x161A0]  }
0xb7: {  	v2 =	vld [tilespmem:s23+$0x1B260]  }
0xb8: {  	v18 =	vld [tilespmem:s23+$0x161B0]  }
0xb9: {  	v19 =	vld [tilespmem:s23+$0x161C0]  }
0xba: {  	v1 =	vld [tilespmem:s23+$0x1B270];
	v6 =	vadd.f32 v6, v16  }
0xbb: {  	v20 =	vld [tilespmem:s23+$0x161D0];
	v7 =	vadd.f32 v7, v17  }
0xbc: {  	v60 =	vld [tilespmem:s23+$0x161E0];
	v6 =	vmax.f32 v6, $0.0e+00  }
0xbd: {  	v0 =	vld [tilespmem:s23+$0x1B280];
	v7 =	vmax.f32 v7, $0.0e+00;
	[tilespmem:s23+$0x16190] =	vst v6;
	v6 =	vadd.f32 v8, v18  }
0xbe: {  	v21 =	vld [tilespmem:s23+$0x161F0];
	[tilespmem:s23+$0x161A0] =	vst v7;
	v7 =	vadd.f32 v9, v19  }
0xbf: {  	v61 =	vld [tilespmem:s23+$0x16200];
	v6 =	vmax.f32 v6, $0.0e+00  }
0xc0: {  	v62 =	vld [tilespmem:s23+$0x16210];
	v8 =	vmax.f32 v7, $0.0e+00;
	[tilespmem:s23+$0x161B0] =	vst v6;
	v6 =	vadd.f32 v10, v20  }
0xc1: {  	v63 =	vld [tilespmem:s23+$0x16220];
	[tilespmem:s23+$0x161C0] =	vst v8;
	v8 =	vadd.f32 v11, v60  }
0xc2: {  	v7 =	vld [tilespmem:s23+$0x16230];
	v9 =	vmax.f32 v6, $0.0e+00  }
0xc3: {  	v6 =	vld [tilespmem:s23+$0x16240];
	v10 =	vmax.f32 v8, $0.0e+00;
	[tilespmem:s23+$0x161D0] =	vst v9;
	v9 =	vadd.f32 v12, v21  }
0xc4: {  	v8 =	vld [tilespmem:s23+$0x16250];
	[tilespmem:s23+$0x161E0] =	vst v10;
	v10 =	vadd.f32 v13, v61  }
0xc5: {  	v12 =	vadd.f32 v14, v62;
	v11 =	vmax.f32 v9, $0.0e+00;
	v9 =	vld [tilespmem:s23+$0x16260]  }
0xc6: {  	s24 =	simm.s32 $0x7C0;
	v13 =	vmax.f32 v10, $0.0e+00;
	v10 =	vld [tilespmem:s23+$0x16270];
	[tilespmem:s23+$0x161F0] =	vst v11;
	v11 =	vadd.f32 v15, v63  }
.LBB2_4:
0xc7: {  	s21 =	sshra.s32 s24, $0x2;
	p1 =	sne.s32 s24, $0x9FC0;
	[tilespmem:s23+$0x16200] =	vst v13;
	v12 =	vmax.f32 v12, $0.0e+00;
	v5 =	vadd.f32 v5, v7;
	v7 =	vld [tilespmem:s23+$0x16280]  }
0xc8: {  	v13 =	vld [tilespmem:s21+$0x1B190];
	[tilespmem:s23+$0x16210] =	vst v12;
	v11 =	vmax.f32 v11, $0.0e+00;
	v4 =	vadd.f32 v4, v6  }
0xc9: {  	v6 =	vld [tilespmem:s21+$0x1B1A0];
	[tilespmem:s23+$0x16220] =	vst v11;
	v5 =	vmax.f32 v5, $0.0e+00;
	v3 =	vadd.f32 v3, v8  }
0xca: {  	v8 =	vld [tilespmem:s21+$0x1B1B0];
	[tilespmem:s23+$0x16230] =	vst v5;
	v4 =	vmax.f32 v4, $0.0e+00;
	v2 =	vadd.f32 v2, v9  }
0xcb: {  	v9 =	vld [tilespmem:s21+$0x1B1C0];
	[tilespmem:s23+$0x16240] =	vst v4;
	v3 =	vmax.f32 v3, $0.0e+00;
	v1 =	vadd.f32 v1, v10  }
0xcc: {  	v10 =	vld [tilespmem:s21+$0x1B1D0];
	[tilespmem:s23+$0x16250] =	vst v3;
	v2 =	vmax.f32 v2, $0.0e+00;
	v0 =	vadd.f32 v0, v7  }
0xcd: {  	v7 =	vld [tilespmem:s21+$0x1B1E0];
	[tilespmem:s23+$0x16260] =	vst v2;
	v1 =	vmax.f32 v1, $0.0e+00  }
0xce: {  	v11 =	vld [tilespmem:s21+$0x1B1F0];
	[tilespmem:s23+$0x16270] =	vst v1;
	v0 =	vmax.f32 v0, $0.0e+00  }
0xcf: {  	v12 =	vld [tilespmem:s21+$0x1B200];
	[tilespmem:s23+$0x16280] =	vst v0;
	s23 =	smov.u32 s21  }
0xd0: {  	v14 =	vld [tilespmem:s23+$0x1B210]  }
0xd1: {  	v15 =	vld [tilespmem:s23+$0x1B220]  }
0xd2: {  	v5 =	vld [tilespmem:s23+$0x1B230]  }
0xd3: {  	v4 =	vld [tilespmem:s23+$0x1B240]  }
0xd4: {  	v3 =	vld [tilespmem:s23+$0x1B250]  }
0xd5: {  	v2 =	vld [tilespmem:s23+$0x1B260]  }
0xd6: {  	v1 =	vld [tilespmem:s23+$0x1B270]  }
0xd7: {  	v0 =	vld [tilespmem:s23+$0x1B280]  }
0xd8: {  	v16 =	vld [tilespmem:s23+$0x16190]  }
0xd9: {  	v17 =	vld [tilespmem:s23+$0x161A0]  }
0xda: {  	v18 =	vld [tilespmem:s23+$0x161B0]  }
0xdb: {  	v19 =	vld [tilespmem:s23+$0x161C0]  }
0xdc: {  	v20 =	vld [tilespmem:s23+$0x161D0]  }
0xdd: {  	v13 =	vadd.f32 v13, v16;
	v16 =	vld [tilespmem:s23+$0x161E0]  }
0xde: {  	v6 =	vadd.f32 v6, v17;
	v17 =	vld [tilespmem:s23+$0x161F0]  }
0xdf: {  	v13 =	vmax.f32 v13, $0.0e+00;
	v8 =	vadd.f32 v8, v18;
	v18 =	vld [tilespmem:s23+$0x16200]  }
0xe0: {  	[tilespmem:s23+$0x16190] =	vst v13;
	v6 =	vmax.f32 v6, $0.0e+00;
	v9 =	vadd.f32 v9, v19;
	v13 =	vld [tilespmem:s23+$0x16210]  }
0xe1: {  	[tilespmem:s23+$0x161A0] =	vst v6;
	v6 =	vmax.f32 v8, $0.0e+00;
	v8 =	vadd.f32 v10, v20;
	v10 =	vld [tilespmem:s23+$0x16220]  }
.Ltmp1:
0xe2: {  	[tilespmem:s23+$0x161B0] =	vst v6;
	v6 =	vmax.f32 v9, $0.0e+00;
	v9 =	vadd.f32 v7, v16;
	v7 =	vld [tilespmem:s23+$0x16230];
	(pc) =	sbr.rel @p1 .LBB2_4-.Ltmp1, $4  }
0xe3: {  	[tilespmem:s23+$0x161C0] =	vst v6;
	v8 =	vmax.f32 v8, $0.0e+00;
	v11 =	vadd.f32 v11, v17;
	v6 =	vld [tilespmem:s23+$0x16240]  }
0xe4: {  	[tilespmem:s23+$0x161D0] =	vst v8;
	v9 =	vmax.f32 v9, $0.0e+00;
	v16 =	vadd.f32 v12, v18;
	v8 =	vld [tilespmem:s23+$0x16250]  }
0xe5: {  	[tilespmem:s23+$0x161E0] =	vst v9;
	v11 =	vmax.f32 v11, $0.0e+00;
	v12 =	vadd.f32 v14, v13;
	v9 =	vld [tilespmem:s23+$0x16260]  }
0xe6: {  	s24 =	sadd.s32 $0x400, s24;
	[tilespmem:s23+$0x161F0] =	vst v11;
	v13 =	vmax.f32 v16, $0.0e+00;
	v11 =	vadd.f32 v15, v10;
	v10 =	vld [tilespmem:s23+$0x16270]  }
0xe7: {  	[tilespmem:s23+$0x16200] =	vst v13;
	v12 =	vmax.f32 v12, $0.0e+00;
	v5 =	vadd.f32 v5, v7;
	v63 =	vld [tilespmem:s23+$0x16280]  }
0xe8: {  	[tilespmem:s23+$0x16210] =	vst v12;
	v11 =	vmax.f32 v11, $0.0e+00;
	v4 =	vadd.f32 v4, v6  }
0xe9: {  	[tilespmem:s23+$0x16220] =	vst v11;
	v5 =	vmax.f32 v5, $0.0e+00;
	v3 =	vadd.f32 v3, v8  }
0xea: {  	[tilespmem:s23+$0x16230] =	vst v5;
	v4 =	vmax.f32 v4, $0.0e+00;
	v2 =	vadd.f32 v2, v9  }
0xeb: {  	[tilespmem:s23+$0x16240] =	vst v4;
	v3 =	vmax.f32 v3, $0.0e+00;
	v1 =	vadd.f32 v1, v10  }
0xec: {  	[tilespmem:s23+$0x16250] =	vst v3;
	v2 =	vmax.f32 v2, $0.0e+00;
	v0 =	vadd.f32 v0, v63  }
0xed: {  	[tilespmem:s23+$0x16260] =	vst v2;
	v1 =	vmax.f32 v1, $0.0e+00  }
0xee: {  	[tilespmem:s23+$0x16270] =	vst v1;
	v0 =	vmax.f32 v0, $0.0e+00  }
0xef: {  	[tilespmem:s23+$0x16280] =	vst v0  }
0xf0: {  	[spmem:s2] =	stream.indirect.scatter.add.f32 [tilespmem:s11], [sflag:$0x7], $0x80, s30, s0, $0xb8;
	[tilespmem:$0x1DA80] =	vst v63  }
0xf1: {  	_ =	swait.ge [sflag:s15], $0x2800  }
0xf2: {  	[sflag:s15] =	ssyncset.done $0x0  }
0xf3: {  	s21 =	rddreg [dreg:$0xf];
	[sflag:s15] =	ssyncadd.s32 $0xFFFFD800  }
0xf4: {  	[tilespmem:s29], [sflag:$0x2] =	stream.linear.gather [hbm4b:s21+s4], $0x50, $0x38;
	[tilespmem:$0x1DA80] =	vst v63  }
0xf5: {  	s23 =	simm.s32 $0x1;
	s25 =	rddreg [dreg:$0x10]  }
0xf6: {  	[tilespmem:s30], [sflag:$0x2] =	stream.linear.gather [hbm4b:s25+s4], $0x50, $0x38;
	[tilespmem:$0x1DA80] =	vst v63  }
.LBB2_6:
0xf7: {  	_ =	swait.ge [sflag:s9], $0x50  }
0xf8: {  	[sflag:s9] =	ssyncset.done $0x0  }
0xf9: {  	s24 =	smul.u32 $0xA0, s23;
	[sflag:s9] =	ssyncadd.s32 $0xFFFFFFB0  }
0xfa: {  	_ =	swait.ge [sflag:s9], $0x50  }
0xfb: {  	s21 =	sadd.s32 s24, s10;
	[sflag:s9] =	ssyncset.done $0x0  }
0xfc: {  	s21 =	sshll.u32 s21, $0x4;
	[sflag:s9] =	ssyncadd.s32 $0xFFFFFFB0  }
0xfd: {  	[tilespmem:s11], [sflag:$0x4] =	stream.indirect.gather [hbm4b:s1+s0], $0x80, s29, s0, $0xb8;
	[tilespmem:$0x1DA80] =	vst v63  }
0xfe: {  	s21 =	sadd.s32 s6, s21  }
0xff: {  	[tilespmem:s12], [sflag:$0x6] =	stream.linear.gather [hbm4b:s21+s4], $0x2800, $0x38;
	[tilespmem:$0x1DA80] =	vst v63  }
0x100: {  	_ =	swait.ge [sflag:s13], $0x2800  }
0x101: {  	[sflag:s13] =	ssyncset.done $0x0  }
0x102: {  	[sflag:s13] =	ssyncadd.s32 $0xFFFFD800  }
0x103: {  	_ =	swait.ge [sflag:s14], $0x2800  }
0x104: {  	[sflag:s14] =	ssyncset.done $0x0  }
0x105: {  	s25 =	simm.s32 $0xF0;
	[sflag:s14] =	ssyncadd.s32 $0xFFFFD800  }
0x106: {  	v6 =	vld [tilespmem:s25+$0x18990]  }
0x107: {  	v7 =	vld [tilespmem:s25+$0x189A0]  }
0x108: {  	v8 =	vld [tilespmem:s25+$0x189B0]  }
0x109: {  	v9 =	vld [tilespmem:s25+$0x189C0]  }
0x10a: {  	v10 =	vld [tilespmem:s25+$0x189D0]  }
0x10b: {  	v11 =	vld [tilespmem:s25+$0x189E0]  }
0x10c: {  	v12 =	vld [tilespmem:s25+$0x189F0]  }
0x10d: {  	v13 =	vld [tilespmem:s25+$0x18A00]  }
0x10e: {  	v14 =	vld [tilespmem:s25+$0x18A10]  }
0x10f: {  	v15 =	vld [tilespmem:s25+$0x18A20]  }
0x110: {  	v5 =	vld [tilespmem:s25+$0x18A30]  }
0x111: {  	v4 =	vld [tilespmem:s25+$0x18A40]  }
0x112: {  	v3 =	vld [tilespmem:s25+$0x18A50]  }
0x113: {  	v16 =	vld [tilespmem:s25+$0x13990]  }
0x114: {  	v17 =	vld [tilespmem:s25+$0x139A0]  }
0x115: {  	v2 =	vld [tilespmem:s25+$0x18A60]  }
0x116: {  	v18 =	vld [tilespmem:s25+$0x139B0]  }
0x117: {  	v19 =	vld [tilespmem:s25+$0x139C0]  }
0x118: {  	v1 =	vld [tilespmem:s25+$0x18A70];
	v6 =	vadd.f32 v6, v16  }
0x119: {  	v20 =	vld [tilespmem:s25+$0x139D0];
	v7 =	vadd.f32 v7, v17  }
0x11a: {  	v60 =	vld [tilespmem:s25+$0x139E0];
	v6 =	vmax.f32 v6, $0.0e+00  }
0x11b: {  	v0 =	vld [tilespmem:s25+$0x18A80];
	v7 =	vmax.f32 v7, $0.0e+00;
	[tilespmem:s25+$0x13990] =	vst v6;
	v6 =	vadd.f32 v8, v18  }
0x11c: {  	v21 =	vld [tilespmem:s25+$0x139F0];
	[tilespmem:s25+$0x139A0] =	vst v7;
	v7 =	vadd.f32 v9, v19  }
0x11d: {  	v61 =	vld [tilespmem:s25+$0x13A00];
	v6 =	vmax.f32 v6, $0.0e+00  }
0x11e: {  	v62 =	vld [tilespmem:s25+$0x13A10];
	v8 =	vmax.f32 v7, $0.0e+00;
	[tilespmem:s25+$0x139B0] =	vst v6;
	v6 =	vadd.f32 v10, v20  }
0x11f: {  	v63 =	vld [tilespmem:s25+$0x13A20];
	[tilespmem:s25+$0x139C0] =	vst v8;
	v8 =	vadd.f32 v11, v60  }
0x120: {  	v7 =	vld [tilespmem:s25+$0x13A30];
	v9 =	vmax.f32 v6, $0.0e+00  }
0x121: {  	v6 =	vld [tilespmem:s25+$0x13A40];
	v10 =	vmax.f32 v8, $0.0e+00;
	[tilespmem:s25+$0x139D0] =	vst v9;
	v9 =	vadd.f32 v12, v21  }
0x122: {  	v8 =	vld [tilespmem:s25+$0x13A50];
	[tilespmem:s25+$0x139E0] =	vst v10;
	v10 =	vadd.f32 v13, v61  }
0x123: {  	v12 =	vadd.f32 v14, v62;
	v11 =	vmax.f32 v9, $0.0e+00;
	v9 =	vld [tilespmem:s25+$0x13A60]  }
0x124: {  	s21 =	simm.s32 $0x7C0;
	v13 =	vmax.f32 v10, $0.0e+00;
	v10 =	vld [tilespmem:s25+$0x13A70];
	[tilespmem:s25+$0x139F0] =	vst v11;
	v11 =	vadd.f32 v15, v63  }
.LBB2_7:
0x125: {  	s22 =	sshra.s32 s21, $0x2;
	p1 =	sne.s32 s21, $0x9FC0;
	[tilespmem:s25+$0x13A00] =	vst v13;
	v12 =	vmax.f32 v12, $0.0e+00;
	v5 =	vadd.f32 v5, v7;
	v7 =	vld [tilespmem:s25+$0x13A80]  }
0x126: {  	v13 =	vld [tilespmem:s22+$0x18990];
	[tilespmem:s25+$0x13A10] =	vst v12;
	v11 =	vmax.f32 v11, $0.0e+00;
	v4 =	vadd.f32 v4, v6  }
0x127: {  	v6 =	vld [tilespmem:s22+$0x189A0];
	[tilespmem:s25+$0x13A20] =	vst v11;
	v5 =	vmax.f32 v5, $0.0e+00;
	v3 =	vadd.f32 v3, v8  }
0x128: {  	v8 =	vld [tilespmem:s22+$0x189B0];
	[tilespmem:s25+$0x13A30] =	vst v5;
	v4 =	vmax.f32 v4, $0.0e+00;
	v2 =	vadd.f32 v2, v9  }
0x129: {  	v9 =	vld [tilespmem:s22+$0x189C0];
	[tilespmem:s25+$0x13A40] =	vst v4;
	v3 =	vmax.f32 v3, $0.0e+00;
	v1 =	vadd.f32 v1, v10  }
0x12a: {  	v10 =	vld [tilespmem:s22+$0x189D0];
	[tilespmem:s25+$0x13A50] =	vst v3;
	v2 =	vmax.f32 v2, $0.0e+00;
	v0 =	vadd.f32 v0, v7  }
0x12b: {  	v7 =	vld [tilespmem:s22+$0x189E0];
	[tilespmem:s25+$0x13A60] =	vst v2;
	v1 =	vmax.f32 v1, $0.0e+00  }
0x12c: {  	v11 =	vld [tilespmem:s22+$0x189F0];
	[tilespmem:s25+$0x13A70] =	vst v1;
	v0 =	vmax.f32 v0, $0.0e+00  }
0x12d: {  	v12 =	vld [tilespmem:s22+$0x18A00];
	[tilespmem:s25+$0x13A80] =	vst v0;
	s25 =	smov.u32 s22  }
0x12e: {  	v14 =	vld [tilespmem:s25+$0x18A10]  }
0x12f: {  	v15 =	vld [tilespmem:s25+$0x18A20]  }
0x130: {  	v5 =	vld [tilespmem:s25+$0x18A30]  }
0x131: {  	v4 =	vld [tilespmem:s25+$0x18A40]  }
0x132: {  	v3 =	vld [tilespmem:s25+$0x18A50]  }
0x133: {  	v2 =	vld [tilespmem:s25+$0x18A60]  }
0x134: {  	v1 =	vld [tilespmem:s25+$0x18A70]  }
0x135: {  	v0 =	vld [tilespmem:s25+$0x18A80]  }
0x136: {  	v16 =	vld [tilespmem:s25+$0x13990]  }
0x137: {  	v17 =	vld [tilespmem:s25+$0x139A0]  }
0x138: {  	v18 =	vld [tilespmem:s25+$0x139B0]  }
0x139: {  	v19 =	vld [tilespmem:s25+$0x139C0]  }
0x13a: {  	v20 =	vld [tilespmem:s25+$0x139D0]  }
0x13b: {  	v13 =	vadd.f32 v13, v16;
	v16 =	vld [tilespmem:s25+$0x139E0]  }
0x13c: {  	v6 =	vadd.f32 v6, v17;
	v17 =	vld [tilespmem:s25+$0x139F0]  }
0x13d: {  	v13 =	vmax.f32 v13, $0.0e+00;
	v8 =	vadd.f32 v8, v18;
	v18 =	vld [tilespmem:s25+$0x13A00]  }
0x13e: {  	[tilespmem:s25+$0x13990] =	vst v13;
	v6 =	vmax.f32 v6, $0.0e+00;
	v9 =	vadd.f32 v9, v19;
	v13 =	vld [tilespmem:s25+$0x13A10]  }
0x13f: {  	[tilespmem:s25+$0x139A0] =	vst v6;
	v6 =	vmax.f32 v8, $0.0e+00;
	v8 =	vadd.f32 v10, v20;
	v10 =	vld [tilespmem:s25+$0x13A20]  }
.Ltmp2:
0x140: {  	[tilespmem:s25+$0x139B0] =	vst v6;
	v6 =	vmax.f32 v9, $0.0e+00;
	v9 =	vadd.f32 v7, v16;
	v7 =	vld [tilespmem:s25+$0x13A30];
	(pc) =	sbr.rel @p1 .LBB2_7-.Ltmp2, $4  }
0x141: {  	[tilespmem:s25+$0x139C0] =	vst v6;
	v8 =	vmax.f32 v8, $0.0e+00;
	v11 =	vadd.f32 v11, v17;
	v6 =	vld [tilespmem:s25+$0x13A40]  }
0x142: {  	[tilespmem:s25+$0x139D0] =	vst v8;
	v9 =	vmax.f32 v9, $0.0e+00;
	v16 =	vadd.f32 v12, v18;
	v8 =	vld [tilespmem:s25+$0x13A50]  }
0x143: {  	[tilespmem:s25+$0x139E0] =	vst v9;
	v11 =	vmax.f32 v11, $0.0e+00;
	v12 =	vadd.f32 v14, v13;
	v9 =	vld [tilespmem:s25+$0x13A60]  }
0x144: {  	s21 =	sadd.s32 $0x400, s21;
	[tilespmem:s25+$0x139F0] =	vst v11;
	v13 =	vmax.f32 v16, $0.0e+00;
	v11 =	vadd.f32 v15, v10;
	v10 =	vld [tilespmem:s25+$0x13A70]  }
0x145: {  	[tilespmem:s25+$0x13A00] =	vst v13;
	v12 =	vmax.f32 v12, $0.0e+00;
	v5 =	vadd.f32 v5, v7;
	v7 =	vld [tilespmem:s25+$0x13A80]  }
0x146: {  	[tilespmem:s25+$0x13A10] =	vst v12;
	v11 =	vmax.f32 v11, $0.0e+00;
	v4 =	vadd.f32 v4, v6  }
0x147: {  	[tilespmem:s25+$0x13A20] =	vst v11;
	v5 =	vmax.f32 v5, $0.0e+00;
	v3 =	vadd.f32 v3, v8  }
0x148: {  	[tilespmem:s25+$0x13A30] =	vst v5;
	v4 =	vmax.f32 v4, $0.0e+00;
	v2 =	vadd.f32 v2, v9  }
0x149: {  	[tilespmem:s25+$0x13A40] =	vst v4;
	v3 =	vmax.f32 v3, $0.0e+00;
	v1 =	vadd.f32 v1, v10  }
0x14a: {  	[tilespmem:s25+$0x13A50] =	vst v3;
	v2 =	vmax.f32 v2, $0.0e+00;
	v0 =	vadd.f32 v0, v7  }
0x14b: {  	[tilespmem:s25+$0x13A60] =	vst v2;
	v1 =	vmax.f32 v1, $0.0e+00  }
0x14c: {  	[tilespmem:s25+$0x13A70] =	vst v1;
	v0 =	vmax.f32 v0, $0.0e+00  }
0x14d: {  	[tilespmem:s25+$0x13A80] =	vst v0  }
0x14e: {  	[spmem:s2] =	stream.indirect.scatter.add.f32 [tilespmem:s3], [sflag:$0x7], $0x80, s28, s0, $0xb8;
	[tilespmem:$0x1DA80] =	vst v63  }
0x14f: {  	s21 =	sadd.s32 s24, s16;
	_ =	swait.ge [sflag:s15], $0x2800  }
0x150: {  	s22 =	sshrl.u32 s21, $0x3;
	[sflag:s15] =	ssyncset.done $0x0  }
0x151: {  	s25 =	sadd.s32 s5, s22;
	[sflag:s15] =	ssyncadd.s32 $0xFFFFD800  }
0x152: {  	[tilespmem:s26], [sflag:$0x1] =	stream.linear.gather [hbm4b:s25+s4], $0x50, $0x38;
	[tilespmem:$0x1DA80] =	vst v63  }
0x153: {  	s22 =	sadd.s32 s7, s22  }
0x154: {  	[tilespmem:s28], [sflag:$0x1] =	stream.linear.gather [hbm4b:s22+s4], $0x50, $0x38;
	[tilespmem:$0x1DA80] =	vst v63  }
0x155: {  	_ =	swait.ge [sflag:s31], $0x50  }
0x156: {  	[sflag:s31] =	ssyncset.done $0x0  }
0x157: {  	[sflag:s31] =	ssyncadd.s32 $0xFFFFFFB0  }
0x158: {  	_ =	swait.ge [sflag:s31], $0x50  }
0x159: {  	[sflag:s31] =	ssyncset.done $0x0  }
0x15a: {  	s21 =	sshll.u32 s21, $0x4;
	[sflag:s31] =	ssyncadd.s32 $0xFFFFFFB0  }
0x15b: {  	[tilespmem:s3], [sflag:$0x3] =	stream.indirect.gather [hbm4b:s1+s0], $0x80, s26, s0, $0xb8;
	[tilespmem:$0x1DA80] =	vst v63  }
0x15c: {  	s21 =	sadd.s32 s6, s21  }
0x15d: {  	[tilespmem:s8], [sflag:$0x5] =	stream.linear.gather [hbm4b:s21+s4], $0x2800, $0x38;
	[tilespmem:$0x1DA80] =	vst v63  }
0x15e: {  	_ =	swait.ge [sflag:s17], $0x2800  }
0x15f: {  	[sflag:s17] =	ssyncset.done $0x0  }
0x160: {  	[sflag:s17] =	ssyncadd.s32 $0xFFFFD800  }
0x161: {  	_ =	swait.ge [sflag:s19], $0x2800  }
0x162: {  	[sflag:s19] =	ssyncset.done $0x0  }
0x163: {  	s25 =	simm.s32 $0xF0;
	[sflag:s19] =	ssyncadd.s32 $0xFFFFD800  }
0x164: {  	v6 =	vld [tilespmem:s25+$0x1B190]  }
0x165: {  	v7 =	vld [tilespmem:s25+$0x1B1A0]  }
0x166: {  	v8 =	vld [tilespmem:s25+$0x1B1B0]  }
0x167: {  	v9 =	vld [tilespmem:s25+$0x1B1C0]  }
0x168: {  	v10 =	vld [tilespmem:s25+$0x1B1D0]  }
0x169: {  	v11 =	vld [tilespmem:s25+$0x1B1E0]  }
0x16a: {  	v12 =	vld [tilespmem:s25+$0x1B1F0]  }
0x16b: {  	v13 =	vld [tilespmem:s25+$0x1B200]  }
0x16c: {  	v14 =	vld [tilespmem:s25+$0x1B210]  }
0x16d: {  	v15 =	vld [tilespmem:s25+$0x1B220]  }
0x16e: {  	v5 =	vld [tilespmem:s25+$0x1B230]  }
0x16f: {  	v4 =	vld [tilespmem:s25+$0x1B240]  }
0x170: {  	v3 =	vld [tilespmem:s25+$0x1B250]  }
0x171: {  	v16 =	vld [tilespmem:s25+$0x16190]  }
0x172: {  	v17 =	vld [tilespmem:s25+$0x161A0]  }
0x173: {  	v2 =	vld [tilespmem:s25+$0x1B260]  }
0x174: {  	v18 =	vld [tilespmem:s25+$0x161B0]  }
0x175: {  	v19 =	vld [tilespmem:s25+$0x161C0]  }
0x176: {  	v1 =	vld [tilespmem:s25+$0x1B270];
	v6 =	vadd.f32 v6, v16  }
0x177: {  	v20 =	vld [tilespmem:s25+$0x161D0];
	v7 =	vadd.f32 v7, v17  }
0x178: {  	v60 =	vld [tilespmem:s25+$0x161E0];
	v6 =	vmax.f32 v6, $0.0e+00  }
0x179: {  	v0 =	vld [tilespmem:s25+$0x1B280];
	v7 =	vmax.f32 v7, $0.0e+00;
	[tilespmem:s25+$0x16190] =	vst v6;
	v6 =	vadd.f32 v8, v18  }
0x17a: {  	v21 =	vld [tilespmem:s25+$0x161F0];
	[tilespmem:s25+$0x161A0] =	vst v7;
	v7 =	vadd.f32 v9, v19  }
0x17b: {  	v61 =	vld [tilespmem:s25+$0x16200];
	v6 =	vmax.f32 v6, $0.0e+00  }
0x17c: {  	v62 =	vld [tilespmem:s25+$0x16210];
	v8 =	vmax.f32 v7, $0.0e+00;
	[tilespmem:s25+$0x161B0] =	vst v6;
	v6 =	vadd.f32 v10, v20  }
0x17d: {  	v63 =	vld [tilespmem:s25+$0x16220];
	[tilespmem:s25+$0x161C0] =	vst v8;
	v8 =	vadd.f32 v11, v60  }
0x17e: {  	v7 =	vld [tilespmem:s25+$0x16230];
	v9 =	vmax.f32 v6, $0.0e+00  }
0x17f: {  	v6 =	vld [tilespmem:s25+$0x16240];
	v10 =	vmax.f32 v8, $0.0e+00;
	[tilespmem:s25+$0x161D0] =	vst v9;
	v9 =	vadd.f32 v12, v21  }
0x180: {  	v8 =	vld [tilespmem:s25+$0x16250];
	[tilespmem:s25+$0x161E0] =	vst v10;
	v10 =	vadd.f32 v13, v61  }
0x181: {  	v12 =	vadd.f32 v14, v62;
	v11 =	vmax.f32 v9, $0.0e+00;
	v9 =	vld [tilespmem:s25+$0x16260]  }
0x182: {  	s21 =	simm.s32 $0x7C0;
	v13 =	vmax.f32 v10, $0.0e+00;
	v10 =	vld [tilespmem:s25+$0x16270];
	[tilespmem:s25+$0x161F0] =	vst v11;
	v11 =	vadd.f32 v15, v63  }
.LBB2_9:
0x183: {  	s22 =	sshra.s32 s21, $0x2;
	p1 =	sne.s32 s21, $0x9FC0;
	[tilespmem:s25+$0x16200] =	vst v13;
	v12 =	vmax.f32 v12, $0.0e+00;
	v5 =	vadd.f32 v5, v7;
	v7 =	vld [tilespmem:s25+$0x16280]  }
0x184: {  	v13 =	vld [tilespmem:s22+$0x1B190];
	[tilespmem:s25+$0x16210] =	vst v12;
	v11 =	vmax.f32 v11, $0.0e+00;
	v4 =	vadd.f32 v4, v6  }
0x185: {  	v6 =	vld [tilespmem:s22+$0x1B1A0];
	[tilespmem:s25+$0x16220] =	vst v11;
	v5 =	vmax.f32 v5, $0.0e+00;
	v3 =	vadd.f32 v3, v8  }
0x186: {  	v8 =	vld [tilespmem:s22+$0x1B1B0];
	[tilespmem:s25+$0x16230] =	vst v5;
	v4 =	vmax.f32 v4, $0.0e+00;
	v2 =	vadd.f32 v2, v9  }
0x187: {  	v9 =	vld [tilespmem:s22+$0x1B1C0];
	[tilespmem:s25+$0x16240] =	vst v4;
	v3 =	vmax.f32 v3, $0.0e+00;
	v1 =	vadd.f32 v1, v10  }
0x188: {  	v10 =	vld [tilespmem:s22+$0x1B1D0];
	[tilespmem:s25+$0x16250] =	vst v3;
	v2 =	vmax.f32 v2, $0.0e+00;
	v0 =	vadd.f32 v0, v7  }
0x189: {  	v7 =	vld [tilespmem:s22+$0x1B1E0];
	[tilespmem:s25+$0x16260] =	vst v2;
	v1 =	vmax.f32 v1, $0.0e+00  }
0x18a: {  	v11 =	vld [tilespmem:s22+$0x1B1F0];
	[tilespmem:s25+$0x16270] =	vst v1;
	v0 =	vmax.f32 v0, $0.0e+00  }
0x18b: {  	v12 =	vld [tilespmem:s22+$0x1B200];
	[tilespmem:s25+$0x16280] =	vst v0;
	s25 =	smov.u32 s22  }
0x18c: {  	v14 =	vld [tilespmem:s25+$0x1B210]  }
0x18d: {  	v15 =	vld [tilespmem:s25+$0x1B220]  }
0x18e: {  	v5 =	vld [tilespmem:s25+$0x1B230]  }
0x18f: {  	v4 =	vld [tilespmem:s25+$0x1B240]  }
0x190: {  	v3 =	vld [tilespmem:s25+$0x1B250]  }
0x191: {  	v2 =	vld [tilespmem:s25+$0x1B260]  }
0x192: {  	v1 =	vld [tilespmem:s25+$0x1B270]  }
0x193: {  	v0 =	vld [tilespmem:s25+$0x1B280]  }
0x194: {  	v16 =	vld [tilespmem:s25+$0x16190]  }
0x195: {  	v17 =	vld [tilespmem:s25+$0x161A0]  }
0x196: {  	v18 =	vld [tilespmem:s25+$0x161B0]  }
0x197: {  	v19 =	vld [tilespmem:s25+$0x161C0]  }
0x198: {  	v20 =	vld [tilespmem:s25+$0x161D0]  }
0x199: {  	v13 =	vadd.f32 v13, v16;
	v16 =	vld [tilespmem:s25+$0x161E0]  }
0x19a: {  	v6 =	vadd.f32 v6, v17;
	v17 =	vld [tilespmem:s25+$0x161F0]  }
0x19b: {  	v13 =	vmax.f32 v13, $0.0e+00;
	v8 =	vadd.f32 v8, v18;
	v18 =	vld [tilespmem:s25+$0x16200]  }
0x19c: {  	[tilespmem:s25+$0x16190] =	vst v13;
	v6 =	vmax.f32 v6, $0.0e+00;
	v9 =	vadd.f32 v9, v19;
	v13 =	vld [tilespmem:s25+$0x16210]  }
0x19d: {  	[tilespmem:s25+$0x161A0] =	vst v6;
	v6 =	vmax.f32 v8, $0.0e+00;
	v8 =	vadd.f32 v10, v20;
	v10 =	vld [tilespmem:s25+$0x16220]  }
.Ltmp3:
0x19e: {  	[tilespmem:s25+$0x161B0] =	vst v6;
	v6 =	vmax.f32 v9, $0.0e+00;
	v9 =	vadd.f32 v7, v16;
	v7 =	vld [tilespmem:s25+$0x16230];
	(pc) =	sbr.rel @p1 .LBB2_9-.Ltmp3, $4  }
0x19f: {  	[tilespmem:s25+$0x161C0] =	vst v6;
	v8 =	vmax.f32 v8, $0.0e+00;
	v11 =	vadd.f32 v11, v17;
	v6 =	vld [tilespmem:s25+$0x16240]  }
0x1a0: {  	[tilespmem:s25+$0x161D0] =	vst v8;
	v9 =	vmax.f32 v9, $0.0e+00;
	v16 =	vadd.f32 v12, v18;
	v8 =	vld [tilespmem:s25+$0x16250]  }
0x1a1: {  	[tilespmem:s25+$0x161E0] =	vst v9;
	v11 =	vmax.f32 v11, $0.0e+00;
	v12 =	vadd.f32 v14, v13;
	v9 =	vld [tilespmem:s25+$0x16260]  }
0x1a2: {  	s21 =	sadd.s32 $0x400, s21;
	[tilespmem:s25+$0x161F0] =	vst v11;
	v13 =	vmax.f32 v16, $0.0e+00;
	v11 =	vadd.f32 v15, v10;
	v10 =	vld [tilespmem:s25+$0x16270]  }
0x1a3: {  	[tilespmem:s25+$0x16200] =	vst v13;
	v12 =	vmax.f32 v12, $0.0e+00;
	v5 =	vadd.f32 v5, v7;
	v63 =	vld [tilespmem:s25+$0x16280]  }
0x1a4: {  	[tilespmem:s25+$0x16210] =	vst v12;
	v11 =	vmax.f32 v11, $0.0e+00;
	v4 =	vadd.f32 v4, v6  }
0x1a5: {  	[tilespmem:s25+$0x16220] =	vst v11;
	v5 =	vmax.f32 v5, $0.0e+00;
	v3 =	vadd.f32 v3, v8  }
0x1a6: {  	[tilespmem:s25+$0x16230] =	vst v5;
	v4 =	vmax.f32 v4, $0.0e+00;
	v2 =	vadd.f32 v2, v9  }
0x1a7: {  	[tilespmem:s25+$0x16240] =	vst v4;
	v3 =	vmax.f32 v3, $0.0e+00;
	v1 =	vadd.f32 v1, v10  }
0x1a8: {  	[tilespmem:s25+$0x16250] =	vst v3;
	v2 =	vmax.f32 v2, $0.0e+00;
	v0 =	vadd.f32 v0, v63  }
0x1a9: {  	[tilespmem:s25+$0x16260] =	vst v2;
	v1 =	vmax.f32 v1, $0.0e+00  }
0x1aa: {  	p1 =	seq.s32 s23, $0x3D;
	[tilespmem:s25+$0x16270] =	vst v1;
	v0 =	vmax.f32 v0, $0.0e+00  }
.Ltmp4:
0x1ab: {  	[tilespmem:s25+$0x16280] =	vst v0;
	(pc) =	sbr.rel @p1 .LBB2_12-.Ltmp4, $4  }
0x1ac: {  	[spmem:s2] =	stream.indirect.scatter.add.f32 [tilespmem:s11], [sflag:$0x7], $0x80, s30, s0, $0xb8;
	[tilespmem:$0x1DA80] =	vst v63  }
0x1ad: {  	_ =	swait.ge [sflag:s15], $0x2800  }
0x1ae: {  	[sflag:s15] =	ssyncset.done $0x0  }
0x1af: {  	[sflag:s15] =	ssyncadd.s32 $0xFFFFD800  }
0x1b0: {  	s21 =	sadd.s32 s24, s18  }
.Ltmp5:
0x1b1: {  	s21 =	sshrl.u32 s21, $0x3;
	(pc) =	sbr.rel .LBB2_6-.Ltmp5, $4  }
0x1b2: {  	s22 =	sadd.s32 s5, s21  }
0x1b3: {  	[tilespmem:s29], [sflag:$0x2] =	stream.linear.gather [hbm4b:s22+s4], $0x50, $0x38;
	[tilespmem:$0x1DA80] =	vst v63  }
0x1b4: {  	s23 =	sadd.s32 $0x1, s23;
	s21 =	sadd.s32 s7, s21  }
0x1b5: {  	[tilespmem:s30], [sflag:$0x2] =	stream.linear.gather [hbm4b:s21+s4], $0x50, $0x38;
	[tilespmem:$0x1DA80] =	vst v63  }
.LBB2_12:
0x1b6: {  	_ =	swait.ge [sflag:s13], $0x2800  }
0x1b7: {  	[sflag:s13] =	ssyncset.done $0x0  }
0x1b8: {  	[sflag:s13] =	ssyncadd.s32 $0xFFFFD800  }
0x1b9: {  	_ =	swait.ge [sflag:s14], $0x2800  }
0x1ba: {  	[sflag:s14] =	ssyncset.done $0x0  }
0x1bb: {  	s23 =	simm.s32 $0xF0;
	[sflag:s14] =	ssyncadd.s32 $0xFFFFD800  }
0x1bc: {  	v6 =	vld [tilespmem:s23+$0x18990]  }
0x1bd: {  	v7 =	vld [tilespmem:s23+$0x189A0]  }
0x1be: {  	v8 =	vld [tilespmem:s23+$0x189B0]  }
0x1bf: {  	v9 =	vld [tilespmem:s23+$0x189C0]  }
0x1c0: {  	v10 =	vld [tilespmem:s23+$0x189D0]  }
0x1c1: {  	v11 =	vld [tilespmem:s23+$0x189E0]  }
0x1c2: {  	v12 =	vld [tilespmem:s23+$0x189F0]  }
0x1c3: {  	v13 =	vld [tilespmem:s23+$0x18A00]  }
0x1c4: {  	v14 =	vld [tilespmem:s23+$0x18A10]  }
0x1c5: {  	v15 =	vld [tilespmem:s23+$0x18A20]  }
0x1c6: {  	v5 =	vld [tilespmem:s23+$0x18A30]  }
0x1c7: {  	v4 =	vld [tilespmem:s23+$0x18A40]  }
0x1c8: {  	v3 =	vld [tilespmem:s23+$0x18A50]  }
0x1c9: {  	v16 =	vld [tilespmem:s23+$0x13990]  }
0x1ca: {  	v17 =	vld [tilespmem:s23+$0x139A0]  }
0x1cb: {  	v2 =	vld [tilespmem:s23+$0x18A60]  }
0x1cc: {  	v18 =	vld [tilespmem:s23+$0x139B0]  }
0x1cd: {  	v19 =	vld [tilespmem:s23+$0x139C0]  }
0x1ce: {  	v1 =	vld [tilespmem:s23+$0x18A70];
	v6 =	vadd.f32 v6, v16  }
0x1cf: {  	v20 =	vld [tilespmem:s23+$0x139D0];
	v7 =	vadd.f32 v7, v17  }
0x1d0: {  	v60 =	vld [tilespmem:s23+$0x139E0];
	v6 =	vmax.f32 v6, $0.0e+00  }
0x1d1: {  	v0 =	vld [tilespmem:s23+$0x18A80];
	v7 =	vmax.f32 v7, $0.0e+00;
	[tilespmem:s23+$0x13990] =	vst v6;
	v6 =	vadd.f32 v8, v18  }
0x1d2: {  	v21 =	vld [tilespmem:s23+$0x139F0];
	[tilespmem:s23+$0x139A0] =	vst v7;
	v7 =	vadd.f32 v9, v19  }
0x1d3: {  	v61 =	vld [tilespmem:s23+$0x13A00];
	v6 =	vmax.f32 v6, $0.0e+00  }
0x1d4: {  	v62 =	vld [tilespmem:s23+$0x13A10];
	v8 =	vmax.f32 v7, $0.0e+00;
	[tilespmem:s23+$0x139B0] =	vst v6;
	v6 =	vadd.f32 v10, v20  }
0x1d5: {  	v63 =	vld [tilespmem:s23+$0x13A20];
	[tilespmem:s23+$0x139C0] =	vst v8;
	v8 =	vadd.f32 v11, v60  }
0x1d6: {  	v7 =	vld [tilespmem:s23+$0x13A30];
	v9 =	vmax.f32 v6, $0.0e+00  }
0x1d7: {  	v6 =	vld [tilespmem:s23+$0x13A40];
	v10 =	vmax.f32 v8, $0.0e+00;
	[tilespmem:s23+$0x139D0] =	vst v9;
	v9 =	vadd.f32 v12, v21  }
0x1d8: {  	v8 =	vld [tilespmem:s23+$0x13A50];
	[tilespmem:s23+$0x139E0] =	vst v10;
	v10 =	vadd.f32 v13, v61  }
0x1d9: {  	v12 =	vadd.f32 v14, v62;
	v11 =	vmax.f32 v9, $0.0e+00;
	v9 =	vld [tilespmem:s23+$0x13A60]  }
0x1da: {  	s21 =	simm.s32 $0x7C0;
	v13 =	vmax.f32 v10, $0.0e+00;
	v10 =	vld [tilespmem:s23+$0x13A70];
	[tilespmem:s23+$0x139F0] =	vst v11;
	v11 =	vadd.f32 v15, v63  }
.LBB2_13:
0x1db: {  	s22 =	sshra.s32 s21, $0x2;
	p1 =	sne.s32 s21, $0x9FC0;
	[tilespmem:s23+$0x13A00] =	vst v13;
	v12 =	vmax.f32 v12, $0.0e+00;
	v5 =	vadd.f32 v5, v7;
	v7 =	vld [tilespmem:s23+$0x13A80]  }
0x1dc: {  	v13 =	vld [tilespmem:s22+$0x18990];
	[tilespmem:s23+$0x13A10] =	vst v12;
	v11 =	vmax.f32 v11, $0.0e+00;
	v4 =	vadd.f32 v4, v6  }
0x1dd: {  	v6 =	vld [tilespmem:s22+$0x189A0];
	[tilespmem:s23+$0x13A20] =	vst v11;
	v5 =	vmax.f32 v5, $0.0e+00;
	v3 =	vadd.f32 v3, v8  }
0x1de: {  	v8 =	vld [tilespmem:s22+$0x189B0];
	[tilespmem:s23+$0x13A30] =	vst v5;
	v4 =	vmax.f32 v4, $0.0e+00;
	v2 =	vadd.f32 v2, v9  }
0x1df: {  	v9 =	vld [tilespmem:s22+$0x189C0];
	[tilespmem:s23+$0x13A40] =	vst v4;
	v3 =	vmax.f32 v3, $0.0e+00;
	v1 =	vadd.f32 v1, v10  }
0x1e0: {  	v10 =	vld [tilespmem:s22+$0x189D0];
	[tilespmem:s23+$0x13A50] =	vst v3;
	v2 =	vmax.f32 v2, $0.0e+00;
	v0 =	vadd.f32 v0, v7  }
0x1e1: {  	v7 =	vld [tilespmem:s22+$0x189E0];
	[tilespmem:s23+$0x13A60] =	vst v2;
	v1 =	vmax.f32 v1, $0.0e+00  }
0x1e2: {  	v11 =	vld [tilespmem:s22+$0x189F0];
	[tilespmem:s23+$0x13A70] =	vst v1;
	v0 =	vmax.f32 v0, $0.0e+00  }
0x1e3: {  	v12 =	vld [tilespmem:s22+$0x18A00];
	[tilespmem:s23+$0x13A80] =	vst v0;
	s23 =	smov.u32 s22  }
0x1e4: {  	v14 =	vld [tilespmem:s23+$0x18A10]  }
0x1e5: {  	v15 =	vld [tilespmem:s23+$0x18A20]  }
0x1e6: {  	v5 =	vld [tilespmem:s23+$0x18A30]  }
0x1e7: {  	v4 =	vld [tilespmem:s23+$0x18A40]  }
0x1e8: {  	v3 =	vld [tilespmem:s23+$0x18A50]  }
0x1e9: {  	v2 =	vld [tilespmem:s23+$0x18A60]  }
0x1ea: {  	v1 =	vld [tilespmem:s23+$0x18A70]  }
0x1eb: {  	v0 =	vld [tilespmem:s23+$0x18A80]  }
0x1ec: {  	v16 =	vld [tilespmem:s23+$0x13990]  }
0x1ed: {  	v17 =	vld [tilespmem:s23+$0x139A0]  }
0x1ee: {  	v18 =	vld [tilespmem:s23+$0x139B0]  }
0x1ef: {  	v19 =	vld [tilespmem:s23+$0x139C0]  }
0x1f0: {  	v20 =	vld [tilespmem:s23+$0x139D0]  }
0x1f1: {  	v13 =	vadd.f32 v13, v16;
	v16 =	vld [tilespmem:s23+$0x139E0]  }
0x1f2: {  	v6 =	vadd.f32 v6, v17;
	v17 =	vld [tilespmem:s23+$0x139F0]  }
0x1f3: {  	v13 =	vmax.f32 v13, $0.0e+00;
	v8 =	vadd.f32 v8, v18;
	v18 =	vld [tilespmem:s23+$0x13A00]  }
0x1f4: {  	[tilespmem:s23+$0x13990] =	vst v13;
	v6 =	vmax.f32 v6, $0.0e+00;
	v9 =	vadd.f32 v9, v19;
	v13 =	vld [tilespmem:s23+$0x13A10]  }
0x1f5: {  	[tilespmem:s23+$0x139A0] =	vst v6;
	v6 =	vmax.f32 v8, $0.0e+00;
	v8 =	vadd.f32 v10, v20;
	v10 =	vld [tilespmem:s23+$0x13A20]  }
.Ltmp6:
0x1f6: {  	[tilespmem:s23+$0x139B0] =	vst v6;
	v6 =	vmax.f32 v9, $0.0e+00;
	v9 =	vadd.f32 v7, v16;
	v7 =	vld [tilespmem:s23+$0x13A30];
	(pc) =	sbr.rel @p1 .LBB2_13-.Ltmp6, $4  }
0x1f7: {  	[tilespmem:s23+$0x139C0] =	vst v6;
	v8 =	vmax.f32 v8, $0.0e+00;
	v11 =	vadd.f32 v11, v17;
	v6 =	vld [tilespmem:s23+$0x13A40]  }
0x1f8: {  	[tilespmem:s23+$0x139D0] =	vst v8;
	v9 =	vmax.f32 v9, $0.0e+00;
	v16 =	vadd.f32 v12, v18;
	v8 =	vld [tilespmem:s23+$0x13A50]  }
0x1f9: {  	[tilespmem:s23+$0x139E0] =	vst v9;
	v11 =	vmax.f32 v11, $0.0e+00;
	v12 =	vadd.f32 v14, v13;
	v9 =	vld [tilespmem:s23+$0x13A60]  }
0x1fa: {  	s21 =	sadd.s32 $0x400, s21;
	[tilespmem:s23+$0x139F0] =	vst v11;
	v13 =	vmax.f32 v16, $0.0e+00;
	v11 =	vadd.f32 v15, v10;
	v10 =	vld [tilespmem:s23+$0x13A70]  }
0x1fb: {  	[tilespmem:s23+$0x13A00] =	vst v13;
	v12 =	vmax.f32 v12, $0.0e+00;
	v5 =	vadd.f32 v5, v7;
	v63 =	vld [tilespmem:s23+$0x13A80]  }
0x1fc: {  	[tilespmem:s23+$0x13A10] =	vst v12;
	v11 =	vmax.f32 v11, $0.0e+00;
	v4 =	vadd.f32 v4, v6  }
0x1fd: {  	[tilespmem:s23+$0x13A20] =	vst v11;
	v5 =	vmax.f32 v5, $0.0e+00;
	v3 =	vadd.f32 v3, v8  }
0x1fe: {  	[tilespmem:s23+$0x13A30] =	vst v5;
	v4 =	vmax.f32 v4, $0.0e+00;
	v2 =	vadd.f32 v2, v9  }
0x1ff: {  	[tilespmem:s23+$0x13A40] =	vst v4;
	v3 =	vmax.f32 v3, $0.0e+00;
	v1 =	vadd.f32 v1, v10  }
0x200: {  	[tilespmem:s23+$0x13A50] =	vst v3;
	v2 =	vmax.f32 v2, $0.0e+00;
	v0 =	vadd.f32 v0, v63  }
0x201: {  	[tilespmem:s23+$0x13A60] =	vst v2;
	v1 =	vmax.f32 v1, $0.0e+00  }
0x202: {  	[tilespmem:s23+$0x13A70] =	vst v1;
	v0 =	vmax.f32 v0, $0.0e+00  }
0x203: {  	[tilespmem:s23+$0x13A80] =	vst v0  }
0x204: {  	[spmem:s2] =	stream.indirect.scatter.add.f32 [tilespmem:s3], [sflag:$0x7], $0x80, s28, s0, $0xb8;
	[tilespmem:$0x1DA80] =	vst v63  }
0x205: {  	_ =	swait.ge [sflag:s15], $0x2800  }
0x206: {  	[sflag:s15] =	ssyncset.done $0x0  }
0x207: {  	[sflag:s15] =	ssyncadd.s32 $0xFFFFD800  }
0x208: {  	[bflag:$0x0] =	sbarrier.arrive $0xFFFF  }
0x209: {  	s21 =	rddreg [dreg:$0x11]  }
0x20a: {  	s22 =	rddreg [dreg:$0x13]  }
0x20b: {  	s23 =	rddreg [dreg:$0x14]  }
0x20c: {  	[hbm:s21], [sflag:s22] =	dma.local @!p0 [spmem:s23], $0x3E80  }
0x20d: {  	s21 =	simm.s32 @!p0 $0x7  }
0x20e: {  	_ =	swait.ge @!p0 [sflag:s21], $0x3E80  }
0x20f: {  	s20 =	sadd.s32 $0x1, s20;
	s25 =	rddreg [dreg:$0x12]  }
0x210: {  	p1 =	sne.s32 s20, s25  }
.Ltmp7:
0x211: {  	_ = 	snop;
	(pc) =	sbr.rel @p1 .LBB2_1-.Ltmp7, $3  }
0x212: {  	_ =	sdelay $0x1  }
0x213: {  	[sflag:s21] =	ssyncset.done @!p0 $0x0  }
0x214: {  	[sflag:s21] =	ssyncadd.s32 @!p0 $0xFFFFC180  }
0x215: {  	_ =	sfence.sel $0x180000  }
0x216: {  	[bflag:$0x0] =	sbarrier.arrive $0xFFFF  }
0x217: {  	_ =	strace $0x90000047  }
0x218: {  	s0 =	stileid.u32;
	[bflag:$0x2] =	sbarrier.arrive $0xFFFF  }
0x219: {  	p0 =	sne.s32 s0, $0x0;
	s0 =	rddreg [dreg:$0x3]  }
0x21a: {  	s0 =	sadd.s32 @!p0 $0x100000, s0  }
0x21b: {  	[sflag:s0] =	ssyncadd.tile.s32 @!p0 $0x1;
	_ =	shalt  }
.Lfunc_end2:
_tile_overlayer_lowered:
.L_overlay_start_2:
0x21c: {  	(tag) =	ssettag $0x2  }
0x21d: {  	s0 =	rddreg [dreg:$0x0];
	s2 =	stileid.u32  }
0x21e: {  	s1 =	rddreg [dreg:$0x1];
	p0 =	sne.s32 s2, $0x0  }
0x21f: {  	s3 =	rddreg [dreg:$0x2];
	[bflag:$0x3] =	sbarrier.arrive $0xFFFF;
	s2 =	simm.s32 @!p0 $0x1C07  }
0x220: {  	[timem:s3], [sflag:s2] =	dma.local @!p0 [hbm:s0], s1  }
0x221: {  	s0 =	simm.s32 @!p0 $0x7  }
0x222: {  	_ =	swait.ge @!p0 [sflag:s0], s1  }
0x223: {  	s1 =	ssub.s32 @!p0 $0x0, s1;
	[sflag:s0] =	ssyncset.done @!p0 $0x0  }
0x224: {  	[sflag:s0] =	ssyncadd.s32 @!p0 s1  }
0x225: {  	[bflag:$0x3] =	sbarrier.arrive $0xFFFF  }
0x226: {  	_ =	shalt  }

</sc_bundles>
